<compile_context>
chip_gen: v7x
topology: tpu7x:2x2x1
jax: 0.10.2.dev20260603
libtpu: 0.0.44.dev20260713+nightly
codegen_flags: <defaults>
</compile_context>

<pallas_src>
import functools

import jax
import jax.numpy as jnp
from jax import lax
from jax.experimental import pallas as pl
from jax.experimental.pallas import tpu as pltpu
from jax.experimental.pallas import tpu_sc as plsc

NC = 2
NS = 16
NW = NC * NS
C = 128

F32 = jnp.float32


def _sc_mesh():
    return plsc.VectorSubcoreMesh(core_axis_name="c", subcore_axis_name="s",
                                  num_cores=NC, num_subcores=NS)



def _embed_uv_call(nxyz, embed, A, B, blk):
    n = nxyz.shape[0]
    f = embed.shape[1]
    ne = embed.shape[0]

    def body(nxyz_ref, embed_ref, a_ref, b_ref, r_ref, u_ref, v_ref):
        z = nxyz_ref[:, 0].astype(jnp.int32)
        oh = (z[:, None] == lax.broadcasted_iota(jnp.int32, (blk, ne), 1))
        r = jnp.dot(oh.astype(F32), embed_ref[...], preferred_element_type=F32)
        r_ref[...] = r
        u_ref[...] = jnp.dot(r, a_ref[...], preferred_element_type=F32)
        v_ref[...] = jnp.dot(r, b_ref[...], preferred_element_type=F32)

    out = jax.ShapeDtypeStruct((n, f), F32)
    return pl.pallas_call(
        body,
        grid=(n // blk,),
        in_specs=[
            pl.BlockSpec((blk, 4), lambda i: (i, 0)),
            pl.BlockSpec((ne, f), lambda i: (0, 0)),
            pl.BlockSpec((f, f), lambda i: (0, 0)),
            pl.BlockSpec((f, f), lambda i: (0, 0)),
        ],
        out_specs=[pl.BlockSpec((blk, f), lambda i: (i, 0))] * 3,
        out_shape=[out, out, out],
    )(nxyz, embed, A, B)


def _uv_call(r, d0, d1, A, B, blk):
    n, f = r.shape

    def body(r_ref, d0_ref, d1_ref, a_ref, b_ref, ro_ref, u_ref, v_ref):
        rr = r_ref[...] + d0_ref[...] + d1_ref[...]
        ro_ref[...] = rr
        u_ref[...] = jnp.dot(rr, a_ref[...], preferred_element_type=F32)
        v_ref[...] = jnp.dot(rr, b_ref[...], preferred_element_type=F32)

    out = jax.ShapeDtypeStruct((n, f), F32)
    return pl.pallas_call(
        body,
        grid=(n // blk,),
        in_specs=[
            pl.BlockSpec((blk, f), lambda i: (i, 0)),
            pl.BlockSpec((blk, f), lambda i: (i, 0)),
            pl.BlockSpec((blk, f), lambda i: (i, 0)),
            pl.BlockSpec((f, f), lambda i: (0, 0)),
            pl.BlockSpec((f, f), lambda i: (0, 0)),
        ],
        out_specs=[pl.BlockSpec((blk, f), lambda i: (i, 0))] * 3,
        out_shape=[out, out, out],
    )(r, d0, d1, A, B)


def _edge_mlp_call(s, W2, b1, b2, blk):
    e, f = s.shape

    def body(s_ref, w_ref, b1_ref, b2_ref, m_ref):
        m1 = jnp.tanh(s_ref[...] + b1_ref[...])
        m2 = jnp.dot(m1, w_ref[...], preferred_element_type=F32) + b2_ref[...]
        m_ref[...] = jnp.tanh(m2)

    return pl.pallas_call(
        body,
        grid=(e // blk,),
        in_specs=[
            pl.BlockSpec((blk, f), lambda i: (i, 0)),
            pl.BlockSpec((f, f), lambda i: (0, 0)),
            pl.BlockSpec((1, f), lambda i: (0, 0)),
            pl.BlockSpec((1, f), lambda i: (0, 0)),
        ],
        out_specs=pl.BlockSpec((blk, f), lambda i: (i, 0)),
        out_shape=jax.ShapeDtypeStruct((e, f), F32),
    )(s, W2, b1, b2)


def _readout_call(r, d0, d1, roW1, rob1, roW2, rob2, roW3, rob3, bW, nxyz,
                  blk, n_real):
    n, f = r.shape
    nk = roW1.shape[0]
    h1 = roW1.shape[2]
    h2 = roW2.shape[2]

    def body(r_ref, d0_ref, d1_ref, w1_ref, c1_ref, w2_ref, c2_ref, w3_ref,
             c3_ref, bw_ref, nxyz_ref, t_ref, ea_ref):
        i = pl.program_id(0)
        rr = r_ref[...] + d0_ref[...] + d1_ref[...]
        rows = i * blk + lax.broadcasted_iota(jnp.int32, (blk, 1), 0)
        valid = rows < n_real
        sums = []
        qs = []
        for k in range(nk):
            h = jnp.tanh(jnp.dot(rr, w1_ref[k], preferred_element_type=F32)
                         + c1_ref[k][None, :])
            h = jnp.tanh(jnp.dot(h, w2_ref[k], preferred_element_type=F32)
                         + c2_ref[k][None, :])
            ea = jnp.dot(h, w3_ref[k], preferred_element_type=F32) + c3_ref[k][None, :]
            ea = jnp.where(valid, ea, jnp.float32(0.0))
            sums.append(jnp.sum(ea).reshape(1, 1))
            qs.append(jnp.dot(rr, bw_ref[k], preferred_element_type=F32))
        xyz = nxyz_ref[:, 1:4]
        pad = jnp.zeros((blk, f - 2 * nk - 3), F32)
        t_ref[...] = jnp.concatenate(qs + [xyz, pad], axis=1)
        val = jnp.concatenate(sums, axis=1)

        @pl.when(i == 0)
        def _():
            ea_ref[...] = val

        @pl.when(i != 0)
        def _():
            ea_ref[...] = ea_ref[...] + val

    return pl.pallas_call(
        body,
        grid=(n // blk,),
        in_specs=[
            pl.BlockSpec((blk, f), lambda i: (i, 0)),
            pl.BlockSpec((blk, f), lambda i: (i, 0)),
            pl.BlockSpec((blk, f), lambda i: (i, 0)),
            pl.BlockSpec((nk, f, h1), lambda i: (0, 0, 0)),
            pl.BlockSpec((nk, h1), lambda i: (0, 0)),
            pl.BlockSpec((nk, h1, h2), lambda i: (0, 0, 0)),
            pl.BlockSpec((nk, h2), lambda i: (0, 0)),
            pl.BlockSpec((nk, h2, 1), lambda i: (0, 0, 0)),
            pl.BlockSpec((nk, 1), lambda i: (0, 0)),
            pl.BlockSpec((nk, f, 2), lambda i: (0, 0, 0)),
            pl.BlockSpec((blk, 4), lambda i: (i, 0)),
        ],
        out_specs=[
            pl.BlockSpec((blk, f), lambda i: (i, 0)),
            pl.BlockSpec((1, nk), lambda i: (0, 0)),
        ],
        out_shape=[
            jax.ShapeDtypeStruct((n, f), F32),
            jax.ShapeDtypeStruct((1, nk), F32),
        ],
    )(r, d0, d1, roW1, rob1, roW2, rob2, roW3, rob3, bW, nxyz)


def _bond_reduce_call(ts, ea, bond_b, blk):
    e = ts.shape[0]
    nk = bond_b.shape[0]

    def body(ts_ref, ea_ref, bb_ref, out_ref):
        i = pl.program_id(0)
        t = ts_ref[...]
        w = t[:, 7:8]
        dvec = t[:, 4:7]
        dd = jnp.sqrt(jnp.sum(dvec * dvec, axis=1, keepdims=True) + 1e-12)
        parts = []
        for k in range(nk):
            bp = t[:, 2 * k:2 * k + 2] + bb_ref[k][None, :]
            kf = jax.nn.softplus(bp[:, 0:1])
            d0 = jax.nn.softplus(bp[:, 1:2])
            eb = kf * (dd - d0) ** 2 * w
            parts.append(jnp.sum(eb).reshape(1, 1))
        val = jnp.concatenate(parts, axis=1)

        @pl.when(i == 0)
        def _():
            out_ref[...] = ea_ref[...] + val

        @pl.when(i != 0)
        def _():
            out_ref[...] = out_ref[...] + val

    return pl.pallas_call(
        body,
        grid=(e // blk,),
        in_specs=[
            pl.BlockSpec((blk, 16), lambda i: (i, 0)),
            pl.BlockSpec((1, nk), lambda i: (0, 0)),
            pl.BlockSpec((nk, nk), lambda i: (0, 0)),
        ],
        out_specs=pl.BlockSpec((1, nk), lambda i: (0, 0)),
        out_shape=jax.ShapeDtypeStruct((1, nk), F32),
    )(ts, ea, bond_b)



def _gather_add_call(src2, dst2, u, v):
    n, f = u.shape
    nch_all, c = src2.shape
    nch = nch_all // NW
    ew = nch * c

    @functools.partial(
        pl.kernel,
        out_type=jax.ShapeDtypeStruct((nch_all * c, f), F32),
        mesh=_sc_mesh(),
        scratch_types=[
            pltpu.VMEM((nch, c), jnp.int32),
            pltpu.VMEM((nch, c), jnp.int32),
            pltpu.VMEM((c, f), F32),
            pltpu.VMEM((c, f), F32),
            pltpu.SemaphoreType.DMA,
        ],
    )
    def k(src_hbm, dst_hbm, u_hbm, v_hbm, out_hbm, si_v, di_v, ru_v, rv_v, sem):
        wid = lax.axis_index("s") * NC + lax.axis_index("c")
        pltpu.sync_copy(src_hbm.at[pl.ds(wid * nch, nch)], si_v)
        pltpu.sync_copy(dst_hbm.at[pl.ds(wid * nch, nch)], di_v)

        def chunk(ci, _):
            off = wid * ew + ci * c
            cp1 = pltpu.async_copy(u_hbm.at[si_v.at[ci]], ru_v, sem)
            cp2 = pltpu.async_copy(v_hbm.at[di_v.at[ci]], rv_v, sem)
            cp1.wait()
            cp2.wait()

            def row(j, _):
                for l in range(f // 16):
                    sl = pl.ds(l * 16, 16)
                    ru_v[j, sl] = ru_v[j, sl] + rv_v[j, sl]
                return 0

            lax.fori_loop(0, c, row, 0)
            pltpu.sync_copy(ru_v, out_hbm.at[pl.ds(off, c)])
            return 0

        lax.fori_loop(0, nch, chunk, 0)

    return k(src2, dst2, u, v)


def _scatter_add_call(m, dst2, n):
    e, f = m.shape
    nch_all, c = dst2.shape
    nch = nch_all // NW
    ew = nch * c
    rpt = n // NS
    zr = 128

    @functools.partial(
        pl.kernel,
        out_type=jax.ShapeDtypeStruct((NC, n, f), F32),
        mesh=_sc_mesh(),
        scratch_types=[
            pltpu.VMEM((c, f), F32),
            pltpu.VMEM((nch, c), jnp.int32),
            pltpu.VMEM((zr, f), F32),
            pltpu.VMEM_SHARED((n, f), F32),
        ],
    )
    def k(m_hbm, dst_hbm, out_hbm, rows_v, di_v, z_v, acc_sh):
        cid = lax.axis_index("c")
        sid = lax.axis_index("s")
        wid = sid * NC + cid

        def zrow(j, _):
            for l in range(f // 16):
                z_v[j, pl.ds(l * 16, 16)] = jnp.zeros((16,), F32)
            return 0

        lax.fori_loop(0, zr, zrow, 0)
        for b in range(rpt // zr):
            pltpu.sync_copy(z_v, acc_sh.at[pl.ds(sid * rpt + b * zr, zr)])
        pltpu.sync_copy(dst_hbm.at[pl.ds(wid * nch, nch)], di_v)
        plsc.subcore_barrier()

        def chunk(ci, _):
            off = wid * ew + ci * c
            pltpu.sync_copy(m_hbm.at[pl.ds(off, c)], rows_v)
            pltpu.sync_copy(rows_v, acc_sh.at[di_v.at[ci]], add=True)
            return 0

        lax.fori_loop(0, nch, chunk, 0)
        plsc.subcore_barrier()
        pltpu.sync_copy(acc_sh.at[pl.ds(sid * rpt, rpt)],
                        out_hbm.at[cid, pl.ds(sid * rpt, rpt)])

    return k(m, dst2)


def _bond_gather_call(src2, dst2, t, ew_valid):
    n, f = t.shape
    nch_all, c = src2.shape
    nch = nch_all // NW
    ew = nch * c

    @functools.partial(
        pl.kernel,
        out_type=jax.ShapeDtypeStruct((nch_all * c, 16), F32),
        mesh=_sc_mesh(),
        scratch_types=[
            pltpu.VMEM((nch, c), jnp.int32),
            pltpu.VMEM((nch, c), jnp.int32),
            pltpu.VMEM((c, f), F32),
            pltpu.VMEM((c, f), F32),
            pltpu.VMEM((c, 16), F32),
            pltpu.SemaphoreType.DMA,
        ],
    )
    def k(src_hbm, dst_hbm, t_hbm, out_hbm, si_v, di_v, ta_v, tb_v, ob_v, sem):
        wid = lax.axis_index("s") * NC + lax.axis_index("c")
        pltpu.sync_copy(src_hbm.at[pl.ds(wid * nch, nch)], si_v)
        pltpu.sync_copy(dst_hbm.at[pl.ds(wid * nch, nch)], di_v)
        lane = lax.iota(jnp.int32, 16)
        sgn = jnp.where(lane < 4, jnp.float32(1.0), jnp.float32(-1.0))
        mark = jnp.where(lane == 7, jnp.float32(1.0), jnp.float32(0.0))

        def chunk(ci, _):
            off = wid * ew + ci * c
            cp1 = pltpu.async_copy(t_hbm.at[si_v.at[ci]], ta_v, sem)
            cp2 = pltpu.async_copy(t_hbm.at[di_v.at[ci]], tb_v, sem)
            cp1.wait()
            cp2.wait()

            def row(j, _):
                sl = pl.ds(0, 16)
                w = jnp.where(ci * c + j < ew_valid, jnp.float32(1.0),
                              jnp.float32(0.0))
                ob_v[j, sl] = (ta_v[j, sl] + tb_v[j, sl] * sgn + mark) * w
                return 0

            lax.fori_loop(0, c, row, 0)
            pltpu.sync_copy(ob_v, out_hbm.at[pl.ds(off, c)])
            return 0

        lax.fori_loop(0, nch, chunk, 0)

    return k(src2, dst2, t)



def kernel(nxyz, bonded_nbr_list, embed, conv_W1, conv_b1, conv_W2, conv_b2,
           ro_W1, ro_b1, ro_W2, ro_b2, ro_W3, ro_b3, bond_W, bond_b):
    n = nxyz.shape[0]
    e = bonded_nbr_list.shape[0]
    f = embed.shape[1]

    ew_valid = e // NW
    ew = ((ew_valid + C - 1) // C + 7) // 8 * 8 * C
    n_pad = -(-n // (NS * 128)) * NS * 128

    src = bonded_nbr_list[:, 0].astype(jnp.int32).reshape(NW, ew_valid)
    dst = bonded_nbr_list[:, 1].astype(jnp.int32).reshape(NW, ew_valid)
    fill = jnp.full((NW, ew - ew_valid), n, jnp.int32)
    src2 = jnp.concatenate([src, fill], axis=1).reshape(NW * ew // C, C)
    dst2 = jnp.concatenate([dst, fill], axis=1).reshape(NW * ew // C, C)
    npad_rows = jnp.concatenate(
        [jnp.ones((n_pad - n, 1), F32), jnp.zeros((n_pad - n, 3), F32)], axis=1)
    nxyz_p = jnp.concatenate([nxyz.astype(F32), npad_rows], axis=0)

    nblk = n_pad // 10
    eblk = 2048

    d0 = d1 = None
    r = u = v = None
    for i in range(conv_W1.shape[0]):
        A = conv_W1[i, :f]
        B = conv_W1[i, f:]
        if i == 0:
            r, u, v = _embed_uv_call(nxyz_p, embed, A, B, nblk)
        else:
            r, u, v = _uv_call(r, d0, d1, A, B, nblk)
        s = _gather_add_call(src2, dst2, u, v)
        m = _edge_mlp_call(s, conv_W2[i], conv_b1[i].reshape(1, f),
                           conv_b2[i].reshape(1, f), eblk)
        drp = _scatter_add_call(m, dst2, n_pad)
        d0, d1 = drp[0], drp[1]

    t, ea = _readout_call(r, d0, d1, ro_W1, ro_b1, ro_W2, ro_b2, ro_W3, ro_b3,
                          bond_W, nxyz_p, nblk, n)
    ts = _bond_gather_call(src2, dst2, t, ew_valid)
    out = _bond_reduce_call(ts, ea, bond_b, 4096)
    return out.reshape(bond_b.shape[0])

# --- scband reference (transcript-rebuilt; emitter-appended) ---
"""Pipeline reference for scband-au-topology-42769284334264 (READ-ONLY COPY).

The authoritative reference and input builder live on the scoring server;
editing this copy changes nothing except your own understanding.
"""

import jax, jax.numpy as jnp
import numpy as np

N_NODES = 10000
N_EDGES = 320000
N_FEAT = 128
N_CONV = 3
N_KEYS = 2


def setup_inputs(seed: int = 0) -> dict:
    key = jax.random.key(seed)
    ks = jax.random.split(key, 20)
    z = jax.random.randint(ks[0], (N_NODES,), 1, 100).astype(jnp.float32)
    xyz = jax.random.normal(ks[1], (N_NODES, 3), dtype=jnp.float32)
    nxyz = jnp.concatenate([z[:, None], xyz], axis=1)
    bonded_nbr_list = jax.random.randint(ks[2], (N_EDGES, 2), 0, N_NODES).astype(jnp.int64)
    embed = jax.random.normal(ks[3], (100, N_FEAT), dtype=jnp.float32) * 0.1
    conv_W1 = jax.random.normal(ks[4], (N_CONV, 2 * N_FEAT, N_FEAT), dtype=jnp.float32) / np.sqrt(2 * N_FEAT)
    conv_b1 = jnp.zeros((N_CONV, N_FEAT), dtype=jnp.float32)
    conv_W2 = jax.random.normal(ks[5], (N_CONV, N_FEAT, N_FEAT), dtype=jnp.float32) / np.sqrt(N_FEAT)
    conv_b2 = jnp.zeros((N_CONV, N_FEAT), dtype=jnp.float32)
    ro_W1 = jax.random.normal(ks[6], (N_KEYS, N_FEAT, 40), dtype=jnp.float32) / np.sqrt(N_FEAT)
    ro_b1 = jnp.zeros((N_KEYS, 40), dtype=jnp.float32)
    ro_W2 = jax.random.normal(ks[7], (N_KEYS, 40, 20), dtype=jnp.float32) / np.sqrt(40)
    ro_b2 = jnp.zeros((N_KEYS, 20), dtype=jnp.float32)
    ro_W3 = jax.random.normal(ks[8], (N_KEYS, 20, 1), dtype=jnp.float32) / np.sqrt(20)
    ro_b3 = jnp.zeros((N_KEYS, 1), dtype=jnp.float32)
    bond_W = jax.random.normal(ks[9], (N_KEYS, N_FEAT, 2), dtype=jnp.float32) / np.sqrt(N_FEAT)
    bond_b = jnp.zeros((N_KEYS, 2), dtype=jnp.float32)
    return {
        "nxyz": nxyz,
        "bonded_nbr_list": bonded_nbr_list,
        "embed": embed,
        "conv_W1": conv_W1, "conv_b1": conv_b1,
        "conv_W2": conv_W2, "conv_b2": conv_b2,
        "ro_W1": ro_W1, "ro_b1": ro_b1,
        "ro_W2": ro_W2, "ro_b2": ro_b2,
        "ro_W3": ro_W3, "ro_b3": ro_b3,
        "bond_W": bond_W, "bond_b": bond_b,
    }


def reference(nxyz, bonded_nbr_list, embed, conv_W1, conv_b1, conv_W2, conv_b2,
              ro_W1, ro_b1, ro_W2, ro_b2, ro_W3, ro_b3, bond_W, bond_b):
    # atom embedding lookup (atomic number -> feature vector)
    z = nxyz[:, 0].astype(jnp.int32)
    xyz = nxyz[:, 1:4]
    r = embed[z]
    src = bonded_nbr_list[:, 0]
    dst = bonded_nbr_list[:, 1]
    n = r.shape[0]
    # double-node convolutions with residual update: dr aggregated over bonded neighbors
    for i in range(conv_W1.shape[0]):
        m = jnp.concatenate([r[src], r[dst]], axis=-1)
        m = jnp.tanh(m @ conv_W1[i] + conv_b1[i])
        m = jnp.tanh(m @ conv_W2[i] + conv_b2[i])
        dr = jax.ops.segment_sum(m, dst, num_segments=n)
        r = r + dr
    # bond distances from coordinates
    diff = xyz[src] - xyz[dst]
    d = jnp.sqrt(jnp.sum(diff * diff, axis=-1) + 1e-12)
    outs = []
    for k in range(ro_W1.shape[0]):
        # atomwise readout MLP [128 -> 40 -> 20 -> 1]
        h = jnp.tanh(r @ ro_W1[k] + ro_b1[k])
        h = jnp.tanh(h @ ro_W2[k] + ro_b2[k])
        e_atom = (h @ ro_W3[k] + ro_b3[k])[:, 0]
        # harmonic bond prior with feature-predicted parameters
        bp = (r[src] + r[dst]) @ bond_W[k] + bond_b[k]
        kf = jax.nn.softplus(bp[:, 0])
        d0 = jax.nn.softplus(bp[:, 1])
        e_bond = kf * (d - d0) ** 2
        outs.append(jnp.sum(e_atom) + jnp.sum(e_bond))
    return jnp.stack(outs)

if __name__ == "__main__":
    import jax
    _d = setup_inputs()
    print(jax.jit(kernel)(*tuple(_d.values())))

</pallas_src>

<mosaic_0001>
#map = affine_map<(d0, d1) -> (0, 0)>
module attributes {stable_mosaic.version = 14 : i64} {
  func.func @k(%arg0: i32, %arg1: i32, %arg2: memref<2560x128xi32, #tpu.memory_space<hbm>>, %arg3: memref<2560x128xi32, #tpu.memory_space<hbm>>, %arg4: memref<10240x128xf32, #tpu.memory_space<hbm>>, %arg5: memref<10240x128xf32, #tpu.memory_space<hbm>>, %arg6: memref<327680x128xf32, #tpu.memory_space<hbm>>, %arg7: memref<80x128xi32, #tpu.memory_space<vmem>>, %arg8: memref<80x128xi32, #tpu.memory_space<vmem>>, %arg9: memref<128x128xf32, #tpu.memory_space<vmem>>, %arg10: memref<128x128xf32, #tpu.memory_space<vmem>>, %arg11: memref<!tpu.dma_semaphore, #tpu.memory_space<semaphore_mem>>) attributes {dimension_semantics = [#tpu.dimension_semantics<core_parallel>, #tpu.dimension_semantics<subcore_parallel>], iteration_bounds = array<i64: 2, 16>, scalar_prefetch = 0 : i64, scratch_operands = 5 : i64, tpu.core_type = #tpu.core_type<sc_vector_subcore>, window_params = [{transform_indices = #map}, {transform_indices = #map}, {transform_indices = #map}, {transform_indices = #map}, {transform_indices = #map}]} {
    %mul3A = arith.constant 2 : i32
    %mul3A_0 = arith.muli %arg1, %mul3A : i32
    %add3A = arith.addi %mul3A_0, %arg0 : i32
    %mul3A_1 = arith.constant 80 : i32
    %mul3A_2 = arith.muli %add3A, %mul3A_1 : i32
    "tpu.region"() ({
      %run_scoped3A = tpu.sem_alloc : memref<!tpu.dma_semaphore, #tpu.memory_space<semaphore_mem>>
      %dma_start3A = arith.constant 0 : i32
      %dma_start3A_11 = tpu.memref_slice %arg2[%mul3A_2, %dma_start3A] : memref<2560x128xi32, #tpu.memory_space<hbm>> -> memref<80x128xi32, #tpu.memory_space<hbm>>
      %dma_start3A_12 = arith.constant 0 : i32
      %dma_start3A_13 = tpu.memref_slice %arg2[%mul3A_2, %dma_start3A_12] : memref<2560x128xi32, #tpu.memory_space<hbm>> -> memref<80x128xi32, #tpu.memory_space<hbm>>
      tpu.enqueue_dma source(%dma_start3A_13 : memref<80x128xi32, #tpu.memory_space<hbm>>) target(%arg7 : memref<80x128xi32, #tpu.memory_space<vmem>>) target_semaphore(%run_scoped3A : memref<!tpu.dma_semaphore, #tpu.memory_space<semaphore_mem>>)
      %dma_wait3A = arith.constant 0 : i32
      %dma_wait3A_14 = tpu.memref_slice %arg2[%mul3A_2, %dma_wait3A] : memref<2560x128xi32, #tpu.memory_space<hbm>> -> memref<80x128xi32, #tpu.memory_space<hbm>>
      %dma_wait3A_15 = arith.constant 0 : i32
      %dma_wait3A_16 = tpu.memref_slice %arg2[%mul3A_2, %dma_wait3A_15] : memref<2560x128xi32, #tpu.memory_space<hbm>> -> memref<80x128xi32, #tpu.memory_space<hbm>>
      tpu.wait_dma2 semaphore(%run_scoped3A : memref<!tpu.dma_semaphore, #tpu.memory_space<semaphore_mem>>) src(%dma_wait3A_16 : memref<80x128xi32, #tpu.memory_space<hbm>>) dst(%arg7 : memref<80x128xi32, #tpu.memory_space<vmem>>)
      tpu.yield
    }) : () -> ()
    %mul3A_3 = arith.constant 80 : i32
    %mul3A_4 = arith.muli %add3A, %mul3A_3 : i32
    "tpu.region"() ({
      %run_scoped3A = tpu.sem_alloc : memref<!tpu.dma_semaphore, #tpu.memory_space<semaphore_mem>>
      %dma_start3A = arith.constant 0 : i32
      %dma_start3A_11 = tpu.memref_slice %arg3[%mul3A_4, %dma_start3A] : memref<2560x128xi32, #tpu.memory_space<hbm>> -> memref<80x128xi32, #tpu.memory_space<hbm>>
      %dma_start3A_12 = arith.constant 0 : i32
      %dma_start3A_13 = tpu.memref_slice %arg3[%mul3A_4, %dma_start3A_12] : memref<2560x128xi32, #tpu.memory_space<hbm>> -> memref<80x128xi32, #tpu.memory_space<hbm>>
      tpu.enqueue_dma source(%dma_start3A_13 : memref<80x128xi32, #tpu.memory_space<hbm>>) target(%arg8 : memref<80x128xi32, #tpu.memory_space<vmem>>) target_semaphore(%run_scoped3A : memref<!tpu.dma_semaphore, #tpu.memory_space<semaphore_mem>>)
      %dma_wait3A = arith.constant 0 : i32
      %dma_wait3A_14 = tpu.memref_slice %arg3[%mul3A_4, %dma_wait3A] : memref<2560x128xi32, #tpu.memory_space<hbm>> -> memref<80x128xi32, #tpu.memory_space<hbm>>
      %dma_wait3A_15 = arith.constant 0 : i32
      %dma_wait3A_16 = tpu.memref_slice %arg3[%mul3A_4, %dma_wait3A_15] : memref<2560x128xi32, #tpu.memory_space<hbm>> -> memref<80x128xi32, #tpu.memory_space<hbm>>
      tpu.wait_dma2 semaphore(%run_scoped3A : memref<!tpu.dma_semaphore, #tpu.memory_space<semaphore_mem>>) src(%dma_wait3A_16 : memref<80x128xi32, #tpu.memory_space<hbm>>) dst(%arg8 : memref<80x128xi32, #tpu.memory_space<vmem>>)
      tpu.yield
    }) : () -> ()
    %scan3A = arith.constant 0 : i32
    %scan3A_5 = arith.constant 0 : i32
    %scan3A_6 = arith.constant 80 : i32
    %scan3A_7 = arith.addi %scan3A_5, %scan3A_6 : i32
    %scan3A_8 = arith.constant 1 : i32
    %scan3A_9 = scf.for %scan3A_11 = %scan3A_5 to %scan3A_7 step %scan3A_8 iter_args(%scan3A_12 = %scan3A) -> (i32)  : i32 {
      %mul3A_13 = arith.constant 10240 : i32
      %mul3A_14 = arith.muli %add3A, %mul3A_13 : i32
      %mul3A_15 = arith.constant 128 : i32
      %mul3A_16 = arith.muli %scan3A_11, %mul3A_15 : i32
      %add3A_17 = arith.addi %mul3A_14, %mul3A_16 : i32
      %dma_start3A = arith.constant 0 : i32
      %dma_start3A_18 = tpu.memref_slice %arg7[%scan3A_11, %dma_start3A] : memref<80x128xi32, #tpu.memory_space<vmem>> -> memref<1x128xi32, #tpu.memory_space<vmem>>
      %dma_start3A_19 = tpu.memref_squeeze %dma_start3A_18 : memref<1x128xi32, #tpu.memory_space<vmem>> -> memref<128xi32, #tpu.memory_space<vmem>>
      %dma_start3A_20 = arith.constant 0 : i32
      %dma_start3A_21 = arith.constant 0 : i32
      %dma_start3A_22 = tpu.memref_slice %arg4[%dma_start3A_20, %dma_start3A_21] : memref<10240x128xf32, #tpu.memory_space<hbm>> -> memref<10240x128xf32, #tpu.memory_space<hbm>>
      tpu.enqueue_indirect_dma source(%dma_start3A_22 : memref<10240x128xf32, #tpu.memory_space<hbm>>) target(%arg9 : memref<128x128xf32, #tpu.memory_space<vmem>>) offsets(%dma_start3A_19 : memref<128xi32, #tpu.memory_space<vmem>>) semaphore(%arg11 : memref<!tpu.dma_semaphore, #tpu.memory_space<semaphore_mem>>)
      %dma_start3A_23 = arith.constant 0 : i32
      %dma_start3A_24 = tpu.memref_slice %arg8[%scan3A_11, %dma_start3A_23] : memref<80x128xi32, #tpu.memory_space<vmem>> -> memref<1x128xi32, #tpu.memory_space<vmem>>
      %dma_start3A_25 = tpu.memref_squeeze %dma_start3A_24 : memref<1x128xi32, #tpu.memory_space<vmem>> -> memref<128xi32, #tpu.memory_space<vmem>>
      %dma_start3A_26 = arith.constant 0 : i32
      %dma_start3A_27 = arith.constant 0 : i32
      %dma_start3A_28 = tpu.memref_slice %arg5[%dma_start3A_26, %dma_start3A_27] : memref<10240x128xf32, #tpu.memory_space<hbm>> -> memref<10240x128xf32, #tpu.memory_space<hbm>>
      tpu.enqueue_indirect_dma source(%dma_start3A_28 : memref<10240x128xf32, #tpu.memory_space<hbm>>) target(%arg10 : memref<128x128xf32, #tpu.memory_space<vmem>>) offsets(%dma_start3A_25 : memref<128xi32, #tpu.memory_space<vmem>>) semaphore(%arg11 : memref<!tpu.dma_semaphore, #tpu.memory_space<semaphore_mem>>)
      %dma_wait3A = arith.constant 0 : i32
      %dma_wait3A_29 = tpu.memref_slice %arg7[%scan3A_11, %dma_wait3A] : memref<80x128xi32, #tpu.memory_space<vmem>> -> memref<1x128xi32, #tpu.memory_space<vmem>>
      %dma_wait3A_30 = tpu.memref_squeeze %dma_wait3A_29 : memref<1x128xi32, #tpu.memory_space<vmem>> -> memref<128xi32, #tpu.memory_space<vmem>>
      %dma_wait3A_31 = arith.constant 0 : i32
      %dma_wait3A_32 = arith.constant 0 : i32
      %dma_wait3A_33 = tpu.memref_slice %arg4[%dma_wait3A_31, %dma_wait3A_32] : memref<10240x128xf32, #tpu.memory_space<hbm>> -> memref<10240x128xf32, #tpu.memory_space<hbm>>
      tpu.wait_indirect_dma semaphore(%arg11 : memref<!tpu.dma_semaphore, #tpu.memory_space<semaphore_mem>>) src(%dma_wait3A_33 : memref<10240x128xf32, #tpu.memory_space<hbm>>) dst(%arg9 : memref<128x128xf32, #tpu.memory_space<vmem>>)
      %dma_wait3A_34 = arith.constant 0 : i32
      %dma_wait3A_35 = tpu.memref_slice %arg8[%scan3A_11, %dma_wait3A_34] : memref<80x128xi32, #tpu.memory_space<vmem>> -> memref<1x128xi32, #tpu.memory_space<vmem>>
      %dma_wait3A_36 = tpu.memref_squeeze %dma_wait3A_35 : memref<1x128xi32, #tpu.memory_space<vmem>> -> memref<128xi32, #tpu.memory_space<vmem>>
      %dma_wait3A_37 = arith.constant 0 : i32
      %dma_wait3A_38 = arith.constant 0 : i32
      %dma_wait3A_39 = tpu.memref_slice %arg5[%dma_wait3A_37, %dma_wait3A_38] : memref<10240x128xf32, #tpu.memory_space<hbm>> -> memref<10240x128xf32, #tpu.memory_space<hbm>>
      tpu.wait_indirect_dma semaphore(%arg11 : memref<!tpu.dma_semaphore, #tpu.memory_space<semaphore_mem>>) src(%dma_wait3A_39 : memref<10240x128xf32, #tpu.memory_space<hbm>>) dst(%arg10 : memref<128x128xf32, #tpu.memory_space<vmem>>)
      %scan3A_40 = arith.constant 0 : i32
      %scan3A_41 = arith.constant 0 : i32
      %scan3A_42 = arith.constant 128 : i32
      %scan3A_43 = arith.addi %scan3A_41, %scan3A_42 : i32
      %scan3A_44 = arith.constant 1 : i32
      %scan3A_45 = scf.for %scan3A_48 = %scan3A_41 to %scan3A_43 step %scan3A_44 iter_args(%scan3A_49 = %scan3A_40) -> (i32)  : i32 {
        %get3A = arith.index_cast %scan3A_48 : i32 to index
        %get3A_50 = arith.constant 0 : index
        %get3A_51 = tpu.vector_load %arg9[%get3A, %get3A_50] {strides = array<i32>} : memref<128x128xf32, #tpu.memory_space<vmem>>, vector<1x16xf32>,
        %get3A_52 = vector.shape_cast %get3A_51 : vector<1x16xf32> to vector<16xf32>
        %get3A_53 = arith.index_cast %scan3A_48 : i32 to index
        %get3A_54 = arith.constant 0 : index
        %get3A_55 = tpu.vector_load %arg10[%get3A_53, %get3A_54] {strides = array<i32>} : memref<128x128xf32, #tpu.memory_space<vmem>>, vector<1x16xf32>,
        %get3A_56 = vector.shape_cast %get3A_55 : vector<1x16xf32> to vector<16xf32>
        %add3A_57 = arith.addf %get3A_52, %get3A_56 : vector<16xf32>
        %swap3A = arith.index_cast %scan3A_48 : i32 to index
        %swap3A_58 = arith.constant 0 : index
        %swap3A_59 = tpu.vector_load %arg9[%swap3A, %swap3A_58] {strides = array<i32>} : memref<128x128xf32, #tpu.memory_space<vmem>>, vector<1x16xf32>,
        %swap3A_60 = vector.shape_cast %swap3A_59 : vector<1x16xf32> to vector<16xf32>
        %swap3A_61 = vector.shape_cast %add3A_57 : vector<16xf32> to vector<1x16xf32>
        tpu.vector_store %arg9[%swap3A, %swap3A_58], %swap3A_61 {strides = array<i32>} : memref<128x128xf32, #tpu.memory_space<vmem>>, vector<1x16xf32>,
        %get3A_62 = arith.index_cast %scan3A_48 : i32 to index
        %get3A_63 = arith.constant 16 : index
        %get3A_64 = tpu.vector_load %arg9[%get3A_62, %get3A_63] {strides = array<i32>} : memref<128x128xf32, #tpu.memory_space<vmem>>, vector<1x16xf32>,
        %get3A_65 = vector.shape_cast %get3A_64 : vector<1x16xf32> to vector<16xf32>
        %get3A_66 = arith.index_cast %scan3A_48 : i32 to index
        %get3A_67 = arith.constant 16 : index
        %get3A_68 = tpu.vector_load %arg10[%get3A_66, %get3A_67] {strides = array<i32>} : memref<128x128xf32, #tpu.memory_space<vmem>>, vector<1x16xf32>,
        %get3A_69 = vector.shape_cast %get3A_68 : vector<1x16xf32> to vector<16xf32>
        %add3A_70 = arith.addf %get3A_65, %get3A_69 : vector<16xf32>
        %swap3A_71 = arith.index_cast %scan3A_48 : i32 to index
        %swap3A_72 = arith.constant 16 : index
        %swap3A_73 = tpu.vector_load %arg9[%swap3A_71, %swap3A_72] {strides = array<i32>} : memref<128x128xf32, #tpu.memory_space<vmem>>, vector<1x16xf32>,
        %swap3A_74 = vector.shape_cast %swap3A_73 : vector<1x16xf32> to vector<16xf32>
        %swap3A_75 = vector.shape_cast %add3A_70 : vector<16xf32> to vector<1x16xf32>
        tpu.vector_store %arg9[%swap3A_71, %swap3A_72], %swap3A_75 {strides = array<i32>} : memref<128x128xf32, #tpu.memory_space<vmem>>, vector<1x16xf32>,
        %get3A_76 = arith.index_cast %scan3A_48 : i32 to index
        %get3A_77 = arith.constant 32 : index
        %get3A_78 = tpu.vector_load %arg9[%get3A_76, %get3A_77] {strides = array<i32>} : memref<128x128xf32, #tpu.memory_space<vmem>>, vector<1x16xf32>,
        %get3A_79 = vector.shape_cast %get3A_78 : vector<1x16xf32> to vector<16xf32>
        %get3A_80 = arith.index_cast %scan3A_48 : i32 to index
        %get3A_81 = arith.constant 32 : index
        %get3A_82 = tpu.vector_load %arg10[%get3A_80, %get3A_81] {strides = array<i32>} : memref<128x128xf32, #tpu.memory_space<vmem>>, vector<1x16xf32>,
        %get3A_83 = vector.shape_cast %get3A_82 : vector<1x16xf32> to vector<16xf32>
        %add3A_84 = arith.addf %get3A_79, %get3A_83 : vector<16xf32>
        %swap3A_85 = arith.index_cast %scan3A_48 : i32 to index
        %swap3A_86 = arith.constant 32 : index
        %swap3A_87 = tpu.vector_load %arg9[%swap3A_85, %swap3A_86] {strides = array<i32>} : memref<128x128xf32, #tpu.memory_space<vmem>>, vector<1x16xf32>,
        %swap3A_88 = vector.shape_cast %swap3A_87 : vector<1x16xf32> to vector<16xf32>
        %swap3A_89 = vector.shape_cast %add3A_84 : vector<16xf32> to vector<1x16xf32>
        tpu.vector_store %arg9[%swap3A_85, %swap3A_86], %swap3A_89 {strides = array<i32>} : memref<128x128xf32, #tpu.memory_space<vmem>>, vector<1x16xf32>,
        %get3A_90 = arith.index_cast %scan3A_48 : i32 to index
        %get3A_91 = arith.constant 48 : index
        %get3A_92 = tpu.vector_load %arg9[%get3A_90, %get3A_91] {strides = array<i32>} : memref<128x128xf32, #tpu.memory_space<vmem>>, vector<1x16xf32>,
        %get3A_93 = vector.shape_cast %get3A_92 : vector<1x16xf32> to vector<16xf32>
        %get3A_94 = arith.index_cast %scan3A_48 : i32 to index
        %get3A_95 = arith.constant 48 : index
        %get3A_96 = tpu.vector_load %arg10[%get3A_94, %get3A_95] {strides = array<i32>} : memref<128x128xf32, #tpu.memory_space<vmem>>, vector<1x16xf32>,
        %get3A_97 = vector.shape_cast %get3A_96 : vector<1x16xf32> to vector<16xf32>
        %add3A_98 = arith.addf %get3A_93, %get3A_97 : vector<16xf32>
        %swap3A_99 = arith.index_cast %scan3A_48 : i32 to index
        %swap3A_100 = arith.constant 48 : index
        %swap3A_101 = tpu.vector_load %arg9[%swap3A_99, %swap3A_100] {strides = array<i32>} : memref<128x128xf32, #tpu.memory_space<vmem>>, vector<1x16xf32>,
        %swap3A_102 = vector.shape_cast %swap3A_101 : vector<1x16xf32> to vector<16xf32>
        %swap3A_103 = vector.shape_cast %add3A_98 : vector<16xf32> to vector<1x16xf32>
        tpu.vector_store %arg9[%swap3A_99, %swap3A_100], %swap3A_103 {strides = array<i32>} : memref<128x128xf32, #tpu.memory_space<vmem>>, vector<1x16xf32>,
        %get3A_104 = arith.index_cast %scan3A_48 : i32 to index
        %get3A_105 = arith.constant 64 : index
        %get3A_106 = tpu.vector_load %arg9[%get3A_104, %get3A_105] {strides = array<i32>} : memref<128x128xf32, #tpu.memory_space<vmem>>, vector<1x16xf32>,
        %get3A_107 = vector.shape_cast %get3A_106 : vector<1x16xf32> to vector<16xf32>
        %get3A_108 = arith.index_cast %scan3A_48 : i32 to index
        %get3A_109 = arith.constant 64 : index
        %get3A_110 = tpu.vector_load %arg10[%get3A_108, %get3A_109] {strides = array<i32>} : memref<128x128xf32, #tpu.memory_space<vmem>>, vector<1x16xf32>,
        %get3A_111 = vector.shape_cast %get3A_110 : vector<1x16xf32> to vector<16xf32>
        %add3A_112 = arith.addf %get3A_107, %get3A_111 : vector<16xf32>
        %swap3A_113 = arith.index_cast %scan3A_48 : i32 to index
        %swap3A_114 = arith.constant 64 : index
        %swap3A_115 = tpu.vector_load %arg9[%swap3A_113, %swap3A_114] {strides = array<i32>} : memref<128x128xf32, #tpu.memory_space<vmem>>, vector<1x16xf32>,
        %swap3A_116 = vector.shape_cast %swap3A_115 : vector<1x16xf32> to vector<16xf32>
        %swap3A_117 = vector.shape_cast %add3A_112 : vector<16xf32> to vector<1x16xf32>
        tpu.vector_store %arg9[%swap3A_113, %swap3A_114], %swap3A_117 {strides = array<i32>} : memref<128x128xf32, #tpu.memory_space<vmem>>, vector<1x16xf32>,
        %get3A_118 = arith.index_cast %scan3A_48 : i32 to index
        %get3A_119 = arith.constant 80 : index
        %get3A_120 = tpu.vector_load %arg9[%get3A_118, %get3A_119] {strides = array<i32>} : memref<128x128xf32, #tpu.memory_space<vmem>>, vector<1x16xf32>,
        %get3A_121 = vector.shape_cast %get3A_120 : vector<1x16xf32> to vector<16xf32>
        %get3A_122 = arith.index_cast %scan3A_48 : i32 to index
        %get3A_123 = arith.constant 80 : index
        %get3A_124 = tpu.vector_load %arg10[%get3A_122, %get3A_123] {strides = array<i32>} : memref<128x128xf32, #tpu.memory_space<vmem>>, vector<1x16xf32>,
        %get3A_125 = vector.shape_cast %get3A_124 : vector<1x16xf32> to vector<16xf32>
        %add3A_126 = arith.addf %get3A_121, %get3A_125 : vector<16xf32>
        %swap3A_127 = arith.index_cast %scan3A_48 : i32 to index
        %swap3A_128 = arith.constant 80 : index
        %swap3A_129 = tpu.vector_load %arg9[%swap3A_127, %swap3A_128] {strides = array<i32>} : memref<128x128xf32, #tpu.memory_space<vmem>>, vector<1x16xf32>,
        %swap3A_130 = vector.shape_cast %swap3A_129 : vector<1x16xf32> to vector<16xf32>
        %swap3A_131 = vector.shape_cast %add3A_126 : vector<16xf32> to vector<1x16xf32>
        tpu.vector_store %arg9[%swap3A_127, %swap3A_128], %swap3A_131 {strides = array<i32>} : memref<128x128xf32, #tpu.memory_space<vmem>>, vector<1x16xf32>,
        %get3A_132 = arith.index_cast %scan3A_48 : i32 to index
        %get3A_133 = arith.constant 96 : index
        %get3A_134 = tpu.vector_load %arg9[%get3A_132, %get3A_133] {strides = array<i32>} : memref<128x128xf32, #tpu.memory_space<vmem>>, vector<1x16xf32>,
        %get3A_135 = vector.shape_cast %get3A_134 : vector<1x16xf32> to vector<16xf32>
        %get3A_136 = arith.index_cast %scan3A_48 : i32 to index
        %get3A_137 = arith.constant 96 : index
        %get3A_138 = tpu.vector_load %arg10[%get3A_136, %get3A_137] {strides = array<i32>} : memref<128x128xf32, #tpu.memory_space<vmem>>, vector<1x16xf32>,
        %get3A_139 = vector.shape_cast %get3A_138 : vector<1x16xf32> to vector<16xf32>
        %add3A_140 = arith.addf %get3A_135, %get3A_139 : vector<16xf32>
        %swap3A_141 = arith.index_cast %scan3A_48 : i32 to index
        %swap3A_142 = arith.constant 96 : index
        %swap3A_143 = tpu.vector_load %arg9[%swap3A_141, %swap3A_142] {strides = array<i32>} : memref<128x128xf32, #tpu.memory_space<vmem>>, vector<1x16xf32>,
        %swap3A_144 = vector.shape_cast %swap3A_143 : vector<1x16xf32> to vector<16xf32>
        %swap3A_145 = vector.shape_cast %add3A_140 : vector<16xf32> to vector<1x16xf32>
        tpu.vector_store %arg9[%swap3A_141, %swap3A_142], %swap3A_145 {strides = array<i32>} : memref<128x128xf32, #tpu.memory_space<vmem>>, vector<1x16xf32>,
        %get3A_146 = arith.index_cast %scan3A_48 : i32 to index
        %get3A_147 = arith.constant 112 : index
        %get3A_148 = tpu.vector_load %arg9[%get3A_146, %get3A_147] {strides = array<i32>} : memref<128x128xf32, #tpu.memory_space<vmem>>, vector<1x16xf32>,
        %get3A_149 = vector.shape_cast %get3A_148 : vector<1x16xf32> to vector<16xf32>
        %get3A_150 = arith.index_cast %scan3A_48 : i32 to index
        %get3A_151 = arith.constant 112 : index
        %get3A_152 = tpu.vector_load %arg10[%get3A_150, %get3A_151] {strides = array<i32>} : memref<128x128xf32, #tpu.memory_space<vmem>>, vector<1x16xf32>,
        %get3A_153 = vector.shape_cast %get3A_152 : vector<1x16xf32> to vector<16xf32>
        %add3A_154 = arith.addf %get3A_149, %get3A_153 : vector<16xf32>
        %swap3A_155 = arith.index_cast %scan3A_48 : i32 to index
        %swap3A_156 = arith.constant 112 : index
        %swap3A_157 = tpu.vector_load %arg9[%swap3A_155, %swap3A_156] {strides = array<i32>} : memref<128x128xf32, #tpu.memory_space<vmem>>, vector<1x16xf32>,
        %swap3A_158 = vector.shape_cast %swap3A_157 : vector<1x16xf32> to vector<16xf32>
        %swap3A_159 = vector.shape_cast %add3A_154 : vector<16xf32> to vector<1x16xf32>
        tpu.vector_store %arg9[%swap3A_155, %swap3A_156], %swap3A_159 {strides = array<i32>} : memref<128x128xf32, #tpu.memory_space<vmem>>, vector<1x16xf32>,
        %scan3A_160 = arith.constant 0 : i32
        scf.yield %scan3A_160 : i32
      }
      %scan3A_46 = arith.constant 128 : i32
      "tpu.region"() ({
        %run_scoped3A = tpu.sem_alloc : memref<!tpu.dma_semaphore, #tpu.memory_space<semaphore_mem>>
        %dma_start3A_48 = arith.constant 0 : i32
        %dma_start3A_49 = tpu.memref_slice %arg6[%add3A_17, %dma_start3A_48] : memref<327680x128xf32, #tpu.memory_space<hbm>> -> memref<128x128xf32, #tpu.memory_space<hbm>>
        %dma_start3A_50 = arith.constant 0 : i32
        %dma_start3A_51 = tpu.memref_slice %arg6[%add3A_17, %dma_start3A_50] : memref<327680x128xf32, #tpu.memory_space<hbm>> -> memref<128x128xf32, #tpu.memory_space<hbm>>
        tpu.enqueue_dma source(%arg9 : memref<128x128xf32, #tpu.memory_space<vmem>>) target(%dma_start3A_51 : memref<128x128xf32, #tpu.memory_space<hbm>>) target_semaphore(%run_scoped3A : memref<!tpu.dma_semaphore, #tpu.memory_space<semaphore_mem>>)
        %dma_wait3A_52 = arith.constant 0 : i32
        %dma_wait3A_53 = tpu.memref_slice %arg6[%add3A_17, %dma_wait3A_52] : memref<327680x128xf32, #tpu.memory_space<hbm>> -> memref<128x128xf32, #tpu.memory_space<hbm>>
        %dma_wait3A_54 = arith.constant 0 : i32
        %dma_wait3A_55 = tpu.memref_slice %arg6[%add3A_17, %dma_wait3A_54] : memref<327680x128xf32, #tpu.memory_space<hbm>> -> memref<128x128xf32, #tpu.memory_space<hbm>>
        tpu.wait_dma2 semaphore(%run_scoped3A : memref<!tpu.dma_semaphore, #tpu.memory_space<semaphore_mem>>) src(%arg9 : memref<128x128xf32, #tpu.memory_space<vmem>>) dst(%dma_wait3A_55 : memref<128x128xf32, #tpu.memory_space<hbm>>)
        tpu.yield
      }) : () -> ()
      %scan3A_47 = arith.constant 0 : i32
      scf.yield %scan3A_47 : i32
    }
    %scan3A_10 = arith.constant 80 : i32
    return
  }
}

#map = affine_map<(d0, d1) -> (0, 0)>
#map1 = affine_map<(d0, d1) -> (0, 0, 0)>
module attributes {stable_mosaic.version = 14 : i64} {
  func.func @k(%arg0: i32, %arg1: i32, %arg2: memref<327680x128xf32, #tpu.memory_space<hbm>>, %arg3: memref<2560x128xi32, #tpu.memory_space<hbm>>, %arg4: memref<2x10240x128xf32, #tpu.memory_space<hbm>>, %arg5: memref<128x128xf32, #tpu.memory_space<vmem>>, %arg6: memref<80x128xi32, #tpu.memory_space<vmem>>, %arg7: memref<128x128xf32, #tpu.memory_space<vmem>>, %arg8: memref<10240x128xf32, #tpu.memory_space<vmem_shared>>) attributes {dimension_semantics = [#tpu.dimension_semantics<core_parallel>, #tpu.dimension_semantics<subcore_parallel>], iteration_bounds = array<i64: 2, 16>, scalar_prefetch = 0 : i64, scratch_operands = 4 : i64, tpu.core_type = #tpu.core_type<sc_vector_subcore>, window_params = [{transform_indices = #map}, {transform_indices = #map}, {transform_indices = #map1}]} {
    %mul3A = arith.constant 2 : i32
    %mul3A_0 = arith.muli %arg1, %mul3A : i32
    %add3A = arith.addi %mul3A_0, %arg0 : i32
    %scan3A = arith.constant 0 : i32
    %scan3A_1 = arith.constant 0 : i32
    %scan3A_2 = arith.constant 128 : i32
    %scan3A_3 = arith.addi %scan3A_1, %scan3A_2 : i32
    %scan3A_4 = arith.constant 1 : i32
    %scan3A_5 = scf.for %scan3A_41 = %scan3A_1 to %scan3A_3 step %scan3A_4 iter_args(%scan3A_42 = %scan3A) -> (i32)  : i32 {
      %broadcast_in_dim3A = arith.constant 0.000000e+00 : f32
      %broadcast_in_dim3A_43 = vector.broadcast %broadcast_in_dim3A : f32 to vector<16xf32>
      %swap3A = arith.index_cast %scan3A_41 : i32 to index
      %swap3A_44 = arith.constant 0 : index
      %swap3A_45 = tpu.vector_load %arg7[%swap3A, %swap3A_44] {strides = array<i32>} : memref<128x128xf32, #tpu.memory_space<vmem>>, vector<1x16xf32>,
      %swap3A_46 = vector.shape_cast %swap3A_45 : vector<1x16xf32> to vector<16xf32>
      %swap3A_47 = vector.shape_cast %broadcast_in_dim3A_43 : vector<16xf32> to vector<1x16xf32>
      tpu.vector_store %arg7[%swap3A, %swap3A_44], %swap3A_47 {strides = array<i32>} : memref<128x128xf32, #tpu.memory_space<vmem>>, vector<1x16xf32>,
      %broadcast_in_dim3A_48 = arith.constant 0.000000e+00 : f32
      %broadcast_in_dim3A_49 = vector.broadcast %broadcast_in_dim3A_48 : f32 to vector<16xf32>
      %swap3A_50 = arith.index_cast %scan3A_41 : i32 to index
      %swap3A_51 = arith.constant 16 : index
      %swap3A_52 = tpu.vector_load %arg7[%swap3A_50, %swap3A_51] {strides = array<i32>} : memref<128x128xf32, #tpu.memory_space<vmem>>, vector<1x16xf32>,
      %swap3A_53 = vector.shape_cast %swap3A_52 : vector<1x16xf32> to vector<16xf32>
      %swap3A_54 = vector.shape_cast %broadcast_in_dim3A_49 : vector<16xf32> to vector<1x16xf32>
      tpu.vector_store %arg7[%swap3A_50, %swap3A_51], %swap3A_54 {strides = array<i32>} : memref<128x128xf32, #tpu.memory_space<vmem>>, vector<1x16xf32>,
      %broadcast_in_dim3A_55 = arith.constant 0.000000e+00 : f32
      %broadcast_in_dim3A_56 = vector.broadcast %broadcast_in_dim3A_55 : f32 to vector<16xf32>
      %swap3A_57 = arith.index_cast %scan3A_41 : i32 to index
      %swap3A_58 = arith.constant 32 : index
      %swap3A_59 = tpu.vector_load %arg7[%swap3A_57, %swap3A_58] {strides = array<i32>} : memref<128x128xf32, #tpu.memory_space<vmem>>, vector<1x16xf32>,
      %swap3A_60 = vector.shape_cast %swap3A_59 : vector<1x16xf32> to vector<16xf32>
      %swap3A_61 = vector.shape_cast %broadcast_in_dim3A_56 : vector<16xf32> to vector<1x16xf32>
      tpu.vector_store %arg7[%swap3A_57, %swap3A_58], %swap3A_61 {strides = array<i32>} : memref<128x128xf32, #tpu.memory_space<vmem>>, vector<1x16xf32>,
      %broadcast_in_dim3A_62 = arith.constant 0.000000e+00 : f32
      %broadcast_in_dim3A_63 = vector.broadcast %broadcast_in_dim3A_62 : f32 to vector<16xf32>
      %swap3A_64 = arith.index_cast %scan3A_41 : i32 to index
      %swap3A_65 = arith.constant 48 : index
      %swap3A_66 = tpu.vector_load %arg7[%swap3A_64, %swap3A_65] {strides = array<i32>} : memref<128x128xf32, #tpu.memory_space<vmem>>, vector<1x16xf32>,
      %swap3A_67 = vector.shape_cast %swap3A_66 : vector<1x16xf32> to vector<16xf32>
      %swap3A_68 = vector.shape_cast %broadcast_in_dim3A_63 : vector<16xf32> to vector<1x16xf32>
      tpu.vector_store %arg7[%swap3A_64, %swap3A_65], %swap3A_68 {strides = array<i32>} : memref<128x128xf32, #tpu.memory_space<vmem>>, vector<1x16xf32>,
      %broadcast_in_dim3A_69 = arith.constant 0.000000e+00 : f32
      %broadcast_in_dim3A_70 = vector.broadcast %broadcast_in_dim3A_69 : f32 to vector<16xf32>
      %swap3A_71 = arith.index_cast %scan3A_41 : i32 to index
      %swap3A_72 = arith.constant 64 : index
      %swap3A_73 = tpu.vector_load %arg7[%swap3A_71, %swap3A_72] {strides = array<i32>} : memref<128x128xf32, #tpu.memory_space<vmem>>, vector<1x16xf32>,
      %swap3A_74 = vector.shape_cast %swap3A_73 : vector<1x16xf32> to vector<16xf32>
      %swap3A_75 = vector.shape_cast %broadcast_in_dim3A_70 : vector<16xf32> to vector<1x16xf32>
      tpu.vector_store %arg7[%swap3A_71, %swap3A_72], %swap3A_75 {strides = array<i32>} : memref<128x128xf32, #tpu.memory_space<vmem>>, vector<1x16xf32>,
      %broadcast_in_dim3A_76 = arith.constant 0.000000e+00 : f32
      %broadcast_in_dim3A_77 = vector.broadcast %broadcast_in_dim3A_76 : f32 to vector<16xf32>
      %swap3A_78 = arith.index_cast %scan3A_41 : i32 to index
      %swap3A_79 = arith.constant 80 : index
      %swap3A_80 = tpu.vector_load %arg7[%swap3A_78, %swap3A_79] {strides = array<i32>} : memref<128x128xf32, #tpu.memory_space<vmem>>, vector<1x16xf32>,
      %swap3A_81 = vector.shape_cast %swap3A_80 : vector<1x16xf32> to vector<16xf32>
      %swap3A_82 = vector.shape_cast %broadcast_in_dim3A_77 : vector<16xf32> to vector<1x16xf32>
      tpu.vector_store %arg7[%swap3A_78, %swap3A_79], %swap3A_82 {strides = array<i32>} : memref<128x128xf32, #tpu.memory_space<vmem>>, vector<1x16xf32>,
      %broadcast_in_dim3A_83 = arith.constant 0.000000e+00 : f32
      %broadcast_in_dim3A_84 = vector.broadcast %broadcast_in_dim3A_83 : f32 to vector<16xf32>
      %swap3A_85 = arith.index_cast %scan3A_41 : i32 to index
      %swap3A_86 = arith.constant 96 : index
      %swap3A_87 = tpu.vector_load %arg7[%swap3A_85, %swap3A_86] {strides = array<i32>} : memref<128x128xf32, #tpu.memory_space<vmem>>, vector<1x16xf32>,
      %swap3A_88 = vector.shape_cast %swap3A_87 : vector<1x16xf32> to vector<16xf32>
      %swap3A_89 = vector.shape_cast %broadcast_in_dim3A_84 : vector<16xf32> to vector<1x16xf32>
      tpu.vector_store %arg7[%swap3A_85, %swap3A_86], %swap3A_89 {strides = array<i32>} : memref<128x128xf32, #tpu.memory_space<vmem>>, vector<1x16xf32>,
      %broadcast_in_dim3A_90 = arith.constant 0.000000e+00 : f32
      %broadcast_in_dim3A_91 = vector.broadcast %broadcast_in_dim3A_90 : f32 to vector<16xf32>
      %swap3A_92 = arith.index_cast %scan3A_41 : i32 to index
      %swap3A_93 = arith.constant 112 : index
      %swap3A_94 = tpu.vector_load %arg7[%swap3A_92, %swap3A_93] {strides = array<i32>} : memref<128x128xf32, #tpu.memory_space<vmem>>, vector<1x16xf32>,
      %swap3A_95 = vector.shape_cast %swap3A_94 : vector<1x16xf32> to vector<16xf32>
      %swap3A_96 = vector.shape_cast %broadcast_in_dim3A_91 : vector<16xf32> to vector<1x16xf32>
      tpu.vector_store %arg7[%swap3A_92, %swap3A_93], %swap3A_96 {strides = array<i32>} : memref<128x128xf32, #tpu.memory_space<vmem>>, vector<1x16xf32>,
      %scan3A_97 = arith.constant 0 : i32
      scf.yield %scan3A_97 : i32
    }
    %scan3A_6 = arith.constant 128 : i32
    %mul3A_7 = arith.constant 640 : i32
    %mul3A_8 = arith.muli %arg1, %mul3A_7 : i32
    %add3A_9 = arith.constant 0 : i32
    %add3A_10 = arith.addi %mul3A_8, %add3A_9 : i32
    "tpu.region"() ({
      %run_scoped3A = tpu.sem_alloc : memref<!tpu.dma_semaphore, #tpu.memory_space<semaphore_mem>>
      %dma_start3A = arith.constant 0 : i32
      %dma_start3A_41 = tpu.memref_slice %arg8[%add3A_10, %dma_start3A] : memref<10240x128xf32, #tpu.memory_space<vmem_shared>> -> memref<128x128xf32, #tpu.memory_space<vmem_shared>>
      %dma_start3A_42 = arith.constant 0 : i32
      %dma_start3A_43 = tpu.memref_slice %arg8[%add3A_10, %dma_start3A_42] : memref<10240x128xf32, #tpu.memory_space<vmem_shared>> -> memref<128x128xf32, #tpu.memory_space<vmem_shared>>
      tpu.enqueue_dma source(%arg7 : memref<128x128xf32, #tpu.memory_space<vmem>>) target(%dma_start3A_43 : memref<128x128xf32, #tpu.memory_space<vmem_shared>>) target_semaphore(%run_scoped3A : memref<!tpu.dma_semaphore, #tpu.memory_space<semaphore_mem>>)
      %dma_wait3A = arith.constant 0 : i32
      %dma_wait3A_44 = tpu.memref_slice %arg8[%add3A_10, %dma_wait3A] : memref<10240x128xf32, #tpu.memory_space<vmem_shared>> -> memref<128x128xf32, #tpu.memory_space<vmem_shared>>
      %dma_wait3A_45 = arith.constant 0 : i32
      %dma_wait3A_46 = tpu.memref_slice %arg8[%add3A_10, %dma_wait3A_45] : memref<10240x128xf32, #tpu.memory_space<vmem_shared>> -> memref<128x128xf32, #tpu.memory_space<vmem_shared>>
      tpu.wait_dma2 semaphore(%run_scoped3A : memref<!tpu.dma_semaphore, #tpu.memory_space<semaphore_mem>>) src(%arg7 : memref<128x128xf32, #tpu.memory_space<vmem>>) dst(%dma_wait3A_46 : memref<128x128xf32, #tpu.memory_space<vmem_shared>>)
      tpu.yield
    }) : () -> ()
    %mul3A_11 = arith.constant 640 : i32
    %mul3A_12 = arith.muli %arg1, %mul3A_11 : i32
    %add3A_13 = arith.constant 128 : i32
    %add3A_14 = arith.addi %mul3A_12, %add3A_13 : i32
    "tpu.region"() ({
      %run_scoped3A = tpu.sem_alloc : memref<!tpu.dma_semaphore, #tpu.memory_space<semaphore_mem>>
      %dma_start3A = arith.constant 0 : i32
      %dma_start3A_41 = tpu.memref_slice %arg8[%add3A_14, %dma_start3A] : memref<10240x128xf32, #tpu.memory_space<vmem_shared>> -> memref<128x128xf32, #tpu.memory_space<vmem_shared>>
      %dma_start3A_42 = arith.constant 0 : i32
      %dma_start3A_43 = tpu.memref_slice %arg8[%add3A_14, %dma_start3A_42] : memref<10240x128xf32, #tpu.memory_space<vmem_shared>> -> memref<128x128xf32, #tpu.memory_space<vmem_shared>>
      tpu.enqueue_dma source(%arg7 : memref<128x128xf32, #tpu.memory_space<vmem>>) target(%dma_start3A_43 : memref<128x128xf32, #tpu.memory_space<vmem_shared>>) target_semaphore(%run_scoped3A : memref<!tpu.dma_semaphore, #tpu.memory_space<semaphore_mem>>)
      %dma_wait3A = arith.constant 0 : i32
      %dma_wait3A_44 = tpu.memref_slice %arg8[%add3A_14, %dma_wait3A] : memref<10240x128xf32, #tpu.memory_space<vmem_shared>> -> memref<128x128xf32, #tpu.memory_space<vmem_shared>>
      %dma_wait3A_45 = arith.constant 0 : i32
      %dma_wait3A_46 = tpu.memref_slice %arg8[%add3A_14, %dma_wait3A_45] : memref<10240x128xf32, #tpu.memory_space<vmem_shared>> -> memref<128x128xf32, #tpu.memory_space<vmem_shared>>
      tpu.wait_dma2 semaphore(%run_scoped3A : memref<!tpu.dma_semaphore, #tpu.memory_space<semaphore_mem>>) src(%arg7 : memref<128x128xf32, #tpu.memory_space<vmem>>) dst(%dma_wait3A_46 : memref<128x128xf32, #tpu.memory_space<vmem_shared>>)
      tpu.yield
    }) : () -> ()
    %mul3A_15 = arith.constant 640 : i32
    %mul3A_16 = arith.muli %arg1, %mul3A_15 : i32
    %add3A_17 = arith.constant 256 : i32
    %add3A_18 = arith.addi %mul3A_16, %add3A_17 : i32
    "tpu.region"() ({
      %run_scoped3A = tpu.sem_alloc : memref<!tpu.dma_semaphore, #tpu.memory_space<semaphore_mem>>
      %dma_start3A = arith.constant 0 : i32
      %dma_start3A_41 = tpu.memref_slice %arg8[%add3A_18, %dma_start3A] : memref<10240x128xf32, #tpu.memory_space<vmem_shared>> -> memref<128x128xf32, #tpu.memory_space<vmem_shared>>
      %dma_start3A_42 = arith.constant 0 : i32
      %dma_start3A_43 = tpu.memref_slice %arg8[%add3A_18, %dma_start3A_42] : memref<10240x128xf32, #tpu.memory_space<vmem_shared>> -> memref<128x128xf32, #tpu.memory_space<vmem_shared>>
      tpu.enqueue_dma source(%arg7 : memref<128x128xf32, #tpu.memory_space<vmem>>) target(%dma_start3A_43 : memref<128x128xf32, #tpu.memory_space<vmem_shared>>) target_semaphore(%run_scoped3A : memref<!tpu.dma_semaphore, #tpu.memory_space<semaphore_mem>>)
      %dma_wait3A = arith.constant 0 : i32
      %dma_wait3A_44 = tpu.memref_slice %arg8[%add3A_18, %dma_wait3A] : memref<10240x128xf32, #tpu.memory_space<vmem_shared>> -> memref<128x128xf32, #tpu.memory_space<vmem_shared>>
      %dma_wait3A_45 = arith.constant 0 : i32
      %dma_wait3A_46 = tpu.memref_slice %arg8[%add3A_18, %dma_wait3A_45] : memref<10240x128xf32, #tpu.memory_space<vmem_shared>> -> memref<128x128xf32, #tpu.memory_space<vmem_shared>>
      tpu.wait_dma2 semaphore(%run_scoped3A : memref<!tpu.dma_semaphore, #tpu.memory_space<semaphore_mem>>) src(%arg7 : memref<128x128xf32, #tpu.memory_space<vmem>>) dst(%dma_wait3A_46 : memref<128x128xf32, #tpu.memory_space<vmem_shared>>)
      tpu.yield
    }) : () -> ()
    %mul3A_19 = arith.constant 640 : i32
    %mul3A_20 = arith.muli %arg1, %mul3A_19 : i32
    %add3A_21 = arith.constant 384 : i32
    %add3A_22 = arith.addi %mul3A_20, %add3A_21 : i32
    "tpu.region"() ({
      %run_scoped3A = tpu.sem_alloc : memref<!tpu.dma_semaphore, #tpu.memory_space<semaphore_mem>>
      %dma_start3A = arith.constant 0 : i32
      %dma_start3A_41 = tpu.memref_slice %arg8[%add3A_22, %dma_start3A] : memref<10240x128xf32, #tpu.memory_space<vmem_shared>> -> memref<128x128xf32, #tpu.memory_space<vmem_shared>>
      %dma_start3A_42 = arith.constant 0 : i32
      %dma_start3A_43 = tpu.memref_slice %arg8[%add3A_22, %dma_start3A_42] : memref<10240x128xf32, #tpu.memory_space<vmem_shared>> -> memref<128x128xf32, #tpu.memory_space<vmem_shared>>
      tpu.enqueue_dma source(%arg7 : memref<128x128xf32, #tpu.memory_space<vmem>>) target(%dma_start3A_43 : memref<128x128xf32, #tpu.memory_space<vmem_shared>>) target_semaphore(%run_scoped3A : memref<!tpu.dma_semaphore, #tpu.memory_space<semaphore_mem>>)
      %dma_wait3A = arith.constant 0 : i32
      %dma_wait3A_44 = tpu.memref_slice %arg8[%add3A_22, %dma_wait3A] : memref<10240x128xf32, #tpu.memory_space<vmem_shared>> -> memref<128x128xf32, #tpu.memory_space<vmem_shared>>
      %dma_wait3A_45 = arith.constant 0 : i32
      %dma_wait3A_46 = tpu.memref_slice %arg8[%add3A_22, %dma_wait3A_45] : memref<10240x128xf32, #tpu.memory_space<vmem_shared>> -> memref<128x128xf32, #tpu.memory_space<vmem_shared>>
      tpu.wait_dma2 semaphore(%run_scoped3A : memref<!tpu.dma_semaphore, #tpu.memory_space<semaphore_mem>>) src(%arg7 : memref<128x128xf32, #tpu.memory_space<vmem>>) dst(%dma_wait3A_46 : memref<128x128xf32, #tpu.memory_space<vmem_shared>>)
      tpu.yield
    }) : () -> ()
    %mul3A_23 = arith.constant 640 : i32
    %mul3A_24 = arith.muli %arg1, %mul3A_23 : i32
    %add3A_25 = arith.constant 512 : i32
    %add3A_26 = arith.addi %mul3A_24, %add3A_25 : i32
    "tpu.region"() ({
      %run_scoped3A = tpu.sem_alloc : memref<!tpu.dma_semaphore, #tpu.memory_space<semaphore_mem>>
      %dma_start3A = arith.constant 0 : i32
      %dma_start3A_41 = tpu.memref_slice %arg8[%add3A_26, %dma_start3A] : memref<10240x128xf32, #tpu.memory_space<vmem_shared>> -> memref<128x128xf32, #tpu.memory_space<vmem_shared>>
      %dma_start3A_42 = arith.constant 0 : i32
      %dma_start3A_43 = tpu.memref_slice %arg8[%add3A_26, %dma_start3A_42] : memref<10240x128xf32, #tpu.memory_space<vmem_shared>> -> memref<128x128xf32, #tpu.memory_space<vmem_shared>>
      tpu.enqueue_dma source(%arg7 : memref<128x128xf32, #tpu.memory_space<vmem>>) target(%dma_start3A_43 : memref<128x128xf32, #tpu.memory_space<vmem_shared>>) target_semaphore(%run_scoped3A : memref<!tpu.dma_semaphore, #tpu.memory_space<semaphore_mem>>)
      %dma_wait3A = arith.constant 0 : i32
      %dma_wait3A_44 = tpu.memref_slice %arg8[%add3A_26, %dma_wait3A] : memref<10240x128xf32, #tpu.memory_space<vmem_shared>> -> memref<128x128xf32, #tpu.memory_space<vmem_shared>>
      %dma_wait3A_45 = arith.constant 0 : i32
      %dma_wait3A_46 = tpu.memref_slice %arg8[%add3A_26, %dma_wait3A_45] : memref<10240x128xf32, #tpu.memory_space<vmem_shared>> -> memref<128x128xf32, #tpu.memory_space<vmem_shared>>
      tpu.wait_dma2 semaphore(%run_scoped3A : memref<!tpu.dma_semaphore, #tpu.memory_space<semaphore_mem>>) src(%arg7 : memref<128x128xf32, #tpu.memory_space<vmem>>) dst(%dma_wait3A_46 : memref<128x128xf32, #tpu.memory_space<vmem_shared>>)
      tpu.yield
    }) : () -> ()
    %mul3A_27 = arith.constant 80 : i32
    %mul3A_28 = arith.muli %add3A, %mul3A_27 : i32
    "tpu.region"() ({
      %run_scoped3A = tpu.sem_alloc : memref<!tpu.dma_semaphore, #tpu.memory_space<semaphore_mem>>
      %dma_start3A = arith.constant 0 : i32
      %dma_start3A_41 = tpu.memref_slice %arg3[%mul3A_28, %dma_start3A] : memref<2560x128xi32, #tpu.memory_space<hbm>> -> memref<80x128xi32, #tpu.memory_space<hbm>>
      %dma_start3A_42 = arith.constant 0 : i32
      %dma_start3A_43 = tpu.memref_slice %arg3[%mul3A_28, %dma_start3A_42] : memref<2560x128xi32, #tpu.memory_space<hbm>> -> memref<80x128xi32, #tpu.memory_space<hbm>>
      tpu.enqueue_dma source(%dma_start3A_43 : memref<80x128xi32, #tpu.memory_space<hbm>>) target(%arg6 : memref<80x128xi32, #tpu.memory_space<vmem>>) target_semaphore(%run_scoped3A : memref<!tpu.dma_semaphore, #tpu.memory_space<semaphore_mem>>)
      %dma_wait3A = arith.constant 0 : i32
      %dma_wait3A_44 = tpu.memref_slice %arg3[%mul3A_28, %dma_wait3A] : memref<2560x128xi32, #tpu.memory_space<hbm>> -> memref<80x128xi32, #tpu.memory_space<hbm>>
      %dma_wait3A_45 = arith.constant 0 : i32
      %dma_wait3A_46 = tpu.memref_slice %arg3[%mul3A_28, %dma_wait3A_45] : memref<2560x128xi32, #tpu.memory_space<hbm>> -> memref<80x128xi32, #tpu.memory_space<hbm>>
      tpu.wait_dma2 semaphore(%run_scoped3A : memref<!tpu.dma_semaphore, #tpu.memory_space<semaphore_mem>>) src(%dma_wait3A_46 : memref<80x128xi32, #tpu.memory_space<hbm>>) dst(%arg6 : memref<80x128xi32, #tpu.memory_space<vmem>>)
      tpu.yield
    }) : () -> ()
    %barrier3A = arith.constant 0 : index
    tpu.barrier barrier_id(%barrier3A)
    %scan3A_29 = arith.constant 0 : i32
    %scan3A_30 = arith.constant 0 : i32
    %scan3A_31 = arith.constant 80 : i32
    %scan3A_32 = arith.addi %scan3A_30, %scan3A_31 : i32
    %scan3A_33 = arith.constant 1 : i32
    %scan3A_34 = scf.for %scan3A_41 = %scan3A_30 to %scan3A_32 step %scan3A_33 iter_args(%scan3A_42 = %scan3A_29) -> (i32)  : i32 {
      %mul3A_43 = arith.constant 10240 : i32
      %mul3A_44 = arith.muli %add3A, %mul3A_43 : i32
      %mul3A_45 = arith.constant 128 : i32
      %mul3A_46 = arith.muli %scan3A_41, %mul3A_45 : i32
      %add3A_47 = arith.addi %mul3A_44, %mul3A_46 : i32
      "tpu.region"() ({
        %run_scoped3A = tpu.sem_alloc : memref<!tpu.dma_semaphore, #tpu.memory_space<semaphore_mem>>
        %dma_start3A = arith.constant 0 : i32
        %dma_start3A_49 = tpu.memref_slice %arg2[%add3A_47, %dma_start3A] : memref<327680x128xf32, #tpu.memory_space<hbm>> -> memref<128x128xf32, #tpu.memory_space<hbm>>
        %dma_start3A_50 = arith.constant 0 : i32
        %dma_start3A_51 = tpu.memref_slice %arg2[%add3A_47, %dma_start3A_50] : memref<327680x128xf32, #tpu.memory_space<hbm>> -> memref<128x128xf32, #tpu.memory_space<hbm>>
        tpu.enqueue_dma source(%dma_start3A_51 : memref<128x128xf32, #tpu.memory_space<hbm>>) target(%arg5 : memref<128x128xf32, #tpu.memory_space<vmem>>) target_semaphore(%run_scoped3A : memref<!tpu.dma_semaphore, #tpu.memory_space<semaphore_mem>>)
        %dma_wait3A = arith.constant 0 : i32
        %dma_wait3A_52 = tpu.memref_slice %arg2[%add3A_47, %dma_wait3A] : memref<327680x128xf32, #tpu.memory_space<hbm>> -> memref<128x128xf32, #tpu.memory_space<hbm>>
        %dma_wait3A_53 = arith.constant 0 : i32
        %dma_wait3A_54 = tpu.memref_slice %arg2[%add3A_47, %dma_wait3A_53] : memref<327680x128xf32, #tpu.memory_space<hbm>> -> memref<128x128xf32, #tpu.memory_space<hbm>>
        tpu.wait_dma2 semaphore(%run_scoped3A : memref<!tpu.dma_semaphore, #tpu.memory_space<semaphore_mem>>) src(%dma_wait3A_54 : memref<128x128xf32, #tpu.memory_space<hbm>>) dst(%arg5 : memref<128x128xf32, #tpu.memory_space<vmem>>)
        tpu.yield
      }) : () -> ()
      "tpu.region"() ({
        %run_scoped3A = tpu.sem_alloc : memref<!tpu.dma_semaphore, #tpu.memory_space<semaphore_mem>>
        %dma_start3A = arith.constant 0 : i32
        %dma_start3A_49 = tpu.memref_slice %arg6[%scan3A_41, %dma_start3A] : memref<80x128xi32, #tpu.memory_space<vmem>> -> memref<1x128xi32, #tpu.memory_space<vmem>>
        %dma_start3A_50 = tpu.memref_squeeze %dma_start3A_49 : memref<1x128xi32, #tpu.memory_space<vmem>> -> memref<128xi32, #tpu.memory_space<vmem>>
        %dma_start3A_51 = arith.constant 0 : i32
        %dma_start3A_52 = arith.constant 0 : i32
        %dma_start3A_53 = tpu.memref_slice %arg8[%dma_start3A_51, %dma_start3A_52] : memref<10240x128xf32, #tpu.memory_space<vmem_shared>> -> memref<10240x128xf32, #tpu.memory_space<vmem_shared>>
        tpu.enqueue_indirect_dma source(%arg5 : memref<128x128xf32, #tpu.memory_space<vmem>>) target(%dma_start3A_53 : memref<10240x128xf32, #tpu.memory_space<vmem_shared>>) offsets(%dma_start3A_50 : memref<128xi32, #tpu.memory_space<vmem>>) semaphore(%run_scoped3A : memref<!tpu.dma_semaphore, #tpu.memory_space<semaphore_mem>>) {add = true}
        %dma_wait3A = arith.constant 0 : i32
        %dma_wait3A_54 = tpu.memref_slice %arg6[%scan3A_41, %dma_wait3A] : memref<80x128xi32, #tpu.memory_space<vmem>> -> memref<1x128xi32, #tpu.memory_space<vmem>>
        %dma_wait3A_55 = tpu.memref_squeeze %dma_wait3A_54 : memref<1x128xi32, #tpu.memory_space<vmem>> -> memref<128xi32, #tpu.memory_space<vmem>>
        %dma_wait3A_56 = arith.constant 0 : i32
        %dma_wait3A_57 = arith.constant 0 : i32
        %dma_wait3A_58 = tpu.memref_slice %arg8[%dma_wait3A_56, %dma_wait3A_57] : memref<10240x128xf32, #tpu.memory_space<vmem_shared>> -> memref<10240x128xf32, #tpu.memory_space<vmem_shared>>
        tpu.wait_indirect_dma semaphore(%run_scoped3A : memref<!tpu.dma_semaphore, #tpu.memory_space<semaphore_mem>>) src(%arg5 : memref<128x128xf32, #tpu.memory_space<vmem>>) dst(%dma_wait3A_58 : memref<10240x128xf32, #tpu.memory_space<vmem_shared>>)
        tpu.yield
      }) : () -> ()
      %scan3A_48 = arith.constant 0 : i32
      scf.yield %scan3A_48 : i32
    }
    %scan3A_35 = arith.constant 80 : i32
    %barrier3A_36 = arith.constant 0 : index
    tpu.barrier barrier_id(%barrier3A_36)
    %mul3A_37 = arith.constant 640 : i32
    %mul3A_38 = arith.muli %arg1, %mul3A_37 : i32
    %mul3A_39 = arith.constant 640 : i32
    %mul3A_40 = arith.muli %arg1, %mul3A_39 : i32
    "tpu.region"() ({
      %run_scoped3A = tpu.sem_alloc : memref<!tpu.dma_semaphore, #tpu.memory_space<semaphore_mem>>
      %dma_start3A = arith.constant 0 : i32
      %dma_start3A_41 = tpu.memref_slice %arg4[%arg0, %mul3A_40, %dma_start3A] : memref<2x10240x128xf32, #tpu.memory_space<hbm>> -> memref<1x640x128xf32, #tpu.memory_space<hbm>>
      %dma_start3A_42 = tpu.memref_squeeze %dma_start3A_41 : memref<1x640x128xf32, #tpu.memory_space<hbm>> -> memref<640x128xf32, #tpu.memory_space<hbm>>
      %dma_start3A_43 = arith.constant 0 : i32
      %dma_start3A_44 = tpu.memref_slice %arg8[%mul3A_38, %dma_start3A_43] : memref<10240x128xf32, #tpu.memory_space<vmem_shared>> -> memref<640x128xf32, #tpu.memory_space<vmem_shared>>
      tpu.enqueue_dma source(%dma_start3A_44 : memref<640x128xf32, #tpu.memory_space<vmem_shared>>) target(%dma_start3A_42 : memref<640x128xf32, #tpu.memory_space<hbm>>) target_semaphore(%run_scoped3A : memref<!tpu.dma_semaphore, #tpu.memory_space<semaphore_mem>>)
      %dma_wait3A = arith.constant 0 : i32
      %dma_wait3A_45 = tpu.memref_slice %arg4[%arg0, %mul3A_40, %dma_wait3A] : memref<2x10240x128xf32, #tpu.memory_space<hbm>> -> memref<1x640x128xf32, #tpu.memory_space<hbm>>
      %dma_wait3A_46 = tpu.memref_squeeze %dma_wait3A_45 : memref<1x640x128xf32, #tpu.memory_space<hbm>> -> memref<640x128xf32, #tpu.memory_space<hbm>>
      %dma_wait3A_47 = arith.constant 0 : i32
      %dma_wait3A_48 = tpu.memref_slice %arg8[%mul3A_38, %dma_wait3A_47] : memref<10240x128xf32, #tpu.memory_space<vmem_shared>> -> memref<640x128xf32, #tpu.memory_space<vmem_shared>>
      tpu.wait_dma2 semaphore(%run_scoped3A : memref<!tpu.dma_semaphore, #tpu.memory_space<semaphore_mem>>) src(%dma_wait3A_48 : memref<640x128xf32, #tpu.memory_space<vmem_shared>>) dst(%dma_wait3A_46 : memref<640x128xf32, #tpu.memory_space<hbm>>)
      tpu.yield
    }) : () -> ()
    return
  }
}

#map = affine_map<(d0, d1) -> (0, 0)>
#map1 = affine_map<(d0, d1) -> (0, 0, 0)>
module attributes {stable_mosaic.version = 14 : i64} {
  func.func @k(%arg0: i32, %arg1: i32, %arg2: memref<327680x128xf32, #tpu.memory_space<hbm>>, %arg3: memref<2560x128xi32, #tpu.memory_space<hbm>>, %arg4: memref<2x10240x128xf32, #tpu.memory_space<hbm>>, %arg5: memref<128x128xf32, #tpu.memory_space<vmem>>, %arg6: memref<80x128xi32, #tpu.memory_space<vmem>>, %arg7: memref<128x128xf32, #tpu.memory_space<vmem>>, %arg8: memref<10240x128xf32, #tpu.memory_space<vmem_shared>>) attributes {dimension_semantics = [#tpu.dimension_semantics<core_parallel>, #tpu.dimension_semantics<subcore_parallel>], iteration_bounds = array<i64: 2, 16>, scalar_prefetch = 0 : i64, scratch_operands = 4 : i64, tpu.core_type = #tpu.core_type<sc_vector_subcore>, window_params = [{transform_indices = #map}, {transform_indices = #map}, {transform_indices = #map1}]} {
    %mul3A = arith.constant 2 : i32
    %mul3A_0 = arith.muli %arg1, %mul3A : i32
    %add3A = arith.addi %mul3A_0, %arg0 : i32
    %scan3A = arith.constant 0 : i32
    %scan3A_1 = arith.constant 0 : i32
    %scan3A_2 = arith.constant 128 : i32
    %scan3A_3 = arith.addi %scan3A_1, %scan3A_2 : i32
    %scan3A_4 = arith.constant 1 : i32
    %scan3A_5 = scf.for %scan3A_41 = %scan3A_1 to %scan3A_3 step %scan3A_4 iter_args(%scan3A_42 = %scan3A) -> (i32)  : i32 {
      %broadcast_in_dim3A = arith.constant 0.000000e+00 : f32
      %broadcast_in_dim3A_43 = vector.broadcast %broadcast_in_dim3A : f32 to vector<16xf32>
      %swap3A = arith.index_cast %scan3A_41 : i32 to index
      %swap3A_44 = arith.constant 0 : index
      %swap3A_45 = tpu.vector_load %arg7[%swap3A, %swap3A_44] {strides = array<i32>} : memref<128x128xf32, #tpu.memory_space<vmem>>, vector<1x16xf32>,
      %swap3A_46 = vector.shape_cast %swap3A_45 : vector<1x16xf32> to vector<16xf32>
      %swap3A_47 = vector.shape_cast %broadcast_in_dim3A_43 : vector<16xf32> to vector<1x16xf32>
      tpu.vector_store %arg7[%swap3A, %swap3A_44], %swap3A_47 {strides = array<i32>} : memref<128x128xf32, #tpu.memory_space<vmem>>, vector<1x16xf32>,
      %broadcast_in_dim3A_48 = arith.constant 0.000000e+00 : f32
      %broadcast_in_dim3A_49 = vector.broadcast %broadcast_in_dim3A_48 : f32 to vector<16xf32>
      %swap3A_50 = arith.index_cast %scan3A_41 : i32 to index
      %swap3A_51 = arith.constant 16 : index
      %swap3A_52 = tpu.vector_load %arg7[%swap3A_50, %swap3A_51] {strides = array<i32>} : memref<128x128xf32, #tpu.memory_space<vmem>>, vector<1x16xf32>,
      %swap3A_53 = vector.shape_cast %swap3A_52 : vector<1x16xf32> to vector<16xf32>
      %swap3A_54 = vector.shape_cast %broadcast_in_dim3A_49 : vector<16xf32> to vector<1x16xf32>
      tpu.vector_store %arg7[%swap3A_50, %swap3A_51], %swap3A_54 {strides = array<i32>} : memref<128x128xf32, #tpu.memory_space<vmem>>, vector<1x16xf32>,
      %broadcast_in_dim3A_55 = arith.constant 0.000000e+00 : f32
      %broadcast_in_dim3A_56 = vector.broadcast %broadcast_in_dim3A_55 : f32 to vector<16xf32>
      %swap3A_57 = arith.index_cast %scan3A_41 : i32 to index
      %swap3A_58 = arith.constant 32 : index
      %swap3A_59 = tpu.vector_load %arg7[%swap3A_57, %swap3A_58] {strides = array<i32>} : memref<128x128xf32, #tpu.memory_space<vmem>>, vector<1x16xf32>,
      %swap3A_60 = vector.shape_cast %swap3A_59 : vector<1x16xf32> to vector<16xf32>
      %swap3A_61 = vector.shape_cast %broadcast_in_dim3A_56 : vector<16xf32> to vector<1x16xf32>
      tpu.vector_store %arg7[%swap3A_57, %swap3A_58], %swap3A_61 {strides = array<i32>} : memref<128x128xf32, #tpu.memory_space<vmem>>, vector<1x16xf32>,
      %broadcast_in_dim3A_62 = arith.constant 0.000000e+00 : f32
      %broadcast_in_dim3A_63 = vector.broadcast %broadcast_in_dim3A_62 : f32 to vector<16xf32>
      %swap3A_64 = arith.index_cast %scan3A_41 : i32 to index
      %swap3A_65 = arith.constant 48 : index
      %swap3A_66 = tpu.vector_load %arg7[%swap3A_64, %swap3A_65] {strides = array<i32>} : memref<128x128xf32, #tpu.memory_space<vmem>>, vector<1x16xf32>,
      %swap3A_67 = vector.shape_cast %swap3A_66 : vector<1x16xf32> to vector<16xf32>
      %swap3A_68 = vector.shape_cast %broadcast_in_dim3A_63 : vector<16xf32> to vector<1x16xf32>
      tpu.vector_store %arg7[%swap3A_64, %swap3A_65], %swap3A_68 {strides = array<i32>} : memref<128x128xf32, #tpu.memory_space<vmem>>, vector<1x16xf32>,
      %broadcast_in_dim3A_69 = arith.constant 0.000000e+00 : f32
      %broadcast_in_dim3A_70 = vector.broadcast %broadcast_in_dim3A_69 : f32 to vector<16xf32>
      %swap3A_71 = arith.index_cast %scan3A_41 : i32 to index
      %swap3A_72 = arith.constant 64 : index
      %swap3A_73 = tpu.vector_load %arg7[%swap3A_71, %swap3A_72] {strides = array<i32>} : memref<128x128xf32, #tpu.memory_space<vmem>>, vector<1x16xf32>,
      %swap3A_74 = vector.shape_cast %swap3A_73 : vector<1x16xf32> to vector<16xf32>
      %swap3A_75 = vector.shape_cast %broadcast_in_dim3A_70 : vector<16xf32> to vector<1x16xf32>
      tpu.vector_store %arg7[%swap3A_71, %swap3A_72], %swap3A_75 {strides = array<i32>} : memref<128x128xf32, #tpu.memory_space<vmem>>, vector<1x16xf32>,
      %broadcast_in_dim3A_76 = arith.constant 0.000000e+00 : f32
      %broadcast_in_dim3A_77 = vector.broadcast %broadcast_in_dim3A_76 : f32 to vector<16xf32>
      %swap3A_78 = arith.index_cast %scan3A_41 : i32 to index
      %swap3A_79 = arith.constant 80 : index
      %swap3A_80 = tpu.vector_load %arg7[%swap3A_78, %swap3A_79] {strides = array<i32>} : memref<128x128xf32, #tpu.memory_space<vmem>>, vector<1x16xf32>,
      %swap3A_81 = vector.shape_cast %swap3A_80 : vector<1x16xf32> to vector<16xf32>
      %swap3A_82 = vector.shape_cast %broadcast_in_dim3A_77 : vector<16xf32> to vector<1x16xf32>
      tpu.vector_store %arg7[%swap3A_78, %swap3A_79], %swap3A_82 {strides = array<i32>} : memref<128x128xf32, #tpu.memory_space<vmem>>, vector<1x16xf32>,
      %broadcast_in_dim3A_83 = arith.constant 0.000000e+00 : f32
      %broadcast_in_dim3A_84 = vector.broadcast %broadcast_in_dim3A_83 : f32 to vector<16xf32>
      %swap3A_85 = arith.index_cast %scan3A_41 : i32 to index
      %swap3A_86 = arith.constant 96 : index
      %swap3A_87 = tpu.vector_load %arg7[%swap3A_85, %swap3A_86] {strides = array<i32>} : memref<128x128xf32, #tpu.memory_space<vmem>>, vector<1x16xf32>,
      %swap3A_88 = vector.shape_cast %swap3A_87 : vector<1x16xf32> to vector<16xf32>
      %swap3A_89 = vector.shape_cast %broadcast_in_dim3A_84 : vector<16xf32> to vector<1x16xf32>
      tpu.vector_store %arg7[%swap3A_85, %swap3A_86], %swap3A_89 {strides = array<i32>} : memref<128x128xf32, #tpu.memory_space<vmem>>, vector<1x16xf32>,
      %broadcast_in_dim3A_90 = arith.constant 0.000000e+00 : f32
      %broadcast_in_dim3A_91 = vector.broadcast %broadcast_in_dim3A_90 : f32 to vector<16xf32>
      %swap3A_92 = arith.index_cast %scan3A_41 : i32 to index
      %swap3A_93 = arith.constant 112 : index
      %swap3A_94 = tpu.vector_load %arg7[%swap3A_92, %swap3A_93] {strides = array<i32>} : memref<128x128xf32, #tpu.memory_space<vmem>>, vector<1x16xf32>,
      %swap3A_95 = vector.shape_cast %swap3A_94 : vector<1x16xf32> to vector<16xf32>
      %swap3A_96 = vector.shape_cast %broadcast_in_dim3A_91 : vector<16xf32> to vector<1x16xf32>
      tpu.vector_store %arg7[%swap3A_92, %swap3A_93], %swap3A_96 {strides = array<i32>} : memref<128x128xf32, #tpu.memory_space<vmem>>, vector<1x16xf32>,
      %scan3A_97 = arith.constant 0 : i32
      scf.yield %scan3A_97 : i32
    }
    %scan3A_6 = arith.constant 128 : i32
    %mul3A_7 = arith.constant 640 : i32
    %mul3A_8 = arith.muli %arg1, %mul3A_7 : i32
    %add3A_9 = arith.constant 0 : i32
    %add3A_10 = arith.addi %mul3A_8, %add3A_9 : i32
    "tpu.region"() ({
      %run_scoped3A = tpu.sem_alloc : memref<!tpu.dma_semaphore, #tpu.memory_space<semaphore_mem>>
      %dma_start3A = arith.constant 0 : i32
      %dma_start3A_41 = tpu.memref_slice %arg8[%add3A_10, %dma_start3A] : memref<10240x128xf32, #tpu.memory_space<vmem_shared>> -> memref<128x128xf32, #tpu.memory_space<vmem_shared>>
      %dma_start3A_42 = arith.constant 0 : i32
      %dma_start3A_43 = tpu.memref_slice %arg8[%add3A_10, %dma_start3A_42] : memref<10240x128xf32, #tpu.memory_space<vmem_shared>> -> memref<128x128xf32, #tpu.memory_space<vmem_shared>>
      tpu.enqueue_dma source(%arg7 : memref<128x128xf32, #tpu.memory_space<vmem>>) target(%dma_start3A_43 : memref<128x128xf32, #tpu.memory_space<vmem_shared>>) target_semaphore(%run_scoped3A : memref<!tpu.dma_semaphore, #tpu.memory_space<semaphore_mem>>)
      %dma_wait3A = arith.constant 0 : i32
      %dma_wait3A_44 = tpu.memref_slice %arg8[%add3A_10, %dma_wait3A] : memref<10240x128xf32, #tpu.memory_space<vmem_shared>> -> memref<128x128xf32, #tpu.memory_space<vmem_shared>>
      %dma_wait3A_45 = arith.constant 0 : i32
      %dma_wait3A_46 = tpu.memref_slice %arg8[%add3A_10, %dma_wait3A_45] : memref<10240x128xf32, #tpu.memory_space<vmem_shared>> -> memref<128x128xf32, #tpu.memory_space<vmem_shared>>
      tpu.wait_dma2 semaphore(%run_scoped3A : memref<!tpu.dma_semaphore, #tpu.memory_space<semaphore_mem>>) src(%arg7 : memref<128x128xf32, #tpu.memory_space<vmem>>) dst(%dma_wait3A_46 : memref<128x128xf32, #tpu.memory_space<vmem_shared>>)
      tpu.yield
    }) : () -> ()
    %mul3A_11 = arith.constant 640 : i32
    %mul3A_12 = arith.muli %arg1, %mul3A_11 : i32
    %add3A_13 = arith.constant 128 : i32
    %add3A_14 = arith.addi %mul3A_12, %add3A_13 : i32
    "tpu.region"() ({
      %run_scoped3A = tpu.sem_alloc : memref<!tpu.dma_semaphore, #tpu.memory_space<semaphore_mem>>
      %dma_start3A = arith.constant 0 : i32
      %dma_start3A_41 = tpu.memref_slice %arg8[%add3A_14, %dma_start3A] : memref<10240x128xf32, #tpu.memory_space<vmem_shared>> -> memref<128x128xf32, #tpu.memory_space<vmem_shared>>
      %dma_start3A_42 = arith.constant 0 : i32
      %dma_start3A_43 = tpu.memref_slice %arg8[%add3A_14, %dma_start3A_42] : memref<10240x128xf32, #tpu.memory_space<vmem_shared>> -> memref<128x128xf32, #tpu.memory_space<vmem_shared>>
      tpu.enqueue_dma source(%arg7 : memref<128x128xf32, #tpu.memory_space<vmem>>) target(%dma_start3A_43 : memref<128x128xf32, #tpu.memory_space<vmem_shared>>) target_semaphore(%run_scoped3A : memref<!tpu.dma_semaphore, #tpu.memory_space<semaphore_mem>>)
      %dma_wait3A = arith.constant 0 : i32
      %dma_wait3A_44 = tpu.memref_slice %arg8[%add3A_14, %dma_wait3A] : memref<10240x128xf32, #tpu.memory_space<vmem_shared>> -> memref<128x128xf32, #tpu.memory_space<vmem_shared>>
      %dma_wait3A_45 = arith.constant 0 : i32
      %dma_wait3A_46 = tpu.memref_slice %arg8[%add3A_14, %dma_wait3A_45] : memref<10240x128xf32, #tpu.memory_space<vmem_shared>> -> memref<128x128xf32, #tpu.memory_space<vmem_shared>>
      tpu.wait_dma2 semaphore(%run_scoped3A : memref<!tpu.dma_semaphore, #tpu.memory_space<semaphore_mem>>) src(%arg7 : memref<128x128xf32, #tpu.memory_space<vmem>>) dst(%dma_wait3A_46 : memref<128x128xf32, #tpu.memory_space<vmem_shared>>)
      tpu.yield
    }) : () -> ()
    %mul3A_15 = arith.constant 640 : i32
    %mul3A_16 = arith.muli %arg1, %mul3A_15 : i32
    %add3A_17 = arith.constant 256 : i32
    %add3A_18 = arith.addi %mul3A_16, %add3A_17 : i32
    "tpu.region"() ({
      %run_scoped3A = tpu.sem_alloc : memref<!tpu.dma_semaphore, #tpu.memory_space<semaphore_mem>>
      %dma_start3A = arith.constant 0 : i32
      %dma_start3A_41 = tpu.memref_slice %arg8[%add3A_18, %dma_start3A] : memref<10240x128xf32, #tpu.memory_space<vmem_shared>> -> memref<128x128xf32, #tpu.memory_space<vmem_shared>>
      %dma_start3A_42 = arith.constant 0 : i32
      %dma_start3A_43 = tpu.memref_slice %arg8[%add3A_18, %dma_start3A_42] : memref<10240x128xf32, #tpu.memory_space<vmem_shared>> -> memref<128x128xf32, #tpu.memory_space<vmem_shared>>
      tpu.enqueue_dma source(%arg7 : memref<128x128xf32, #tpu.memory_space<vmem>>) target(%dma_start3A_43 : memref<128x128xf32, #tpu.memory_space<vmem_shared>>) target_semaphore(%run_scoped3A : memref<!tpu.dma_semaphore, #tpu.memory_space<semaphore_mem>>)
      %dma_wait3A = arith.constant 0 : i32
      %dma_wait3A_44 = tpu.memref_slice %arg8[%add3A_18, %dma_wait3A] : memref<10240x128xf32, #tpu.memory_space<vmem_shared>> -> memref<128x128xf32, #tpu.memory_space<vmem_shared>>
      %dma_wait3A_45 = arith.constant 0 : i32
      %dma_wait3A_46 = tpu.memref_slice %arg8[%add3A_18, %dma_wait3A_45] : memref<10240x128xf32, #tpu.memory_space<vmem_shared>> -> memref<128x128xf32, #tpu.memory_space<vmem_shared>>
      tpu.wait_dma2 semaphore(%run_scoped3A : memref<!tpu.dma_semaphore, #tpu.memory_space<semaphore_mem>>) src(%arg7 : memref<128x128xf32, #tpu.memory_space<vmem>>) dst(%dma_wait3A_46 : memref<128x128xf32, #tpu.memory_space<vmem_shared>>)
      tpu.yield
    }) : () -> ()
    %mul3A_19 = arith.constant 640 : i32
    %mul3A_20 = arith.muli %arg1, %mul3A_19 : i32
    %add3A_21 = arith.constant 384 : i32
    %add3A_22 = arith.addi %mul3A_20, %add3A_21 : i32
    "tpu.region"() ({
      %run_scoped3A = tpu.sem_alloc : memref<!tpu.dma_semaphore, #tpu.memory_space<semaphore_mem>>
      %dma_start3A = arith.constant 0 : i32
      %dma_start3A_41 = tpu.memref_slice %arg8[%add3A_22, %dma_start3A] : memref<10240x128xf32, #tpu.memory_space<vmem_shared>> -> memref<128x128xf32, #tpu.memory_space<vmem_shared>>
      %dma_start3A_42 = arith.constant 0 : i32
      %dma_start3A_43 = tpu.memref_slice %arg8[%add3A_22, %dma_start3A_42] : memref<10240x128xf32, #tpu.memory_space<vmem_shared>> -> memref<128x128xf32, #tpu.memory_space<vmem_shared>>
      tpu.enqueue_dma source(%arg7 : memref<128x128xf32, #tpu.memory_space<vmem>>) target(%dma_start3A_43 : memref<128x128xf32, #tpu.memory_space<vmem_shared>>) target_semaphore(%run_scoped3A : memref<!tpu.dma_semaphore, #tpu.memory_space<semaphore_mem>>)
      %dma_wait3A = arith.constant 0 : i32
      %dma_wait3A_44 = tpu.memref_slice %arg8[%add3A_22, %dma_wait3A] : memref<10240x128xf32, #tpu.memory_space<vmem_shared>> -> memref<128x128xf32, #tpu.memory_space<vmem_shared>>
      %dma_wait3A_45 = arith.constant 0 : i32
      %dma_wait3A_46 = tpu.memref_slice %arg8[%add3A_22, %dma_wait3A_45] : memref<10240x128xf32, #tpu.memory_space<vmem_shared>> -> memref<128x128xf32, #tpu.memory_space<vmem_shared>>
      tpu.wait_dma2 semaphore(%run_scoped3A : memref<!tpu.dma_semaphore, #tpu.memory_space<semaphore_mem>>) src(%arg7 : memref<128x128xf32, #tpu.memory_space<vmem>>) dst(%dma_wait3A_46 : memref<128x128xf32, #tpu.memory_space<vmem_shared>>)
      tpu.yield
    }) : () -> ()
    %mul3A_23 = arith.constant 640 : i32
    %mul3A_24 = arith.muli %arg1, %mul3A_23 : i32
    %add3A_25 = arith.constant 512 : i32
    %add3A_26 = arith.addi %mul3A_24, %add3A_25 : i32
    "tpu.region"() ({
      %run_scoped3A = tpu.sem_alloc : memref<!tpu.dma_semaphore, #tpu.memory_space<semaphore_mem>>
      %dma_start3A = arith.constant 0 : i32
      %dma_start3A_41 = tpu.memref_slice %arg8[%add3A_26, %dma_start3A] : memref<10240x128xf32, #tpu.memory_space<vmem_shared>> -> memref<128x128xf32, #tpu.memory_space<vmem_shared>>
      %dma_start3A_42 = arith.constant 0 : i32
      %dma_start3A_43 = tpu.memref_slice %arg8[%add3A_26, %dma_start3A_42] : memref<10240x128xf32, #tpu.memory_space<vmem_shared>> -> memref<128x128xf32, #tpu.memory_space<vmem_shared>>
      tpu.enqueue_dma source(%arg7 : memref<128x128xf32, #tpu.memory_space<vmem>>) target(%dma_start3A_43 : memref<128x128xf32, #tpu.memory_space<vmem_shared>>) target_semaphore(%run_scoped3A : memref<!tpu.dma_semaphore, #tpu.memory_space<semaphore_mem>>)
      %dma_wait3A = arith.constant 0 : i32
      %dma_wait3A_44 = tpu.memref_slice %arg8[%add3A_26, %dma_wait3A] : memref<10240x128xf32, #tpu.memory_space<vmem_shared>> -> memref<128x128xf32, #tpu.memory_space<vmem_shared>>
      %dma_wait3A_45 = arith.constant 0 : i32
      %dma_wait3A_46 = tpu.memref_slice %arg8[%add3A_26, %dma_wait3A_45] : memref<10240x128xf32, #tpu.memory_space<vmem_shared>> -> memref<128x128xf32, #tpu.memory_space<vmem_shared>>
      tpu.wait_dma2 semaphore(%run_scoped3A : memref<!tpu.dma_semaphore, #tpu.memory_space<semaphore_mem>>) src(%arg7 : memref<128x128xf32, #tpu.memory_space<vmem>>) dst(%dma_wait3A_46 : memref<128x128xf32, #tpu.memory_space<vmem_shared>>)
      tpu.yield
    }) : () -> ()
    %mul3A_27 = arith.constant 80 : i32
    %mul3A_28 = arith.muli %add3A, %mul3A_27 : i32
    "tpu.region"() ({
      %run_scoped3A = tpu.sem_alloc : memref<!tpu.dma_semaphore, #tpu.memory_space<semaphore_mem>>
      %dma_start3A = arith.constant 0 : i32
      %dma_start3A_41 = tpu.memref_slice %arg3[%mul3A_28, %dma_start3A] : memref<2560x128xi32, #tpu.memory_space<hbm>> -> memref<80x128xi32, #tpu.memory_space<hbm>>
      %dma_start3A_42 = arith.constant 0 : i32
      %dma_start3A_43 = tpu.memref_slice %arg3[%mul3A_28, %dma_start3A_42] : memref<2560x128xi32, #tpu.memory_space<hbm>> -> memref<80x128xi32, #tpu.memory_space<hbm>>
      tpu.enqueue_dma source(%dma_start3A_43 : memref<80x128xi32, #tpu.memory_space<hbm>>) target(%arg6 : memref<80x128xi32, #tpu.memory_space<vmem>>) target_semaphore(%run_scoped3A : memref<!tpu.dma_semaphore, #tpu.memory_space<semaphore_mem>>)
      %dma_wait3A = arith.constant 0 : i32
      %dma_wait3A_44 = tpu.memref_slice %arg3[%mul3A_28, %dma_wait3A] : memref<2560x128xi32, #tpu.memory_space<hbm>> -> memref<80x128xi32, #tpu.memory_space<hbm>>
      %dma_wait3A_45 = arith.constant 0 : i32
      %dma_wait3A_46 = tpu.memref_slice %arg3[%mul3A_28, %dma_wait3A_45] : memref<2560x128xi32, #tpu.memory_space<hbm>> -> memref<80x128xi32, #tpu.memory_space<hbm>>
      tpu.wait_dma2 semaphore(%run_scoped3A : memref<!tpu.dma_semaphore, #tpu.memory_space<semaphore_mem>>) src(%dma_wait3A_46 : memref<80x128xi32, #tpu.memory_space<hbm>>) dst(%arg6 : memref<80x128xi32, #tpu.memory_space<vmem>>)
      tpu.yield
    }) : () -> ()
    %barrier3A = arith.constant 0 : index
    tpu.barrier barrier_id(%barrier3A)
    %scan3A_29 = arith.constant 0 : i32
    %scan3A_30 = arith.constant 0 : i32
    %scan3A_31 = arith.constant 80 : i32
    %scan3A_32 = arith.addi %scan3A_30, %scan3A_31 : i32
    %scan3A_33 = arith.constant 1 : i32
    %scan3A_34 = scf.for %scan3A_41 = %scan3A_30 to %scan3A_32 step %scan3A_33 iter_args(%scan3A_42 = %scan3A_29) -> (i32)  : i32 {
      %mul3A_43 = arith.constant 10240 : i32
      %mul3A_44 = arith.muli %add3A, %mul3A_43 : i32
      %mul3A_45 = arith.constant 128 : i32
      %mul3A_46 = arith.muli %scan3A_41, %mul3A_45 : i32
      %add3A_47 = arith.addi %mul3A_44, %mul3A_46 : i32
      "tpu.region"() ({
        %run_scoped3A = tpu.sem_alloc : memref<!tpu.dma_semaphore, #tpu.memory_space<semaphore_mem>>
        %dma_start3A = arith.constant 0 : i32
        %dma_start3A_49 = tpu.memref_slice %arg2[%add3A_47, %dma_start3A] : memref<327680x128xf32, #tpu.memory_space<hbm>> -> memref<128x128xf32, #tpu.memory_space<hbm>>
        %dma_start3A_50 = arith.constant 0 : i32
        %dma_start3A_51 = tpu.memref_slice %arg2[%add3A_47, %dma_start3A_50] : memref<327680x128xf32, #tpu.memory_space<hbm>> -> memref<128x128xf32, #tpu.memory_space<hbm>>
        tpu.enqueue_dma source(%dma_start3A_51 : memref<128x128xf32, #tpu.memory_space<hbm>>) target(%arg5 : memref<128x128xf32, #tpu.memory_space<vmem>>) target_semaphore(%run_scoped3A : memref<!tpu.dma_semaphore, #tpu.memory_space<semaphore_mem>>)
        %dma_wait3A = arith.constant 0 : i32
        %dma_wait3A_52 = tpu.memref_slice %arg2[%add3A_47, %dma_wait3A] : memref<327680x128xf32, #tpu.memory_space<hbm>> -> memref<128x128xf32, #tpu.memory_space<hbm>>
        %dma_wait3A_53 = arith.constant 0 : i32
        %dma_wait3A_54 = tpu.memref_slice %arg2[%add3A_47, %dma_wait3A_53] : memref<327680x128xf32, #tpu.memory_space<hbm>> -> memref<128x128xf32, #tpu.memory_space<hbm>>
        tpu.wait_dma2 semaphore(%run_scoped3A : memref<!tpu.dma_semaphore, #tpu.memory_space<semaphore_mem>>) src(%dma_wait3A_54 : memref<128x128xf32, #tpu.memory_space<hbm>>) dst(%arg5 : memref<128x128xf32, #tpu.memory_space<vmem>>)
        tpu.yield
      }) : () -> ()
      "tpu.region"() ({
        %run_scoped3A = tpu.sem_alloc : memref<!tpu.dma_semaphore, #tpu.memory_space<semaphore_mem>>
        %dma_start3A = arith.constant 0 : i32
        %dma_start3A_49 = tpu.memref_slice %arg6[%scan3A_41, %dma_start3A] : memref<80x128xi32, #tpu.memory_space<vmem>> -> memref<1x128xi32, #tpu.memory_space<vmem>>
        %dma_start3A_50 = tpu.memref_squeeze %dma_start3A_49 : memref<1x128xi32, #tpu.memory_space<vmem>> -> memref<128xi32, #tpu.memory_space<vmem>>
        %dma_start3A_51 = arith.constant 0 : i32
        %dma_start3A_52 = arith.constant 0 : i32
        %dma_start3A_53 = tpu.memref_slice %arg8[%dma_start3A_51, %dma_start3A_52] : memref<10240x128xf32, #tpu.memory_space<vmem_shared>> -> memref<10240x128xf32, #tpu.memory_space<vmem_shared>>
        tpu.enqueue_indirect_dma source(%arg5 : memref<128x128xf32, #tpu.memory_space<vmem>>) target(%dma_start3A_53 : memref<10240x128xf32, #tpu.memory_space<vmem_shared>>) offsets(%dma_start3A_50 : memref<128xi32, #tpu.memory_space<vmem>>) semaphore(%run_scoped3A : memref<!tpu.dma_semaphore, #tpu.memory_space<semaphore_mem>>) {add = true}
        %dma_wait3A = arith.constant 0 : i32
        %dma_wait3A_54 = tpu.memref_slice %arg6[%scan3A_41, %dma_wait3A] : memref<80x128xi32, #tpu.memory_space<vmem>> -> memref<1x128xi32, #tpu.memory_space<vmem>>
        %dma_wait3A_55 = tpu.memref_squeeze %dma_wait3A_54 : memref<1x128xi32, #tpu.memory_space<vmem>> -> memref<128xi32, #tpu.memory_space<vmem>>
        %dma_wait3A_56 = arith.constant 0 : i32
        %dma_wait3A_57 = arith.constant 0 : i32
        %dma_wait3A_58 = tpu.memref_slice %arg8[%dma_wait3A_56, %dma_wait3A_57] : memref<10240x128xf32, #tpu.memory_space<vmem_shared>> -> memref<10240x128xf32, #tpu.memory_space<vmem_shared>>
        tpu.wait_indirect_dma semaphore(%run_scoped3A : memref<!tpu.dma_semaphore, #tpu.memory_space<semaphore_mem>>) src(%arg5 : memref<128x128xf32, #tpu.memory_space<vmem>>) dst(%dma_wait3A_58 : memref<10240x128xf32, #tpu.memory_space<vmem_shared>>)
        tpu.yield
      }) : () -> ()
      %scan3A_48 = arith.constant 0 : i32
      scf.yield %scan3A_48 : i32
    }
    %scan3A_35 = arith.constant 80 : i32
    %barrier3A_36 = arith.constant 0 : index
    tpu.barrier barrier_id(%barrier3A_36)
    %mul3A_37 = arith.constant 640 : i32
    %mul3A_38 = arith.muli %arg1, %mul3A_37 : i32
    %mul3A_39 = arith.constant 640 : i32
    %mul3A_40 = arith.muli %arg1, %mul3A_39 : i32
    "tpu.region"() ({
      %run_scoped3A = tpu.sem_alloc : memref<!tpu.dma_semaphore, #tpu.memory_space<semaphore_mem>>
      %dma_start3A = arith.constant 0 : i32
      %dma_start3A_41 = tpu.memref_slice %arg4[%arg0, %mul3A_40, %dma_start3A] : memref<2x10240x128xf32, #tpu.memory_space<hbm>> -> memref<1x640x128xf32, #tpu.memory_space<hbm>>
      %dma_start3A_42 = tpu.memref_squeeze %dma_start3A_41 : memref<1x640x128xf32, #tpu.memory_space<hbm>> -> memref<640x128xf32, #tpu.memory_space<hbm>>
      %dma_start3A_43 = arith.constant 0 : i32
      %dma_start3A_44 = tpu.memref_slice %arg8[%mul3A_38, %dma_start3A_43] : memref<10240x128xf32, #tpu.memory_space<vmem_shared>> -> memref<640x128xf32, #tpu.memory_space<vmem_shared>>
      tpu.enqueue_dma source(%dma_start3A_44 : memref<640x128xf32, #tpu.memory_space<vmem_shared>>) target(%dma_start3A_42 : memref<640x128xf32, #tpu.memory_space<hbm>>) target_semaphore(%run_scoped3A : memref<!tpu.dma_semaphore, #tpu.memory_space<semaphore_mem>>)
      %dma_wait3A = arith.constant 0 : i32
      %dma_wait3A_45 = tpu.memref_slice %arg4[%arg0, %mul3A_40, %dma_wait3A] : memref<2x10240x128xf32, #tpu.memory_space<hbm>> -> memref<1x640x128xf32, #tpu.memory_space<hbm>>
      %dma_wait3A_46 = tpu.memref_squeeze %dma_wait3A_45 : memref<1x640x128xf32, #tpu.memory_space<hbm>> -> memref<640x128xf32, #tpu.memory_space<hbm>>
      %dma_wait3A_47 = arith.constant 0 : i32
      %dma_wait3A_48 = tpu.memref_slice %arg8[%mul3A_38, %dma_wait3A_47] : memref<10240x128xf32, #tpu.memory_space<vmem_shared>> -> memref<640x128xf32, #tpu.memory_space<vmem_shared>>
      tpu.wait_dma2 semaphore(%run_scoped3A : memref<!tpu.dma_semaphore, #tpu.memory_space<semaphore_mem>>) src(%dma_wait3A_48 : memref<640x128xf32, #tpu.memory_space<vmem_shared>>) dst(%dma_wait3A_46 : memref<640x128xf32, #tpu.memory_space<hbm>>)
      tpu.yield
    }) : () -> ()
    return
  }
}

#map = affine_map<(d0, d1) -> (0, 0)>
module attributes {stable_mosaic.version = 14 : i64} {
  func.func @k(%arg0: i32, %arg1: i32, %arg2: memref<2560x128xi32, #tpu.memory_space<hbm>>, %arg3: memref<2560x128xi32, #tpu.memory_space<hbm>>, %arg4: memref<10240x128xf32, #tpu.memory_space<hbm>>, %arg5: memref<10240x128xf32, #tpu.memory_space<hbm>>, %arg6: memref<327680x128xf32, #tpu.memory_space<hbm>>, %arg7: memref<80x128xi32, #tpu.memory_space<vmem>>, %arg8: memref<80x128xi32, #tpu.memory_space<vmem>>, %arg9: memref<128x128xf32, #tpu.memory_space<vmem>>, %arg10: memref<128x128xf32, #tpu.memory_space<vmem>>, %arg11: memref<!tpu.dma_semaphore, #tpu.memory_space<semaphore_mem>>) attributes {dimension_semantics = [#tpu.dimension_semantics<core_parallel>, #tpu.dimension_semantics<subcore_parallel>], iteration_bounds = array<i64: 2, 16>, scalar_prefetch = 0 : i64, scratch_operands = 5 : i64, tpu.core_type = #tpu.core_type<sc_vector_subcore>, window_params = [{transform_indices = #map}, {transform_indices = #map}, {transform_indices = #map}, {transform_indices = #map}, {transform_indices = #map}]} {
    %mul3A = arith.constant 2 : i32
    %mul3A_0 = arith.muli %arg1, %mul3A : i32
    %add3A = arith.addi %mul3A_0, %arg0 : i32
    %mul3A_1 = arith.constant 80 : i32
    %mul3A_2 = arith.muli %add3A, %mul3A_1 : i32
    "tpu.region"() ({
      %run_scoped3A = tpu.sem_alloc : memref<!tpu.dma_semaphore, #tpu.memory_space<semaphore_mem>>
      %dma_start3A = arith.constant 0 : i32
      %dma_start3A_11 = tpu.memref_slice %arg2[%mul3A_2, %dma_start3A] : memref<2560x128xi32, #tpu.memory_space<hbm>> -> memref<80x128xi32, #tpu.memory_space<hbm>>
      %dma_start3A_12 = arith.constant 0 : i32
      %dma_start3A_13 = tpu.memref_slice %arg2[%mul3A_2, %dma_start3A_12] : memref<2560x128xi32, #tpu.memory_space<hbm>> -> memref<80x128xi32, #tpu.memory_space<hbm>>
      tpu.enqueue_dma source(%dma_start3A_13 : memref<80x128xi32, #tpu.memory_space<hbm>>) target(%arg7 : memref<80x128xi32, #tpu.memory_space<vmem>>) target_semaphore(%run_scoped3A : memref<!tpu.dma_semaphore, #tpu.memory_space<semaphore_mem>>)
      %dma_wait3A = arith.constant 0 : i32
      %dma_wait3A_14 = tpu.memref_slice %arg2[%mul3A_2, %dma_wait3A] : memref<2560x128xi32, #tpu.memory_space<hbm>> -> memref<80x128xi32, #tpu.memory_space<hbm>>
      %dma_wait3A_15 = arith.constant 0 : i32
      %dma_wait3A_16 = tpu.memref_slice %arg2[%mul3A_2, %dma_wait3A_15] : memref<2560x128xi32, #tpu.memory_space<hbm>> -> memref<80x128xi32, #tpu.memory_space<hbm>>
      tpu.wait_dma2 semaphore(%run_scoped3A : memref<!tpu.dma_semaphore, #tpu.memory_space<semaphore_mem>>) src(%dma_wait3A_16 : memref<80x128xi32, #tpu.memory_space<hbm>>) dst(%arg7 : memref<80x128xi32, #tpu.memory_space<vmem>>)
      tpu.yield
    }) : () -> ()
    %mul3A_3 = arith.constant 80 : i32
    %mul3A_4 = arith.muli %add3A, %mul3A_3 : i32
    "tpu.region"() ({
      %run_scoped3A = tpu.sem_alloc : memref<!tpu.dma_semaphore, #tpu.memory_space<semaphore_mem>>
      %dma_start3A = arith.constant 0 : i32
      %dma_start3A_11 = tpu.memref_slice %arg3[%mul3A_4, %dma_start3A] : memref<2560x128xi32, #tpu.memory_space<hbm>> -> memref<80x128xi32, #tpu.memory_space<hbm>>
      %dma_start3A_12 = arith.constant 0 : i32
      %dma_start3A_13 = tpu.memref_slice %arg3[%mul3A_4, %dma_start3A_12] : memref<2560x128xi32, #tpu.memory_space<hbm>> -> memref<80x128xi32, #tpu.memory_space<hbm>>
      tpu.enqueue_dma source(%dma_start3A_13 : memref<80x128xi32, #tpu.memory_space<hbm>>) target(%arg8 : memref<80x128xi32, #tpu.memory_space<vmem>>) target_semaphore(%run_scoped3A : memref<!tpu.dma_semaphore, #tpu.memory_space<semaphore_mem>>)
      %dma_wait3A = arith.constant 0 : i32
      %dma_wait3A_14 = tpu.memref_slice %arg3[%mul3A_4, %dma_wait3A] : memref<2560x128xi32, #tpu.memory_space<hbm>> -> memref<80x128xi32, #tpu.memory_space<hbm>>
      %dma_wait3A_15 = arith.constant 0 : i32
      %dma_wait3A_16 = tpu.memref_slice %arg3[%mul3A_4, %dma_wait3A_15] : memref<2560x128xi32, #tpu.memory_space<hbm>> -> memref<80x128xi32, #tpu.memory_space<hbm>>
      tpu.wait_dma2 semaphore(%run_scoped3A : memref<!tpu.dma_semaphore, #tpu.memory_space<semaphore_mem>>) src(%dma_wait3A_16 : memref<80x128xi32, #tpu.memory_space<hbm>>) dst(%arg8 : memref<80x128xi32, #tpu.memory_space<vmem>>)
      tpu.yield
    }) : () -> ()
    %scan3A = arith.constant 0 : i32
    %scan3A_5 = arith.constant 0 : i32
    %scan3A_6 = arith.constant 80 : i32
    %scan3A_7 = arith.addi %scan3A_5, %scan3A_6 : i32
    %scan3A_8 = arith.constant 1 : i32
    %scan3A_9 = scf.for %scan3A_11 = %scan3A_5 to %scan3A_7 step %scan3A_8 iter_args(%scan3A_12 = %scan3A) -> (i32)  : i32 {
      %mul3A_13 = arith.constant 10240 : i32
      %mul3A_14 = arith.muli %add3A, %mul3A_13 : i32
      %mul3A_15 = arith.constant 128 : i32
      %mul3A_16 = arith.muli %scan3A_11, %mul3A_15 : i32
      %add3A_17 = arith.addi %mul3A_14, %mul3A_16 : i32
      %dma_start3A = arith.constant 0 : i32
      %dma_start3A_18 = tpu.memref_slice %arg7[%scan3A_11, %dma_start3A] : memref<80x128xi32, #tpu.memory_space<vmem>> -> memref<1x128xi32, #tpu.memory_space<vmem>>
      %dma_start3A_19 = tpu.memref_squeeze %dma_start3A_18 : memref<1x128xi32, #tpu.memory_space<vmem>> -> memref<128xi32, #tpu.memory_space<vmem>>
      %dma_start3A_20 = arith.constant 0 : i32
      %dma_start3A_21 = arith.constant 0 : i32
      %dma_start3A_22 = tpu.memref_slice %arg4[%dma_start3A_20, %dma_start3A_21] : memref<10240x128xf32, #tpu.memory_space<hbm>> -> memref<10240x128xf32, #tpu.memory_space<hbm>>
      tpu.enqueue_indirect_dma source(%dma_start3A_22 : memref<10240x128xf32, #tpu.memory_space<hbm>>) target(%arg9 : memref<128x128xf32, #tpu.memory_space<vmem>>) offsets(%dma_start3A_19 : memref<128xi32, #tpu.memory_space<vmem>>) semaphore(%arg11 : memref<!tpu.dma_semaphore, #tpu.memory_space<semaphore_mem>>)
      %dma_start3A_23 = arith.constant 0 : i32
      %dma_start3A_24 = tpu.memref_slice %arg8[%scan3A_11, %dma_start3A_23] : memref<80x128xi32, #tpu.memory_space<vmem>> -> memref<1x128xi32, #tpu.memory_space<vmem>>
      %dma_start3A_25 = tpu.memref_squeeze %dma_start3A_24 : memref<1x128xi32, #tpu.memory_space<vmem>> -> memref<128xi32, #tpu.memory_space<vmem>>
      %dma_start3A_26 = arith.constant 0 : i32
      %dma_start3A_27 = arith.constant 0 : i32
      %dma_start3A_28 = tpu.memref_slice %arg5[%dma_start3A_26, %dma_start3A_27] : memref<10240x128xf32, #tpu.memory_space<hbm>> -> memref<10240x128xf32, #tpu.memory_space<hbm>>
      tpu.enqueue_indirect_dma source(%dma_start3A_28 : memref<10240x128xf32, #tpu.memory_space<hbm>>) target(%arg10 : memref<128x128xf32, #tpu.memory_space<vmem>>) offsets(%dma_start3A_25 : memref<128xi32, #tpu.memory_space<vmem>>) semaphore(%arg11 : memref<!tpu.dma_semaphore, #tpu.memory_space<semaphore_mem>>)
      %dma_wait3A = arith.constant 0 : i32
      %dma_wait3A_29 = tpu.memref_slice %arg7[%scan3A_11, %dma_wait3A] : memref<80x128xi32, #tpu.memory_space<vmem>> -> memref<1x128xi32, #tpu.memory_space<vmem>>
      %dma_wait3A_30 = tpu.memref_squeeze %dma_wait3A_29 : memref<1x128xi32, #tpu.memory_space<vmem>> -> memref<128xi32, #tpu.memory_space<vmem>>
      %dma_wait3A_31 = arith.constant 0 : i32
      %dma_wait3A_32 = arith.constant 0 : i32
      %dma_wait3A_33 = tpu.memref_slice %arg4[%dma_wait3A_31, %dma_wait3A_32] : memref<10240x128xf32, #tpu.memory_space<hbm>> -> memref<10240x128xf32, #tpu.memory_space<hbm>>
      tpu.wait_indirect_dma semaphore(%arg11 : memref<!tpu.dma_semaphore, #tpu.memory_space<semaphore_mem>>) src(%dma_wait3A_33 : memref<10240x128xf32, #tpu.memory_space<hbm>>) dst(%arg9 : memref<128x128xf32, #tpu.memory_space<vmem>>)
      %dma_wait3A_34 = arith.constant 0 : i32
      %dma_wait3A_35 = tpu.memref_slice %arg8[%scan3A_11, %dma_wait3A_34] : memref<80x128xi32, #tpu.memory_space<vmem>> -> memref<1x128xi32, #tpu.memory_space<vmem>>
      %dma_wait3A_36 = tpu.memref_squeeze %dma_wait3A_35 : memref<1x128xi32, #tpu.memory_space<vmem>> -> memref<128xi32, #tpu.memory_space<vmem>>
      %dma_wait3A_37 = arith.constant 0 : i32
      %dma_wait3A_38 = arith.constant 0 : i32
      %dma_wait3A_39 = tpu.memref_slice %arg5[%dma_wait3A_37, %dma_wait3A_38] : memref<10240x128xf32, #tpu.memory_space<hbm>> -> memref<10240x128xf32, #tpu.memory_space<hbm>>
      tpu.wait_indirect_dma semaphore(%arg11 : memref<!tpu.dma_semaphore, #tpu.memory_space<semaphore_mem>>) src(%dma_wait3A_39 : memref<10240x128xf32, #tpu.memory_space<hbm>>) dst(%arg10 : memref<128x128xf32, #tpu.memory_space<vmem>>)
      %scan3A_40 = arith.constant 0 : i32
      %scan3A_41 = arith.constant 0 : i32
      %scan3A_42 = arith.constant 128 : i32
      %scan3A_43 = arith.addi %scan3A_41, %scan3A_42 : i32
      %scan3A_44 = arith.constant 1 : i32
      %scan3A_45 = scf.for %scan3A_48 = %scan3A_41 to %scan3A_43 step %scan3A_44 iter_args(%scan3A_49 = %scan3A_40) -> (i32)  : i32 {
        %get3A = arith.index_cast %scan3A_48 : i32 to index
        %get3A_50 = arith.constant 0 : index
        %get3A_51 = tpu.vector_load %arg9[%get3A, %get3A_50] {strides = array<i32>} : memref<128x128xf32, #tpu.memory_space<vmem>>, vector<1x16xf32>,
        %get3A_52 = vector.shape_cast %get3A_51 : vector<1x16xf32> to vector<16xf32>
        %get3A_53 = arith.index_cast %scan3A_48 : i32 to index
        %get3A_54 = arith.constant 0 : index
        %get3A_55 = tpu.vector_load %arg10[%get3A_53, %get3A_54] {strides = array<i32>} : memref<128x128xf32, #tpu.memory_space<vmem>>, vector<1x16xf32>,
        %get3A_56 = vector.shape_cast %get3A_55 : vector<1x16xf32> to vector<16xf32>
        %add3A_57 = arith.addf %get3A_52, %get3A_56 : vector<16xf32>
        %swap3A = arith.index_cast %scan3A_48 : i32 to index
        %swap3A_58 = arith.constant 0 : index
        %swap3A_59 = tpu.vector_load %arg9[%swap3A, %swap3A_58] {strides = array<i32>} : memref<128x128xf32, #tpu.memory_space<vmem>>, vector<1x16xf32>,
        %swap3A_60 = vector.shape_cast %swap3A_59 : vector<1x16xf32> to vector<16xf32>
        %swap3A_61 = vector.shape_cast %add3A_57 : vector<16xf32> to vector<1x16xf32>
        tpu.vector_store %arg9[%swap3A, %swap3A_58], %swap3A_61 {strides = array<i32>} : memref<128x128xf32, #tpu.memory_space<vmem>>, vector<1x16xf32>,
        %get3A_62 = arith.index_cast %scan3A_48 : i32 to index
        %get3A_63 = arith.constant 16 : index
        %get3A_64 = tpu.vector_load %arg9[%get3A_62, %get3A_63] {strides = array<i32>} : memref<128x128xf32, #tpu.memory_space<vmem>>, vector<1x16xf32>,
        %get3A_65 = vector.shape_cast %get3A_64 : vector<1x16xf32> to vector<16xf32>
        %get3A_66 = arith.index_cast %scan3A_48 : i32 to index
        %get3A_67 = arith.constant 16 : index
        %get3A_68 = tpu.vector_load %arg10[%get3A_66, %get3A_67] {strides = array<i32>} : memref<128x128xf32, #tpu.memory_space<vmem>>, vector<1x16xf32>,
        %get3A_69 = vector.shape_cast %get3A_68 : vector<1x16xf32> to vector<16xf32>
        %add3A_70 = arith.addf %get3A_65, %get3A_69 : vector<16xf32>
        %swap3A_71 = arith.index_cast %scan3A_48 : i32 to index
        %swap3A_72 = arith.constant 16 : index
        %swap3A_73 = tpu.vector_load %arg9[%swap3A_71, %swap3A_72] {strides = array<i32>} : memref<128x128xf32, #tpu.memory_space<vmem>>, vector<1x16xf32>,
        %swap3A_74 = vector.shape_cast %swap3A_73 : vector<1x16xf32> to vector<16xf32>
        %swap3A_75 = vector.shape_cast %add3A_70 : vector<16xf32> to vector<1x16xf32>
        tpu.vector_store %arg9[%swap3A_71, %swap3A_72], %swap3A_75 {strides = array<i32>} : memref<128x128xf32, #tpu.memory_space<vmem>>, vector<1x16xf32>,
        %get3A_76 = arith.index_cast %scan3A_48 : i32 to index
        %get3A_77 = arith.constant 32 : index
        %get3A_78 = tpu.vector_load %arg9[%get3A_76, %get3A_77] {strides = array<i32>} : memref<128x128xf32, #tpu.memory_space<vmem>>, vector<1x16xf32>,
        %get3A_79 = vector.shape_cast %get3A_78 : vector<1x16xf32> to vector<16xf32>
        %get3A_80 = arith.index_cast %scan3A_48 : i32 to index
        %get3A_81 = arith.constant 32 : index
        %get3A_82 = tpu.vector_load %arg10[%get3A_80, %get3A_81] {strides = array<i32>} : memref<128x128xf32, #tpu.memory_space<vmem>>, vector<1x16xf32>,
        %get3A_83 = vector.shape_cast %get3A_82 : vector<1x16xf32> to vector<16xf32>
        %add3A_84 = arith.addf %get3A_79, %get3A_83 : vector<16xf32>
        %swap3A_85 = arith.index_cast %scan3A_48 : i32 to index
        %swap3A_86 = arith.constant 32 : index
        %swap3A_87 = tpu.vector_load %arg9[%swap3A_85, %swap3A_86] {strides = array<i32>} : memref<128x128xf32, #tpu.memory_space<vmem>>, vector<1x16xf32>,
        %swap3A_88 = vector.shape_cast %swap3A_87 : vector<1x16xf32> to vector<16xf32>
        %swap3A_89 = vector.shape_cast %add3A_84 : vector<16xf32> to vector<1x16xf32>
        tpu.vector_store %arg9[%swap3A_85, %swap3A_86], %swap3A_89 {strides = array<i32>} : memref<128x128xf32, #tpu.memory_space<vmem>>, vector<1x16xf32>,
        %get3A_90 = arith.index_cast %scan3A_48 : i32 to index
        %get3A_91 = arith.constant 48 : index
        %get3A_92 = tpu.vector_load %arg9[%get3A_90, %get3A_91] {strides = array<i32>} : memref<128x128xf32, #tpu.memory_space<vmem>>, vector<1x16xf32>,
        %get3A_93 = vector.shape_cast %get3A_92 : vector<1x16xf32> to vector<16xf32>
        %get3A_94 = arith.index_cast %scan3A_48 : i32 to index
        %get3A_95 = arith.constant 48 : index
        %get3A_96 = tpu.vector_load %arg10[%get3A_94, %get3A_95] {strides = array<i32>} : memref<128x128xf32, #tpu.memory_space<vmem>>, vector<1x16xf32>,
        %get3A_97 = vector.shape_cast %get3A_96 : vector<1x16xf32> to vector<16xf32>
        %add3A_98 = arith.addf %get3A_93, %get3A_97 : vector<16xf32>
        %swap3A_99 = arith.index_cast %scan3A_48 : i32 to index
        %swap3A_100 = arith.constant 48 : index
        %swap3A_101 = tpu.vector_load %arg9[%swap3A_99, %swap3A_100] {strides = array<i32>} : memref<128x128xf32, #tpu.memory_space<vmem>>, vector<1x16xf32>,
        %swap3A_102 = vector.shape_cast %swap3A_101 : vector<1x16xf32> to vector<16xf32>
        %swap3A_103 = vector.shape_cast %add3A_98 : vector<16xf32> to vector<1x16xf32>
        tpu.vector_store %arg9[%swap3A_99, %swap3A_100], %swap3A_103 {strides = array<i32>} : memref<128x128xf32, #tpu.memory_space<vmem>>, vector<1x16xf32>,
        %get3A_104 = arith.index_cast %scan3A_48 : i32 to index
        %get3A_105 = arith.constant 64 : index
        %get3A_106 = tpu.vector_load %arg9[%get3A_104, %get3A_105] {strides = array<i32>} : memref<128x128xf32, #tpu.memory_space<vmem>>, vector<1x16xf32>,
        %get3A_107 = vector.shape_cast %get3A_106 : vector<1x16xf32> to vector<16xf32>
        %get3A_108 = arith.index_cast %scan3A_48 : i32 to index
        %get3A_109 = arith.constant 64 : index
        %get3A_110 = tpu.vector_load %arg10[%get3A_108, %get3A_109] {strides = array<i32>} : memref<128x128xf32, #tpu.memory_space<vmem>>, vector<1x16xf32>,
        %get3A_111 = vector.shape_cast %get3A_110 : vector<1x16xf32> to vector<16xf32>
        %add3A_112 = arith.addf %get3A_107, %get3A_111 : vector<16xf32>
        %swap3A_113 = arith.index_cast %scan3A_48 : i32 to index
        %swap3A_114 = arith.constant 64 : index
        %swap3A_115 = tpu.vector_load %arg9[%swap3A_113, %swap3A_114] {strides = array<i32>} : memref<128x128xf32, #tpu.memory_space<vmem>>, vector<1x16xf32>,
        %swap3A_116 = vector.shape_cast %swap3A_115 : vector<1x16xf32> to vector<16xf32>
        %swap3A_117 = vector.shape_cast %add3A_112 : vector<16xf32> to vector<1x16xf32>
        tpu.vector_store %arg9[%swap3A_113, %swap3A_114], %swap3A_117 {strides = array<i32>} : memref<128x128xf32, #tpu.memory_space<vmem>>, vector<1x16xf32>,
        %get3A_118 = arith.index_cast %scan3A_48 : i32 to index
        %get3A_119 = arith.constant 80 : index
        %get3A_120 = tpu.vector_load %arg9[%get3A_118, %get3A_119] {strides = array<i32>} : memref<128x128xf32, #tpu.memory_space<vmem>>, vector<1x16xf32>,
        %get3A_121 = vector.shape_cast %get3A_120 : vector<1x16xf32> to vector<16xf32>
        %get3A_122 = arith.index_cast %scan3A_48 : i32 to index
        %get3A_123 = arith.constant 80 : index
        %get3A_124 = tpu.vector_load %arg10[%get3A_122, %get3A_123] {strides = array<i32>} : memref<128x128xf32, #tpu.memory_space<vmem>>, vector<1x16xf32>,
        %get3A_125 = vector.shape_cast %get3A_124 : vector<1x16xf32> to vector<16xf32>
        %add3A_126 = arith.addf %get3A_121, %get3A_125 : vector<16xf32>
        %swap3A_127 = arith.index_cast %scan3A_48 : i32 to index
        %swap3A_128 = arith.constant 80 : index
        %swap3A_129 = tpu.vector_load %arg9[%swap3A_127, %swap3A_128] {strides = array<i32>} : memref<128x128xf32, #tpu.memory_space<vmem>>, vector<1x16xf32>,
        %swap3A_130 = vector.shape_cast %swap3A_129 : vector<1x16xf32> to vector<16xf32>
        %swap3A_131 = vector.shape_cast %add3A_126 : vector<16xf32> to vector<1x16xf32>
        tpu.vector_store %arg9[%swap3A_127, %swap3A_128], %swap3A_131 {strides = array<i32>} : memref<128x128xf32, #tpu.memory_space<vmem>>, vector<1x16xf32>,
        %get3A_132 = arith.index_cast %scan3A_48 : i32 to index
        %get3A_133 = arith.constant 96 : index
        %get3A_134 = tpu.vector_load %arg9[%get3A_132, %get3A_133] {strides = array<i32>} : memref<128x128xf32, #tpu.memory_space<vmem>>, vector<1x16xf32>,
        %get3A_135 = vector.shape_cast %get3A_134 : vector<1x16xf32> to vector<16xf32>
        %get3A_136 = arith.index_cast %scan3A_48 : i32 to index
        %get3A_137 = arith.constant 96 : index
        %get3A_138 = tpu.vector_load %arg10[%get3A_136, %get3A_137] {strides = array<i32>} : memref<128x128xf32, #tpu.memory_space<vmem>>, vector<1x16xf32>,
        %get3A_139 = vector.shape_cast %get3A_138 : vector<1x16xf32> to vector<16xf32>
        %add3A_140 = arith.addf %get3A_135, %get3A_139 : vector<16xf32>
        %swap3A_141 = arith.index_cast %scan3A_48 : i32 to index
        %swap3A_142 = arith.constant 96 : index
        %swap3A_143 = tpu.vector_load %arg9[%swap3A_141, %swap3A_142] {strides = array<i32>} : memref<128x128xf32, #tpu.memory_space<vmem>>, vector<1x16xf32>,
        %swap3A_144 = vector.shape_cast %swap3A_143 : vector<1x16xf32> to vector<16xf32>
        %swap3A_145 = vector.shape_cast %add3A_140 : vector<16xf32> to vector<1x16xf32>
        tpu.vector_store %arg9[%swap3A_141, %swap3A_142], %swap3A_145 {strides = array<i32>} : memref<128x128xf32, #tpu.memory_space<vmem>>, vector<1x16xf32>,
        %get3A_146 = arith.index_cast %scan3A_48 : i32 to index
        %get3A_147 = arith.constant 112 : index
        %get3A_148 = tpu.vector_load %arg9[%get3A_146, %get3A_147] {strides = array<i32>} : memref<128x128xf32, #tpu.memory_space<vmem>>, vector<1x16xf32>,
        %get3A_149 = vector.shape_cast %get3A_148 : vector<1x16xf32> to vector<16xf32>
        %get3A_150 = arith.index_cast %scan3A_48 : i32 to index
        %get3A_151 = arith.constant 112 : index
        %get3A_152 = tpu.vector_load %arg10[%get3A_150, %get3A_151] {strides = array<i32>} : memref<128x128xf32, #tpu.memory_space<vmem>>, vector<1x16xf32>,
        %get3A_153 = vector.shape_cast %get3A_152 : vector<1x16xf32> to vector<16xf32>
        %add3A_154 = arith.addf %get3A_149, %get3A_153 : vector<16xf32>
        %swap3A_155 = arith.index_cast %scan3A_48 : i32 to index
        %swap3A_156 = arith.constant 112 : index
        %swap3A_157 = tpu.vector_load %arg9[%swap3A_155, %swap3A_156] {strides = array<i32>} : memref<128x128xf32, #tpu.memory_space<vmem>>, vector<1x16xf32>,
        %swap3A_158 = vector.shape_cast %swap3A_157 : vector<1x16xf32> to vector<16xf32>
        %swap3A_159 = vector.shape_cast %add3A_154 : vector<16xf32> to vector<1x16xf32>
        tpu.vector_store %arg9[%swap3A_155, %swap3A_156], %swap3A_159 {strides = array<i32>} : memref<128x128xf32, #tpu.memory_space<vmem>>, vector<1x16xf32>,
        %scan3A_160 = arith.constant 0 : i32
        scf.yield %scan3A_160 : i32
      }
      %scan3A_46 = arith.constant 128 : i32
      "tpu.region"() ({
        %run_scoped3A = tpu.sem_alloc : memref<!tpu.dma_semaphore, #tpu.memory_space<semaphore_mem>>
        %dma_start3A_48 = arith.constant 0 : i32
        %dma_start3A_49 = tpu.memref_slice %arg6[%add3A_17, %dma_start3A_48] : memref<327680x128xf32, #tpu.memory_space<hbm>> -> memref<128x128xf32, #tpu.memory_space<hbm>>
        %dma_start3A_50 = arith.constant 0 : i32
        %dma_start3A_51 = tpu.memref_slice %arg6[%add3A_17, %dma_start3A_50] : memref<327680x128xf32, #tpu.memory_space<hbm>> -> memref<128x128xf32, #tpu.memory_space<hbm>>
        tpu.enqueue_dma source(%arg9 : memref<128x128xf32, #tpu.memory_space<vmem>>) target(%dma_start3A_51 : memref<128x128xf32, #tpu.memory_space<hbm>>) target_semaphore(%run_scoped3A : memref<!tpu.dma_semaphore, #tpu.memory_space<semaphore_mem>>)
        %dma_wait3A_52 = arith.constant 0 : i32
        %dma_wait3A_53 = tpu.memref_slice %arg6[%add3A_17, %dma_wait3A_52] : memref<327680x128xf32, #tpu.memory_space<hbm>> -> memref<128x128xf32, #tpu.memory_space<hbm>>
        %dma_wait3A_54 = arith.constant 0 : i32
        %dma_wait3A_55 = tpu.memref_slice %arg6[%add3A_17, %dma_wait3A_54] : memref<327680x128xf32, #tpu.memory_space<hbm>> -> memref<128x128xf32, #tpu.memory_space<hbm>>
        tpu.wait_dma2 semaphore(%run_scoped3A : memref<!tpu.dma_semaphore, #tpu.memory_space<semaphore_mem>>) src(%arg9 : memref<128x128xf32, #tpu.memory_space<vmem>>) dst(%dma_wait3A_55 : memref<128x128xf32, #tpu.memory_space<hbm>>)
        tpu.yield
      }) : () -> ()
      %scan3A_47 = arith.constant 0 : i32
      scf.yield %scan3A_47 : i32
    }
    %scan3A_10 = arith.constant 80 : i32
    return
  }
}

#map = affine_map<(d0, d1) -> (0, 0)>
module attributes {stable_mosaic.version = 14 : i64} {
  func.func @k(%arg0: i32, %arg1: i32, %arg2: memref<2560x128xi32, #tpu.memory_space<hbm>>, %arg3: memref<2560x128xi32, #tpu.memory_space<hbm>>, %arg4: memref<10240x128xf32, #tpu.memory_space<hbm>>, %arg5: memref<10240x128xf32, #tpu.memory_space<hbm>>, %arg6: memref<327680x128xf32, #tpu.memory_space<hbm>>, %arg7: memref<80x128xi32, #tpu.memory_space<vmem>>, %arg8: memref<80x128xi32, #tpu.memory_space<vmem>>, %arg9: memref<128x128xf32, #tpu.memory_space<vmem>>, %arg10: memref<128x128xf32, #tpu.memory_space<vmem>>, %arg11: memref<!tpu.dma_semaphore, #tpu.memory_space<semaphore_mem>>) attributes {dimension_semantics = [#tpu.dimension_semantics<core_parallel>, #tpu.dimension_semantics<subcore_parallel>], iteration_bounds = array<i64: 2, 16>, scalar_prefetch = 0 : i64, scratch_operands = 5 : i64, tpu.core_type = #tpu.core_type<sc_vector_subcore>, window_params = [{transform_indices = #map}, {transform_indices = #map}, {transform_indices = #map}, {transform_indices = #map}, {transform_indices = #map}]} {
    %mul3A = arith.constant 2 : i32
    %mul3A_0 = arith.muli %arg1, %mul3A : i32
    %add3A = arith.addi %mul3A_0, %arg0 : i32
    %mul3A_1 = arith.constant 80 : i32
    %mul3A_2 = arith.muli %add3A, %mul3A_1 : i32
    "tpu.region"() ({
      %run_scoped3A = tpu.sem_alloc : memref<!tpu.dma_semaphore, #tpu.memory_space<semaphore_mem>>
      %dma_start3A = arith.constant 0 : i32
      %dma_start3A_11 = tpu.memref_slice %arg2[%mul3A_2, %dma_start3A] : memref<2560x128xi32, #tpu.memory_space<hbm>> -> memref<80x128xi32, #tpu.memory_space<hbm>>
      %dma_start3A_12 = arith.constant 0 : i32
      %dma_start3A_13 = tpu.memref_slice %arg2[%mul3A_2, %dma_start3A_12] : memref<2560x128xi32, #tpu.memory_space<hbm>> -> memref<80x128xi32, #tpu.memory_space<hbm>>
      tpu.enqueue_dma source(%dma_start3A_13 : memref<80x128xi32, #tpu.memory_space<hbm>>) target(%arg7 : memref<80x128xi32, #tpu.memory_space<vmem>>) target_semaphore(%run_scoped3A : memref<!tpu.dma_semaphore, #tpu.memory_space<semaphore_mem>>)
      %dma_wait3A = arith.constant 0 : i32
      %dma_wait3A_14 = tpu.memref_slice %arg2[%mul3A_2, %dma_wait3A] : memref<2560x128xi32, #tpu.memory_space<hbm>> -> memref<80x128xi32, #tpu.memory_space<hbm>>
      %dma_wait3A_15 = arith.constant 0 : i32
      %dma_wait3A_16 = tpu.memref_slice %arg2[%mul3A_2, %dma_wait3A_15] : memref<2560x128xi32, #tpu.memory_space<hbm>> -> memref<80x128xi32, #tpu.memory_space<hbm>>
      tpu.wait_dma2 semaphore(%run_scoped3A : memref<!tpu.dma_semaphore, #tpu.memory_space<semaphore_mem>>) src(%dma_wait3A_16 : memref<80x128xi32, #tpu.memory_space<hbm>>) dst(%arg7 : memref<80x128xi32, #tpu.memory_space<vmem>>)
      tpu.yield
    }) : () -> ()
    %mul3A_3 = arith.constant 80 : i32
    %mul3A_4 = arith.muli %add3A, %mul3A_3 : i32
    "tpu.region"() ({
      %run_scoped3A = tpu.sem_alloc : memref<!tpu.dma_semaphore, #tpu.memory_space<semaphore_mem>>
      %dma_start3A = arith.constant 0 : i32
      %dma_start3A_11 = tpu.memref_slice %arg3[%mul3A_4, %dma_start3A] : memref<2560x128xi32, #tpu.memory_space<hbm>> -> memref<80x128xi32, #tpu.memory_space<hbm>>
      %dma_start3A_12 = arith.constant 0 : i32
      %dma_start3A_13 = tpu.memref_slice %arg3[%mul3A_4, %dma_start3A_12] : memref<2560x128xi32, #tpu.memory_space<hbm>> -> memref<80x128xi32, #tpu.memory_space<hbm>>
      tpu.enqueue_dma source(%dma_start3A_13 : memref<80x128xi32, #tpu.memory_space<hbm>>) target(%arg8 : memref<80x128xi32, #tpu.memory_space<vmem>>) target_semaphore(%run_scoped3A : memref<!tpu.dma_semaphore, #tpu.memory_space<semaphore_mem>>)
      %dma_wait3A = arith.constant 0 : i32
      %dma_wait3A_14 = tpu.memref_slice %arg3[%mul3A_4, %dma_wait3A] : memref<2560x128xi32, #tpu.memory_space<hbm>> -> memref<80x128xi32, #tpu.memory_space<hbm>>
      %dma_wait3A_15 = arith.constant 0 : i32
      %dma_wait3A_16 = tpu.memref_slice %arg3[%mul3A_4, %dma_wait3A_15] : memref<2560x128xi32, #tpu.memory_space<hbm>> -> memref<80x128xi32, #tpu.memory_space<hbm>>
      tpu.wait_dma2 semaphore(%run_scoped3A : memref<!tpu.dma_semaphore, #tpu.memory_space<semaphore_mem>>) src(%dma_wait3A_16 : memref<80x128xi32, #tpu.memory_space<hbm>>) dst(%arg8 : memref<80x128xi32, #tpu.memory_space<vmem>>)
      tpu.yield
    }) : () -> ()
    %scan3A = arith.constant 0 : i32
    %scan3A_5 = arith.constant 0 : i32
    %scan3A_6 = arith.constant 80 : i32
    %scan3A_7 = arith.addi %scan3A_5, %scan3A_6 : i32
    %scan3A_8 = arith.constant 1 : i32
    %scan3A_9 = scf.for %scan3A_11 = %scan3A_5 to %scan3A_7 step %scan3A_8 iter_args(%scan3A_12 = %scan3A) -> (i32)  : i32 {
      %mul3A_13 = arith.constant 10240 : i32
      %mul3A_14 = arith.muli %add3A, %mul3A_13 : i32
      %mul3A_15 = arith.constant 128 : i32
      %mul3A_16 = arith.muli %scan3A_11, %mul3A_15 : i32
      %add3A_17 = arith.addi %mul3A_14, %mul3A_16 : i32
      %dma_start3A = arith.constant 0 : i32
      %dma_start3A_18 = tpu.memref_slice %arg7[%scan3A_11, %dma_start3A] : memref<80x128xi32, #tpu.memory_space<vmem>> -> memref<1x128xi32, #tpu.memory_space<vmem>>
      %dma_start3A_19 = tpu.memref_squeeze %dma_start3A_18 : memref<1x128xi32, #tpu.memory_space<vmem>> -> memref<128xi32, #tpu.memory_space<vmem>>
      %dma_start3A_20 = arith.constant 0 : i32
      %dma_start3A_21 = arith.constant 0 : i32
      %dma_start3A_22 = tpu.memref_slice %arg4[%dma_start3A_20, %dma_start3A_21] : memref<10240x128xf32, #tpu.memory_space<hbm>> -> memref<10240x128xf32, #tpu.memory_space<hbm>>
      tpu.enqueue_indirect_dma source(%dma_start3A_22 : memref<10240x128xf32, #tpu.memory_space<hbm>>) target(%arg9 : memref<128x128xf32, #tpu.memory_space<vmem>>) offsets(%dma_start3A_19 : memref<128xi32, #tpu.memory_space<vmem>>) semaphore(%arg11 : memref<!tpu.dma_semaphore, #tpu.memory_space<semaphore_mem>>)
      %dma_start3A_23 = arith.constant 0 : i32
      %dma_start3A_24 = tpu.memref_slice %arg8[%scan3A_11, %dma_start3A_23] : memref<80x128xi32, #tpu.memory_space<vmem>> -> memref<1x128xi32, #tpu.memory_space<vmem>>
      %dma_start3A_25 = tpu.memref_squeeze %dma_start3A_24 : memref<1x128xi32, #tpu.memory_space<vmem>> -> memref<128xi32, #tpu.memory_space<vmem>>
      %dma_start3A_26 = arith.constant 0 : i32
      %dma_start3A_27 = arith.constant 0 : i32
      %dma_start3A_28 = tpu.memref_slice %arg5[%dma_start3A_26, %dma_start3A_27] : memref<10240x128xf32, #tpu.memory_space<hbm>> -> memref<10240x128xf32, #tpu.memory_space<hbm>>
      tpu.enqueue_indirect_dma source(%dma_start3A_28 : memref<10240x128xf32, #tpu.memory_space<hbm>>) target(%arg10 : memref<128x128xf32, #tpu.memory_space<vmem>>) offsets(%dma_start3A_25 : memref<128xi32, #tpu.memory_space<vmem>>) semaphore(%arg11 : memref<!tpu.dma_semaphore, #tpu.memory_space<semaphore_mem>>)
      %dma_wait3A = arith.constant 0 : i32
      %dma_wait3A_29 = tpu.memref_slice %arg7[%scan3A_11, %dma_wait3A] : memref<80x128xi32, #tpu.memory_space<vmem>> -> memref<1x128xi32, #tpu.memory_space<vmem>>
      %dma_wait3A_30 = tpu.memref_squeeze %dma_wait3A_29 : memref<1x128xi32, #tpu.memory_space<vmem>> -> memref<128xi32, #tpu.memory_space<vmem>>
      %dma_wait3A_31 = arith.constant 0 : i32
      %dma_wait3A_32 = arith.constant 0 : i32
      %dma_wait3A_33 = tpu.memref_slice %arg4[%dma_wait3A_31, %dma_wait3A_32] : memref<10240x128xf32, #tpu.memory_space<hbm>> -> memref<10240x128xf32, #tpu.memory_space<hbm>>
      tpu.wait_indirect_dma semaphore(%arg11 : memref<!tpu.dma_semaphore, #tpu.memory_space<semaphore_mem>>) src(%dma_wait3A_33 : memref<10240x128xf32, #tpu.memory_space<hbm>>) dst(%arg9 : memref<128x128xf32, #tpu.memory_space<vmem>>)
      %dma_wait3A_34 = arith.constant 0 : i32
      %dma_wait3A_35 = tpu.memref_slice %arg8[%scan3A_11, %dma_wait3A_34] : memref<80x128xi32, #tpu.memory_space<vmem>> -> memref<1x128xi32, #tpu.memory_space<vmem>>
      %dma_wait3A_36 = tpu.memref_squeeze %dma_wait3A_35 : memref<1x128xi32, #tpu.memory_space<vmem>> -> memref<128xi32, #tpu.memory_space<vmem>>
      %dma_wait3A_37 = arith.constant 0 : i32
      %dma_wait3A_38 = arith.constant 0 : i32
      %dma_wait3A_39 = tpu.memref_slice %arg5[%dma_wait3A_37, %dma_wait3A_38] : memref<10240x128xf32, #tpu.memory_space<hbm>> -> memref<10240x128xf32, #tpu.memory_space<hbm>>
      tpu.wait_indirect_dma semaphore(%arg11 : memref<!tpu.dma_semaphore, #tpu.memory_space<semaphore_mem>>) src(%dma_wait3A_39 : memref<10240x128xf32, #tpu.memory_space<hbm>>) dst(%arg10 : memref<128x128xf32, #tpu.memory_space<vmem>>)
      %scan3A_40 = arith.constant 0 : i32
      %scan3A_41 = arith.constant 0 : i32
      %scan3A_42 = arith.constant 128 : i32
      %scan3A_43 = arith.addi %scan3A_41, %scan3A_42 : i32
      %scan3A_44 = arith.constant 1 : i32
      %scan3A_45 = scf.for %scan3A_48 = %scan3A_41 to %scan3A_43 step %scan3A_44 iter_args(%scan3A_49 = %scan3A_40) -> (i32)  : i32 {
        %get3A = arith.index_cast %scan3A_48 : i32 to index
        %get3A_50 = arith.constant 0 : index
        %get3A_51 = tpu.vector_load %arg9[%get3A, %get3A_50] {strides = array<i32>} : memref<128x128xf32, #tpu.memory_space<vmem>>, vector<1x16xf32>,
        %get3A_52 = vector.shape_cast %get3A_51 : vector<1x16xf32> to vector<16xf32>
        %get3A_53 = arith.index_cast %scan3A_48 : i32 to index
        %get3A_54 = arith.constant 0 : index
        %get3A_55 = tpu.vector_load %arg10[%get3A_53, %get3A_54] {strides = array<i32>} : memref<128x128xf32, #tpu.memory_space<vmem>>, vector<1x16xf32>,
        %get3A_56 = vector.shape_cast %get3A_55 : vector<1x16xf32> to vector<16xf32>
        %add3A_57 = arith.addf %get3A_52, %get3A_56 : vector<16xf32>
        %swap3A = arith.index_cast %scan3A_48 : i32 to index
        %swap3A_58 = arith.constant 0 : index
        %swap3A_59 = tpu.vector_load %arg9[%swap3A, %swap3A_58] {strides = array<i32>} : memref<128x128xf32, #tpu.memory_space<vmem>>, vector<1x16xf32>,
        %swap3A_60 = vector.shape_cast %swap3A_59 : vector<1x16xf32> to vector<16xf32>
        %swap3A_61 = vector.shape_cast %add3A_57 : vector<16xf32> to vector<1x16xf32>
        tpu.vector_store %arg9[%swap3A, %swap3A_58], %swap3A_61 {strides = array<i32>} : memref<128x128xf32, #tpu.memory_space<vmem>>, vector<1x16xf32>,
        %get3A_62 = arith.index_cast %scan3A_48 : i32 to index
        %get3A_63 = arith.constant 16 : index
        %get3A_64 = tpu.vector_load %arg9[%get3A_62, %get3A_63] {strides = array<i32>} : memref<128x128xf32, #tpu.memory_space<vmem>>, vector<1x16xf32>,
        %get3A_65 = vector.shape_cast %get3A_64 : vector<1x16xf32> to vector<16xf32>
        %get3A_66 = arith.index_cast %scan3A_48 : i32 to index
        %get3A_67 = arith.constant 16 : index
        %get3A_68 = tpu.vector_load %arg10[%get3A_66, %get3A_67] {strides = array<i32>} : memref<128x128xf32, #tpu.memory_space<vmem>>, vector<1x16xf32>,
        %get3A_69 = vector.shape_cast %get3A_68 : vector<1x16xf32> to vector<16xf32>
        %add3A_70 = arith.addf %get3A_65, %get3A_69 : vector<16xf32>
        %swap3A_71 = arith.index_cast %scan3A_48 : i32 to index
        %swap3A_72 = arith.constant 16 : index
        %swap3A_73 = tpu.vector_load %arg9[%swap3A_71, %swap3A_72] {strides = array<i32>} : memref<128x128xf32, #tpu.memory_space<vmem>>, vector<1x16xf32>,
        %swap3A_74 = vector.shape_cast %swap3A_73 : vector<1x16xf32> to vector<16xf32>
        %swap3A_75 = vector.shape_cast %add3A_70 : vector<16xf32> to vector<1x16xf32>
        tpu.vector_store %arg9[%swap3A_71, %swap3A_72], %swap3A_75 {strides = array<i32>} : memref<128x128xf32, #tpu.memory_space<vmem>>, vector<1x16xf32>,
        %get3A_76 = arith.index_cast %scan3A_48 : i32 to index
        %get3A_77 = arith.constant 32 : index
        %get3A_78 = tpu.vector_load %arg9[%get3A_76, %get3A_77] {strides = array<i32>} : memref<128x128xf32, #tpu.memory_space<vmem>>, vector<1x16xf32>,
        %get3A_79 = vector.shape_cast %get3A_78 : vector<1x16xf32> to vector<16xf32>
        %get3A_80 = arith.index_cast %scan3A_48 : i32 to index
        %get3A_81 = arith.constant 32 : index
        %get3A_82 = tpu.vector_load %arg10[%get3A_80, %get3A_81] {strides = array<i32>} : memref<128x128xf32, #tpu.memory_space<vmem>>, vector<1x16xf32>,
        %get3A_83 = vector.shape_cast %get3A_82 : vector<1x16xf32> to vector<16xf32>
        %add3A_84 = arith.addf %get3A_79, %get3A_83 : vector<16xf32>
        %swap3A_85 = arith.index_cast %scan3A_48 : i32 to index
        %swap3A_86 = arith.constant 32 : index
        %swap3A_87 = tpu.vector_load %arg9[%swap3A_85, %swap3A_86] {strides = array<i32>} : memref<128x128xf32, #tpu.memory_space<vmem>>, vector<1x16xf32>,
        %swap3A_88 = vector.shape_cast %swap3A_87 : vector<1x16xf32> to vector<16xf32>
        %swap3A_89 = vector.shape_cast %add3A_84 : vector<16xf32> to vector<1x16xf32>
        tpu.vector_store %arg9[%swap3A_85, %swap3A_86], %swap3A_89 {strides = array<i32>} : memref<128x128xf32, #tpu.memory_space<vmem>>, vector<1x16xf32>,
        %get3A_90 = arith.index_cast %scan3A_48 : i32 to index
        %get3A_91 = arith.constant 48 : index
        %get3A_92 = tpu.vector_load %arg9[%get3A_90, %get3A_91] {strides = array<i32>} : memref<128x128xf32, #tpu.memory_space<vmem>>, vector<1x16xf32>,
        %get3A_93 = vector.shape_cast %get3A_92 : vector<1x16xf32> to vector<16xf32>
        %get3A_94 = arith.index_cast %scan3A_48 : i32 to index
        %get3A_95 = arith.constant 48 : index
        %get3A_96 = tpu.vector_load %arg10[%get3A_94, %get3A_95] {strides = array<i32>} : memref<128x128xf32, #tpu.memory_space<vmem>>, vector<1x16xf32>,
        %get3A_97 = vector.shape_cast %get3A_96 : vector<1x16xf32> to vector<16xf32>
        %add3A_98 = arith.addf %get3A_93, %get3A_97 : vector<16xf32>
        %swap3A_99 = arith.index_cast %scan3A_48 : i32 to index
        %swap3A_100 = arith.constant 48 : index
        %swap3A_101 = tpu.vector_load %arg9[%swap3A_99, %swap3A_100] {strides = array<i32>} : memref<128x128xf32, #tpu.memory_space<vmem>>, vector<1x16xf32>,
        %swap3A_102 = vector.shape_cast %swap3A_101 : vector<1x16xf32> to vector<16xf32>
        %swap3A_103 = vector.shape_cast %add3A_98 : vector<16xf32> to vector<1x16xf32>
        tpu.vector_store %arg9[%swap3A_99, %swap3A_100], %swap3A_103 {strides = array<i32>} : memref<128x128xf32, #tpu.memory_space<vmem>>, vector<1x16xf32>,
        %get3A_104 = arith.index_cast %scan3A_48 : i32 to index
        %get3A_105 = arith.constant 64 : index
        %get3A_106 = tpu.vector_load %arg9[%get3A_104, %get3A_105] {strides = array<i32>} : memref<128x128xf32, #tpu.memory_space<vmem>>, vector<1x16xf32>,
        %get3A_107 = vector.shape_cast %get3A_106 : vector<1x16xf32> to vector<16xf32>
        %get3A_108 = arith.index_cast %scan3A_48 : i32 to index
        %get3A_109 = arith.constant 64 : index
        %get3A_110 = tpu.vector_load %arg10[%get3A_108, %get3A_109] {strides = array<i32>} : memref<128x128xf32, #tpu.memory_space<vmem>>, vector<1x16xf32>,
        %get3A_111 = vector.shape_cast %get3A_110 : vector<1x16xf32> to vector<16xf32>
        %add3A_112 = arith.addf %get3A_107, %get3A_111 : vector<16xf32>
        %swap3A_113 = arith.index_cast %scan3A_48 : i32 to index
        %swap3A_114 = arith.constant 64 : index
        %swap3A_115 = tpu.vector_load %arg9[%swap3A_113, %swap3A_114] {strides = array<i32>} : memref<128x128xf32, #tpu.memory_space<vmem>>, vector<1x16xf32>,
        %swap3A_116 = vector.shape_cast %swap3A_115 : vector<1x16xf32> to vector<16xf32>
        %swap3A_117 = vector.shape_cast %add3A_112 : vector<16xf32> to vector<1x16xf32>
        tpu.vector_store %arg9[%swap3A_113, %swap3A_114], %swap3A_117 {strides = array<i32>} : memref<128x128xf32, #tpu.memory_space<vmem>>, vector<1x16xf32>,
        %get3A_118 = arith.index_cast %scan3A_48 : i32 to index
        %get3A_119 = arith.constant 80 : index
        %get3A_120 = tpu.vector_load %arg9[%get3A_118, %get3A_119] {strides = array<i32>} : memref<128x128xf32, #tpu.memory_space<vmem>>, vector<1x16xf32>,
        %get3A_121 = vector.shape_cast %get3A_120 : vector<1x16xf32> to vector<16xf32>
        %get3A_122 = arith.index_cast %scan3A_48 : i32 to index
        %get3A_123 = arith.constant 80 : index
        %get3A_124 = tpu.vector_load %arg10[%get3A_122, %get3A_123] {strides = array<i32>} : memref<128x128xf32, #tpu.memory_space<vmem>>, vector<1x16xf32>,
        %get3A_125 = vector.shape_cast %get3A_124 : vector<1x16xf32> to vector<16xf32>
        %add3A_126 = arith.addf %get3A_121, %get3A_125 : vector<16xf32>
        %swap3A_127 = arith.index_cast %scan3A_48 : i32 to index
        %swap3A_128 = arith.constant 80 : index
        %swap3A_129 = tpu.vector_load %arg9[%swap3A_127, %swap3A_128] {strides = array<i32>} : memref<128x128xf32, #tpu.memory_space<vmem>>, vector<1x16xf32>,
        %swap3A_130 = vector.shape_cast %swap3A_129 : vector<1x16xf32> to vector<16xf32>
        %swap3A_131 = vector.shape_cast %add3A_126 : vector<16xf32> to vector<1x16xf32>
        tpu.vector_store %arg9[%swap3A_127, %swap3A_128], %swap3A_131 {strides = array<i32>} : memref<128x128xf32, #tpu.memory_space<vmem>>, vector<1x16xf32>,
        %get3A_132 = arith.index_cast %scan3A_48 : i32 to index
        %get3A_133 = arith.constant 96 : index
        %get3A_134 = tpu.vector_load %arg9[%get3A_132, %get3A_133] {strides = array<i32>} : memref<128x128xf32, #tpu.memory_space<vmem>>, vector<1x16xf32>,
        %get3A_135 = vector.shape_cast %get3A_134 : vector<1x16xf32> to vector<16xf32>
        %get3A_136 = arith.index_cast %scan3A_48 : i32 to index
        %get3A_137 = arith.constant 96 : index
        %get3A_138 = tpu.vector_load %arg10[%get3A_136, %get3A_137] {strides = array<i32>} : memref<128x128xf32, #tpu.memory_space<vmem>>, vector<1x16xf32>,
        %get3A_139 = vector.shape_cast %get3A_138 : vector<1x16xf32> to vector<16xf32>
        %add3A_140 = arith.addf %get3A_135, %get3A_139 : vector<16xf32>
        %swap3A_141 = arith.index_cast %scan3A_48 : i32 to index
        %swap3A_142 = arith.constant 96 : index
        %swap3A_143 = tpu.vector_load %arg9[%swap3A_141, %swap3A_142] {strides = array<i32>} : memref<128x128xf32, #tpu.memory_space<vmem>>, vector<1x16xf32>,
        %swap3A_144 = vector.shape_cast %swap3A_143 : vector<1x16xf32> to vector<16xf32>
        %swap3A_145 = vector.shape_cast %add3A_140 : vector<16xf32> to vector<1x16xf32>
        tpu.vector_store %arg9[%swap3A_141, %swap3A_142], %swap3A_145 {strides = array<i32>} : memref<128x128xf32, #tpu.memory_space<vmem>>, vector<1x16xf32>,
        %get3A_146 = arith.index_cast %scan3A_48 : i32 to index
        %get3A_147 = arith.constant 112 : index
        %get3A_148 = tpu.vector_load %arg9[%get3A_146, %get3A_147] {strides = array<i32>} : memref<128x128xf32, #tpu.memory_space<vmem>>, vector<1x16xf32>,
        %get3A_149 = vector.shape_cast %get3A_148 : vector<1x16xf32> to vector<16xf32>
        %get3A_150 = arith.index_cast %scan3A_48 : i32 to index
        %get3A_151 = arith.constant 112 : index
        %get3A_152 = tpu.vector_load %arg10[%get3A_150, %get3A_151] {strides = array<i32>} : memref<128x128xf32, #tpu.memory_space<vmem>>, vector<1x16xf32>,
        %get3A_153 = vector.shape_cast %get3A_152 : vector<1x16xf32> to vector<16xf32>
        %add3A_154 = arith.addf %get3A_149, %get3A_153 : vector<16xf32>
        %swap3A_155 = arith.index_cast %scan3A_48 : i32 to index
        %swap3A_156 = arith.constant 112 : index
        %swap3A_157 = tpu.vector_load %arg9[%swap3A_155, %swap3A_156] {strides = array<i32>} : memref<128x128xf32, #tpu.memory_space<vmem>>, vector<1x16xf32>,
        %swap3A_158 = vector.shape_cast %swap3A_157 : vector<1x16xf32> to vector<16xf32>
        %swap3A_159 = vector.shape_cast %add3A_154 : vector<16xf32> to vector<1x16xf32>
        tpu.vector_store %arg9[%swap3A_155, %swap3A_156], %swap3A_159 {strides = array<i32>} : memref<128x128xf32, #tpu.memory_space<vmem>>, vector<1x16xf32>,
        %scan3A_160 = arith.constant 0 : i32
        scf.yield %scan3A_160 : i32
      }
      %scan3A_46 = arith.constant 128 : i32
      "tpu.region"() ({
        %run_scoped3A = tpu.sem_alloc : memref<!tpu.dma_semaphore, #tpu.memory_space<semaphore_mem>>
        %dma_start3A_48 = arith.constant 0 : i32
        %dma_start3A_49 = tpu.memref_slice %arg6[%add3A_17, %dma_start3A_48] : memref<327680x128xf32, #tpu.memory_space<hbm>> -> memref<128x128xf32, #tpu.memory_space<hbm>>
        %dma_start3A_50 = arith.constant 0 : i32
        %dma_start3A_51 = tpu.memref_slice %arg6[%add3A_17, %dma_start3A_50] : memref<327680x128xf32, #tpu.memory_space<hbm>> -> memref<128x128xf32, #tpu.memory_space<hbm>>
        tpu.enqueue_dma source(%arg9 : memref<128x128xf32, #tpu.memory_space<vmem>>) target(%dma_start3A_51 : memref<128x128xf32, #tpu.memory_space<hbm>>) target_semaphore(%run_scoped3A : memref<!tpu.dma_semaphore, #tpu.memory_space<semaphore_mem>>)
        %dma_wait3A_52 = arith.constant 0 : i32
        %dma_wait3A_53 = tpu.memref_slice %arg6[%add3A_17, %dma_wait3A_52] : memref<327680x128xf32, #tpu.memory_space<hbm>> -> memref<128x128xf32, #tpu.memory_space<hbm>>
        %dma_wait3A_54 = arith.constant 0 : i32
        %dma_wait3A_55 = tpu.memref_slice %arg6[%add3A_17, %dma_wait3A_54] : memref<327680x128xf32, #tpu.memory_space<hbm>> -> memref<128x128xf32, #tpu.memory_space<hbm>>
        tpu.wait_dma2 semaphore(%run_scoped3A : memref<!tpu.dma_semaphore, #tpu.memory_space<semaphore_mem>>) src(%arg9 : memref<128x128xf32, #tpu.memory_space<vmem>>) dst(%dma_wait3A_55 : memref<128x128xf32, #tpu.memory_space<hbm>>)
        tpu.yield
      }) : () -> ()
      %scan3A_47 = arith.constant 0 : i32
      scf.yield %scan3A_47 : i32
    }
    %scan3A_10 = arith.constant 80 : i32
    return
  }
}

#map = affine_map<(d0, d1) -> (0, 0)>
#map1 = affine_map<(d0, d1) -> (0, 0, 0)>
module attributes {stable_mosaic.version = 14 : i64} {
  func.func @k(%arg0: i32, %arg1: i32, %arg2: memref<327680x128xf32, #tpu.memory_space<hbm>>, %arg3: memref<2560x128xi32, #tpu.memory_space<hbm>>, %arg4: memref<2x10240x128xf32, #tpu.memory_space<hbm>>, %arg5: memref<128x128xf32, #tpu.memory_space<vmem>>, %arg6: memref<80x128xi32, #tpu.memory_space<vmem>>, %arg7: memref<128x128xf32, #tpu.memory_space<vmem>>, %arg8: memref<10240x128xf32, #tpu.memory_space<vmem_shared>>) attributes {dimension_semantics = [#tpu.dimension_semantics<core_parallel>, #tpu.dimension_semantics<subcore_parallel>], iteration_bounds = array<i64: 2, 16>, scalar_prefetch = 0 : i64, scratch_operands = 4 : i64, tpu.core_type = #tpu.core_type<sc_vector_subcore>, window_params = [{transform_indices = #map}, {transform_indices = #map}, {transform_indices = #map1}]} {
    %mul3A = arith.constant 2 : i32
    %mul3A_0 = arith.muli %arg1, %mul3A : i32
    %add3A = arith.addi %mul3A_0, %arg0 : i32
    %scan3A = arith.constant 0 : i32
    %scan3A_1 = arith.constant 0 : i32
    %scan3A_2 = arith.constant 128 : i32
    %scan3A_3 = arith.addi %scan3A_1, %scan3A_2 : i32
    %scan3A_4 = arith.constant 1 : i32
    %scan3A_5 = scf.for %scan3A_41 = %scan3A_1 to %scan3A_3 step %scan3A_4 iter_args(%scan3A_42 = %scan3A) -> (i32)  : i32 {
      %broadcast_in_dim3A = arith.constant 0.000000e+00 : f32
      %broadcast_in_dim3A_43 = vector.broadcast %broadcast_in_dim3A : f32 to vector<16xf32>
      %swap3A = arith.index_cast %scan3A_41 : i32 to index
      %swap3A_44 = arith.constant 0 : index
      %swap3A_45 = tpu.vector_load %arg7[%swap3A, %swap3A_44] {strides = array<i32>} : memref<128x128xf32, #tpu.memory_space<vmem>>, vector<1x16xf32>,
      %swap3A_46 = vector.shape_cast %swap3A_45 : vector<1x16xf32> to vector<16xf32>
      %swap3A_47 = vector.shape_cast %broadcast_in_dim3A_43 : vector<16xf32> to vector<1x16xf32>
      tpu.vector_store %arg7[%swap3A, %swap3A_44], %swap3A_47 {strides = array<i32>} : memref<128x128xf32, #tpu.memory_space<vmem>>, vector<1x16xf32>,
      %broadcast_in_dim3A_48 = arith.constant 0.000000e+00 : f32
      %broadcast_in_dim3A_49 = vector.broadcast %broadcast_in_dim3A_48 : f32 to vector<16xf32>
      %swap3A_50 = arith.index_cast %scan3A_41 : i32 to index
      %swap3A_51 = arith.constant 16 : index
      %swap3A_52 = tpu.vector_load %arg7[%swap3A_50, %swap3A_51] {strides = array<i32>} : memref<128x128xf32, #tpu.memory_space<vmem>>, vector<1x16xf32>,
      %swap3A_53 = vector.shape_cast %swap3A_52 : vector<1x16xf32> to vector<16xf32>
      %swap3A_54 = vector.shape_cast %broadcast_in_dim3A_49 : vector<16xf32> to vector<1x16xf32>
      tpu.vector_store %arg7[%swap3A_50, %swap3A_51], %swap3A_54 {strides = array<i32>} : memref<128x128xf32, #tpu.memory_space<vmem>>, vector<1x16xf32>,
      %broadcast_in_dim3A_55 = arith.constant 0.000000e+00 : f32
      %broadcast_in_dim3A_56 = vector.broadcast %broadcast_in_dim3A_55 : f32 to vector<16xf32>
      %swap3A_57 = arith.index_cast %scan3A_41 : i32 to index
      %swap3A_58 = arith.constant 32 : index
      %swap3A_59 = tpu.vector_load %arg7[%swap3A_57, %swap3A_58] {strides = array<i32>} : memref<128x128xf32, #tpu.memory_space<vmem>>, vector<1x16xf32>,
      %swap3A_60 = vector.shape_cast %swap3A_59 : vector<1x16xf32> to vector<16xf32>
      %swap3A_61 = vector.shape_cast %broadcast_in_dim3A_56 : vector<16xf32> to vector<1x16xf32>
      tpu.vector_store %arg7[%swap3A_57, %swap3A_58], %swap3A_61 {strides = array<i32>} : memref<128x128xf32, #tpu.memory_space<vmem>>, vector<1x16xf32>,
      %broadcast_in_dim3A_62 = arith.constant 0.000000e+00 : f32
      %broadcast_in_dim3A_63 = vector.broadcast %broadcast_in_dim3A_62 : f32 to vector<16xf32>
      %swap3A_64 = arith.index_cast %scan3A_41 : i32 to index
      %swap3A_65 = arith.constant 48 : index
      %swap3A_66 = tpu.vector_load %arg7[%swap3A_64, %swap3A_65] {strides = array<i32>} : memref<128x128xf32, #tpu.memory_space<vmem>>, vector<1x16xf32>,
      %swap3A_67 = vector.shape_cast %swap3A_66 : vector<1x16xf32> to vector<16xf32>
      %swap3A_68 = vector.shape_cast %broadcast_in_dim3A_63 : vector<16xf32> to vector<1x16xf32>
      tpu.vector_store %arg7[%swap3A_64, %swap3A_65], %swap3A_68 {strides = array<i32>} : memref<128x128xf32, #tpu.memory_space<vmem>>, vector<1x16xf32>,
      %broadcast_in_dim3A_69 = arith.constant 0.000000e+00 : f32
      %broadcast_in_dim3A_70 = vector.broadcast %broadcast_in_dim3A_69 : f32 to vector<16xf32>
      %swap3A_71 = arith.index_cast %scan3A_41 : i32 to index
      %swap3A_72 = arith.constant 64 : index
      %swap3A_73 = tpu.vector_load %arg7[%swap3A_71, %swap3A_72] {strides = array<i32>} : memref<128x128xf32, #tpu.memory_space<vmem>>, vector<1x16xf32>,
      %swap3A_74 = vector.shape_cast %swap3A_73 : vector<1x16xf32> to vector<16xf32>
      %swap3A_75 = vector.shape_cast %broadcast_in_dim3A_70 : vector<16xf32> to vector<1x16xf32>
      tpu.vector_store %arg7[%swap3A_71, %swap3A_72], %swap3A_75 {strides = array<i32>} : memref<128x128xf32, #tpu.memory_space<vmem>>, vector<1x16xf32>,
      %broadcast_in_dim3A_76 = arith.constant 0.000000e+00 : f32
      %broadcast_in_dim3A_77 = vector.broadcast %broadcast_in_dim3A_76 : f32 to vector<16xf32>
      %swap3A_78 = arith.index_cast %scan3A_41 : i32 to index
      %swap3A_79 = arith.constant 80 : index
      %swap3A_80 = tpu.vector_load %arg7[%swap3A_78, %swap3A_79] {strides = array<i32>} : memref<128x128xf32, #tpu.memory_space<vmem>>, vector<1x16xf32>,
      %swap3A_81 = vector.shape_cast %swap3A_80 : vector<1x16xf32> to vector<16xf32>
      %swap3A_82 = vector.shape_cast %broadcast_in_dim3A_77 : vector<16xf32> to vector<1x16xf32>
      tpu.vector_store %arg7[%swap3A_78, %swap3A_79], %swap3A_82 {strides = array<i32>} : memref<128x128xf32, #tpu.memory_space<vmem>>, vector<1x16xf32>,
      %broadcast_in_dim3A_83 = arith.constant 0.000000e+00 : f32
      %broadcast_in_dim3A_84 = vector.broadcast %broadcast_in_dim3A_83 : f32 to vector<16xf32>
      %swap3A_85 = arith.index_cast %scan3A_41 : i32 to index
      %swap3A_86 = arith.constant 96 : index
      %swap3A_87 = tpu.vector_load %arg7[%swap3A_85, %swap3A_86] {strides = array<i32>} : memref<128x128xf32, #tpu.memory_space<vmem>>, vector<1x16xf32>,
      %swap3A_88 = vector.shape_cast %swap3A_87 : vector<1x16xf32> to vector<16xf32>
      %swap3A_89 = vector.shape_cast %broadcast_in_dim3A_84 : vector<16xf32> to vector<1x16xf32>
      tpu.vector_store %arg7[%swap3A_85, %swap3A_86], %swap3A_89 {strides = array<i32>} : memref<128x128xf32, #tpu.memory_space<vmem>>, vector<1x16xf32>,
      %broadcast_in_dim3A_90 = arith.constant 0.000000e+00 : f32
      %broadcast_in_dim3A_91 = vector.broadcast %broadcast_in_dim3A_90 : f32 to vector<16xf32>
      %swap3A_92 = arith.index_cast %scan3A_41 : i32 to index
      %swap3A_93 = arith.constant 112 : index
      %swap3A_94 = tpu.vector_load %arg7[%swap3A_92, %swap3A_93] {strides = array<i32>} : memref<128x128xf32, #tpu.memory_space<vmem>>, vector<1x16xf32>,
      %swap3A_95 = vector.shape_cast %swap3A_94 : vector<1x16xf32> to vector<16xf32>
      %swap3A_96 = vector.shape_cast %broadcast_in_dim3A_91 : vector<16xf32> to vector<1x16xf32>
      tpu.vector_store %arg7[%swap3A_92, %swap3A_93], %swap3A_96 {strides = array<i32>} : memref<128x128xf32, #tpu.memory_space<vmem>>, vector<1x16xf32>,
      %scan3A_97 = arith.constant 0 : i32
      scf.yield %scan3A_97 : i32
    }
    %scan3A_6 = arith.constant 128 : i32
    %mul3A_7 = arith.constant 640 : i32
    %mul3A_8 = arith.muli %arg1, %mul3A_7 : i32
    %add3A_9 = arith.constant 0 : i32
    %add3A_10 = arith.addi %mul3A_8, %add3A_9 : i32
    "tpu.region"() ({
      %run_scoped3A = tpu.sem_alloc : memref<!tpu.dma_semaphore, #tpu.memory_space<semaphore_mem>>
      %dma_start3A = arith.constant 0 : i32
      %dma_start3A_41 = tpu.memref_slice %arg8[%add3A_10, %dma_start3A] : memref<10240x128xf32, #tpu.memory_space<vmem_shared>> -> memref<128x128xf32, #tpu.memory_space<vmem_shared>>
      %dma_start3A_42 = arith.constant 0 : i32
      %dma_start3A_43 = tpu.memref_slice %arg8[%add3A_10, %dma_start3A_42] : memref<10240x128xf32, #tpu.memory_space<vmem_shared>> -> memref<128x128xf32, #tpu.memory_space<vmem_shared>>
      tpu.enqueue_dma source(%arg7 : memref<128x128xf32, #tpu.memory_space<vmem>>) target(%dma_start3A_43 : memref<128x128xf32, #tpu.memory_space<vmem_shared>>) target_semaphore(%run_scoped3A : memref<!tpu.dma_semaphore, #tpu.memory_space<semaphore_mem>>)
      %dma_wait3A = arith.constant 0 : i32
      %dma_wait3A_44 = tpu.memref_slice %arg8[%add3A_10, %dma_wait3A] : memref<10240x128xf32, #tpu.memory_space<vmem_shared>> -> memref<128x128xf32, #tpu.memory_space<vmem_shared>>
      %dma_wait3A_45 = arith.constant 0 : i32
      %dma_wait3A_46 = tpu.memref_slice %arg8[%add3A_10, %dma_wait3A_45] : memref<10240x128xf32, #tpu.memory_space<vmem_shared>> -> memref<128x128xf32, #tpu.memory_space<vmem_shared>>
      tpu.wait_dma2 semaphore(%run_scoped3A : memref<!tpu.dma_semaphore, #tpu.memory_space<semaphore_mem>>) src(%arg7 : memref<128x128xf32, #tpu.memory_space<vmem>>) dst(%dma_wait3A_46 : memref<128x128xf32, #tpu.memory_space<vmem_shared>>)
      tpu.yield
    }) : () -> ()
    %mul3A_11 = arith.constant 640 : i32
    %mul3A_12 = arith.muli %arg1, %mul3A_11 : i32
    %add3A_13 = arith.constant 128 : i32
    %add3A_14 = arith.addi %mul3A_12, %add3A_13 : i32
    "tpu.region"() ({
      %run_scoped3A = tpu.sem_alloc : memref<!tpu.dma_semaphore, #tpu.memory_space<semaphore_mem>>
      %dma_start3A = arith.constant 0 : i32
      %dma_start3A_41 = tpu.memref_slice %arg8[%add3A_14, %dma_start3A] : memref<10240x128xf32, #tpu.memory_space<vmem_shared>> -> memref<128x128xf32, #tpu.memory_space<vmem_shared>>
      %dma_start3A_42 = arith.constant 0 : i32
      %dma_start3A_43 = tpu.memref_slice %arg8[%add3A_14, %dma_start3A_42] : memref<10240x128xf32, #tpu.memory_space<vmem_shared>> -> memref<128x128xf32, #tpu.memory_space<vmem_shared>>
      tpu.enqueue_dma source(%arg7 : memref<128x128xf32, #tpu.memory_space<vmem>>) target(%dma_start3A_43 : memref<128x128xf32, #tpu.memory_space<vmem_shared>>) target_semaphore(%run_scoped3A : memref<!tpu.dma_semaphore, #tpu.memory_space<semaphore_mem>>)
      %dma_wait3A = arith.constant 0 : i32
      %dma_wait3A_44 = tpu.memref_slice %arg8[%add3A_14, %dma_wait3A] : memref<10240x128xf32, #tpu.memory_space<vmem_shared>> -> memref<128x128xf32, #tpu.memory_space<vmem_shared>>
      %dma_wait3A_45 = arith.constant 0 : i32
      %dma_wait3A_46 = tpu.memref_slice %arg8[%add3A_14, %dma_wait3A_45] : memref<10240x128xf32, #tpu.memory_space<vmem_shared>> -> memref<128x128xf32, #tpu.memory_space<vmem_shared>>
      tpu.wait_dma2 semaphore(%run_scoped3A : memref<!tpu.dma_semaphore, #tpu.memory_space<semaphore_mem>>) src(%arg7 : memref<128x128xf32, #tpu.memory_space<vmem>>) dst(%dma_wait3A_46 : memref<128x128xf32, #tpu.memory_space<vmem_shared>>)
      tpu.yield
    }) : () -> ()
    %mul3A_15 = arith.constant 640 : i32
    %mul3A_16 = arith.muli %arg1, %mul3A_15 : i32
    %add3A_17 = arith.constant 256 : i32
    %add3A_18 = arith.addi %mul3A_16, %add3A_17 : i32
    "tpu.region"() ({
      %run_scoped3A = tpu.sem_alloc : memref<!tpu.dma_semaphore, #tpu.memory_space<semaphore_mem>>
      %dma_start3A = arith.constant 0 : i32
      %dma_start3A_41 = tpu.memref_slice %arg8[%add3A_18, %dma_start3A] : memref<10240x128xf32, #tpu.memory_space<vmem_shared>> -> memref<128x128xf32, #tpu.memory_space<vmem_shared>>
      %dma_start3A_42 = arith.constant 0 : i32
      %dma_start3A_43 = tpu.memref_slice %arg8[%add3A_18, %dma_start3A_42] : memref<10240x128xf32, #tpu.memory_space<vmem_shared>> -> memref<128x128xf32, #tpu.memory_space<vmem_shared>>
      tpu.enqueue_dma source(%arg7 : memref<128x128xf32, #tpu.memory_space<vmem>>) target(%dma_start3A_43 : memref<128x128xf32, #tpu.memory_space<vmem_shared>>) target_semaphore(%run_scoped3A : memref<!tpu.dma_semaphore, #tpu.memory_space<semaphore_mem>>)
      %dma_wait3A = arith.constant 0 : i32
      %dma_wait3A_44 = tpu.memref_slice %arg8[%add3A_18, %dma_wait3A] : memref<10240x128xf32, #tpu.memory_space<vmem_shared>> -> memref<128x128xf32, #tpu.memory_space<vmem_shared>>
      %dma_wait3A_45 = arith.constant 0 : i32
      %dma_wait3A_46 = tpu.memref_slice %arg8[%add3A_18, %dma_wait3A_45] : memref<10240x128xf32, #tpu.memory_space<vmem_shared>> -> memref<128x128xf32, #tpu.memory_space<vmem_shared>>
      tpu.wait_dma2 semaphore(%run_scoped3A : memref<!tpu.dma_semaphore, #tpu.memory_space<semaphore_mem>>) src(%arg7 : memref<128x128xf32, #tpu.memory_space<vmem>>) dst(%dma_wait3A_46 : memref<128x128xf32, #tpu.memory_space<vmem_shared>>)
      tpu.yield
    }) : () -> ()
    %mul3A_19 = arith.constant 640 : i32
    %mul3A_20 = arith.muli %arg1, %mul3A_19 : i32
    %add3A_21 = arith.constant 384 : i32
    %add3A_22 = arith.addi %mul3A_20, %add3A_21 : i32
    "tpu.region"() ({
      %run_scoped3A = tpu.sem_alloc : memref<!tpu.dma_semaphore, #tpu.memory_space<semaphore_mem>>
      %dma_start3A = arith.constant 0 : i32
      %dma_start3A_41 = tpu.memref_slice %arg8[%add3A_22, %dma_start3A] : memref<10240x128xf32, #tpu.memory_space<vmem_shared>> -> memref<128x128xf32, #tpu.memory_space<vmem_shared>>
      %dma_start3A_42 = arith.constant 0 : i32
      %dma_start3A_43 = tpu.memref_slice %arg8[%add3A_22, %dma_start3A_42] : memref<10240x128xf32, #tpu.memory_space<vmem_shared>> -> memref<128x128xf32, #tpu.memory_space<vmem_shared>>
      tpu.enqueue_dma source(%arg7 : memref<128x128xf32, #tpu.memory_space<vmem>>) target(%dma_start3A_43 : memref<128x128xf32, #tpu.memory_space<vmem_shared>>) target_semaphore(%run_scoped3A : memref<!tpu.dma_semaphore, #tpu.memory_space<semaphore_mem>>)
      %dma_wait3A = arith.constant 0 : i32
      %dma_wait3A_44 = tpu.memref_slice %arg8[%add3A_22, %dma_wait3A] : memref<10240x128xf32, #tpu.memory_space<vmem_shared>> -> memref<128x128xf32, #tpu.memory_space<vmem_shared>>
      %dma_wait3A_45 = arith.constant 0 : i32
      %dma_wait3A_46 = tpu.memref_slice %arg8[%add3A_22, %dma_wait3A_45] : memref<10240x128xf32, #tpu.memory_space<vmem_shared>> -> memref<128x128xf32, #tpu.memory_space<vmem_shared>>
      tpu.wait_dma2 semaphore(%run_scoped3A : memref<!tpu.dma_semaphore, #tpu.memory_space<semaphore_mem>>) src(%arg7 : memref<128x128xf32, #tpu.memory_space<vmem>>) dst(%dma_wait3A_46 : memref<128x128xf32, #tpu.memory_space<vmem_shared>>)
      tpu.yield
    }) : () -> ()
    %mul3A_23 = arith.constant 640 : i32
    %mul3A_24 = arith.muli %arg1, %mul3A_23 : i32
    %add3A_25 = arith.constant 512 : i32
    %add3A_26 = arith.addi %mul3A_24, %add3A_25 : i32
    "tpu.region"() ({
      %run_scoped3A = tpu.sem_alloc : memref<!tpu.dma_semaphore, #tpu.memory_space<semaphore_mem>>
      %dma_start3A = arith.constant 0 : i32
      %dma_start3A_41 = tpu.memref_slice %arg8[%add3A_26, %dma_start3A] : memref<10240x128xf32, #tpu.memory_space<vmem_shared>> -> memref<128x128xf32, #tpu.memory_space<vmem_shared>>
      %dma_start3A_42 = arith.constant 0 : i32
      %dma_start3A_43 = tpu.memref_slice %arg8[%add3A_26, %dma_start3A_42] : memref<10240x128xf32, #tpu.memory_space<vmem_shared>> -> memref<128x128xf32, #tpu.memory_space<vmem_shared>>
      tpu.enqueue_dma source(%arg7 : memref<128x128xf32, #tpu.memory_space<vmem>>) target(%dma_start3A_43 : memref<128x128xf32, #tpu.memory_space<vmem_shared>>) target_semaphore(%run_scoped3A : memref<!tpu.dma_semaphore, #tpu.memory_space<semaphore_mem>>)
      %dma_wait3A = arith.constant 0 : i32
      %dma_wait3A_44 = tpu.memref_slice %arg8[%add3A_26, %dma_wait3A] : memref<10240x128xf32, #tpu.memory_space<vmem_shared>> -> memref<128x128xf32, #tpu.memory_space<vmem_shared>>
      %dma_wait3A_45 = arith.constant 0 : i32
      %dma_wait3A_46 = tpu.memref_slice %arg8[%add3A_26, %dma_wait3A_45] : memref<10240x128xf32, #tpu.memory_space<vmem_shared>> -> memref<128x128xf32, #tpu.memory_space<vmem_shared>>
      tpu.wait_dma2 semaphore(%run_scoped3A : memref<!tpu.dma_semaphore, #tpu.memory_space<semaphore_mem>>) src(%arg7 : memref<128x128xf32, #tpu.memory_space<vmem>>) dst(%dma_wait3A_46 : memref<128x128xf32, #tpu.memory_space<vmem_shared>>)
      tpu.yield
    }) : () -> ()
    %mul3A_27 = arith.constant 80 : i32
    %mul3A_28 = arith.muli %add3A, %mul3A_27 : i32
    "tpu.region"() ({
      %run_scoped3A = tpu.sem_alloc : memref<!tpu.dma_semaphore, #tpu.memory_space<semaphore_mem>>
      %dma_start3A = arith.constant 0 : i32
      %dma_start3A_41 = tpu.memref_slice %arg3[%mul3A_28, %dma_start3A] : memref<2560x128xi32, #tpu.memory_space<hbm>> -> memref<80x128xi32, #tpu.memory_space<hbm>>
      %dma_start3A_42 = arith.constant 0 : i32
      %dma_start3A_43 = tpu.memref_slice %arg3[%mul3A_28, %dma_start3A_42] : memref<2560x128xi32, #tpu.memory_space<hbm>> -> memref<80x128xi32, #tpu.memory_space<hbm>>
      tpu.enqueue_dma source(%dma_start3A_43 : memref<80x128xi32, #tpu.memory_space<hbm>>) target(%arg6 : memref<80x128xi32, #tpu.memory_space<vmem>>) target_semaphore(%run_scoped3A : memref<!tpu.dma_semaphore, #tpu.memory_space<semaphore_mem>>)
      %dma_wait3A = arith.constant 0 : i32
      %dma_wait3A_44 = tpu.memref_slice %arg3[%mul3A_28, %dma_wait3A] : memref<2560x128xi32, #tpu.memory_space<hbm>> -> memref<80x128xi32, #tpu.memory_space<hbm>>
      %dma_wait3A_45 = arith.constant 0 : i32
      %dma_wait3A_46 = tpu.memref_slice %arg3[%mul3A_28, %dma_wait3A_45] : memref<2560x128xi32, #tpu.memory_space<hbm>> -> memref<80x128xi32, #tpu.memory_space<hbm>>
      tpu.wait_dma2 semaphore(%run_scoped3A : memref<!tpu.dma_semaphore, #tpu.memory_space<semaphore_mem>>) src(%dma_wait3A_46 : memref<80x128xi32, #tpu.memory_space<hbm>>) dst(%arg6 : memref<80x128xi32, #tpu.memory_space<vmem>>)
      tpu.yield
    }) : () -> ()
    %barrier3A = arith.constant 0 : index
    tpu.barrier barrier_id(%barrier3A)
    %scan3A_29 = arith.constant 0 : i32
    %scan3A_30 = arith.constant 0 : i32
    %scan3A_31 = arith.constant 80 : i32
    %scan3A_32 = arith.addi %scan3A_30, %scan3A_31 : i32
    %scan3A_33 = arith.constant 1 : i32
    %scan3A_34 = scf.for %scan3A_41 = %scan3A_30 to %scan3A_32 step %scan3A_33 iter_args(%scan3A_42 = %scan3A_29) -> (i32)  : i32 {
      %mul3A_43 = arith.constant 10240 : i32
      %mul3A_44 = arith.muli %add3A, %mul3A_43 : i32
      %mul3A_45 = arith.constant 128 : i32
      %mul3A_46 = arith.muli %scan3A_41, %mul3A_45 : i32
      %add3A_47 = arith.addi %mul3A_44, %mul3A_46 : i32
      "tpu.region"() ({
        %run_scoped3A = tpu.sem_alloc : memref<!tpu.dma_semaphore, #tpu.memory_space<semaphore_mem>>
        %dma_start3A = arith.constant 0 : i32
        %dma_start3A_49 = tpu.memref_slice %arg2[%add3A_47, %dma_start3A] : memref<327680x128xf32, #tpu.memory_space<hbm>> -> memref<128x128xf32, #tpu.memory_space<hbm>>
        %dma_start3A_50 = arith.constant 0 : i32
        %dma_start3A_51 = tpu.memref_slice %arg2[%add3A_47, %dma_start3A_50] : memref<327680x128xf32, #tpu.memory_space<hbm>> -> memref<128x128xf32, #tpu.memory_space<hbm>>
        tpu.enqueue_dma source(%dma_start3A_51 : memref<128x128xf32, #tpu.memory_space<hbm>>) target(%arg5 : memref<128x128xf32, #tpu.memory_space<vmem>>) target_semaphore(%run_scoped3A : memref<!tpu.dma_semaphore, #tpu.memory_space<semaphore_mem>>)
        %dma_wait3A = arith.constant 0 : i32
        %dma_wait3A_52 = tpu.memref_slice %arg2[%add3A_47, %dma_wait3A] : memref<327680x128xf32, #tpu.memory_space<hbm>> -> memref<128x128xf32, #tpu.memory_space<hbm>>
        %dma_wait3A_53 = arith.constant 0 : i32
        %dma_wait3A_54 = tpu.memref_slice %arg2[%add3A_47, %dma_wait3A_53] : memref<327680x128xf32, #tpu.memory_space<hbm>> -> memref<128x128xf32, #tpu.memory_space<hbm>>
        tpu.wait_dma2 semaphore(%run_scoped3A : memref<!tpu.dma_semaphore, #tpu.memory_space<semaphore_mem>>) src(%dma_wait3A_54 : memref<128x128xf32, #tpu.memory_space<hbm>>) dst(%arg5 : memref<128x128xf32, #tpu.memory_space<vmem>>)
        tpu.yield
      }) : () -> ()
      "tpu.region"() ({
        %run_scoped3A = tpu.sem_alloc : memref<!tpu.dma_semaphore, #tpu.memory_space<semaphore_mem>>
        %dma_start3A = arith.constant 0 : i32
        %dma_start3A_49 = tpu.memref_slice %arg6[%scan3A_41, %dma_start3A] : memref<80x128xi32, #tpu.memory_space<vmem>> -> memref<1x128xi32, #tpu.memory_space<vmem>>
        %dma_start3A_50 = tpu.memref_squeeze %dma_start3A_49 : memref<1x128xi32, #tpu.memory_space<vmem>> -> memref<128xi32, #tpu.memory_space<vmem>>
        %dma_start3A_51 = arith.constant 0 : i32
        %dma_start3A_52 = arith.constant 0 : i32
        %dma_start3A_53 = tpu.memref_slice %arg8[%dma_start3A_51, %dma_start3A_52] : memref<10240x128xf32, #tpu.memory_space<vmem_shared>> -> memref<10240x128xf32, #tpu.memory_space<vmem_shared>>
        tpu.enqueue_indirect_dma source(%arg5 : memref<128x128xf32, #tpu.memory_space<vmem>>) target(%dma_start3A_53 : memref<10240x128xf32, #tpu.memory_space<vmem_shared>>) offsets(%dma_start3A_50 : memref<128xi32, #tpu.memory_space<vmem>>) semaphore(%run_scoped3A : memref<!tpu.dma_semaphore, #tpu.memory_space<semaphore_mem>>) {add = true}
        %dma_wait3A = arith.constant 0 : i32
        %dma_wait3A_54 = tpu.memref_slice %arg6[%scan3A_41, %dma_wait3A] : memref<80x128xi32, #tpu.memory_space<vmem>> -> memref<1x128xi32, #tpu.memory_space<vmem>>
        %dma_wait3A_55 = tpu.memref_squeeze %dma_wait3A_54 : memref<1x128xi32, #tpu.memory_space<vmem>> -> memref<128xi32, #tpu.memory_space<vmem>>
        %dma_wait3A_56 = arith.constant 0 : i32
        %dma_wait3A_57 = arith.constant 0 : i32
        %dma_wait3A_58 = tpu.memref_slice %arg8[%dma_wait3A_56, %dma_wait3A_57] : memref<10240x128xf32, #tpu.memory_space<vmem_shared>> -> memref<10240x128xf32, #tpu.memory_space<vmem_shared>>
        tpu.wait_indirect_dma semaphore(%run_scoped3A : memref<!tpu.dma_semaphore, #tpu.memory_space<semaphore_mem>>) src(%arg5 : memref<128x128xf32, #tpu.memory_space<vmem>>) dst(%dma_wait3A_58 : memref<10240x128xf32, #tpu.memory_space<vmem_shared>>)
        tpu.yield
      }) : () -> ()
      %scan3A_48 = arith.constant 0 : i32
      scf.yield %scan3A_48 : i32
    }
    %scan3A_35 = arith.constant 80 : i32
    %barrier3A_36 = arith.constant 0 : index
    tpu.barrier barrier_id(%barrier3A_36)
    %mul3A_37 = arith.constant 640 : i32
    %mul3A_38 = arith.muli %arg1, %mul3A_37 : i32
    %mul3A_39 = arith.constant 640 : i32
    %mul3A_40 = arith.muli %arg1, %mul3A_39 : i32
    "tpu.region"() ({
      %run_scoped3A = tpu.sem_alloc : memref<!tpu.dma_semaphore, #tpu.memory_space<semaphore_mem>>
      %dma_start3A = arith.constant 0 : i32
      %dma_start3A_41 = tpu.memref_slice %arg4[%arg0, %mul3A_40, %dma_start3A] : memref<2x10240x128xf32, #tpu.memory_space<hbm>> -> memref<1x640x128xf32, #tpu.memory_space<hbm>>
      %dma_start3A_42 = tpu.memref_squeeze %dma_start3A_41 : memref<1x640x128xf32, #tpu.memory_space<hbm>> -> memref<640x128xf32, #tpu.memory_space<hbm>>
      %dma_start3A_43 = arith.constant 0 : i32
      %dma_start3A_44 = tpu.memref_slice %arg8[%mul3A_38, %dma_start3A_43] : memref<10240x128xf32, #tpu.memory_space<vmem_shared>> -> memref<640x128xf32, #tpu.memory_space<vmem_shared>>
      tpu.enqueue_dma source(%dma_start3A_44 : memref<640x128xf32, #tpu.memory_space<vmem_shared>>) target(%dma_start3A_42 : memref<640x128xf32, #tpu.memory_space<hbm>>) target_semaphore(%run_scoped3A : memref<!tpu.dma_semaphore, #tpu.memory_space<semaphore_mem>>)
      %dma_wait3A = arith.constant 0 : i32
      %dma_wait3A_45 = tpu.memref_slice %arg4[%arg0, %mul3A_40, %dma_wait3A] : memref<2x10240x128xf32, #tpu.memory_space<hbm>> -> memref<1x640x128xf32, #tpu.memory_space<hbm>>
      %dma_wait3A_46 = tpu.memref_squeeze %dma_wait3A_45 : memref<1x640x128xf32, #tpu.memory_space<hbm>> -> memref<640x128xf32, #tpu.memory_space<hbm>>
      %dma_wait3A_47 = arith.constant 0 : i32
      %dma_wait3A_48 = tpu.memref_slice %arg8[%mul3A_38, %dma_wait3A_47] : memref<10240x128xf32, #tpu.memory_space<vmem_shared>> -> memref<640x128xf32, #tpu.memory_space<vmem_shared>>
      tpu.wait_dma2 semaphore(%run_scoped3A : memref<!tpu.dma_semaphore, #tpu.memory_space<semaphore_mem>>) src(%dma_wait3A_48 : memref<640x128xf32, #tpu.memory_space<vmem_shared>>) dst(%dma_wait3A_46 : memref<640x128xf32, #tpu.memory_space<hbm>>)
      tpu.yield
    }) : () -> ()
    return
  }
}

#map = affine_map<(d0, d1) -> (0, 0)>
module attributes {stable_mosaic.version = 14 : i64} {
  func.func @k(%arg0: i32, %arg1: i32, %arg2: memref<2560x128xi32, #tpu.memory_space<hbm>>, %arg3: memref<2560x128xi32, #tpu.memory_space<hbm>>, %arg4: memref<10240x128xf32, #tpu.memory_space<hbm>>, %arg5: memref<327680x16xf32, #tpu.memory_space<hbm>>, %arg6: memref<80x128xi32, #tpu.memory_space<vmem>>, %arg7: memref<80x128xi32, #tpu.memory_space<vmem>>, %arg8: memref<128x128xf32, #tpu.memory_space<vmem>>, %arg9: memref<128x128xf32, #tpu.memory_space<vmem>>, %arg10: memref<128x16xf32, #tpu.memory_space<vmem>>, %arg11: memref<!tpu.dma_semaphore, #tpu.memory_space<semaphore_mem>>) attributes {dimension_semantics = [#tpu.dimension_semantics<core_parallel>, #tpu.dimension_semantics<subcore_parallel>], iteration_bounds = array<i64: 2, 16>, scalar_prefetch = 0 : i64, scratch_operands = 6 : i64, tpu.core_type = #tpu.core_type<sc_vector_subcore>, window_params = [{transform_indices = #map}, {transform_indices = #map}, {transform_indices = #map}, {transform_indices = #map}]} {
    %mul3A = arith.constant 2 : i32
    %mul3A_0 = arith.muli %arg1, %mul3A : i32
    %add3A = arith.addi %mul3A_0, %arg0 : i32
    %mul3A_1 = arith.constant 80 : i32
    %mul3A_2 = arith.muli %add3A, %mul3A_1 : i32
    "tpu.region"() ({
      %run_scoped3A = tpu.sem_alloc : memref<!tpu.dma_semaphore, #tpu.memory_space<semaphore_mem>>
      %dma_start3A = arith.constant 0 : i32
      %dma_start3A_22 = tpu.memref_slice %arg2[%mul3A_2, %dma_start3A] : memref<2560x128xi32, #tpu.memory_space<hbm>> -> memref<80x128xi32, #tpu.memory_space<hbm>>
      %dma_start3A_23 = arith.constant 0 : i32
      %dma_start3A_24 = tpu.memref_slice %arg2[%mul3A_2, %dma_start3A_23] : memref<2560x128xi32, #tpu.memory_space<hbm>> -> memref<80x128xi32, #tpu.memory_space<hbm>>
      tpu.enqueue_dma source(%dma_start3A_24 : memref<80x128xi32, #tpu.memory_space<hbm>>) target(%arg6 : memref<80x128xi32, #tpu.memory_space<vmem>>) target_semaphore(%run_scoped3A : memref<!tpu.dma_semaphore, #tpu.memory_space<semaphore_mem>>)
      %dma_wait3A = arith.constant 0 : i32
      %dma_wait3A_25 = tpu.memref_slice %arg2[%mul3A_2, %dma_wait3A] : memref<2560x128xi32, #tpu.memory_space<hbm>> -> memref<80x128xi32, #tpu.memory_space<hbm>>
      %dma_wait3A_26 = arith.constant 0 : i32
      %dma_wait3A_27 = tpu.memref_slice %arg2[%mul3A_2, %dma_wait3A_26] : memref<2560x128xi32, #tpu.memory_space<hbm>> -> memref<80x128xi32, #tpu.memory_space<hbm>>
      tpu.wait_dma2 semaphore(%run_scoped3A : memref<!tpu.dma_semaphore, #tpu.memory_space<semaphore_mem>>) src(%dma_wait3A_27 : memref<80x128xi32, #tpu.memory_space<hbm>>) dst(%arg6 : memref<80x128xi32, #tpu.memory_space<vmem>>)
      tpu.yield
    }) : () -> ()
    %mul3A_3 = arith.constant 80 : i32
    %mul3A_4 = arith.muli %add3A, %mul3A_3 : i32
    "tpu.region"() ({
      %run_scoped3A = tpu.sem_alloc : memref<!tpu.dma_semaphore, #tpu.memory_space<semaphore_mem>>
      %dma_start3A = arith.constant 0 : i32
      %dma_start3A_22 = tpu.memref_slice %arg3[%mul3A_4, %dma_start3A] : memref<2560x128xi32, #tpu.memory_space<hbm>> -> memref<80x128xi32, #tpu.memory_space<hbm>>
      %dma_start3A_23 = arith.constant 0 : i32
      %dma_start3A_24 = tpu.memref_slice %arg3[%mul3A_4, %dma_start3A_23] : memref<2560x128xi32, #tpu.memory_space<hbm>> -> memref<80x128xi32, #tpu.memory_space<hbm>>
      tpu.enqueue_dma source(%dma_start3A_24 : memref<80x128xi32, #tpu.memory_space<hbm>>) target(%arg7 : memref<80x128xi32, #tpu.memory_space<vmem>>) target_semaphore(%run_scoped3A : memref<!tpu.dma_semaphore, #tpu.memory_space<semaphore_mem>>)
      %dma_wait3A = arith.constant 0 : i32
      %dma_wait3A_25 = tpu.memref_slice %arg3[%mul3A_4, %dma_wait3A] : memref<2560x128xi32, #tpu.memory_space<hbm>> -> memref<80x128xi32, #tpu.memory_space<hbm>>
      %dma_wait3A_26 = arith.constant 0 : i32
      %dma_wait3A_27 = tpu.memref_slice %arg3[%mul3A_4, %dma_wait3A_26] : memref<2560x128xi32, #tpu.memory_space<hbm>> -> memref<80x128xi32, #tpu.memory_space<hbm>>
      tpu.wait_dma2 semaphore(%run_scoped3A : memref<!tpu.dma_semaphore, #tpu.memory_space<semaphore_mem>>) src(%dma_wait3A_27 : memref<80x128xi32, #tpu.memory_space<hbm>>) dst(%arg7 : memref<80x128xi32, #tpu.memory_space<vmem>>)
      tpu.yield
    }) : () -> ()
    %iota3A = tpu.iota {dimensions = array<i32: 0>} : vector<16xi32>
    %lt3A = arith.constant 4 : i32
    %lt3A_5 = vector.broadcast %lt3A : i32 to vector<16xi32>
    %lt3A_6 = arith.cmpi slt, %iota3A, %lt3A_5 : vector<16xi32>
    %jit3A = arith.constant 1.000000e+00 : f32
    %jit3A_7 = arith.constant -1.000000e+00 : f32
    %broadcast_in_dim3A = vector.broadcast %jit3A : f32 to vector<16xf32>
    %broadcast_in_dim3A_8 = vector.broadcast %jit3A_7 : f32 to vector<16xf32>
    %select_n3A = arith.select %lt3A_6, %broadcast_in_dim3A, %broadcast_in_dim3A_8 : vector<16xi1>, vector<16xf32>
    %eq3A = arith.constant 7 : i32
    %eq3A_9 = vector.broadcast %eq3A : i32 to vector<16xi32>
    %eq3A_10 = arith.cmpi eq, %iota3A, %eq3A_9 : vector<16xi32>
    %jit3A_11 = arith.constant 1.000000e+00 : f32
    %jit3A_12 = arith.constant 0.000000e+00 : f32
    %broadcast_in_dim3A_13 = vector.broadcast %jit3A_11 : f32 to vector<16xf32>
    %broadcast_in_dim3A_14 = vector.broadcast %jit3A_12 : f32 to vector<16xf32>
    %select_n3A_15 = arith.select %eq3A_10, %broadcast_in_dim3A_13, %broadcast_in_dim3A_14 : vector<16xi1>, vector<16xf32>
    %scan3A = arith.constant 0 : i32
    %scan3A_16 = arith.constant 0 : i32
    %scan3A_17 = arith.constant 80 : i32
    %scan3A_18 = arith.addi %scan3A_16, %scan3A_17 : i32
    %scan3A_19 = arith.constant 1 : i32
    %scan3A_20 = scf.for %scan3A_22 = %scan3A_16 to %scan3A_18 step %scan3A_19 iter_args(%scan3A_23 = %scan3A) -> (i32)  : i32 {
      %mul3A_24 = arith.constant 10240 : i32
      %mul3A_25 = arith.muli %add3A, %mul3A_24 : i32
      %mul3A_26 = arith.constant 128 : i32
      %mul3A_27 = arith.muli %scan3A_22, %mul3A_26 : i32
      %add3A_28 = arith.addi %mul3A_25, %mul3A_27 : i32
      %dma_start3A = arith.constant 0 : i32
      %dma_start3A_29 = tpu.memref_slice %arg6[%scan3A_22, %dma_start3A] : memref<80x128xi32, #tpu.memory_space<vmem>> -> memref<1x128xi32, #tpu.memory_space<vmem>>
      %dma_start3A_30 = tpu.memref_squeeze %dma_start3A_29 : memref<1x128xi32, #tpu.memory_space<vmem>> -> memref<128xi32, #tpu.memory_space<vmem>>
      %dma_start3A_31 = arith.constant 0 : i32
      %dma_start3A_32 = arith.constant 0 : i32
      %dma_start3A_33 = tpu.memref_slice %arg4[%dma_start3A_31, %dma_start3A_32] : memref<10240x128xf32, #tpu.memory_space<hbm>> -> memref<10240x128xf32, #tpu.memory_space<hbm>>
      tpu.enqueue_indirect_dma source(%dma_start3A_33 : memref<10240x128xf32, #tpu.memory_space<hbm>>) target(%arg8 : memref<128x128xf32, #tpu.memory_space<vmem>>) offsets(%dma_start3A_30 : memref<128xi32, #tpu.memory_space<vmem>>) semaphore(%arg11 : memref<!tpu.dma_semaphore, #tpu.memory_space<semaphore_mem>>)
      %dma_start3A_34 = arith.constant 0 : i32
      %dma_start3A_35 = tpu.memref_slice %arg7[%scan3A_22, %dma_start3A_34] : memref<80x128xi32, #tpu.memory_space<vmem>> -> memref<1x128xi32, #tpu.memory_space<vmem>>
      %dma_start3A_36 = tpu.memref_squeeze %dma_start3A_35 : memref<1x128xi32, #tpu.memory_space<vmem>> -> memref<128xi32, #tpu.memory_space<vmem>>
      %dma_start3A_37 = arith.constant 0 : i32
      %dma_start3A_38 = arith.constant 0 : i32
      %dma_start3A_39 = tpu.memref_slice %arg4[%dma_start3A_37, %dma_start3A_38] : memref<10240x128xf32, #tpu.memory_space<hbm>> -> memref<10240x128xf32, #tpu.memory_space<hbm>>
      tpu.enqueue_indirect_dma source(%dma_start3A_39 : memref<10240x128xf32, #tpu.memory_space<hbm>>) target(%arg9 : memref<128x128xf32, #tpu.memory_space<vmem>>) offsets(%dma_start3A_36 : memref<128xi32, #tpu.memory_space<vmem>>) semaphore(%arg11 : memref<!tpu.dma_semaphore, #tpu.memory_space<semaphore_mem>>)
      %dma_wait3A = arith.constant 0 : i32
      %dma_wait3A_40 = tpu.memref_slice %arg6[%scan3A_22, %dma_wait3A] : memref<80x128xi32, #tpu.memory_space<vmem>> -> memref<1x128xi32, #tpu.memory_space<vmem>>
      %dma_wait3A_41 = tpu.memref_squeeze %dma_wait3A_40 : memref<1x128xi32, #tpu.memory_space<vmem>> -> memref<128xi32, #tpu.memory_space<vmem>>
      %dma_wait3A_42 = arith.constant 0 : i32
      %dma_wait3A_43 = arith.constant 0 : i32
      %dma_wait3A_44 = tpu.memref_slice %arg4[%dma_wait3A_42, %dma_wait3A_43] : memref<10240x128xf32, #tpu.memory_space<hbm>> -> memref<10240x128xf32, #tpu.memory_space<hbm>>
      tpu.wait_indirect_dma semaphore(%arg11 : memref<!tpu.dma_semaphore, #tpu.memory_space<semaphore_mem>>) src(%dma_wait3A_44 : memref<10240x128xf32, #tpu.memory_space<hbm>>) dst(%arg8 : memref<128x128xf32, #tpu.memory_space<vmem>>)
      %dma_wait3A_45 = arith.constant 0 : i32
      %dma_wait3A_46 = tpu.memref_slice %arg7[%scan3A_22, %dma_wait3A_45] : memref<80x128xi32, #tpu.memory_space<vmem>> -> memref<1x128xi32, #tpu.memory_space<vmem>>
      %dma_wait3A_47 = tpu.memref_squeeze %dma_wait3A_46 : memref<1x128xi32, #tpu.memory_space<vmem>> -> memref<128xi32, #tpu.memory_space<vmem>>
      %dma_wait3A_48 = arith.constant 0 : i32
      %dma_wait3A_49 = arith.constant 0 : i32
      %dma_wait3A_50 = tpu.memref_slice %arg4[%dma_wait3A_48, %dma_wait3A_49] : memref<10240x128xf32, #tpu.memory_space<hbm>> -> memref<10240x128xf32, #tpu.memory_space<hbm>>
      tpu.wait_indirect_dma semaphore(%arg11 : memref<!tpu.dma_semaphore, #tpu.memory_space<semaphore_mem>>) src(%dma_wait3A_50 : memref<10240x128xf32, #tpu.memory_space<hbm>>) dst(%arg9 : memref<128x128xf32, #tpu.memory_space<vmem>>)
      %scan3A_51 = arith.constant 0 : i32
      %scan3A_52 = arith.constant 0 : i32
      %scan3A_53 = arith.constant 128 : i32
      %scan3A_54 = arith.addi %scan3A_52, %scan3A_53 : i32
      %scan3A_55 = arith.constant 1 : i32
      %scan3A_56 = scf.for %scan3A_59 = %scan3A_52 to %scan3A_54 step %scan3A_55 iter_args(%scan3A_60 = %scan3A_51) -> (i32)  : i32 {
        %mul3A_61 = arith.constant 128 : i32
        %mul3A_62 = arith.muli %scan3A_22, %mul3A_61 : i32
        %add3A_63 = arith.addi %mul3A_62, %scan3A_59 : i32
        %lt3A_64 = arith.constant 10000 : i32
        %lt3A_65 = arith.cmpi slt, %add3A_63, %lt3A_64 : i32
        %jit3A_66 = arith.constant 1.000000e+00 : f32
        %jit3A_67 = arith.constant 0.000000e+00 : f32
        %select_n3A_68 = arith.select %lt3A_65, %jit3A_66, %jit3A_67 : f32
        %get3A = arith.index_cast %scan3A_59 : i32 to index
        %get3A_69 = arith.constant 0 : index
        %get3A_70 = tpu.vector_load %arg8[%get3A, %get3A_69] {strides = array<i32>} : memref<128x128xf32, #tpu.memory_space<vmem>>, vector<1x16xf32>,
        %get3A_71 = vector.shape_cast %get3A_70 : vector<1x16xf32> to vector<16xf32>
        %get3A_72 = arith.index_cast %scan3A_59 : i32 to index
        %get3A_73 = arith.constant 0 : index
        %get3A_74 = tpu.vector_load %arg9[%get3A_72, %get3A_73] {strides = array<i32>} : memref<128x128xf32, #tpu.memory_space<vmem>>, vector<1x16xf32>,
        %get3A_75 = vector.shape_cast %get3A_74 : vector<1x16xf32> to vector<16xf32>
        %mul3A_76 = arith.mulf %get3A_75, %select_n3A : vector<16xf32>
        %add3A_77 = arith.addf %get3A_71, %mul3A_76 : vector<16xf32>
        %add3A_78 = arith.addf %add3A_77, %select_n3A_15 : vector<16xf32>
        %mul3A_79 = vector.broadcast %select_n3A_68 : f32 to vector<16xf32>
        %mul3A_80 = arith.mulf %add3A_78, %mul3A_79 : vector<16xf32>
        %swap3A = arith.index_cast %scan3A_59 : i32 to index
        %swap3A_81 = arith.constant 0 : index
        %swap3A_82 = tpu.vector_load %arg10[%swap3A, %swap3A_81] {strides = array<i32>} : memref<128x16xf32, #tpu.memory_space<vmem>>, vector<1x16xf32>,
        %swap3A_83 = vector.shape_cast %swap3A_82 : vector<1x16xf32> to vector<16xf32>
        %swap3A_84 = vector.shape_cast %mul3A_80 : vector<16xf32> to vector<1x16xf32>
        tpu.vector_store %arg10[%swap3A, %swap3A_81], %swap3A_84 {strides = array<i32>} : memref<128x16xf32, #tpu.memory_space<vmem>>, vector<1x16xf32>,
        %scan3A_85 = arith.constant 0 : i32
        scf.yield %scan3A_85 : i32
      }
      %scan3A_57 = arith.constant 128 : i32
      "tpu.region"() ({
        %run_scoped3A = tpu.sem_alloc : memref<!tpu.dma_semaphore, #tpu.memory_space<semaphore_mem>>
        %dma_start3A_59 = arith.constant 0 : i32
        %dma_start3A_60 = tpu.memref_slice %arg5[%add3A_28, %dma_start3A_59] : memref<327680x16xf32, #tpu.memory_space<hbm>> -> memref<128x16xf32, #tpu.memory_space<hbm>>
        %dma_start3A_61 = arith.constant 0 : i32
        %dma_start3A_62 = tpu.memref_slice %arg5[%add3A_28, %dma_start3A_61] : memref<327680x16xf32, #tpu.memory_space<hbm>> -> memref<128x16xf32, #tpu.memory_space<hbm>>
        tpu.enqueue_dma source(%arg10 : memref<128x16xf32, #tpu.memory_space<vmem>>) target(%dma_start3A_62 : memref<128x16xf32, #tpu.memory_space<hbm>>) target_semaphore(%run_scoped3A : memref<!tpu.dma_semaphore, #tpu.memory_space<semaphore_mem>>)
        %dma_wait3A_63 = arith.constant 0 : i32
        %dma_wait3A_64 = tpu.memref_slice %arg5[%add3A_28, %dma_wait3A_63] : memref<327680x16xf32, #tpu.memory_space<hbm>> -> memref<128x16xf32, #tpu.memory_space<hbm>>
        %dma_wait3A_65 = arith.constant 0 : i32
        %dma_wait3A_66 = tpu.memref_slice %arg5[%add3A_28, %dma_wait3A_65] : memref<327680x16xf32, #tpu.memory_space<hbm>> -> memref<128x16xf32, #tpu.memory_space<hbm>>
        tpu.wait_dma2 semaphore(%run_scoped3A : memref<!tpu.dma_semaphore, #tpu.memory_space<semaphore_mem>>) src(%arg10 : memref<128x16xf32, #tpu.memory_space<vmem>>) dst(%dma_wait3A_66 : memref<128x16xf32, #tpu.memory_space<hbm>>)
        tpu.yield
      }) : () -> ()
      %scan3A_58 = arith.constant 0 : i32
      scf.yield %scan3A_58 : i32
    }
    %scan3A_21 = arith.constant 80 : i32
    return
  }
}

module attributes {stable_mosaic.version = 14 : i64} {
  func.func @body(%arg0: i32, %arg1: memref<1024x4xf32, #tpu.memory_space<vmem>>, %arg2: memref<100x128xf32, #tpu.memory_space<vmem>>, %arg3: memref<128x128xf32, #tpu.memory_space<vmem>>, %arg4: memref<128x128xf32, #tpu.memory_space<vmem>>, %arg5: memref<1024x128xf32, #tpu.memory_space<vmem>>, %arg6: memref<1024x128xf32, #tpu.memory_space<vmem>>, %arg7: memref<1024x128xf32, #tpu.memory_space<vmem>>) attributes {dimension_semantics = [#tpu.dimension_semantics<arbitrary>], iteration_bounds = array<i64: 10>, scalar_prefetch = 0 : i64, scratch_operands = 0 : i64, tpu.core_type = #tpu.core_type<tc>, window_params = [{transform_indices = @transform_0, window_bounds = array<i64: 1024, 4>}, {pipeline_mode = #tpu.pipeline_mode<synchronous>, transform_indices = @transform_1, window_bounds = array<i64: 100, 128>}, {pipeline_mode = #tpu.pipeline_mode<synchronous>, transform_indices = @transform_2, window_bounds = array<i64: 128, 128>}, {pipeline_mode = #tpu.pipeline_mode<synchronous>, transform_indices = @transform_3, window_bounds = array<i64: 128, 128>}, {transform_indices = @transform_4, window_bounds = array<i64: 1024, 128>}, {transform_indices = @transform_5, window_bounds = array<i64: 1024, 128>}, {transform_indices = @transform_6, window_bounds = array<i64: 1024, 128>}]} {
    %get3A = arith.constant 0 : index
    %get3A_0 = arith.constant 0 : index
    %get3A_1 = vector.load %arg1[%get3A, %get3A_0] : memref<1024x4xf32, #tpu.memory_space<vmem>>, vector<1024x1xf32>
    %get3A_2 = vector.shape_cast %get3A_1 : vector<1024x1xf32> to vector<1024xf32>
    %convert_element_type3A = arith.fptosi %get3A_2 : vector<1024xf32> to vector<1024xi32>
    %broadcast_in_dim3A = vector.shape_cast %convert_element_type3A : vector<1024xi32> to vector<1024x1xi32>
    %iota3A = tpu.iota {dimensions = array<i32: 1>} : vector<1024x100xi32>
    %eq3A = vector.broadcast %broadcast_in_dim3A : vector<1024x1xi32> to vector<1024x100xi32>
    %eq3A_3 = arith.cmpi eq, %eq3A, %iota3A : vector<1024x100xi32>
    %convert_element_type3A_4 = arith.extui %eq3A_3 : vector<1024x100xi1> to vector<1024x100xi32>
    %convert_element_type3A_5 = arith.sitofp %convert_element_type3A_4 : vector<1024x100xi32> to vector<1024x100xf32>
    %get3A_6 = arith.constant 0 : index
    %get3A_7 = arith.constant 0 : index
    %get3A_8 = vector.load %arg2[%get3A_6, %get3A_7] : memref<100x128xf32, #tpu.memory_space<vmem>>, vector<100x128xf32>
    %dot_general3A = arith.constant dense<0.000000e+00> : vector<1024x128xf32>
    %dot_general3A_9 = tpu.matmul %convert_element_type3A_5, %get3A_8, %dot_general3A {dimension_numbers = #tpu.dot_dimension_numbers<[1], [0], [0], [1], [0, 0, 1, 1], [], []>, transpose_lhs_hint = false} : vector<1024x100xf32>, vector<100x128xf32>, vector<1024x128xf32> -> vector<1024x128xf32>
    %swap3A = arith.constant 0 : index
    %swap3A_10 = arith.constant 0 : index
    %swap3A_11 = vector.load %arg5[%swap3A, %swap3A_10] : memref<1024x128xf32, #tpu.memory_space<vmem>>, vector<1024x128xf32>
    tpu.vector_store %arg5[%swap3A, %swap3A_10], %dot_general3A_9 {strides = array<i32>} : memref<1024x128xf32, #tpu.memory_space<vmem>>, vector<1024x128xf32>,
    %get3A_12 = arith.constant 0 : index
    %get3A_13 = arith.constant 0 : index
    %get3A_14 = vector.load %arg3[%get3A_12, %get3A_13] : memref<128x128xf32, #tpu.memory_space<vmem>>, vector<128x128xf32>
    %dot_general3A_15 = arith.constant dense<0.000000e+00> : vector<1024x128xf32>
    %dot_general3A_16 = tpu.matmul %dot_general3A_9, %get3A_14, %dot_general3A_15 {dimension_numbers = #tpu.dot_dimension_numbers<[1], [0], [0], [1], [0, 0, 1, 1], [], []>, transpose_lhs_hint = false} : vector<1024x128xf32>, vector<128x128xf32>, vector<1024x128xf32> -> vector<1024x128xf32>
    %swap3A_17 = arith.constant 0 : index
    %swap3A_18 = arith.constant 0 : index
    %swap3A_19 = vector.load %arg6[%swap3A_17, %swap3A_18] : memref<1024x128xf32, #tpu.memory_space<vmem>>, vector<1024x128xf32>
    tpu.vector_store %arg6[%swap3A_17, %swap3A_18], %dot_general3A_16 {strides = array<i32>} : memref<1024x128xf32, #tpu.memory_space<vmem>>, vector<1024x128xf32>,
    %get3A_20 = arith.constant 0 : index
    %get3A_21 = arith.constant 0 : index
    %get3A_22 = vector.load %arg4[%get3A_20, %get3A_21] : memref<128x128xf32, #tpu.memory_space<vmem>>, vector<128x128xf32>
    %dot_general3A_23 = arith.constant dense<0.000000e+00> : vector<1024x128xf32>
    %dot_general3A_24 = tpu.matmul %dot_general3A_9, %get3A_22, %dot_general3A_23 {dimension_numbers = #tpu.dot_dimension_numbers<[1], [0], [0], [1], [0, 0, 1, 1], [], []>, transpose_lhs_hint = false} : vector<1024x128xf32>, vector<128x128xf32>, vector<1024x128xf32> -> vector<1024x128xf32>
    %swap3A_25 = arith.constant 0 : index
    %swap3A_26 = arith.constant 0 : index
    %swap3A_27 = vector.load %arg7[%swap3A_25, %swap3A_26] : memref<1024x128xf32, #tpu.memory_space<vmem>>, vector<1024x128xf32>
    tpu.vector_store %arg7[%swap3A_25, %swap3A_26], %dot_general3A_24 {strides = array<i32>} : memref<1024x128xf32, #tpu.memory_space<vmem>>, vector<1024x128xf32>,
    return
  }
  func.func @transform_0(%arg0: i32) -> (i32, i32) {
    %c0_i32 = arith.constant 0 : i32
    %c0_i32_0 = arith.constant 0 : i32
    return %arg0, %c0_i32 : i32, i32
  }
  func.func @transform_1(%arg0: i32) -> (i32, i32) {
    %c0_i32 = arith.constant 0 : i32
    %c0_i32_0 = arith.constant 0 : i32
    %c0_i32_1 = arith.constant 0 : i32
    return %c0_i32, %c0_i32_0 : i32, i32
  }
  func.func @transform_2(%arg0: i32) -> (i32, i32) {
    %c0_i32 = arith.constant 0 : i32
    %c0_i32_0 = arith.constant 0 : i32
    %c0_i32_1 = arith.constant 0 : i32
    return %c0_i32, %c0_i32_0 : i32, i32
  }
  func.func @transform_3(%arg0: i32) -> (i32, i32) {
    %c0_i32 = arith.constant 0 : i32
    %c0_i32_0 = arith.constant 0 : i32
    %c0_i32_1 = arith.constant 0 : i32
    return %c0_i32, %c0_i32_0 : i32, i32
  }
  func.func @transform_4(%arg0: i32) -> (i32, i32) {
    %c0_i32 = arith.constant 0 : i32
    %c0_i32_0 = arith.constant 0 : i32
    return %arg0, %c0_i32 : i32, i32
  }
  func.func @transform_5(%arg0: i32) -> (i32, i32) {
    %c0_i32 = arith.constant 0 : i32
    %c0_i32_0 = arith.constant 0 : i32
    return %arg0, %c0_i32 : i32, i32
  }
  func.func @transform_6(%arg0: i32) -> (i32, i32) {
    %c0_i32 = arith.constant 0 : i32
    %c0_i32_0 = arith.constant 0 : i32
    return %arg0, %c0_i32 : i32, i32
  }
}

module attributes {stable_mosaic.version = 14 : i64} {
  func.func @body(%arg0: i32, %arg1: memref<2048x128xf32, #tpu.memory_space<vmem>>, %arg2: memref<128x128xf32, #tpu.memory_space<vmem>>, %arg3: memref<1x128xf32, #tpu.memory_space<vmem>>, %arg4: memref<1x128xf32, #tpu.memory_space<vmem>>, %arg5: memref<2048x128xf32, #tpu.memory_space<vmem>>) attributes {dimension_semantics = [#tpu.dimension_semantics<arbitrary>], iteration_bounds = array<i64: 160>, scalar_prefetch = 0 : i64, scratch_operands = 0 : i64, tpu.core_type = #tpu.core_type<tc>, window_params = [{transform_indices = @transform_0, window_bounds = array<i64: 2048, 128>}, {pipeline_mode = #tpu.pipeline_mode<synchronous>, transform_indices = @transform_1, window_bounds = array<i64: 128, 128>}, {pipeline_mode = #tpu.pipeline_mode<synchronous>, transform_indices = @transform_2, window_bounds = array<i64: 1, 128>}, {pipeline_mode = #tpu.pipeline_mode<synchronous>, transform_indices = @transform_3, window_bounds = array<i64: 1, 128>}, {transform_indices = @transform_4, window_bounds = array<i64: 2048, 128>}]} {
    %get3A = arith.constant 0 : index
    %get3A_0 = arith.constant 0 : index
    %get3A_1 = vector.load %arg1[%get3A, %get3A_0] : memref<2048x128xf32, #tpu.memory_space<vmem>>, vector<2048x128xf32>
    %get3A_2 = arith.constant 0 : index
    %get3A_3 = arith.constant 0 : index
    %get3A_4 = vector.load %arg3[%get3A_2, %get3A_3] : memref<1x128xf32, #tpu.memory_space<vmem>>, vector<1x128xf32>
    %add3A = vector.broadcast %get3A_4 : vector<1x128xf32> to vector<2048x128xf32>
    %add3A_5 = arith.addf %get3A_1, %add3A : vector<2048x128xf32>
    %tanh3A = math.tanh %add3A_5 : vector<2048x128xf32>
    %get3A_6 = arith.constant 0 : index
    %get3A_7 = arith.constant 0 : index
    %get3A_8 = vector.load %arg2[%get3A_6, %get3A_7] : memref<128x128xf32, #tpu.memory_space<vmem>>, vector<128x128xf32>
    %dot_general3A = arith.constant dense<0.000000e+00> : vector<2048x128xf32>
    %dot_general3A_9 = tpu.matmul %tanh3A, %get3A_8, %dot_general3A {dimension_numbers = #tpu.dot_dimension_numbers<[1], [0], [0], [1], [0, 0, 1, 1], [], []>, transpose_lhs_hint = false} : vector<2048x128xf32>, vector<128x128xf32>, vector<2048x128xf32> -> vector<2048x128xf32>
    %get3A_10 = arith.constant 0 : index
    %get3A_11 = arith.constant 0 : index
    %get3A_12 = vector.load %arg4[%get3A_10, %get3A_11] : memref<1x128xf32, #tpu.memory_space<vmem>>, vector<1x128xf32>
    %add3A_13 = vector.broadcast %get3A_12 : vector<1x128xf32> to vector<2048x128xf32>
    %add3A_14 = arith.addf %dot_general3A_9, %add3A_13 : vector<2048x128xf32>
    %tanh3A_15 = math.tanh %add3A_14 : vector<2048x128xf32>
    %swap3A = arith.constant 0 : index
    %swap3A_16 = arith.constant 0 : index
    %swap3A_17 = vector.load %arg5[%swap3A, %swap3A_16] : memref<2048x128xf32, #tpu.memory_space<vmem>>, vector<2048x128xf32>
    tpu.vector_store %arg5[%swap3A, %swap3A_16], %tanh3A_15 {strides = array<i32>} : memref<2048x128xf32, #tpu.memory_space<vmem>>, vector<2048x128xf32>,
    return
  }
  func.func @transform_0(%arg0: i32) -> (i32, i32) {
    %c0_i32 = arith.constant 0 : i32
    %c0_i32_0 = arith.constant 0 : i32
    return %arg0, %c0_i32 : i32, i32
  }
  func.func @transform_1(%arg0: i32) -> (i32, i32) {
    %c0_i32 = arith.constant 0 : i32
    %c0_i32_0 = arith.constant 0 : i32
    %c0_i32_1 = arith.constant 0 : i32
    return %c0_i32, %c0_i32_0 : i32, i32
  }
  func.func @transform_2(%arg0: i32) -> (i32, i32) {
    %c0_i32 = arith.constant 0 : i32
    %c0_i32_0 = arith.constant 0 : i32
    %c0_i32_1 = arith.constant 0 : i32
    return %c0_i32, %c0_i32_0 : i32, i32
  }
  func.func @transform_3(%arg0: i32) -> (i32, i32) {
    %c0_i32 = arith.constant 0 : i32
    %c0_i32_0 = arith.constant 0 : i32
    %c0_i32_1 = arith.constant 0 : i32
    return %c0_i32, %c0_i32_0 : i32, i32
  }
  func.func @transform_4(%arg0: i32) -> (i32, i32) {
    %c0_i32 = arith.constant 0 : i32
    %c0_i32_0 = arith.constant 0 : i32
    return %arg0, %c0_i32 : i32, i32
  }
}

module attributes {stable_mosaic.version = 14 : i64} {
  func.func @body(%arg0: i32, %arg1: memref<1024x128xf32, #tpu.memory_space<vmem>>, %arg2: memref<1024x128xf32, #tpu.memory_space<vmem>>, %arg3: memref<1024x128xf32, #tpu.memory_space<vmem>>, %arg4: memref<128x128xf32, #tpu.memory_space<vmem>>, %arg5: memref<128x128xf32, #tpu.memory_space<vmem>>, %arg6: memref<1024x128xf32, #tpu.memory_space<vmem>>, %arg7: memref<1024x128xf32, #tpu.memory_space<vmem>>, %arg8: memref<1024x128xf32, #tpu.memory_space<vmem>>) attributes {dimension_semantics = [#tpu.dimension_semantics<arbitrary>], iteration_bounds = array<i64: 10>, scalar_prefetch = 0 : i64, scratch_operands = 0 : i64, tpu.core_type = #tpu.core_type<tc>, window_params = [{transform_indices = @transform_0, window_bounds = array<i64: 1024, 128>}, {transform_indices = @transform_1, window_bounds = array<i64: 1024, 128>}, {transform_indices = @transform_2, window_bounds = array<i64: 1024, 128>}, {pipeline_mode = #tpu.pipeline_mode<synchronous>, transform_indices = @transform_3, window_bounds = array<i64: 128, 128>}, {pipeline_mode = #tpu.pipeline_mode<synchronous>, transform_indices = @transform_4, window_bounds = array<i64: 128, 128>}, {transform_indices = @transform_5, window_bounds = array<i64: 1024, 128>}, {transform_indices = @transform_6, window_bounds = array<i64: 1024, 128>}, {transform_indices = @transform_7, window_bounds = array<i64: 1024, 128>}]} {
    %get3A = arith.constant 0 : index
    %get3A_0 = arith.constant 0 : index
    %get3A_1 = vector.load %arg1[%get3A, %get3A_0] : memref<1024x128xf32, #tpu.memory_space<vmem>>, vector<1024x128xf32>
    %get3A_2 = arith.constant 0 : index
    %get3A_3 = arith.constant 0 : index
    %get3A_4 = vector.load %arg2[%get3A_2, %get3A_3] : memref<1024x128xf32, #tpu.memory_space<vmem>>, vector<1024x128xf32>
    %add3A = arith.addf %get3A_1, %get3A_4 : vector<1024x128xf32>
    %get3A_5 = arith.constant 0 : index
    %get3A_6 = arith.constant 0 : index
    %get3A_7 = vector.load %arg3[%get3A_5, %get3A_6] : memref<1024x128xf32, #tpu.memory_space<vmem>>, vector<1024x128xf32>
    %add3A_8 = arith.addf %add3A, %get3A_7 : vector<1024x128xf32>
    %swap3A = arith.constant 0 : index
    %swap3A_9 = arith.constant 0 : index
    %swap3A_10 = vector.load %arg6[%swap3A, %swap3A_9] : memref<1024x128xf32, #tpu.memory_space<vmem>>, vector<1024x128xf32>
    tpu.vector_store %arg6[%swap3A, %swap3A_9], %add3A_8 {strides = array<i32>} : memref<1024x128xf32, #tpu.memory_space<vmem>>, vector<1024x128xf32>,
    %get3A_11 = arith.constant 0 : index
    %get3A_12 = arith.constant 0 : index
    %get3A_13 = vector.load %arg4[%get3A_11, %get3A_12] : memref<128x128xf32, #tpu.memory_space<vmem>>, vector<128x128xf32>
    %dot_general3A = arith.constant dense<0.000000e+00> : vector<1024x128xf32>
    %dot_general3A_14 = tpu.matmul %add3A_8, %get3A_13, %dot_general3A {dimension_numbers = #tpu.dot_dimension_numbers<[1], [0], [0], [1], [0, 0, 1, 1], [], []>, transpose_lhs_hint = false} : vector<1024x128xf32>, vector<128x128xf32>, vector<1024x128xf32> -> vector<1024x128xf32>
    %swap3A_15 = arith.constant 0 : index
    %swap3A_16 = arith.constant 0 : index
    %swap3A_17 = vector.load %arg7[%swap3A_15, %swap3A_16] : memref<1024x128xf32, #tpu.memory_space<vmem>>, vector<1024x128xf32>
    tpu.vector_store %arg7[%swap3A_15, %swap3A_16], %dot_general3A_14 {strides = array<i32>} : memref<1024x128xf32, #tpu.memory_space<vmem>>, vector<1024x128xf32>,
    %get3A_18 = arith.constant 0 : index
    %get3A_19 = arith.constant 0 : index
    %get3A_20 = vector.load %arg5[%get3A_18, %get3A_19] : memref<128x128xf32, #tpu.memory_space<vmem>>, vector<128x128xf32>
    %dot_general3A_21 = arith.constant dense<0.000000e+00> : vector<1024x128xf32>
    %dot_general3A_22 = tpu.matmul %add3A_8, %get3A_20, %dot_general3A_21 {dimension_numbers = #tpu.dot_dimension_numbers<[1], [0], [0], [1], [0, 0, 1, 1], [], []>, transpose_lhs_hint = false} : vector<1024x128xf32>, vector<128x128xf32>, vector<1024x128xf32> -> vector<1024x128xf32>
    %swap3A_23 = arith.constant 0 : index
    %swap3A_24 = arith.constant 0 : index
    %swap3A_25 = vector.load %arg8[%swap3A_23, %swap3A_24] : memref<1024x128xf32, #tpu.memory_space<vmem>>, vector<1024x128xf32>
    tpu.vector_store %arg8[%swap3A_23, %swap3A_24], %dot_general3A_22 {strides = array<i32>} : memref<1024x128xf32, #tpu.memory_space<vmem>>, vector<1024x128xf32>,
    return
  }
  func.func @transform_0(%arg0: i32) -> (i32, i32) {
    %c0_i32 = arith.constant 0 : i32
    %c0_i32_0 = arith.constant 0 : i32
    return %arg0, %c0_i32 : i32, i32
  }
  func.func @transform_1(%arg0: i32) -> (i32, i32) {
    %c0_i32 = arith.constant 0 : i32
    %c0_i32_0 = arith.constant 0 : i32
    return %arg0, %c0_i32 : i32, i32
  }
  func.func @transform_2(%arg0: i32) -> (i32, i32) {
    %c0_i32 = arith.constant 0 : i32
    %c0_i32_0 = arith.constant 0 : i32
    return %arg0, %c0_i32 : i32, i32
  }
  func.func @transform_3(%arg0: i32) -> (i32, i32) {
    %c0_i32 = arith.constant 0 : i32
    %c0_i32_0 = arith.constant 0 : i32
    %c0_i32_1 = arith.constant 0 : i32
    return %c0_i32, %c0_i32_0 : i32, i32
  }
  func.func @transform_4(%arg0: i32) -> (i32, i32) {
    %c0_i32 = arith.constant 0 : i32
    %c0_i32_0 = arith.constant 0 : i32
    %c0_i32_1 = arith.constant 0 : i32
    return %c0_i32, %c0_i32_0 : i32, i32
  }
  func.func @transform_5(%arg0: i32) -> (i32, i32) {
    %c0_i32 = arith.constant 0 : i32
    %c0_i32_0 = arith.constant 0 : i32
    return %arg0, %c0_i32 : i32, i32
  }
  func.func @transform_6(%arg0: i32) -> (i32, i32) {
    %c0_i32 = arith.constant 0 : i32
    %c0_i32_0 = arith.constant 0 : i32
    return %arg0, %c0_i32 : i32, i32
  }
  func.func @transform_7(%arg0: i32) -> (i32, i32) {
    %c0_i32 = arith.constant 0 : i32
    %c0_i32_0 = arith.constant 0 : i32
    return %arg0, %c0_i32 : i32, i32
  }
}

module attributes {stable_mosaic.version = 14 : i64} {
  func.func @body(%arg0: i32, %arg1: memref<1024x128xf32, #tpu.memory_space<vmem>>, %arg2: memref<1024x128xf32, #tpu.memory_space<vmem>>, %arg3: memref<1024x128xf32, #tpu.memory_space<vmem>>, %arg4: memref<2x128x40xf32, #tpu.memory_space<vmem>>, %arg5: memref<2x40xf32, #tpu.memory_space<vmem>>, %arg6: memref<2x40x20xf32, #tpu.memory_space<vmem>>, %arg7: memref<2x20xf32, #tpu.memory_space<vmem>>, %arg8: memref<2x20x1xf32, #tpu.memory_space<vmem>>, %arg9: memref<2x1xf32, #tpu.memory_space<vmem>>, %arg10: memref<2x128x2xf32, #tpu.memory_space<vmem>>, %arg11: memref<1024x4xf32, #tpu.memory_space<vmem>>, %arg12: memref<1024x128xf32, #tpu.memory_space<vmem>>, %arg13: memref<1x2xf32, #tpu.memory_space<vmem>>) attributes {dimension_semantics = [#tpu.dimension_semantics<arbitrary>], iteration_bounds = array<i64: 10>, scalar_prefetch = 0 : i64, scratch_operands = 0 : i64, tpu.core_type = #tpu.core_type<tc>, window_params = [{transform_indices = @transform_0, window_bounds = array<i64: 1024, 128>}, {transform_indices = @transform_1, window_bounds = array<i64: 1024, 128>}, {transform_indices = @transform_2, window_bounds = array<i64: 1024, 128>}, {pipeline_mode = #tpu.pipeline_mode<synchronous>, transform_indices = @transform_3, window_bounds = array<i64: 2, 128, 40>}, {pipeline_mode = #tpu.pipeline_mode<synchronous>, transform_indices = @transform_4, window_bounds = array<i64: 2, 40>}, {pipeline_mode = #tpu.pipeline_mode<synchronous>, transform_indices = @transform_5, window_bounds = array<i64: 2, 40, 20>}, {pipeline_mode = #tpu.pipeline_mode<synchronous>, transform_indices = @transform_6, window_bounds = array<i64: 2, 20>}, {pipeline_mode = #tpu.pipeline_mode<synchronous>, transform_indices = @transform_7, window_bounds = array<i64: 2, 20, 1>}, {pipeline_mode = #tpu.pipeline_mode<synchronous>, transform_indices = @transform_8, window_bounds = array<i64: 2, 1>}, {pipeline_mode = #tpu.pipeline_mode<synchronous>, transform_indices = @transform_9, window_bounds = array<i64: 2, 128, 2>}, {transform_indices = @transform_10, window_bounds = array<i64: 1024, 4>}, {transform_indices = @transform_11, window_bounds = array<i64: 1024, 128>}, {pipeline_mode = #tpu.pipeline_mode<synchronous>, transform_indices = @transform_12, window_bounds = array<i64: 1, 2>}]} {
    %get3A = arith.constant 0 : index
    %get3A_0 = arith.constant 0 : index
    %get3A_1 = vector.load %arg1[%get3A, %get3A_0] : memref<1024x128xf32, #tpu.memory_space<vmem>>, vector<1024x128xf32>
    %get3A_2 = arith.constant 0 : index
    %get3A_3 = arith.constant 0 : index
    %get3A_4 = vector.load %arg2[%get3A_2, %get3A_3] : memref<1024x128xf32, #tpu.memory_space<vmem>>, vector<1024x128xf32>
    %add3A = arith.addf %get3A_1, %get3A_4 : vector<1024x128xf32>
    %get3A_5 = arith.constant 0 : index
    %get3A_6 = arith.constant 0 : index
    %get3A_7 = vector.load %arg3[%get3A_5, %get3A_6] : memref<1024x128xf32, #tpu.memory_space<vmem>>, vector<1024x128xf32>
    %add3A_8 = arith.addf %add3A, %get3A_7 : vector<1024x128xf32>
    %mul3A = arith.constant 1024 : i32
    %mul3A_9 = arith.muli %arg0, %mul3A : i32
    %iota3A = tpu.iota {dimensions = array<i32: 0>} : vector<1024x1xi32>
    %add3A_10 = vector.broadcast %mul3A_9 : i32 to vector<1024x1xi32>
    %add3A_11 = arith.addi %add3A_10, %iota3A : vector<1024x1xi32>
    %lt3A = arith.constant 10000 : i32
    %lt3A_12 = vector.broadcast %lt3A : i32 to vector<1024x1xi32>
    %lt3A_13 = arith.cmpi slt, %add3A_11, %lt3A_12 : vector<1024x1xi32>
    %get3A_14 = arith.constant 0 : index
    %get3A_15 = arith.constant 0 : index
    %get3A_16 = arith.constant 0 : index
    %get3A_17 = vector.load %arg4[%get3A_14, %get3A_15, %get3A_16] : memref<2x128x40xf32, #tpu.memory_space<vmem>>, vector<1x128x40xf32>
    %get3A_18 = vector.shape_cast %get3A_17 : vector<1x128x40xf32> to vector<128x40xf32>
    %dot_general3A = arith.constant dense<0.000000e+00> : vector<1024x40xf32>
    %dot_general3A_19 = tpu.matmul %add3A_8, %get3A_18, %dot_general3A {dimension_numbers = #tpu.dot_dimension_numbers<[1], [0], [0], [1], [0, 0, 1, 1], [], []>, transpose_lhs_hint = false} : vector<1024x128xf32>, vector<128x40xf32>, vector<1024x40xf32> -> vector<1024x40xf32>
    %get3A_20 = arith.constant 0 : index
    %get3A_21 = arith.constant 0 : index
    %get3A_22 = vector.load %arg5[%get3A_20, %get3A_21] : memref<2x40xf32, #tpu.memory_space<vmem>>, vector<1x40xf32>
    %get3A_23 = vector.shape_cast %get3A_22 : vector<1x40xf32> to vector<40xf32>
    %broadcast_in_dim3A = vector.shape_cast %get3A_23 : vector<40xf32> to vector<1x40xf32>
    %add3A_24 = vector.broadcast %broadcast_in_dim3A : vector<1x40xf32> to vector<1024x40xf32>
    %add3A_25 = arith.addf %dot_general3A_19, %add3A_24 : vector<1024x40xf32>
    %tanh3A = math.tanh %add3A_25 : vector<1024x40xf32>
    %get3A_26 = arith.constant 0 : index
    %get3A_27 = arith.constant 0 : index
    %get3A_28 = arith.constant 0 : index
    %get3A_29 = vector.load %arg6[%get3A_26, %get3A_27, %get3A_28] : memref<2x40x20xf32, #tpu.memory_space<vmem>>, vector<1x40x20xf32>
    %get3A_30 = vector.shape_cast %get3A_29 : vector<1x40x20xf32> to vector<40x20xf32>
    %dot_general3A_31 = arith.constant dense<0.000000e+00> : vector<1024x20xf32>
    %dot_general3A_32 = tpu.matmul %tanh3A, %get3A_30, %dot_general3A_31 {dimension_numbers = #tpu.dot_dimension_numbers<[1], [0], [0], [1], [0, 0, 1, 1], [], []>, transpose_lhs_hint = false} : vector<1024x40xf32>, vector<40x20xf32>, vector<1024x20xf32> -> vector<1024x20xf32>
    %get3A_33 = arith.constant 0 : index
    %get3A_34 = arith.constant 0 : index
    %get3A_35 = vector.load %arg7[%get3A_33, %get3A_34] : memref<2x20xf32, #tpu.memory_space<vmem>>, vector<1x20xf32>
    %get3A_36 = vector.shape_cast %get3A_35 : vector<1x20xf32> to vector<20xf32>
    %broadcast_in_dim3A_37 = vector.shape_cast %get3A_36 : vector<20xf32> to vector<1x20xf32>
    %add3A_38 = vector.broadcast %broadcast_in_dim3A_37 : vector<1x20xf32> to vector<1024x20xf32>
    %add3A_39 = arith.addf %dot_general3A_32, %add3A_38 : vector<1024x20xf32>
    %tanh3A_40 = math.tanh %add3A_39 : vector<1024x20xf32>
    %get3A_41 = arith.constant 0 : index
    %get3A_42 = arith.constant 0 : index
    %get3A_43 = arith.constant 0 : index
    %get3A_44 = vector.load %arg8[%get3A_41, %get3A_42, %get3A_43] : memref<2x20x1xf32, #tpu.memory_space<vmem>>, vector<1x20x1xf32>
    %get3A_45 = vector.shape_cast %get3A_44 : vector<1x20x1xf32> to vector<20x1xf32>
    %dot_general3A_46 = arith.constant dense<0.000000e+00> : vector<1024x1xf32>
    %dot_general3A_47 = tpu.matmul %tanh3A_40, %get3A_45, %dot_general3A_46 {dimension_numbers = #tpu.dot_dimension_numbers<[1], [0], [0], [1], [0, 0, 1, 1], [], []>, transpose_lhs_hint = false} : vector<1024x20xf32>, vector<20x1xf32>, vector<1024x1xf32> -> vector<1024x1xf32>
    %get3A_48 = arith.constant 0 : index
    %get3A_49 = arith.constant 0 : index
    %get3A_50 = vector.load %arg9[%get3A_48, %get3A_49] : memref<2x1xf32, #tpu.memory_space<vmem>>, vector<1x1xf32>
    %get3A_51 = vector.shape_cast %get3A_50 : vector<1x1xf32> to vector<1xf32>
    %broadcast_in_dim3A_52 = vector.shape_cast %get3A_51 : vector<1xf32> to vector<1x1xf32>
    %add3A_53 = vector.broadcast %broadcast_in_dim3A_52 : vector<1x1xf32> to vector<1024x1xf32>
    %add3A_54 = arith.addf %dot_general3A_47, %add3A_53 : vector<1024x1xf32>
    %jit3A = arith.constant 0.000000e+00 : f32
    %broadcast_in_dim3A_55 = vector.broadcast %jit3A : f32 to vector<1024x1xf32>
    %select_n3A = arith.select %lt3A_13, %add3A_54, %broadcast_in_dim3A_55 : vector<1024x1xi1>, vector<1024x1xf32>
    %reduce_sum3A = vector.shape_cast %select_n3A : vector<1024x1xf32> to vector<1x1024x1xf32>
    %reduce_sum3A_56 = arith.constant dense<0.000000e+00> : vector<1xf32>
    %reduce_sum3A_57 = vector.multi_reduction <add>, %reduce_sum3A, %reduce_sum3A_56 [1, 2] : vector<1x1024x1xf32> to vector<1xf32>
    %reduce_sum3A_58 = vector.shape_cast %reduce_sum3A_57 : vector<1xf32> to vector<1x1x1xf32>
    %reduce_sum3A_59 = vector.extract %reduce_sum3A_58[0, 0, 0] : f32 from vector<1x1x1xf32>
    %reshape3A = vector.broadcast %reduce_sum3A_59 : f32 to vector<1x1xf32>
    %get3A_60 = arith.constant 0 : index
    %get3A_61 = arith.constant 0 : index
    %get3A_62 = arith.constant 0 : index
    %get3A_63 = vector.load %arg10[%get3A_60, %get3A_61, %get3A_62] : memref<2x128x2xf32, #tpu.memory_space<vmem>>, vector<1x128x2xf32>
    %get3A_64 = vector.shape_cast %get3A_63 : vector<1x128x2xf32> to vector<128x2xf32>
    %dot_general3A_65 = arith.constant dense<0.000000e+00> : vector<1024x2xf32>
    %dot_general3A_66 = tpu.matmul %add3A_8, %get3A_64, %dot_general3A_65 {dimension_numbers = #tpu.dot_dimension_numbers<[1], [0], [0], [1], [0, 0, 1, 1], [], []>, transpose_lhs_hint = false} : vector<1024x128xf32>, vector<128x2xf32>, vector<1024x2xf32> -> vector<1024x2xf32>
    %get3A_67 = arith.constant 1 : index
    %get3A_68 = arith.constant 0 : index
    %get3A_69 = arith.constant 0 : index
    %get3A_70 = vector.load %arg4[%get3A_67, %get3A_68, %get3A_69] : memref<2x128x40xf32, #tpu.memory_space<vmem>>, vector<1x128x40xf32>
    %get3A_71 = vector.shape_cast %get3A_70 : vector<1x128x40xf32> to vector<128x40xf32>
    %dot_general3A_72 = arith.constant dense<0.000000e+00> : vector<1024x40xf32>
    %dot_general3A_73 = tpu.matmul %add3A_8, %get3A_71, %dot_general3A_72 {dimension_numbers = #tpu.dot_dimension_numbers<[1], [0], [0], [1], [0, 0, 1, 1], [], []>, transpose_lhs_hint = false} : vector<1024x128xf32>, vector<128x40xf32>, vector<1024x40xf32> -> vector<1024x40xf32>
    %get3A_74 = arith.constant 1 : index
    %get3A_75 = arith.constant 0 : index
    %get3A_76 = vector.load %arg5[%get3A_74, %get3A_75] : memref<2x40xf32, #tpu.memory_space<vmem>>, vector<1x40xf32>
    %get3A_77 = vector.shape_cast %get3A_76 : vector<1x40xf32> to vector<40xf32>
    %broadcast_in_dim3A_78 = vector.shape_cast %get3A_77 : vector<40xf32> to vector<1x40xf32>
    %add3A_79 = vector.broadcast %broadcast_in_dim3A_78 : vector<1x40xf32> to vector<1024x40xf32>
    %add3A_80 = arith.addf %dot_general3A_73, %add3A_79 : vector<1024x40xf32>
    %tanh3A_81 = math.tanh %add3A_80 : vector<1024x40xf32>
    %get3A_82 = arith.constant 1 : index
    %get3A_83 = arith.constant 0 : index
    %get3A_84 = arith.constant 0 : index
    %get3A_85 = vector.load %arg6[%get3A_82, %get3A_83, %get3A_84] : memref<2x40x20xf32, #tpu.memory_space<vmem>>, vector<1x40x20xf32>
    %get3A_86 = vector.shape_cast %get3A_85 : vector<1x40x20xf32> to vector<40x20xf32>
    %dot_general3A_87 = arith.constant dense<0.000000e+00> : vector<1024x20xf32>
    %dot_general3A_88 = tpu.matmul %tanh3A_81, %get3A_86, %dot_general3A_87 {dimension_numbers = #tpu.dot_dimension_numbers<[1], [0], [0], [1], [0, 0, 1, 1], [], []>, transpose_lhs_hint = false} : vector<1024x40xf32>, vector<40x20xf32>, vector<1024x20xf32> -> vector<1024x20xf32>
    %get3A_89 = arith.constant 1 : index
    %get3A_90 = arith.constant 0 : index
    %get3A_91 = vector.load %arg7[%get3A_89, %get3A_90] : memref<2x20xf32, #tpu.memory_space<vmem>>, vector<1x20xf32>
    %get3A_92 = vector.shape_cast %get3A_91 : vector<1x20xf32> to vector<20xf32>
    %broadcast_in_dim3A_93 = vector.shape_cast %get3A_92 : vector<20xf32> to vector<1x20xf32>
    %add3A_94 = vector.broadcast %broadcast_in_dim3A_93 : vector<1x20xf32> to vector<1024x20xf32>
    %add3A_95 = arith.addf %dot_general3A_88, %add3A_94 : vector<1024x20xf32>
    %tanh3A_96 = math.tanh %add3A_95 : vector<1024x20xf32>
    %get3A_97 = arith.constant 1 : index
    %get3A_98 = arith.constant 0 : index
    %get3A_99 = arith.constant 0 : index
    %get3A_100 = vector.load %arg8[%get3A_97, %get3A_98, %get3A_99] : memref<2x20x1xf32, #tpu.memory_space<vmem>>, vector<1x20x1xf32>
    %get3A_101 = vector.shape_cast %get3A_100 : vector<1x20x1xf32> to vector<20x1xf32>
    %dot_general3A_102 = arith.constant dense<0.000000e+00> : vector<1024x1xf32>
    %dot_general3A_103 = tpu.matmul %tanh3A_96, %get3A_101, %dot_general3A_102 {dimension_numbers = #tpu.dot_dimension_numbers<[1], [0], [0], [1], [0, 0, 1, 1], [], []>, transpose_lhs_hint = false} : vector<1024x20xf32>, vector<20x1xf32>, vector<1024x1xf32> -> vector<1024x1xf32>
    %get3A_104 = arith.constant 1 : index
    %get3A_105 = arith.constant 0 : index
    %get3A_106 = vector.load %arg9[%get3A_104, %get3A_105] : memref<2x1xf32, #tpu.memory_space<vmem>>, vector<1x1xf32>
    %get3A_107 = vector.shape_cast %get3A_106 : vector<1x1xf32> to vector<1xf32>
    %broadcast_in_dim3A_108 = vector.shape_cast %get3A_107 : vector<1xf32> to vector<1x1xf32>
    %add3A_109 = vector.broadcast %broadcast_in_dim3A_108 : vector<1x1xf32> to vector<1024x1xf32>
    %add3A_110 = arith.addf %dot_general3A_103, %add3A_109 : vector<1024x1xf32>
    %jit3A_111 = arith.constant 0.000000e+00 : f32
    %broadcast_in_dim3A_112 = vector.broadcast %jit3A_111 : f32 to vector<1024x1xf32>
    %select_n3A_113 = arith.select %lt3A_13, %add3A_110, %broadcast_in_dim3A_112 : vector<1024x1xi1>, vector<1024x1xf32>
    %reduce_sum3A_114 = vector.shape_cast %select_n3A_113 : vector<1024x1xf32> to vector<1x1024x1xf32>
    %reduce_sum3A_115 = arith.constant dense<0.000000e+00> : vector<1xf32>
    %reduce_sum3A_116 = vector.multi_reduction <add>, %reduce_sum3A_114, %reduce_sum3A_115 [1, 2] : vector<1x1024x1xf32> to vector<1xf32>
    %reduce_sum3A_117 = vector.shape_cast %reduce_sum3A_116 : vector<1xf32> to vector<1x1x1xf32>
    %reduce_sum3A_118 = vector.extract %reduce_sum3A_117[0, 0, 0] : f32 from vector<1x1x1xf32>
    %reshape3A_119 = vector.broadcast %reduce_sum3A_118 : f32 to vector<1x1xf32>
    %get3A_120 = arith.constant 1 : index
    %get3A_121 = arith.constant 0 : index
    %get3A_122 = arith.constant 0 : index
    %get3A_123 = vector.load %arg10[%get3A_120, %get3A_121, %get3A_122] : memref<2x128x2xf32, #tpu.memory_space<vmem>>, vector<1x128x2xf32>
    %get3A_124 = vector.shape_cast %get3A_123 : vector<1x128x2xf32> to vector<128x2xf32>
    %dot_general3A_125 = arith.constant dense<0.000000e+00> : vector<1024x2xf32>
    %dot_general3A_126 = tpu.matmul %add3A_8, %get3A_124, %dot_general3A_125 {dimension_numbers = #tpu.dot_dimension_numbers<[1], [0], [0], [1], [0, 0, 1, 1], [], []>, transpose_lhs_hint = false} : vector<1024x128xf32>, vector<128x2xf32>, vector<1024x2xf32> -> vector<1024x2xf32>
    %get3A_127 = arith.constant 0 : index
    %get3A_128 = arith.constant 1 : index
    %get3A_129 = vector.load %arg11[%get3A_127, %get3A_128] : memref<1024x4xf32, #tpu.memory_space<vmem>>, vector<1024x3xf32>
    %broadcast_in_dim3A_130 = arith.constant 0.000000e+00 : f32
    %broadcast_in_dim3A_131 = vector.broadcast %broadcast_in_dim3A_130 : f32 to vector<1024x121xf32>
    %concatenate3A = tpu.concatenate %dot_general3A_66, %dot_general3A_126, %get3A_129, %broadcast_in_dim3A_131 in 1 : vector<1024x2xf32>, vector<1024x2xf32>, vector<1024x3xf32>, vector<1024x121xf32> -> vector<1024x128xf32>
    %swap3A = arith.constant 0 : index
    %swap3A_132 = arith.constant 0 : index
    %swap3A_133 = vector.load %arg12[%swap3A, %swap3A_132] : memref<1024x128xf32, #tpu.memory_space<vmem>>, vector<1024x128xf32>
    tpu.vector_store %arg12[%swap3A, %swap3A_132], %concatenate3A {strides = array<i32>} : memref<1024x128xf32, #tpu.memory_space<vmem>>, vector<1024x128xf32>,
    %concatenate3A_134 = tpu.concatenate %reshape3A, %reshape3A_119 in 1 : vector<1x1xf32>, vector<1x1xf32> -> vector<1x2xf32>
    %eq3A = arith.constant 0 : i32
    %eq3A_135 = arith.cmpi eq, %arg0, %eq3A : i32
    %convert_element_type3A = arith.extui %eq3A_135 : i1 to i32
    %cond3A = arith.constant 0 : i32
    %cond3A_136 = arith.cmpi ne, %convert_element_type3A, %cond3A : i32
    scf.if %cond3A_136 {
      %swap3A_141 = arith.constant 0 : index
      %swap3A_142 = arith.constant 0 : index
      %swap3A_143 = vector.load %arg13[%swap3A_141, %swap3A_142] : memref<1x2xf32, #tpu.memory_space<vmem>>, vector<1x2xf32>
      tpu.vector_store %arg13[%swap3A_141, %swap3A_142], %concatenate3A_134 {strides = array<i32>} : memref<1x2xf32, #tpu.memory_space<vmem>>, vector<1x2xf32>,
    } else {
    }
    %ne3A = arith.constant 0 : i32
    %ne3A_137 = arith.cmpi ne, %arg0, %ne3A : i32
    %convert_element_type3A_138 = arith.extui %ne3A_137 : i1 to i32
    %cond3A_139 = arith.constant 0 : i32
    %cond3A_140 = arith.cmpi ne, %convert_element_type3A_138, %cond3A_139 : i32
    scf.if %cond3A_140 {
      %get3A_141 = arith.constant 0 : index
      %get3A_142 = arith.constant 0 : index
      %get3A_143 = vector.load %arg13[%get3A_141, %get3A_142] : memref<1x2xf32, #tpu.memory_space<vmem>>, vector<1x2xf32>
      %add3A_144 = arith.addf %get3A_143, %concatenate3A_134 : vector<1x2xf32>
      %swap3A_145 = arith.constant 0 : index
      %swap3A_146 = arith.constant 0 : index
      %swap3A_147 = vector.load %arg13[%swap3A_145, %swap3A_146] : memref<1x2xf32, #tpu.memory_space<vmem>>, vector<1x2xf32>
      tpu.vector_store %arg13[%swap3A_145, %swap3A_146], %add3A_144 {strides = array<i32>} : memref<1x2xf32, #tpu.memory_space<vmem>>, vector<1x2xf32>,
    } else {
    }
    return
  }
  func.func @transform_0(%arg0: i32) -> (i32, i32) {
    %c0_i32 = arith.constant 0 : i32
    %c0_i32_0 = arith.constant 0 : i32
    return %arg0, %c0_i32 : i32, i32
  }
  func.func @transform_1(%arg0: i32) -> (i32, i32) {
    %c0_i32 = arith.constant 0 : i32
    %c0_i32_0 = arith.constant 0 : i32
    return %arg0, %c0_i32 : i32, i32
  }
  func.func @transform_2(%arg0: i32) -> (i32, i32) {
    %c0_i32 = arith.constant 0 : i32
    %c0_i32_0 = arith.constant 0 : i32
    return %arg0, %c0_i32 : i32, i32
  }
  func.func @transform_3(%arg0: i32) -> (i32, i32, i32) {
    %c0_i32 = arith.constant 0 : i32
    %c0_i32_0 = arith.constant 0 : i32
    %c0_i32_1 = arith.constant 0 : i32
    %c0_i32_2 = arith.constant 0 : i32
    return %c0_i32, %c0_i32_0, %c0_i32_1 : i32, i32, i32
  }
  func.func @transform_4(%arg0: i32) -> (i32, i32) {
    %c0_i32 = arith.constant 0 : i32
    %c0_i32_0 = arith.constant 0 : i32
    %c0_i32_1 = arith.constant 0 : i32
    return %c0_i32, %c0_i32_0 : i32, i32
  }
  func.func @transform_5(%arg0: i32) -> (i32, i32, i32) {
    %c0_i32 = arith.constant 0 : i32
    %c0_i32_0 = arith.constant 0 : i32
    %c0_i32_1 = arith.constant 0 : i32
    %c0_i32_2 = arith.constant 0 : i32
    return %c0_i32, %c0_i32_0, %c0_i32_1 : i32, i32, i32
  }
  func.func @transform_6(%arg0: i32) -> (i32, i32) {
    %c0_i32 = arith.constant 0 : i32
    %c0_i32_0 = arith.constant 0 : i32
    %c0_i32_1 = arith.constant 0 : i32
    return %c0_i32, %c0_i32_0 : i32, i32
  }
  func.func @transform_7(%arg0: i32) -> (i32, i32, i32) {
    %c0_i32 = arith.constant 0 : i32
    %c0_i32_0 = arith.constant 0 : i32
    %c0_i32_1 = arith.constant 0 : i32
    %c0_i32_2 = arith.constant 0 : i32
    return %c0_i32, %c0_i32_0, %c0_i32_1 : i32, i32, i32
  }
  func.func @transform_8(%arg0: i32) -> (i32, i32) {
    %c0_i32 = arith.constant 0 : i32
    %c0_i32_0 = arith.constant 0 : i32
    %c0_i32_1 = arith.constant 0 : i32
    return %c0_i32, %c0_i32_0 : i32, i32
  }
  func.func @transform_9(%arg0: i32) -> (i32, i32, i32) {
    %c0_i32 = arith.constant 0 : i32
    %c0_i32_0 = arith.constant 0 : i32
    %c0_i32_1 = arith.constant 0 : i32
    %c0_i32_2 = arith.constant 0 : i32
    return %c0_i32, %c0_i32_0, %c0_i32_1 : i32, i32, i32
  }
  func.func @transform_10(%arg0: i32) -> (i32, i32) {
    %c0_i32 = arith.constant 0 : i32
    %c0_i32_0 = arith.constant 0 : i32
    return %arg0, %c0_i32 : i32, i32
  }
  func.func @transform_11(%arg0: i32) -> (i32, i32) {
    %c0_i32 = arith.constant 0 : i32
    %c0_i32_0 = arith.constant 0 : i32
    return %arg0, %c0_i32 : i32, i32
  }
  func.func @transform_12(%arg0: i32) -> (i32, i32) {
    %c0_i32 = arith.constant 0 : i32
    %c0_i32_0 = arith.constant 0 : i32
    %c0_i32_1 = arith.constant 0 : i32
    return %c0_i32, %c0_i32_0 : i32, i32
  }
}

module attributes {stable_mosaic.version = 14 : i64} {
  func.func @body(%arg0: i32, %arg1: memref<4096x16xf32, #tpu.memory_space<vmem>>, %arg2: memref<1x2xf32, #tpu.memory_space<vmem>>, %arg3: memref<2x2xf32, #tpu.memory_space<vmem>>, %arg4: memref<1x2xf32, #tpu.memory_space<vmem>>) attributes {dimension_semantics = [#tpu.dimension_semantics<arbitrary>], iteration_bounds = array<i64: 80>, scalar_prefetch = 0 : i64, scratch_operands = 0 : i64, tpu.core_type = #tpu.core_type<tc>, window_params = [{transform_indices = @transform_0, window_bounds = array<i64: 4096, 16>}, {pipeline_mode = #tpu.pipeline_mode<synchronous>, transform_indices = @transform_1, window_bounds = array<i64: 1, 2>}, {pipeline_mode = #tpu.pipeline_mode<synchronous>, transform_indices = @transform_2, window_bounds = array<i64: 2, 2>}, {pipeline_mode = #tpu.pipeline_mode<synchronous>, transform_indices = @transform_3, window_bounds = array<i64: 1, 2>}]} {
    %get3A = arith.constant 0 : index
    %get3A_0 = arith.constant 0 : index
    %get3A_1 = vector.load %arg1[%get3A, %get3A_0] : memref<4096x16xf32, #tpu.memory_space<vmem>>, vector<4096x16xf32>
    %slice3A = vector.extract_strided_slice %get3A_1 {offsets = [0, 7], sizes = [4096, 1], strides = [1, 1]} : vector<4096x16xf32> to vector<4096x1xf32>
    %slice3A_2 = vector.extract_strided_slice %get3A_1 {offsets = [0, 4], sizes = [4096, 3], strides = [1, 1]} : vector<4096x16xf32> to vector<4096x3xf32>
    %mul3A = arith.mulf %slice3A_2, %slice3A_2 : vector<4096x3xf32>
    %reduce_sum3A = arith.constant dense<0.000000e+00> : vector<4096xf32>
    %reduce_sum3A_3 = vector.multi_reduction <add>, %mul3A, %reduce_sum3A [1] : vector<4096x3xf32> to vector<4096xf32>
    %broadcast_in_dim3A = vector.shape_cast %reduce_sum3A_3 : vector<4096xf32> to vector<4096x1xf32>
    %add3A = arith.constant 9.99999996E-13 : f32
    %add3A_4 = vector.broadcast %add3A : f32 to vector<4096x1xf32>
    %add3A_5 = arith.addf %broadcast_in_dim3A, %add3A_4 : vector<4096x1xf32>
    %sqrt3A = math.sqrt %add3A_5 : vector<4096x1xf32>
    %slice3A_6 = vector.extract_strided_slice %get3A_1 {offsets = [0, 0], sizes = [4096, 2], strides = [1, 1]} : vector<4096x16xf32> to vector<4096x2xf32>
    %get3A_7 = arith.constant 0 : index
    %get3A_8 = arith.constant 0 : index
    %get3A_9 = vector.load %arg3[%get3A_7, %get3A_8] : memref<2x2xf32, #tpu.memory_space<vmem>>, vector<1x2xf32>
    %get3A_10 = vector.shape_cast %get3A_9 : vector<1x2xf32> to vector<2xf32>
    %broadcast_in_dim3A_11 = vector.shape_cast %get3A_10 : vector<2xf32> to vector<1x2xf32>
    %add3A_12 = vector.broadcast %broadcast_in_dim3A_11 : vector<1x2xf32> to vector<4096x2xf32>
    %add3A_13 = arith.addf %slice3A_6, %add3A_12 : vector<4096x2xf32>
    %slice3A_14 = vector.extract_strided_slice %add3A_13 {offsets = [0, 0], sizes = [4096, 1], strides = [1, 1]} : vector<4096x2xf32> to vector<4096x1xf32>
    %custom_jvp_call3A = arith.constant 0.000000e+00 : f32
    %max3A = vector.broadcast %custom_jvp_call3A : f32 to vector<4096x1xf32>
    %max3A_15 = arith.maximumf %slice3A_14, %max3A : vector<4096x1xf32>
    %sub3A = vector.broadcast %custom_jvp_call3A : f32 to vector<4096x1xf32>
    %sub3A_16 = arith.subf %slice3A_14, %sub3A : vector<4096x1xf32>
    %ne3A = arith.cmpf one, %sub3A_16, %sub3A_16 : vector<4096x1xf32>
    %add3A_17 = vector.broadcast %custom_jvp_call3A : f32 to vector<4096x1xf32>
    %add3A_18 = arith.addf %slice3A_14, %add3A_17 : vector<4096x1xf32>
    %abs3A = math.absf %sub3A_16 : vector<4096x1xf32>
    %neg3A = arith.constant 0.000000e+00 : f32
    %neg3A_19 = vector.broadcast %neg3A : f32 to vector<4096x1xf32>
    %neg3A_20 = arith.subf %neg3A_19, %abs3A : vector<4096x1xf32>
    %exp3A = math.exp %neg3A_20 : vector<4096x1xf32>
    %log1p3A = math.log1p %exp3A : vector<4096x1xf32>
    %add3A_21 = arith.addf %max3A_15, %log1p3A : vector<4096x1xf32>
    %select_n3A = arith.select %ne3A, %add3A_18, %add3A_21 : vector<4096x1xi1>, vector<4096x1xf32>
    %slice3A_22 = vector.extract_strided_slice %add3A_13 {offsets = [0, 1], sizes = [4096, 1], strides = [1, 1]} : vector<4096x2xf32> to vector<4096x1xf32>
    %custom_jvp_call3A_23 = arith.constant 0.000000e+00 : f32
    %max3A_24 = vector.broadcast %custom_jvp_call3A_23 : f32 to vector<4096x1xf32>
    %max3A_25 = arith.maximumf %slice3A_22, %max3A_24 : vector<4096x1xf32>
    %sub3A_26 = vector.broadcast %custom_jvp_call3A_23 : f32 to vector<4096x1xf32>
    %sub3A_27 = arith.subf %slice3A_22, %sub3A_26 : vector<4096x1xf32>
    %ne3A_28 = arith.cmpf one, %sub3A_27, %sub3A_27 : vector<4096x1xf32>
    %add3A_29 = vector.broadcast %custom_jvp_call3A_23 : f32 to vector<4096x1xf32>
    %add3A_30 = arith.addf %slice3A_22, %add3A_29 : vector<4096x1xf32>
    %abs3A_31 = math.absf %sub3A_27 : vector<4096x1xf32>
    %neg3A_32 = arith.constant 0.000000e+00 : f32
    %neg3A_33 = vector.broadcast %neg3A_32 : f32 to vector<4096x1xf32>
    %neg3A_34 = arith.subf %neg3A_33, %abs3A_31 : vector<4096x1xf32>
    %exp3A_35 = math.exp %neg3A_34 : vector<4096x1xf32>
    %log1p3A_36 = math.log1p %exp3A_35 : vector<4096x1xf32>
    %add3A_37 = arith.addf %max3A_25, %log1p3A_36 : vector<4096x1xf32>
    %select_n3A_38 = arith.select %ne3A_28, %add3A_30, %add3A_37 : vector<4096x1xi1>, vector<4096x1xf32>
    %sub3A_39 = arith.subf %sqrt3A, %select_n3A_38 : vector<4096x1xf32>
    %integer_pow3A = arith.mulf %sub3A_39, %sub3A_39 : vector<4096x1xf32>
    %mul3A_40 = arith.mulf %select_n3A, %integer_pow3A : vector<4096x1xf32>
    %mul3A_41 = arith.mulf %mul3A_40, %slice3A : vector<4096x1xf32>
    %reduce_sum3A_42 = vector.shape_cast %mul3A_41 : vector<4096x1xf32> to vector<1x4096x1xf32>
    %reduce_sum3A_43 = arith.constant dense<0.000000e+00> : vector<1xf32>
    %reduce_sum3A_44 = vector.multi_reduction <add>, %reduce_sum3A_42, %reduce_sum3A_43 [1, 2] : vector<1x4096x1xf32> to vector<1xf32>
    %reduce_sum3A_45 = vector.shape_cast %reduce_sum3A_44 : vector<1xf32> to vector<1x1x1xf32>
    %reduce_sum3A_46 = vector.extract %reduce_sum3A_45[0, 0, 0] : f32 from vector<1x1x1xf32>
    %reshape3A = vector.broadcast %reduce_sum3A_46 : f32 to vector<1x1xf32>
    %slice3A_47 = vector.extract_strided_slice %get3A_1 {offsets = [0, 2], sizes = [4096, 2], strides = [1, 1]} : vector<4096x16xf32> to vector<4096x2xf32>
    %get3A_48 = arith.constant 1 : index
    %get3A_49 = arith.constant 0 : index
    %get3A_50 = vector.load %arg3[%get3A_48, %get3A_49] : memref<2x2xf32, #tpu.memory_space<vmem>>, vector<1x2xf32>
    %get3A_51 = vector.shape_cast %get3A_50 : vector<1x2xf32> to vector<2xf32>
    %broadcast_in_dim3A_52 = vector.shape_cast %get3A_51 : vector<2xf32> to vector<1x2xf32>
    %add3A_53 = vector.broadcast %broadcast_in_dim3A_52 : vector<1x2xf32> to vector<4096x2xf32>
    %add3A_54 = arith.addf %slice3A_47, %add3A_53 : vector<4096x2xf32>
    %slice3A_55 = vector.extract_strided_slice %add3A_54 {offsets = [0, 0], sizes = [4096, 1], strides = [1, 1]} : vector<4096x2xf32> to vector<4096x1xf32>
    %custom_jvp_call3A_56 = arith.constant 0.000000e+00 : f32
    %max3A_57 = vector.broadcast %custom_jvp_call3A_56 : f32 to vector<4096x1xf32>
    %max3A_58 = arith.maximumf %slice3A_55, %max3A_57 : vector<4096x1xf32>
    %sub3A_59 = vector.broadcast %custom_jvp_call3A_56 : f32 to vector<4096x1xf32>
    %sub3A_60 = arith.subf %slice3A_55, %sub3A_59 : vector<4096x1xf32>
    %ne3A_61 = arith.cmpf one, %sub3A_60, %sub3A_60 : vector<4096x1xf32>
    %add3A_62 = vector.broadcast %custom_jvp_call3A_56 : f32 to vector<4096x1xf32>
    %add3A_63 = arith.addf %slice3A_55, %add3A_62 : vector<4096x1xf32>
    %abs3A_64 = math.absf %sub3A_60 : vector<4096x1xf32>
    %neg3A_65 = arith.constant 0.000000e+00 : f32
    %neg3A_66 = vector.broadcast %neg3A_65 : f32 to vector<4096x1xf32>
    %neg3A_67 = arith.subf %neg3A_66, %abs3A_64 : vector<4096x1xf32>
    %exp3A_68 = math.exp %neg3A_67 : vector<4096x1xf32>
    %log1p3A_69 = math.log1p %exp3A_68 : vector<4096x1xf32>
    %add3A_70 = arith.addf %max3A_58, %log1p3A_69 : vector<4096x1xf32>
    %select_n3A_71 = arith.select %ne3A_61, %add3A_63, %add3A_70 : vector<4096x1xi1>, vector<4096x1xf32>
    %slice3A_72 = vector.extract_strided_slice %add3A_54 {offsets = [0, 1], sizes = [4096, 1], strides = [1, 1]} : vector<4096x2xf32> to vector<4096x1xf32>
    %custom_jvp_call3A_73 = arith.constant 0.000000e+00 : f32
    %max3A_74 = vector.broadcast %custom_jvp_call3A_73 : f32 to vector<4096x1xf32>
    %max3A_75 = arith.maximumf %slice3A_72, %max3A_74 : vector<4096x1xf32>
    %sub3A_76 = vector.broadcast %custom_jvp_call3A_73 : f32 to vector<4096x1xf32>
    %sub3A_77 = arith.subf %slice3A_72, %sub3A_76 : vector<4096x1xf32>
    %ne3A_78 = arith.cmpf one, %sub3A_77, %sub3A_77 : vector<4096x1xf32>
    %add3A_79 = vector.broadcast %custom_jvp_call3A_73 : f32 to vector<4096x1xf32>
    %add3A_80 = arith.addf %slice3A_72, %add3A_79 : vector<4096x1xf32>
    %abs3A_81 = math.absf %sub3A_77 : vector<4096x1xf32>
    %neg3A_82 = arith.constant 0.000000e+00 : f32
    %neg3A_83 = vector.broadcast %neg3A_82 : f32 to vector<4096x1xf32>
    %neg3A_84 = arith.subf %neg3A_83, %abs3A_81 : vector<4096x1xf32>
    %exp3A_85 = math.exp %neg3A_84 : vector<4096x1xf32>
    %log1p3A_86 = math.log1p %exp3A_85 : vector<4096x1xf32>
    %add3A_87 = arith.addf %max3A_75, %log1p3A_86 : vector<4096x1xf32>
    %select_n3A_88 = arith.select %ne3A_78, %add3A_80, %add3A_87 : vector<4096x1xi1>, vector<4096x1xf32>
    %sub3A_89 = arith.subf %sqrt3A, %select_n3A_88 : vector<4096x1xf32>
    %integer_pow3A_90 = arith.mulf %sub3A_89, %sub3A_89 : vector<4096x1xf32>
    %mul3A_91 = arith.mulf %select_n3A_71, %integer_pow3A_90 : vector<4096x1xf32>
    %mul3A_92 = arith.mulf %mul3A_91, %slice3A : vector<4096x1xf32>
    %reduce_sum3A_93 = vector.shape_cast %mul3A_92 : vector<4096x1xf32> to vector<1x4096x1xf32>
    %reduce_sum3A_94 = arith.constant dense<0.000000e+00> : vector<1xf32>
    %reduce_sum3A_95 = vector.multi_reduction <add>, %reduce_sum3A_93, %reduce_sum3A_94 [1, 2] : vector<1x4096x1xf32> to vector<1xf32>
    %reduce_sum3A_96 = vector.shape_cast %reduce_sum3A_95 : vector<1xf32> to vector<1x1x1xf32>
    %reduce_sum3A_97 = vector.extract %reduce_sum3A_96[0, 0, 0] : f32 from vector<1x1x1xf32>
    %reshape3A_98 = vector.broadcast %reduce_sum3A_97 : f32 to vector<1x1xf32>
    %concatenate3A = tpu.concatenate %reshape3A, %reshape3A_98 in 1 : vector<1x1xf32>, vector<1x1xf32> -> vector<1x2xf32>
    %eq3A = arith.constant 0 : i32
    %eq3A_99 = arith.cmpi eq, %arg0, %eq3A : i32
    %convert_element_type3A = arith.extui %eq3A_99 : i1 to i32
    %cond3A = arith.constant 0 : i32
    %cond3A_100 = arith.cmpi ne, %convert_element_type3A, %cond3A : i32
    scf.if %cond3A_100 {
      %get3A_106 = arith.constant 0 : index
      %get3A_107 = arith.constant 0 : index
      %get3A_108 = vector.load %arg2[%get3A_106, %get3A_107] : memref<1x2xf32, #tpu.memory_space<vmem>>, vector<1x2xf32>
      %add3A_109 = arith.addf %get3A_108, %concatenate3A : vector<1x2xf32>
      %swap3A = arith.constant 0 : index
      %swap3A_110 = arith.constant 0 : index
      %swap3A_111 = vector.load %arg4[%swap3A, %swap3A_110] : memref<1x2xf32, #tpu.memory_space<vmem>>, vector<1x2xf32>
      tpu.vector_store %arg4[%swap3A, %swap3A_110], %add3A_109 {strides = array<i32>} : memref<1x2xf32, #tpu.memory_space<vmem>>, vector<1x2xf32>,
    } else {
    }
    %ne3A_101 = arith.constant 0 : i32
    %ne3A_102 = arith.cmpi ne, %arg0, %ne3A_101 : i32
    %convert_element_type3A_103 = arith.extui %ne3A_102 : i1 to i32
    %cond3A_104 = arith.constant 0 : i32
    %cond3A_105 = arith.cmpi ne, %convert_element_type3A_103, %cond3A_104 : i32
    scf.if %cond3A_105 {
      %get3A_106 = arith.constant 0 : index
      %get3A_107 = arith.constant 0 : index
      %get3A_108 = vector.load %arg4[%get3A_106, %get3A_107] : memref<1x2xf32, #tpu.memory_space<vmem>>, vector<1x2xf32>
      %add3A_109 = arith.addf %get3A_108, %concatenate3A : vector<1x2xf32>
      %swap3A = arith.constant 0 : index
      %swap3A_110 = arith.constant 0 : index
      %swap3A_111 = vector.load %arg4[%swap3A, %swap3A_110] : memref<1x2xf32, #tpu.memory_space<vmem>>, vector<1x2xf32>
      tpu.vector_store %arg4[%swap3A, %swap3A_110], %add3A_109 {strides = array<i32>} : memref<1x2xf32, #tpu.memory_space<vmem>>, vector<1x2xf32>,
    } else {
    }
    return
  }
  func.func @transform_0(%arg0: i32) -> (i32, i32) {
    %c0_i32 = arith.constant 0 : i32
    %c0_i32_0 = arith.constant 0 : i32
    return %arg0, %c0_i32 : i32, i32
  }
  func.func @transform_1(%arg0: i32) -> (i32, i32) {
    %c0_i32 = arith.constant 0 : i32
    %c0_i32_0 = arith.constant 0 : i32
    %c0_i32_1 = arith.constant 0 : i32
    return %c0_i32, %c0_i32_0 : i32, i32
  }
  func.func @transform_2(%arg0: i32) -> (i32, i32) {
    %c0_i32 = arith.constant 0 : i32
    %c0_i32_0 = arith.constant 0 : i32
    %c0_i32_1 = arith.constant 0 : i32
    return %c0_i32, %c0_i32_0 : i32, i32
  }
  func.func @transform_3(%arg0: i32) -> (i32, i32) {
    %c0_i32 = arith.constant 0 : i32
    %c0_i32_0 = arith.constant 0 : i32
    %c0_i32_1 = arith.constant 0 : i32
    return %c0_i32, %c0_i32_0 : i32, i32
  }
}

</mosaic_0001>

<sc_bundles>
// kernel: kernel.17.cloned.1.call-start
scs
__scs_entry_jumppad:
0x0: {  	(pc) =	sbr.rel $0x88, $3  }
0x1: {  	(tag) =	ssettag $0x0;
	lr =	simm.s32 $0x1  }
0x2: {  	[smem:$0x3F92] =	sst lr;
	_ =	strace $0xD0000000  }
0x3: {  	_ = 	snop  }
0x4: {  	_ = 	snop  }
0x5: {  	_ = 	snop  }
0x6: {  	_ = 	snop  }
0x7: {  	_ = 	snop  }
__scs_overlays_trampoline_lowered:
0x8: {  	[smem:$0x3FA1] =	sst s0  }
0x9: {  	[smem:$0x3FA2] =	sst s1  }
0xa: {  	[smem:$0x3FA3] =	sst s2  }
0xb: {  	[smem:$0x3FA4] =	sst s3  }
0xc: {  	[smem:$0x3FA5] =	sst s4  }
0xd: {  	[smem:$0x3FA6] =	sst s5  }
0xe: {  	[smem:$0x3FA7] =	sst s6  }
0xf: {  	[smem:$0x3FA8] =	sst s7  }
0x10: {  	[smem:$0x3FA9] =	sst s8  }
0x11: {  	[smem:$0x3FAA] =	sst s9;
	s0 =	simm.s32 @!p0 $0x0  }
0x12: {  	s1 =	sld [smem:$0x3F90];
	s0 =	simm.s32 @p0 $0x1  }
0x13: {  	[smem:$0x3FAB] =	sst s0;
	s0 =	simm.s32 @!p1 $0x0  }
0x14: {  	s2 =	sld [smem:$0x3F8F];
	s0 =	simm.s32 @p1 $0x1  }
0x15: {  	[smem:$0x3FAC] =	sst s0;
	s0 =	simm.s32 @!p2 $0x0  }
0x16: {  	s3 =	sld [smem:$0x3FDB];
	s0 =	simm.s32 @p2 $0x1  }
0x17: {  	s4 =	simm.s32 $0x1BF5;
	[smem:$0x3FAE] =	sst s0  }
0x18: {  	s0 =	sld [smem:$0x3F91];
	_ =	swait.ge [sflag:s4], $0x0  }
0x19: {  	s7 =	sld [smem:$0x3F92]  }
0x1a: {  	s8 =	sadd.s32 $0xFFFFE003, lr  }
0x1b: {  	s9 =	sadd.s32 $0xFFFFFEF7, lr;
	s5 =	simm.s32 $0xFFFFFFFF;
	p2 =	slt.u32 s8, $0xFFFFF086  }
0x1c: {  	p1 =	slt.u32 s9, $0xF7A;
	s5 =	simm.s32 @!p2 $0x0  }
0x1d: {  	s5 =	simm.s32 @p1 $0x1;
	p0 =	seq.s32 s7, s2  }
0x1e: {  	s7 =	smul.u32 @!p0 $0xF7A, s2;
	p2 =	seq.s32 @!p0 s5, $0x0  }
0x1f: {  	s9 =	smul.u32 $0xF7A, s1;
	s8 =	simm.s32 @!p0 $0x1BF5;
	p2 =	por !p2, p0  }
0x20: {  	[sflag:s8] =	ssyncset.s32 @!p0 $0xFFFFF086;
	s6 =	sadd.s32 @!p0 s3, s7;
	s7 =	simm.s32 @!p0 $0x108  }
0x21: {  	s3 =	sadd.s32 s3, s9;
	s6 =	sadd.s32 @!p0 $0x88, s6;
	s7 =	simm.s32 @p2 $0x1082  }
0x22: {  	[simem:s7], [sflag:s8] =	dma.local @!p0 [hbm:s6], $0xF7A  }
0x23: {  	s9 =	sor.u32 $0xD0000000, s2;
	s6 =	simm.s32 $0x108;
	_ =	swait.ge @!p0 [sflag:s8], $0x0  }
0x24: {  	s3 =	sadd.s32 $0x88, s3;
	s6 =	simm.s32 @!p1 $0x1082;
	[sflag:s4] =	ssyncset.s32 $0xFFFFF086  }
0x25: {  	[simem:s6], [sflag:s4] =	dma.local [hbm:s3], $0xF7A  }
0x26: {  	[smem:$0x3F92] =	sst s1;
	(tag) =	ssettag s2;
	_ =	strace s9  }
0x27: {  	s1 =	sld [smem:$0x3FA2]  }
0x28: {  	s2 =	sld [smem:$0x3FA3]  }
0x29: {  	s4 =	sld [smem:$0x3FA5]  }
0x2a: {  	p0 =	seq.s32 s5, $0x0;
	s5 =	sld [smem:$0x3FA6]  }
0x2b: {  	s6 =	sld [smem:$0x3FA7]  }
0x2c: {  	s7 =	sld [smem:$0x3FA8]  }
0x2d: {  	s3 =	simm.s32 $0x108;
	s8 =	sld [smem:$0x3FA9]  }
0x2e: {  	s3 =	simm.s32 @!p0 $0x1082;
	s9 =	sld [smem:$0x3FAA]  }
0x2f: {  	lr =	sadd.s32 s0, s3;
	s0 =	sld [smem:$0x3FA1]  }
0x30: {  	s3 =	sld [smem:$0x3FA4]  }
0x31: {  	[smem:$0x3FAD] =	sst s10  }
0x32: {  	s10 =	sld [smem:$0x3FAB];
	_ =	sdelay $0x3  }
0x33: {  	p0 =	seq.s32 s10, $0x1;
	s10 =	sld [smem:$0x3FAD];
	_ =	sdelay $0x3  }
0x34: {  	[smem:$0x3FAD] =	sst s10  }
0x35: {  	s10 =	sld [smem:$0x3FAC];
	_ =	sdelay $0x3  }
0x36: {  	p1 =	seq.s32 s10, $0x1;
	s10 =	sld [smem:$0x3FAD];
	_ =	sdelay $0x3  }
0x37: {  	[smem:$0x3FAD] =	sst s10  }
0x38: {  	s10 =	sld [smem:$0x3FAE]  }
0x39: {  	_ = 	snop;
	(pc) =	sbr.ind lr, $3  }
0x3a: {  	_ = 	snop  }
0x3b: {  	_ = 	snop  }
0x3c: {  	p2 =	seq.s32 s10, $0x1;
	s10 =	sld [smem:$0x3FAD]  }
0x3d: {  	_ =	shalt  }
0x3e: {  	_ =	shalt  }
0x3f: {  	_ =	shalt  }
0x40: {  	_ =	shalt  }
0x41: {  	_ =	shalt  }
0x42: {  	_ =	shalt  }
0x43: {  	_ =	shalt  }
0x44: {  	_ =	shalt  }
0x45: {  	_ =	shalt  }
0x46: {  	_ =	shalt  }
0x47: {  	_ =	shalt  }
0x48: {  	_ =	shalt  }
0x49: {  	_ =	shalt  }
0x4a: {  	_ =	shalt  }
0x4b: {  	_ =	shalt  }
0x4c: {  	_ =	shalt  }
0x4d: {  	_ =	shalt  }
0x4e: {  	_ =	shalt  }
0x4f: {  	_ =	shalt  }
0x50: {  	_ =	shalt  }
0x51: {  	_ =	shalt  }
0x52: {  	_ =	shalt  }
0x53: {  	_ =	shalt  }
0x54: {  	_ =	shalt  }
0x55: {  	_ =	shalt  }
0x56: {  	_ =	shalt  }
0x57: {  	_ =	shalt  }
0x58: {  	_ =	shalt  }
0x59: {  	_ =	shalt  }
0x5a: {  	_ =	shalt  }
0x5b: {  	_ =	shalt  }
0x5c: {  	_ =	shalt  }
0x5d: {  	_ =	shalt  }
0x5e: {  	_ =	shalt  }
0x5f: {  	_ =	shalt  }
0x60: {  	_ =	shalt  }
0x61: {  	_ =	shalt  }
0x62: {  	_ =	shalt  }
0x63: {  	_ =	shalt  }
0x64: {  	_ =	shalt  }
0x65: {  	_ =	shalt  }
0x66: {  	_ =	shalt  }
0x67: {  	_ =	shalt  }
0x68: {  	_ =	shalt  }
0x69: {  	_ =	shalt  }
0x6a: {  	_ =	shalt  }
0x6b: {  	_ =	shalt  }
0x6c: {  	_ =	shalt  }
0x6d: {  	_ =	shalt  }
0x6e: {  	_ =	shalt  }
0x6f: {  	_ =	shalt  }
0x70: {  	_ =	shalt  }
0x71: {  	_ =	shalt  }
0x72: {  	_ =	shalt  }
0x73: {  	_ =	shalt  }
0x74: {  	_ =	shalt  }
0x75: {  	_ =	shalt  }
0x76: {  	_ =	shalt  }
0x77: {  	_ =	shalt  }
0x78: {  	_ =	shalt  }
0x79: {  	_ =	shalt  }
0x7a: {  	_ =	shalt  }
0x7b: {  	_ =	shalt  }
0x7c: {  	_ =	shalt  }
0x7d: {  	_ =	shalt  }
0x7e: {  	_ =	shalt  }
0x7f: {  	_ =	shalt  }
0x80: {  	_ =	shalt  }
0x81: {  	_ =	shalt  }
0x82: {  	_ =	shalt  }
0x83: {  	_ =	shalt  }
0x84: {  	_ =	shalt  }
0x85: {  	_ =	shalt  }
0x86: {  	_ =	shalt  }
0x87: {  	_ =	shalt  }
.Lfunc_end0:
.L_simem_size_0:
called_computation_lowered:
.L_overlay_start_0:
0x88: {  	s2 =	sld [smem:$0x3FD9]  }
0x89: {  	s3 =	sld [smem:$0x3FFE];
	_ =	sdelay $0x1  }
0x8a: {  	s1 =	srdreg.scid  }
0x8b: {  	s0 =	sand.u32 $0x1, s1  }
0x8c: {  	s16 =	sshll.u32 s0, $0xA;
	s2 =	sadd.s32 s3, s2  }
0x8d: {  	s2 =	sadd.s32 s2, s16  }
0x8e: {  	[smem:$0x3FB9] =	sst s2  }
0x8f: {  	_ = 	snop  }
0x90: {  	(tm) =	ssettm $0x1  }
0x91: {  	s17 =	sld [smem:$0x3FFB];
	_ =	sdelay $0x3  }
0x92: {  	_ =	strace s17  }
0x93: {  	s2 =	sld [smem:$0x3FFC];
	_ =	sdelay $0x3  }
0x94: {  	_ =	strace s2  }
0x95: {  	s2 =	sld [smem:$0x3FFD];
	_ =	sdelay $0x3  }
0x96: {  	_ =	strace s2  }
0x97: {  	_ =	strace $0x8FFFFFFF  }
0x98: {  	s18 =	sld [smem:$0x3FDB];
	_ =	sdelay $0x1  }
0x99: {  	s19 =	simm.s32 $_scs_section_size  }
0x9a: {  	s4 =	simm.s32 $_size__tile_overlayer_lowered;
	s5 =	simm.s32 $_tile_overlayer_lowered  }
0x9b: {  	s22 =	simm.s32 $0x1BFF;
	s21 =	sshll.u32 s5, $0x1;
	s2 =	sadd.s32 s19, s18  }
0x9c: {  	s6 =	simm.s32 $0x0;
	s20 =	sshll.u32 s4, $0x1;
	s4 =	sadd.s32 s21, s2  }
0x9d: {  	[timem:s6], [sflag:s22] =	dma.local [hbm:s4], s20  }
0x9e: {  	_ =	swait.ge [sflag:s22], s20  }
0x9f: {  	s3 =	ssub.s32 $0x0, s20;
	[sflag:s22] =	ssyncset.done $0x0  }
0xa0: {  	[sflag:s22] =	ssyncadd.s32 s3;
	_ =	sdelay $0x1  }
0xa1: {  	s23 =	simm.s32 $0x1B8B  }
0xa2: {  	_ =	swait.ge [sflag:s23], $0x1  }
0xa3: {  	[sflag:s23] =	ssyncset.done $0x0  }
0xa4: {  	s25 =	simm.s32 $0x1B8E;
	s24 =	sld [smem:$0x3FFE];
	[sflag:s23] =	ssyncadd.s32 $0xFFFFFFFF  }
0xa5: {  	s26 =	simm.s32 $execute0_lowered;
	[smem:$0x3FD2] =	sst s25  }
0xa6: {  	s4 =	sshll.u32 s26, $0x1;
	_ =	strace $0x80000046;
	[dreg:$0x1] =	wrdreg $0xFFFFFFFF  }
0xa7: {  	s28 =	simm.s32 $_size_execute0_lowered;
	s2 =	sadd.s32 s2, s4;
	[dreg:$0x0] =	wrdreg $0x0  }
0xa8: {  	s4 =	sshll.u32 s28, $0x1;
	[dreg:$0x2] =	wrdreg s2  }
0xa9: {  	[dreg:$0x3] =	wrdreg s4  }
0xaa: {  	[dreg:$0x4] =	wrdreg $0xC0  }
0xab: {  	_ =	task [dreg:s6], $0x5FFFF  }
0xac: {  	[dreg:$0x1] =	wrdreg $0xFFFFFFFF  }
0xad: {  	[dreg:$0x0] =	wrdreg $0x60  }
0xae: {  	[dreg:$0x2] =	wrdreg s24  }
0xaf: {  	[dreg:$0x3] =	wrdreg $0x9  }
0xb0: {  	_ =	task.clear_ibuf [dreg:s6], $0x4FFFF;
	_ =	strace $0x90000046  }
0xb1: {  	s29 =	simm.s32 $0x9;
	_ =	strace $0x80000048  }
0xb2: {  	_ =	swait.ge [sflag:s29], $0x1  }
0xb3: {  	[sflag:s29] =	ssyncadd.s32 $0xFFFFFFFF  }
0xb4: {  	_ =	strace $0x90000048  }
0xb5: {  	_ =	sfence  }
0xb6: {  	s30 =	sld [smem:$0x0];
	_ =	sdelay $0x2  }
0xb7: {  	s31 =	sshll.u32 s1, $0xD;
	s1 =	sshrl.u32 s1, $0x2  }
0xb8: {  	s3 =	sand.u32 $0x4000, s31;
	s1 =	sadd.s32 s1, s30  }
0xb9: {  	s0 =	sor.u32 s3, s0;
	s1 =	sshll.u32 s1, $0x11  }
0xba: {  	s0 =	sor.u32 s1, s0  }
0xbb: {  	s0 =	sadd.s32 $0x8F2B, s0  }
0xbc: {  	[sflag:s0] =	ssyncadd.remote.s32 $0x1  }
0xbd: {  	_ =	sfence.sel $0xFFFF  }
0xbe: {  	[dreg:$0x0] =	wrdreg $0xFFFFFFFF;
	(pc) =	sbr.abs _section_cstart, $3  }
0xbf: {  	[dreg:$0x1] =	wrdreg $0xFFFFFFFF  }
0xc0: {  	_ =	task.clear_ibuf [dreg:s6], $0x2FFFF;
	_ =	strace $0x9FFFFFFF  }
0xc1: {  	(tm) =	ssettm $0x7FFFFFFF  }
tec
execute0_lowered:
.L_overlay_start_1:
0x0: {  	(tag) =	ssettag $0x1  }
0x1: {  	s1 =	srdreg.scid;
	s0 =	stileid.u32  }
0x2: {  	s5 =	rddreg [dreg:$0x0];
	s2 =	simm.s32 $0x0;
	s10 =	simm.s32 $0x2  }
0x3: {  	s11 =	simm.s32 $0x2800;
	s12 =	simm.s32 $0x80;
	s13 =	simm.s32 $0x5000  }
0x4: {  	s14 =	simm.s32 $0x9000;
	s15 =	simm.s32 $0x1;
	s16 =	simm.s32 $0x0  }
0x5: {  	s4 =	sand.u32 $0x1, s1;
	s3 =	sshll.u32 s0, $0x1;
	s1 =	rddreg [dreg:$0x1]  }
0x6: {  	[smem:$0x7FF] =	sst s2;
	s8 =	sor.u32 s4, s3;
	s6 =	ssub.s32 $0x2, s4  }
0x7: {  	_ =	strace $0x80000047;
	s3 =	smul.u32 $0x500, s8;
	s9 =	sshrl.u32 s6, $0x1  }
0x8: {  	s4 =	sadd.s32 $0x6EC00, s5;
	s8 =	smul.u32 $0x2800, s8;
	s9 =	ssub.s32 s6, s9  }
0x9: {  	s7 =	sadd.s32 s3, s5;
	s3 =	sadd.s32 $0x46C00, s5;
	s5 =	sadd.s32 $0xBEC00, s5  }
0xa: {  	s9 =	smax.u32 s9, $0x1;
	s6 =	sadd.s32 $0x8C00, s7;
	s7 =	sadd.s32 $0x12C00, s7  }
.LBB2_1:
0xb: {  	[tilespmem:s2], [sflag:$0x2] =	stream.linear.gather [hbm4b:s6+s2], $0x2800, $0x38;
	[tilespmem:$0xD000] =	vst v63  }
0xc: {  	_ =	swait.ge [sflag:s10], $0x2800  }
0xd: {  	[sflag:s10] =	ssyncset.done $0x0  }
0xe: {  	[sflag:s10] =	ssyncadd.s32 $0xFFFFD800  }
0xf: {  	[tilespmem:s11], [sflag:$0x2] =	stream.linear.gather [hbm4b:s7+s2], $0x2800, $0x38;
	[tilespmem:$0xD000] =	vst v63  }
0x10: {  	_ =	swait.ge [sflag:s10], $0x2800  }
0x11: {  	[sflag:s10] =	ssyncset.done $0x0  }
0x12: {  	s17 =	simm.s32 $0x0;
	[sflag:s10] =	ssyncadd.s32 $0xFFFFD800  }
.LBB2_2:
0x13: {  	s18 =	sshll.u32 s17, $0x7  }
0x14: {  	[tilespmem:s13], [sflag:$0x1] =	stream.indirect.gather [hbm4b:s3+s12], $0x80, s18, s12, $0xb8;
	[tilespmem:$0xD000] =	vst v63  }
0x15: {  	s19 =	sadd.s32 $0x2800, s18  }
0x16: {  	[tilespmem:s14], [sflag:$0x1] =	stream.indirect.gather [hbm4b:s4+s12], $0x80, s19, s12, $0xb8;
	[tilespmem:$0xD000] =	vst v63  }
0x17: {  	_ =	swait.ge [sflag:s15], $0x4000  }
0x18: {  	[sflag:s15] =	ssyncset.done $0x0  }
0x19: {  	[sflag:s15] =	ssyncadd.s32 $0xFFFFC000  }
0x1a: {  	_ =	swait.ge [sflag:s15], $0x4000  }
0x1b: {  	[sflag:s15] =	ssyncset.done $0x0  }
0x1c: {  	s19 =	simm.s32 $0x0;
	[sflag:s15] =	ssyncadd.s32 $0xFFFFC000  }
0x1d: {  	v7 =	vld [tilespmem:s19+$0x9000]  }
0x1e: {  	v11 =	vld [tilespmem:s19+$0x9010]  }
0x1f: {  	v5 =	vld [tilespmem:s19+$0x9020]  }
0x20: {  	v4 =	vld [tilespmem:s19+$0x9030]  }
0x21: {  	v3 =	vld [tilespmem:s19+$0x9040]  }
0x22: {  	v2 =	vld [tilespmem:s19+$0x9050]  }
0x23: {  	v1 =	vld [tilespmem:s19+$0x9060]  }
0x24: {  	v0 =	vld [tilespmem:s19+$0x9070]  }
0x25: {  	v12 =	vld [tilespmem:s19+$0x5000]  }
0x26: {  	v13 =	vld [tilespmem:s19+$0x5010]  }
0x27: {  	v10 =	vld [tilespmem:s19+$0x5020]  }
0x28: {  	v9 =	vld [tilespmem:s19+$0x5030]  }
0x29: {  	v8 =	vld [tilespmem:s19+$0x5040]  }
0x2a: {  	v6 =	vld [tilespmem:s19+$0x5050];
	v12 =	vadd.f32 v7, v12  }
0x2b: {  	s20 =	simm.s32 $0x200;
	v11 =	vadd.f32 v11, v13;
	v7 =	vld [tilespmem:s19+$0x5060]  }
.LBB2_3:
0x2c: {  	s21 =	sshra.s32 s20, $0x2;
	p0 =	sne.s32 s20, $0xFE00;
	[tilespmem:s19+$0x5000] =	vst v12;
	v5 =	vadd.f32 v5, v10;
	v10 =	vld [tilespmem:s19+$0x5070]  }
0x2d: {  	v12 =	vld [tilespmem:s21+$0x9000];
	[tilespmem:s19+$0x5010] =	vst v11;
	v4 =	vadd.f32 v4, v9  }
0x2e: {  	v11 =	vld [tilespmem:s21+$0x9010];
	[tilespmem:s19+$0x5020] =	vst v5;
	v3 =	vadd.f32 v3, v8  }
0x2f: {  	v5 =	vld [tilespmem:s21+$0x9020];
	[tilespmem:s19+$0x5030] =	vst v4;
	v2 =	vadd.f32 v2, v6  }
0x30: {  	v4 =	vld [tilespmem:s21+$0x9030];
	[tilespmem:s19+$0x5040] =	vst v3;
	v1 =	vadd.f32 v1, v7  }
0x31: {  	v3 =	vld [tilespmem:s21+$0x9040];
	[tilespmem:s19+$0x5050] =	vst v2;
	v0 =	vadd.f32 v0, v10  }
0x32: {  	v2 =	vld [tilespmem:s21+$0x9050];
	[tilespmem:s19+$0x5060] =	vst v1  }
0x33: {  	v1 =	vld [tilespmem:s21+$0x9060];
	[tilespmem:s19+$0x5070] =	vst v0;
	s19 =	smov.u32 s21  }
0x34: {  	v0 =	vld [tilespmem:s19+$0x9070]  }
0x35: {  	v6 =	vld [tilespmem:s19+$0x5000]  }
0x36: {  	v7 =	vld [tilespmem:s19+$0x5010]  }
.Ltmp0:
0x37: {  	v10 =	vld [tilespmem:s19+$0x5020];
	(pc) =	sbr.rel @p0 .LBB2_3-.Ltmp0, $4  }
0x38: {  	v9 =	vld [tilespmem:s19+$0x5030]  }
0x39: {  	v8 =	vld [tilespmem:s19+$0x5040]  }
0x3a: {  	v12 =	vadd.f32 v12, v6;
	v6 =	vld [tilespmem:s19+$0x5050]  }
0x3b: {  	s20 =	sadd.s32 $0x200, s20;
	v11 =	vadd.f32 v11, v7;
	v7 =	vld [tilespmem:s19+$0x5060]  }
0x3c: {  	[tilespmem:s19+$0x5000] =	vst v12;
	v5 =	vadd.f32 v5, v10;
	v63 =	vld [tilespmem:s19+$0x5070]  }
0x3d: {  	[tilespmem:s19+$0x5010] =	vst v11;
	v4 =	vadd.f32 v4, v9  }
0x3e: {  	[tilespmem:s19+$0x5020] =	vst v5;
	v3 =	vadd.f32 v3, v8  }
0x3f: {  	[tilespmem:s19+$0x5030] =	vst v4;
	v2 =	vadd.f32 v2, v6  }
0x40: {  	[tilespmem:s19+$0x5040] =	vst v3;
	v1 =	vadd.f32 v1, v7  }
0x41: {  	s18 =	sadd.s32 s8, s18;
	s17 =	sadd.s32 $0x1, s17;
	[tilespmem:s19+$0x5050] =	vst v2;
	v0 =	vadd.f32 v0, v63  }
0x42: {  	s18 =	sshll.u32 s18, $0x4;
	p0 =	sne.s32 s17, $0x50;
	[tilespmem:s19+$0x5060] =	vst v1  }
.Ltmp1:
0x43: {  	s18 =	sadd.s32 s5, s18;
	[tilespmem:s19+$0x5070] =	vst v0;
	(pc) =	sbr.rel @p0 .LBB2_2-.Ltmp1, $4  }
0x44: {  	[hbm4b:s18+s2] =	stream.linear.scatter [tilespmem:s13], [sflag:$0x2], $0x4000, $0x38;
	[tilespmem:$0xD000] =	vst v63  }
0x45: {  	_ =	swait.ge [sflag:s10], $0x4000  }
0x46: {  	[sflag:s10] =	ssyncset.done $0x0  }
0x47: {  	[sflag:s10] =	ssyncadd.s32 $0xFFFFC000  }
0x48: {  	s16 =	sadd.s32 $0x1, s16  }
0x49: {  	p0 =	sne.s32 s16, s9  }
.Ltmp2:
0x4a: {  	_ = 	snop;
	(pc) =	sbr.rel @p0 .LBB2_1-.Ltmp2, $1  }
0x4b: {  	_ =	sdelay $0x3  }
0x4c: {  	_ =	sfence.sel $0x180000  }
0x4d: {  	[bflag:$0x0] =	sbarrier.arrive $0xFFFF  }
0x4e: {  	p0 =	sne.s32 s0, $0x0;
	_ =	strace $0x90000047  }
0x4f: {  	s0 =	sadd.s32 @!p0 $0x100000, s1;
	[bflag:$0x2] =	sbarrier.arrive $0xFFFF  }
0x50: {  	[sflag:s0] =	ssyncadd.tile.s32 @!p0 $0x1;
	_ =	shalt  }
.Lfunc_end2:
_tile_overlayer_lowered:
.L_overlay_start_2:
0x51: {  	(tag) =	ssettag $0x2  }
0x52: {  	s0 =	rddreg [dreg:$0x0];
	s2 =	stileid.u32  }
0x53: {  	s1 =	rddreg [dreg:$0x1];
	p0 =	sne.s32 s2, $0x0  }
0x54: {  	s3 =	rddreg [dreg:$0x2];
	[bflag:$0x3] =	sbarrier.arrive $0xFFFF;
	s2 =	simm.s32 @!p0 $0x1C02  }
0x55: {  	[timem:s3], [sflag:s2] =	dma.local @!p0 [hbm:s0], s1  }
0x56: {  	s0 =	simm.s32 @!p0 $0x2  }
0x57: {  	_ =	swait.ge @!p0 [sflag:s0], s1  }
0x58: {  	s1 =	ssub.s32 @!p0 $0x0, s1;
	[sflag:s0] =	ssyncset.done @!p0 $0x0  }
0x59: {  	[sflag:s0] =	ssyncadd.s32 @!p0 s1  }
0x5a: {  	[bflag:$0x3] =	sbarrier.arrive $0xFFFF  }
0x5b: {  	_ =	shalt  }

// kernel: kernel.20.cloned.1.call-start
scs
__scs_entry_jumppad:
0x0: {  	(pc) =	sbr.rel $0x88, $3  }
0x1: {  	(tag) =	ssettag $0x0;
	lr =	simm.s32 $0x1  }
0x2: {  	[smem:$0x3F92] =	sst lr;
	_ =	strace $0xD0000000  }
0x3: {  	_ = 	snop  }
0x4: {  	_ = 	snop  }
0x5: {  	_ = 	snop  }
0x6: {  	_ = 	snop  }
0x7: {  	_ = 	snop  }
__scs_overlays_trampoline_lowered:
0x8: {  	[smem:$0x3FA1] =	sst s0  }
0x9: {  	[smem:$0x3FA2] =	sst s1  }
0xa: {  	[smem:$0x3FA3] =	sst s2  }
0xb: {  	[smem:$0x3FA4] =	sst s3  }
0xc: {  	[smem:$0x3FA5] =	sst s4  }
0xd: {  	[smem:$0x3FA6] =	sst s5  }
0xe: {  	[smem:$0x3FA7] =	sst s6  }
0xf: {  	[smem:$0x3FA8] =	sst s7  }
0x10: {  	[smem:$0x3FA9] =	sst s8  }
0x11: {  	[smem:$0x3FAA] =	sst s9;
	s0 =	simm.s32 @!p0 $0x0  }
0x12: {  	s1 =	sld [smem:$0x3F90];
	s0 =	simm.s32 @p0 $0x1  }
0x13: {  	[smem:$0x3FAB] =	sst s0;
	s0 =	simm.s32 @!p1 $0x0  }
0x14: {  	s2 =	sld [smem:$0x3F8F];
	s0 =	simm.s32 @p1 $0x1  }
0x15: {  	[smem:$0x3FAC] =	sst s0;
	s0 =	simm.s32 @!p2 $0x0  }
0x16: {  	s3 =	sld [smem:$0x3FDB];
	s0 =	simm.s32 @p2 $0x1  }
0x17: {  	s4 =	simm.s32 $0x1BF5;
	[smem:$0x3FAE] =	sst s0  }
0x18: {  	s0 =	sld [smem:$0x3F91];
	_ =	swait.ge [sflag:s4], $0x0  }
0x19: {  	s7 =	sld [smem:$0x3F92]  }
0x1a: {  	s8 =	sadd.s32 $0xFFFFE003, lr  }
0x1b: {  	s9 =	sadd.s32 $0xFFFFFEF7, lr;
	s5 =	simm.s32 $0xFFFFFFFF;
	p2 =	slt.u32 s8, $0xFFFFF086  }
0x1c: {  	p1 =	slt.u32 s9, $0xF7A;
	s5 =	simm.s32 @!p2 $0x0  }
0x1d: {  	s5 =	simm.s32 @p1 $0x1;
	p0 =	seq.s32 s7, s2  }
0x1e: {  	s7 =	smul.u32 @!p0 $0xF7A, s2;
	p2 =	seq.s32 @!p0 s5, $0x0  }
0x1f: {  	s9 =	smul.u32 $0xF7A, s1;
	s8 =	simm.s32 @!p0 $0x1BF5;
	p2 =	por !p2, p0  }
0x20: {  	[sflag:s8] =	ssyncset.s32 @!p0 $0xFFFFF086;
	s6 =	sadd.s32 @!p0 s3, s7;
	s7 =	simm.s32 @!p0 $0x108  }
0x21: {  	s3 =	sadd.s32 s3, s9;
	s6 =	sadd.s32 @!p0 $0x88, s6;
	s7 =	simm.s32 @p2 $0x1082  }
0x22: {  	[simem:s7], [sflag:s8] =	dma.local @!p0 [hbm:s6], $0xF7A  }
0x23: {  	s9 =	sor.u32 $0xD0000000, s2;
	s6 =	simm.s32 $0x108;
	_ =	swait.ge @!p0 [sflag:s8], $0x0  }
0x24: {  	s3 =	sadd.s32 $0x88, s3;
	s6 =	simm.s32 @!p1 $0x1082;
	[sflag:s4] =	ssyncset.s32 $0xFFFFF086  }
0x25: {  	[simem:s6], [sflag:s4] =	dma.local [hbm:s3], $0xF7A  }
0x26: {  	[smem:$0x3F92] =	sst s1;
	(tag) =	ssettag s2;
	_ =	strace s9  }
0x27: {  	s1 =	sld [smem:$0x3FA2]  }
0x28: {  	s2 =	sld [smem:$0x3FA3]  }
0x29: {  	s4 =	sld [smem:$0x3FA5]  }
0x2a: {  	p0 =	seq.s32 s5, $0x0;
	s5 =	sld [smem:$0x3FA6]  }
0x2b: {  	s6 =	sld [smem:$0x3FA7]  }
0x2c: {  	s7 =	sld [smem:$0x3FA8]  }
0x2d: {  	s3 =	simm.s32 $0x108;
	s8 =	sld [smem:$0x3FA9]  }
0x2e: {  	s3 =	simm.s32 @!p0 $0x1082;
	s9 =	sld [smem:$0x3FAA]  }
0x2f: {  	lr =	sadd.s32 s0, s3;
	s0 =	sld [smem:$0x3FA1]  }
0x30: {  	s3 =	sld [smem:$0x3FA4]  }
0x31: {  	[smem:$0x3FAD] =	sst s10  }
0x32: {  	s10 =	sld [smem:$0x3FAB];
	_ =	sdelay $0x3  }
0x33: {  	p0 =	seq.s32 s10, $0x1;
	s10 =	sld [smem:$0x3FAD];
	_ =	sdelay $0x3  }
0x34: {  	[smem:$0x3FAD] =	sst s10  }
0x35: {  	s10 =	sld [smem:$0x3FAC];
	_ =	sdelay $0x3  }
0x36: {  	p1 =	seq.s32 s10, $0x1;
	s10 =	sld [smem:$0x3FAD];
	_ =	sdelay $0x3  }
0x37: {  	[smem:$0x3FAD] =	sst s10  }
0x38: {  	s10 =	sld [smem:$0x3FAE]  }
0x39: {  	_ = 	snop;
	(pc) =	sbr.ind lr, $3  }
0x3a: {  	_ = 	snop  }
0x3b: {  	_ = 	snop  }
0x3c: {  	p2 =	seq.s32 s10, $0x1;
	s10 =	sld [smem:$0x3FAD]  }
0x3d: {  	_ =	shalt  }
0x3e: {  	_ =	shalt  }
0x3f: {  	_ =	shalt  }
0x40: {  	_ =	shalt  }
0x41: {  	_ =	shalt  }
0x42: {  	_ =	shalt  }
0x43: {  	_ =	shalt  }
0x44: {  	_ =	shalt  }
0x45: {  	_ =	shalt  }
0x46: {  	_ =	shalt  }
0x47: {  	_ =	shalt  }
0x48: {  	_ =	shalt  }
0x49: {  	_ =	shalt  }
0x4a: {  	_ =	shalt  }
0x4b: {  	_ =	shalt  }
0x4c: {  	_ =	shalt  }
0x4d: {  	_ =	shalt  }
0x4e: {  	_ =	shalt  }
0x4f: {  	_ =	shalt  }
0x50: {  	_ =	shalt  }
0x51: {  	_ =	shalt  }
0x52: {  	_ =	shalt  }
0x53: {  	_ =	shalt  }
0x54: {  	_ =	shalt  }
0x55: {  	_ =	shalt  }
0x56: {  	_ =	shalt  }
0x57: {  	_ =	shalt  }
0x58: {  	_ =	shalt  }
0x59: {  	_ =	shalt  }
0x5a: {  	_ =	shalt  }
0x5b: {  	_ =	shalt  }
0x5c: {  	_ =	shalt  }
0x5d: {  	_ =	shalt  }
0x5e: {  	_ =	shalt  }
0x5f: {  	_ =	shalt  }
0x60: {  	_ =	shalt  }
0x61: {  	_ =	shalt  }
0x62: {  	_ =	shalt  }
0x63: {  	_ =	shalt  }
0x64: {  	_ =	shalt  }
0x65: {  	_ =	shalt  }
0x66: {  	_ =	shalt  }
0x67: {  	_ =	shalt  }
0x68: {  	_ =	shalt  }
0x69: {  	_ =	shalt  }
0x6a: {  	_ =	shalt  }
0x6b: {  	_ =	shalt  }
0x6c: {  	_ =	shalt  }
0x6d: {  	_ =	shalt  }
0x6e: {  	_ =	shalt  }
0x6f: {  	_ =	shalt  }
0x70: {  	_ =	shalt  }
0x71: {  	_ =	shalt  }
0x72: {  	_ =	shalt  }
0x73: {  	_ =	shalt  }
0x74: {  	_ =	shalt  }
0x75: {  	_ =	shalt  }
0x76: {  	_ =	shalt  }
0x77: {  	_ =	shalt  }
0x78: {  	_ =	shalt  }
0x79: {  	_ =	shalt  }
0x7a: {  	_ =	shalt  }
0x7b: {  	_ =	shalt  }
0x7c: {  	_ =	shalt  }
0x7d: {  	_ =	shalt  }
0x7e: {  	_ =	shalt  }
0x7f: {  	_ =	shalt  }
0x80: {  	_ =	shalt  }
0x81: {  	_ =	shalt  }
0x82: {  	_ =	shalt  }
0x83: {  	_ =	shalt  }
0x84: {  	_ =	shalt  }
0x85: {  	_ =	shalt  }
0x86: {  	_ =	shalt  }
0x87: {  	_ =	shalt  }
.Lfunc_end0:
.L_simem_size_0:
called_computation.1_lowered:
.L_overlay_start_0:
0x88: {  	s2 =	sld [smem:$0x3FD9]  }
0x89: {  	s3 =	sld [smem:$0x3FFE];
	_ =	sdelay $0x1  }
0x8a: {  	s1 =	srdreg.scid  }
0x8b: {  	s0 =	sand.u32 $0x1, s1  }
0x8c: {  	s16 =	sshll.u32 s0, $0xA;
	s2 =	sadd.s32 s3, s2  }
0x8d: {  	s2 =	sadd.s32 s2, s16  }
0x8e: {  	[smem:$0x3FB9] =	sst s2  }
0x8f: {  	_ = 	snop  }
0x90: {  	(tm) =	ssettm $0x1  }
0x91: {  	s17 =	sld [smem:$0x3FFB];
	_ =	sdelay $0x3  }
0x92: {  	_ =	strace s17  }
0x93: {  	s2 =	sld [smem:$0x3FFC];
	_ =	sdelay $0x3  }
0x94: {  	_ =	strace s2  }
0x95: {  	s2 =	sld [smem:$0x3FFD];
	_ =	sdelay $0x3  }
0x96: {  	_ =	strace s2  }
0x97: {  	_ =	strace $0x8FFFFFFF  }
0x98: {  	s18 =	sld [smem:$0x3FDB];
	_ =	sdelay $0x1  }
0x99: {  	s19 =	simm.s32 $_scs_section_size  }
0x9a: {  	s4 =	simm.s32 $_size__tile_overlayer_lowered;
	s5 =	simm.s32 $_tile_overlayer_lowered  }
0x9b: {  	s22 =	simm.s32 $0x1BFF;
	s21 =	sshll.u32 s5, $0x1;
	s2 =	sadd.s32 s19, s18  }
0x9c: {  	s6 =	simm.s32 $0x0;
	s20 =	sshll.u32 s4, $0x1;
	s4 =	sadd.s32 s21, s2  }
0x9d: {  	[timem:s6], [sflag:s22] =	dma.local [hbm:s4], s20  }
0x9e: {  	_ =	swait.ge [sflag:s22], s20  }
0x9f: {  	s3 =	ssub.s32 $0x0, s20;
	[sflag:s22] =	ssyncset.done $0x0  }
0xa0: {  	[sflag:s22] =	ssyncadd.s32 s3;
	_ =	sdelay $0x1  }
0xa1: {  	s23 =	simm.s32 $0x1B8B  }
0xa2: {  	_ =	swait.ge [sflag:s23], $0x1  }
0xa3: {  	[sflag:s23] =	ssyncset.done $0x0  }
0xa4: {  	s25 =	simm.s32 $0x1B8E;
	s24 =	sld [smem:$0x3FFE];
	[sflag:s23] =	ssyncadd.s32 $0xFFFFFFFF  }
0xa5: {  	s26 =	simm.s32 $execute0_lowered;
	[smem:$0x3FD2] =	sst s25  }
0xa6: {  	s4 =	sshll.u32 s26, $0x1;
	_ =	strace $0x80000049;
	[dreg:$0x1] =	wrdreg $0xFFFFFFFF  }
0xa7: {  	s28 =	simm.s32 $_size_execute0_lowered;
	s2 =	sadd.s32 s2, s4;
	[dreg:$0x0] =	wrdreg $0x0  }
0xa8: {  	s4 =	sshll.u32 s28, $0x1;
	[dreg:$0x2] =	wrdreg s2  }
0xa9: {  	[dreg:$0x3] =	wrdreg s4  }
0xaa: {  	[dreg:$0x4] =	wrdreg $0xC0  }
0xab: {  	_ =	task [dreg:s6], $0x5FFFF  }
0xac: {  	[dreg:$0x1] =	wrdreg $0xFFFFFFFF  }
0xad: {  	[dreg:$0x0] =	wrdreg $0x60  }
0xae: {  	[dreg:$0x2] =	wrdreg s24  }
0xaf: {  	[dreg:$0x3] =	wrdreg $0xA8000  }
0xb0: {  	[dreg:$0x4] =	wrdreg $0x9  }
0xb1: {  	_ =	task.clear_ibuf [dreg:s6], $0x5FFFF;
	_ =	strace $0x90000049  }
0xb2: {  	s29 =	simm.s32 $0x9;
	_ =	strace $0x8000004B  }
0xb3: {  	_ =	swait.ge [sflag:s29], $0x1  }
0xb4: {  	[sflag:s29] =	ssyncadd.s32 $0xFFFFFFFF  }
0xb5: {  	_ =	strace $0x9000004B  }
0xb6: {  	_ =	sfence  }
0xb7: {  	s30 =	sld [smem:$0x0];
	_ =	sdelay $0x2  }
0xb8: {  	s31 =	sshll.u32 s1, $0xD;
	s1 =	sshrl.u32 s1, $0x2  }
0xb9: {  	s3 =	sand.u32 $0x4000, s31;
	s1 =	sadd.s32 s1, s30  }
0xba: {  	s0 =	sor.u32 s3, s0;
	s1 =	sshll.u32 s1, $0x11  }
0xbb: {  	s0 =	sor.u32 s1, s0  }
0xbc: {  	s0 =	sadd.s32 $0x8F2B, s0  }
0xbd: {  	[sflag:s0] =	ssyncadd.remote.s32 $0x1  }
0xbe: {  	_ =	sfence.sel $0xFFFF  }
0xbf: {  	[dreg:$0x0] =	wrdreg $0xFFFFFFFF;
	(pc) =	sbr.abs _section_cstart, $3  }
0xc0: {  	[dreg:$0x1] =	wrdreg $0xFFFFFFFF  }
0xc1: {  	_ =	task.clear_ibuf [dreg:s6], $0x2FFFF;
	_ =	strace $0x9FFFFFFF  }
0xc2: {  	(tm) =	ssettm $0x7FFFFFFF  }
0xc3: {  	_ =	shalt  }
tec
execute0_lowered:
.L_overlay_start_1:
0x0: {  	(tag) =	ssettag $0x1  }
0x1: {  	s0 =	stileid.u32;
	s4 =	rddreg [dreg:$0x0]  }
0x2: {  	s1 =	srdreg.scid;
	s2 =	rddreg [dreg:$0x1]  }
0x3: {  	s3 =	simm.s32 $0x0;
	s15 =	simm.s32 $0x4000;
	s16 =	simm.s32 $0x80  }
0x4: {  	s19 =	simm.s32 $0x0;
	s7 =	sand.u32 $0x1, s1;
	s5 =	smul.u32 $0x50000, s0  }
0x5: {  	s28 =	sshll.u32 s0, $0x1;
	[smem:$0x7FF] =	sst s3;
	s9 =	smul.u32 $0x14000, s0  }
0x6: {  	s17 =	sshll.u32 s0, $0x6;
	s1 =	sor.u32 s7, s28;
	s8 =	smul.u32 $0x140000, s7  }
0x7: {  	s30 =	ssub.s32 $0x2, s7;
	s14 =	smul.u32 $0x28000, s7;
	s17 =	sor.u32 $0x1C01, s17  }
0x8: {  	s6 =	smul.u32 $0x500, s1;
	s1 =	rddreg [dreg:$0x2];
	_ =	strace $0x8000004A  }
0x9: {  	s12 =	sadd.s32 s5, s4;
	s31 =	sshrl.u32 s30, $0x1;
	s5 =	sshrl.u32 s5, $0x2  }
0xa: {  	s29 =	sadd.s32 s9, s8;
	s13 =	ssub.s32 s30, s31;
	s12 =	sadd.s32 s14, s12  }
0xb: {  	s14 =	simm.s32 $0x1;
	s10 =	sadd.s32 s6, s4;
	s6 =	sshrl.u32 s29, $0x3  }
0xc: {  	s12 =	sadd.s32 $0x5C0200, s12;
	s11 =	sadd.s32 s6, s4;
	s4 =	sadd.s32 s5, s2  }
0xd: {  	s9 =	sadd.s32 $0x12C00, s10;
	s5 =	sadd.s32 $0x4000, s4;
	s6 =	sadd.s32 $0x8000, s4  }
0xe: {  	s7 =	sadd.s32 $0xC000, s4;
	s8 =	sadd.s32 $0x10000, s4;
	s10 =	sadd.s32 $0x46C00, s11  }
0xf: {  	v0 =	vimm.f32 $0.0e+00;
	s11 =	smax.u32 s13, $0x1;
	s13 =	simm.s32 $0x6800;
	s18 =	sshrl.u32 s4, $0x3  }
.LBB2_1:
0x10: {  	s20 =	simm.s32 $0x0;
	s21 =	simm.s32 $0x200  }
.LBB2_2:
0x11: {  	p0 =	sne.s32 s21, $0xFE00;
	[tilespmem:s20+$0x6870] =	vst v0  }
0x12: {  	[tilespmem:s20+$0x6800] =	vst v0  }
0x13: {  	[tilespmem:s20+$0x6810] =	vst v0  }
.Ltmp0:
0x14: {  	[tilespmem:s20+$0x6820] =	vst v0;
	(pc) =	sbr.rel @p0 .LBB2_2-.Ltmp0, $4  }
0x15: {  	[tilespmem:s20+$0x6830] =	vst v0  }
0x16: {  	[tilespmem:s20+$0x6840] =	vst v0  }
0x17: {  	[tilespmem:s20+$0x6850] =	vst v0  }
0x18: {  	[tilespmem:s20+$0x6860] =	vst v0;
	s20 =	sshra.s32 s21, $0x2;
	s21 =	sadd.s32 $0x200, s21  }
0x19: {  	[tilespmem:s20+$0x6870] =	vst v0  }
0x1a: {  	[tilespmem:s20+$0x6800] =	vst v0  }
0x1b: {  	[tilespmem:s20+$0x6810] =	vst v0  }
0x1c: {  	[tilespmem:s20+$0x6820] =	vst v0  }
0x1d: {  	[tilespmem:s20+$0x6830] =	vst v0  }
0x1e: {  	[tilespmem:s20+$0x6840] =	vst v0  }
0x1f: {  	[tilespmem:s20+$0x6850] =	vst v0  }
0x20: {  	[tilespmem:s20+$0x6860] =	vst v0  }
0x21: {  	[spmem:s4] =	stream.linear.scatter [tilespmem:s13], [sflag:$0x1], $0x4000, $0x38;
	[tilespmem:$0x1E800] =	vst v63  }
0x22: {  	_ =	swait.ge [sflag:s14], $0x4000  }
0x23: {  	[sflag:s14] =	ssyncset.done $0x0  }
0x24: {  	[sflag:s14] =	ssyncadd.s32 $0xFFFFC000  }
0x25: {  	[spmem:s5] =	stream.linear.scatter [tilespmem:s13], [sflag:$0x1], $0x4000, $0x38;
	[tilespmem:$0x1E800] =	vst v63  }
0x26: {  	_ =	swait.ge [sflag:s14], $0x4000  }
0x27: {  	[sflag:s14] =	ssyncset.done $0x0  }
0x28: {  	[sflag:s14] =	ssyncadd.s32 $0xFFFFC000  }
0x29: {  	[spmem:s6] =	stream.linear.scatter [tilespmem:s13], [sflag:$0x1], $0x4000, $0x38;
	[tilespmem:$0x1E800] =	vst v63  }
0x2a: {  	_ =	swait.ge [sflag:s14], $0x4000  }
0x2b: {  	[sflag:s14] =	ssyncset.done $0x0  }
0x2c: {  	[sflag:s14] =	ssyncadd.s32 $0xFFFFC000  }
0x2d: {  	[spmem:s7] =	stream.linear.scatter [tilespmem:s13], [sflag:$0x1], $0x4000, $0x38;
	[tilespmem:$0x1E800] =	vst v63  }
0x2e: {  	_ =	swait.ge [sflag:s14], $0x4000  }
0x2f: {  	[sflag:s14] =	ssyncset.done $0x0  }
0x30: {  	[sflag:s14] =	ssyncadd.s32 $0xFFFFC000  }
0x31: {  	[spmem:s8] =	stream.linear.scatter [tilespmem:s13], [sflag:$0x1], $0x4000, $0x38;
	[tilespmem:$0x1E800] =	vst v63  }
0x32: {  	_ =	swait.ge [sflag:s14], $0x4000  }
0x33: {  	[sflag:s14] =	ssyncset.done $0x0  }
0x34: {  	s30 =	simm.s32 $0x0;
	[sflag:s14] =	ssyncadd.s32 $0xFFFFC000  }
0x35: {  	[tilespmem:s15], [sflag:$0x1] =	stream.linear.gather [hbm4b:s9+s30], $0x2800, $0x38;
	[tilespmem:$0x1E800] =	vst v63  }
0x36: {  	_ =	swait.ge [sflag:s14], $0x2800  }
0x37: {  	[sflag:s14] =	ssyncset.done $0x0  }
0x38: {  	[sflag:s14] =	ssyncadd.s32 $0xFFFFD800  }
0x39: {  	[bflag:$0x0] =	sbarrier.arrive $0xFFFF  }
0x3a: {  	[tilespmem:s3], [sflag:$0x1] =	stream.linear.gather [hbm4b:s12+s3], $0x4000, $0x38;
	[tilespmem:$0x1E800] =	vst v63  }
0x3b: {  	_ =	swait.ge [sflag:s14], $0x4000  }
0x3c: {  	[sflag:s14] =	ssyncset.done $0x0  }
0x3d: {  	s31 =	simm.s32 $0x4000;
	[sflag:s14] =	ssyncadd.s32 $0xFFFFC000  }
0x3e: {  	[spmem:s2] =	stream.indirect.scatter.add.f32 [tilespmem:s3], [sflag:$0x1], $0x80, s31, s16, $0xb8;
	[tilespmem:$0x1E800] =	vst v63  }
0x3f: {  	_ =	swait.ge [sflag:s14], $0x4000  }
0x40: {  	s20 =	simm.s32 $0x200;
	s21 =	smov.u32 s12;
	[sflag:s14] =	ssyncset.done $0x0  }
.LBB2_4:
0x41: {  	p0 =	sne.s32 s20, $0x9E00;
	[sflag:s14] =	ssyncadd.s32 $0xFFFFC000;
	s21 =	sadd.s32 $0x800, s21  }
0x42: {  	[tilespmem:s3], [sflag:$0x1] =	stream.linear.gather [hbm4b:s21+s3], $0x4000, $0x38;
	[tilespmem:$0x1E800] =	vst v63  }
0x43: {  	s22 =	smov.u32 s20;
	s20 =	sadd.s32 $0x200, s20;
	_ =	swait.ge [sflag:s14], $0x4000  }
.Ltmp1:
0x44: {  	s22 =	sshra.s32 s22, $0x2;
	[sflag:s14] =	ssyncset.done $0x0;
	(pc) =	sbr.rel @p0 .LBB2_4-.Ltmp1, $4  }
0x45: {  	s22 =	sadd.s32 $0x4000, s22;
	[sflag:s14] =	ssyncadd.s32 $0xFFFFC000  }
0x46: {  	[spmem:s2] =	stream.indirect.scatter.add.f32 [tilespmem:s3], [sflag:$0x1], $0x80, s22, s16, $0xb8;
	[tilespmem:$0x1E800] =	vst v63  }
0x47: {  	_ =	swait.ge [sflag:s14], $0x4000  }
0x48: {  	[sflag:s14] =	ssyncset.done $0x0  }
0x49: {  	s19 =	sadd.s32 $0x1, s19  }
0x4a: {  	[sflag:s14] =	ssyncadd.s32 $0xFFFFC000;
	p0 =	sne.s32 s19, s11  }
.Ltmp2:
0x4b: {  	[bflag:$0x0] =	sbarrier.arrive $0xFFFF;
	(pc) =	sbr.rel @p0 .LBB2_1-.Ltmp2, $4  }
0x4c: {  	[hbm:s10], [sflag:s17] =	dma.local [spmem:s18], $0x2800  }
0x4d: {  	_ =	swait.ge [sflag:s14], $0x2800  }
0x4e: {  	[sflag:s14] =	ssyncset.done $0x0  }
0x4f: {  	[sflag:s14] =	ssyncadd.s32 $0xFFFFD800  }
0x50: {  	_ =	sfence.sel $0x180000  }
0x51: {  	[bflag:$0x0] =	sbarrier.arrive $0xFFFF  }
0x52: {  	p0 =	sne.s32 s0, $0x0;
	_ =	strace $0x9000004A  }
0x53: {  	s0 =	sadd.s32 @!p0 $0x100000, s1;
	[bflag:$0x2] =	sbarrier.arrive $0xFFFF  }
0x54: {  	[sflag:s0] =	ssyncadd.tile.s32 @!p0 $0x1;
	_ =	shalt  }
.Lfunc_end2:
_tile_overlayer_lowered:
.L_overlay_start_2:
0x55: {  	(tag) =	ssettag $0x2  }
0x56: {  	s0 =	rddreg [dreg:$0x0];
	s2 =	stileid.u32  }
0x57: {  	s1 =	rddreg [dreg:$0x1];
	p0 =	sne.s32 s2, $0x0  }
0x58: {  	s3 =	rddreg [dreg:$0x2];
	[bflag:$0x3] =	sbarrier.arrive $0xFFFF;
	s2 =	simm.s32 @!p0 $0x1C01  }
0x59: {  	[timem:s3], [sflag:s2] =	dma.local @!p0 [hbm:s0], s1  }
0x5a: {  	s0 =	simm.s32 @!p0 $0x1  }
0x5b: {  	_ =	swait.ge @!p0 [sflag:s0], s1  }
0x5c: {  	s1 =	ssub.s32 @!p0 $0x0, s1;
	[sflag:s0] =	ssyncset.done @!p0 $0x0  }
0x5d: {  	[sflag:s0] =	ssyncadd.s32 @!p0 s1  }
0x5e: {  	[bflag:$0x3] =	sbarrier.arrive $0xFFFF  }
0x5f: {  	_ =	shalt  }

// kernel: kernel.23.cloned.1.call-start
scs
__scs_entry_jumppad:
0x0: {  	(pc) =	sbr.rel $0x88, $3  }
0x1: {  	(tag) =	ssettag $0x0;
	lr =	simm.s32 $0x1  }
0x2: {  	[smem:$0x3F92] =	sst lr;
	_ =	strace $0xD0000000  }
0x3: {  	_ = 	snop  }
0x4: {  	_ = 	snop  }
0x5: {  	_ = 	snop  }
0x6: {  	_ = 	snop  }
0x7: {  	_ = 	snop  }
__scs_overlays_trampoline_lowered:
0x8: {  	[smem:$0x3FA1] =	sst s0  }
0x9: {  	[smem:$0x3FA2] =	sst s1  }
0xa: {  	[smem:$0x3FA3] =	sst s2  }
0xb: {  	[smem:$0x3FA4] =	sst s3  }
0xc: {  	[smem:$0x3FA5] =	sst s4  }
0xd: {  	[smem:$0x3FA6] =	sst s5  }
0xe: {  	[smem:$0x3FA7] =	sst s6  }
0xf: {  	[smem:$0x3FA8] =	sst s7  }
0x10: {  	[smem:$0x3FA9] =	sst s8  }
0x11: {  	[smem:$0x3FAA] =	sst s9;
	s0 =	simm.s32 @!p0 $0x0  }
0x12: {  	s1 =	sld [smem:$0x3F90];
	s0 =	simm.s32 @p0 $0x1  }
0x13: {  	[smem:$0x3FAB] =	sst s0;
	s0 =	simm.s32 @!p1 $0x0  }
0x14: {  	s2 =	sld [smem:$0x3F8F];
	s0 =	simm.s32 @p1 $0x1  }
0x15: {  	[smem:$0x3FAC] =	sst s0;
	s0 =	simm.s32 @!p2 $0x0  }
0x16: {  	s3 =	sld [smem:$0x3FDB];
	s0 =	simm.s32 @p2 $0x1  }
0x17: {  	s4 =	simm.s32 $0x1BF5;
	[smem:$0x3FAE] =	sst s0  }
0x18: {  	s0 =	sld [smem:$0x3F91];
	_ =	swait.ge [sflag:s4], $0x0  }
0x19: {  	s7 =	sld [smem:$0x3F92]  }
0x1a: {  	s8 =	sadd.s32 $0xFFFFE003, lr  }
0x1b: {  	s9 =	sadd.s32 $0xFFFFFEF7, lr;
	s5 =	simm.s32 $0xFFFFFFFF;
	p2 =	slt.u32 s8, $0xFFFFF086  }
0x1c: {  	p1 =	slt.u32 s9, $0xF7A;
	s5 =	simm.s32 @!p2 $0x0  }
0x1d: {  	s5 =	simm.s32 @p1 $0x1;
	p0 =	seq.s32 s7, s2  }
0x1e: {  	s7 =	smul.u32 @!p0 $0xF7A, s2;
	p2 =	seq.s32 @!p0 s5, $0x0  }
0x1f: {  	s9 =	smul.u32 $0xF7A, s1;
	s8 =	simm.s32 @!p0 $0x1BF5;
	p2 =	por !p2, p0  }
0x20: {  	[sflag:s8] =	ssyncset.s32 @!p0 $0xFFFFF086;
	s6 =	sadd.s32 @!p0 s3, s7;
	s7 =	simm.s32 @!p0 $0x108  }
0x21: {  	s3 =	sadd.s32 s3, s9;
	s6 =	sadd.s32 @!p0 $0x88, s6;
	s7 =	simm.s32 @p2 $0x1082  }
0x22: {  	[simem:s7], [sflag:s8] =	dma.local @!p0 [hbm:s6], $0xF7A  }
0x23: {  	s9 =	sor.u32 $0xD0000000, s2;
	s6 =	simm.s32 $0x108;
	_ =	swait.ge @!p0 [sflag:s8], $0x0  }
0x24: {  	s3 =	sadd.s32 $0x88, s3;
	s6 =	simm.s32 @!p1 $0x1082;
	[sflag:s4] =	ssyncset.s32 $0xFFFFF086  }
0x25: {  	[simem:s6], [sflag:s4] =	dma.local [hbm:s3], $0xF7A  }
0x26: {  	[smem:$0x3F92] =	sst s1;
	(tag) =	ssettag s2;
	_ =	strace s9  }
0x27: {  	s1 =	sld [smem:$0x3FA2]  }
0x28: {  	s2 =	sld [smem:$0x3FA3]  }
0x29: {  	s4 =	sld [smem:$0x3FA5]  }
0x2a: {  	p0 =	seq.s32 s5, $0x0;
	s5 =	sld [smem:$0x3FA6]  }
0x2b: {  	s6 =	sld [smem:$0x3FA7]  }
0x2c: {  	s7 =	sld [smem:$0x3FA8]  }
0x2d: {  	s3 =	simm.s32 $0x108;
	s8 =	sld [smem:$0x3FA9]  }
0x2e: {  	s3 =	simm.s32 @!p0 $0x1082;
	s9 =	sld [smem:$0x3FAA]  }
0x2f: {  	lr =	sadd.s32 s0, s3;
	s0 =	sld [smem:$0x3FA1]  }
0x30: {  	s3 =	sld [smem:$0x3FA4]  }
0x31: {  	[smem:$0x3FAD] =	sst s10  }
0x32: {  	s10 =	sld [smem:$0x3FAB];
	_ =	sdelay $0x3  }
0x33: {  	p0 =	seq.s32 s10, $0x1;
	s10 =	sld [smem:$0x3FAD];
	_ =	sdelay $0x3  }
0x34: {  	[smem:$0x3FAD] =	sst s10  }
0x35: {  	s10 =	sld [smem:$0x3FAC];
	_ =	sdelay $0x3  }
0x36: {  	p1 =	seq.s32 s10, $0x1;
	s10 =	sld [smem:$0x3FAD];
	_ =	sdelay $0x3  }
0x37: {  	[smem:$0x3FAD] =	sst s10  }
0x38: {  	s10 =	sld [smem:$0x3FAE]  }
0x39: {  	_ = 	snop;
	(pc) =	sbr.ind lr, $3  }
0x3a: {  	_ = 	snop  }
0x3b: {  	_ = 	snop  }
0x3c: {  	p2 =	seq.s32 s10, $0x1;
	s10 =	sld [smem:$0x3FAD]  }
0x3d: {  	_ =	shalt  }
0x3e: {  	_ =	shalt  }
0x3f: {  	_ =	shalt  }
0x40: {  	_ =	shalt  }
0x41: {  	_ =	shalt  }
0x42: {  	_ =	shalt  }
0x43: {  	_ =	shalt  }
0x44: {  	_ =	shalt  }
0x45: {  	_ =	shalt  }
0x46: {  	_ =	shalt  }
0x47: {  	_ =	shalt  }
0x48: {  	_ =	shalt  }
0x49: {  	_ =	shalt  }
0x4a: {  	_ =	shalt  }
0x4b: {  	_ =	shalt  }
0x4c: {  	_ =	shalt  }
0x4d: {  	_ =	shalt  }
0x4e: {  	_ =	shalt  }
0x4f: {  	_ =	shalt  }
0x50: {  	_ =	shalt  }
0x51: {  	_ =	shalt  }
0x52: {  	_ =	shalt  }
0x53: {  	_ =	shalt  }
0x54: {  	_ =	shalt  }
0x55: {  	_ =	shalt  }
0x56: {  	_ =	shalt  }
0x57: {  	_ =	shalt  }
0x58: {  	_ =	shalt  }
0x59: {  	_ =	shalt  }
0x5a: {  	_ =	shalt  }
0x5b: {  	_ =	shalt  }
0x5c: {  	_ =	shalt  }
0x5d: {  	_ =	shalt  }
0x5e: {  	_ =	shalt  }
0x5f: {  	_ =	shalt  }
0x60: {  	_ =	shalt  }
0x61: {  	_ =	shalt  }
0x62: {  	_ =	shalt  }
0x63: {  	_ =	shalt  }
0x64: {  	_ =	shalt  }
0x65: {  	_ =	shalt  }
0x66: {  	_ =	shalt  }
0x67: {  	_ =	shalt  }
0x68: {  	_ =	shalt  }
0x69: {  	_ =	shalt  }
0x6a: {  	_ =	shalt  }
0x6b: {  	_ =	shalt  }
0x6c: {  	_ =	shalt  }
0x6d: {  	_ =	shalt  }
0x6e: {  	_ =	shalt  }
0x6f: {  	_ =	shalt  }
0x70: {  	_ =	shalt  }
0x71: {  	_ =	shalt  }
0x72: {  	_ =	shalt  }
0x73: {  	_ =	shalt  }
0x74: {  	_ =	shalt  }
0x75: {  	_ =	shalt  }
0x76: {  	_ =	shalt  }
0x77: {  	_ =	shalt  }
0x78: {  	_ =	shalt  }
0x79: {  	_ =	shalt  }
0x7a: {  	_ =	shalt  }
0x7b: {  	_ =	shalt  }
0x7c: {  	_ =	shalt  }
0x7d: {  	_ =	shalt  }
0x7e: {  	_ =	shalt  }
0x7f: {  	_ =	shalt  }
0x80: {  	_ =	shalt  }
0x81: {  	_ =	shalt  }
0x82: {  	_ =	shalt  }
0x83: {  	_ =	shalt  }
0x84: {  	_ =	shalt  }
0x85: {  	_ =	shalt  }
0x86: {  	_ =	shalt  }
0x87: {  	_ =	shalt  }
.Lfunc_end0:
.L_simem_size_0:
called_computation.2_lowered:
.L_overlay_start_0:
0x88: {  	s2 =	sld [smem:$0x3FD9]  }
0x89: {  	s3 =	sld [smem:$0x3FFE];
	_ =	sdelay $0x1  }
0x8a: {  	s1 =	srdreg.scid  }
0x8b: {  	s0 =	sand.u32 $0x1, s1  }
0x8c: {  	s16 =	sshll.u32 s0, $0xA;
	s2 =	sadd.s32 s3, s2  }
0x8d: {  	s2 =	sadd.s32 s2, s16  }
0x8e: {  	[smem:$0x3FB9] =	sst s2  }
0x8f: {  	_ = 	snop  }
0x90: {  	(tm) =	ssettm $0x1  }
0x91: {  	s17 =	sld [smem:$0x3FFB];
	_ =	sdelay $0x3  }
0x92: {  	_ =	strace s17  }
0x93: {  	s2 =	sld [smem:$0x3FFC];
	_ =	sdelay $0x3  }
0x94: {  	_ =	strace s2  }
0x95: {  	s2 =	sld [smem:$0x3FFD];
	_ =	sdelay $0x3  }
0x96: {  	_ =	strace s2  }
0x97: {  	_ =	strace $0x8FFFFFFF  }
0x98: {  	s18 =	sld [smem:$0x3FDB];
	_ =	sdelay $0x1  }
0x99: {  	s19 =	simm.s32 $_scs_section_size  }
0x9a: {  	s4 =	simm.s32 $_size__tile_overlayer_lowered;
	s5 =	simm.s32 $_tile_overlayer_lowered  }
0x9b: {  	s22 =	simm.s32 $0x1BFF;
	s21 =	sshll.u32 s5, $0x1;
	s2 =	sadd.s32 s19, s18  }
0x9c: {  	s6 =	simm.s32 $0x0;
	s20 =	sshll.u32 s4, $0x1;
	s4 =	sadd.s32 s21, s2  }
0x9d: {  	[timem:s6], [sflag:s22] =	dma.local [hbm:s4], s20  }
0x9e: {  	_ =	swait.ge [sflag:s22], s20  }
0x9f: {  	s3 =	ssub.s32 $0x0, s20;
	[sflag:s22] =	ssyncset.done $0x0  }
0xa0: {  	[sflag:s22] =	ssyncadd.s32 s3;
	_ =	sdelay $0x1  }
0xa1: {  	s23 =	simm.s32 $0x1B8B  }
0xa2: {  	_ =	swait.ge [sflag:s23], $0x1  }
0xa3: {  	[sflag:s23] =	ssyncset.done $0x0  }
0xa4: {  	s25 =	simm.s32 $0x1B8E;
	s24 =	sld [smem:$0x3FFE];
	[sflag:s23] =	ssyncadd.s32 $0xFFFFFFFF  }
0xa5: {  	s26 =	simm.s32 $execute0_lowered;
	[smem:$0x3FD2] =	sst s25  }
0xa6: {  	s4 =	sshll.u32 s26, $0x1;
	_ =	strace $0x8000004C;
	[dreg:$0x1] =	wrdreg $0xFFFFFFFF  }
0xa7: {  	s28 =	simm.s32 $_size_execute0_lowered;
	s2 =	sadd.s32 s2, s4;
	[dreg:$0x0] =	wrdreg $0x0  }
0xa8: {  	s4 =	sshll.u32 s28, $0x1;
	[dreg:$0x2] =	wrdreg s2  }
0xa9: {  	[dreg:$0x3] =	wrdreg s4  }
0xaa: {  	[dreg:$0x4] =	wrdreg $0xC0  }
0xab: {  	_ =	task [dreg:s6], $0x5FFFF  }
0xac: {  	[dreg:$0x1] =	wrdreg $0xFFFFFFFF  }
0xad: {  	[dreg:$0x0] =	wrdreg $0x60  }
0xae: {  	[dreg:$0x2] =	wrdreg s24  }
0xaf: {  	[dreg:$0x3] =	wrdreg $0x9  }
0xb0: {  	_ =	task.clear_ibuf [dreg:s6], $0x4FFFF;
	_ =	strace $0x9000004C  }
0xb1: {  	s29 =	simm.s32 $0x9;
	_ =	strace $0x8000004E  }
0xb2: {  	_ =	swait.ge [sflag:s29], $0x1  }
0xb3: {  	[sflag:s29] =	ssyncadd.s32 $0xFFFFFFFF  }
0xb4: {  	_ =	strace $0x9000004E  }
0xb5: {  	_ =	sfence  }
0xb6: {  	s30 =	sld [smem:$0x0];
	_ =	sdelay $0x2  }
0xb7: {  	s31 =	sshll.u32 s1, $0xD;
	s1 =	sshrl.u32 s1, $0x2  }
0xb8: {  	s3 =	sand.u32 $0x4000, s31;
	s1 =	sadd.s32 s1, s30  }
0xb9: {  	s0 =	sor.u32 s3, s0;
	s1 =	sshll.u32 s1, $0x11  }
0xba: {  	s0 =	sor.u32 s1, s0  }
0xbb: {  	s0 =	sadd.s32 $0x8F2B, s0  }
0xbc: {  	[sflag:s0] =	ssyncadd.remote.s32 $0x1  }
0xbd: {  	_ =	sfence.sel $0xFFFF  }
0xbe: {  	[dreg:$0x0] =	wrdreg $0xFFFFFFFF;
	(pc) =	sbr.abs _section_cstart, $3  }
0xbf: {  	[dreg:$0x1] =	wrdreg $0xFFFFFFFF  }
0xc0: {  	_ =	task.clear_ibuf [dreg:s6], $0x2FFFF;
	_ =	strace $0x9FFFFFFF  }
0xc1: {  	(tm) =	ssettm $0x7FFFFFFF  }
tec
execute0_lowered:
.L_overlay_start_1:
0x0: {  	(tag) =	ssettag $0x1  }
0x1: {  	s1 =	srdreg.scid;
	s0 =	stileid.u32  }
0x2: {  	s5 =	rddreg [dreg:$0x0];
	s2 =	simm.s32 $0x0;
	s10 =	simm.s32 $0x2  }
0x3: {  	s11 =	simm.s32 $0x2800;
	s12 =	simm.s32 $0x80;
	s13 =	simm.s32 $0x5000  }
0x4: {  	s14 =	simm.s32 $0x9000;
	s15 =	simm.s32 $0x1;
	s16 =	simm.s32 $0x0  }
0x5: {  	s4 =	sand.u32 $0x1, s1;
	s3 =	sshll.u32 s0, $0x1;
	s1 =	rddreg [dreg:$0x1]  }
0x6: {  	[smem:$0x7FF] =	sst s2;
	s8 =	sor.u32 s4, s3;
	s6 =	ssub.s32 $0x2, s4  }
0x7: {  	_ =	strace $0x8000004D;
	s3 =	smul.u32 $0x500, s8;
	s9 =	sshrl.u32 s6, $0x1  }
0x8: {  	s4 =	sadd.s32 $0x6EC00, s5;
	s8 =	smul.u32 $0x2800, s8;
	s9 =	ssub.s32 s6, s9  }
0x9: {  	s7 =	sadd.s32 s3, s5;
	s3 =	sadd.s32 $0x46C00, s5;
	s5 =	sadd.s32 $0xBEC00, s5  }
0xa: {  	s9 =	smax.u32 s9, $0x1;
	s6 =	sadd.s32 $0x8C00, s7;
	s7 =	sadd.s32 $0x12C00, s7  }
.LBB2_1:
0xb: {  	[tilespmem:s2], [sflag:$0x2] =	stream.linear.gather [hbm4b:s6+s2], $0x2800, $0x38;
	[tilespmem:$0xD000] =	vst v63  }
0xc: {  	_ =	swait.ge [sflag:s10], $0x2800  }
0xd: {  	[sflag:s10] =	ssyncset.done $0x0  }
0xe: {  	[sflag:s10] =	ssyncadd.s32 $0xFFFFD800  }
0xf: {  	[tilespmem:s11], [sflag:$0x2] =	stream.linear.gather [hbm4b:s7+s2], $0x2800, $0x38;
	[tilespmem:$0xD000] =	vst v63  }
0x10: {  	_ =	swait.ge [sflag:s10], $0x2800  }
0x11: {  	[sflag:s10] =	ssyncset.done $0x0  }
0x12: {  	s17 =	simm.s32 $0x0;
	[sflag:s10] =	ssyncadd.s32 $0xFFFFD800  }
.LBB2_2:
0x13: {  	s18 =	sshll.u32 s17, $0x7  }
0x14: {  	[tilespmem:s13], [sflag:$0x1] =	stream.indirect.gather [hbm4b:s3+s12], $0x80, s18, s12, $0xb8;
	[tilespmem:$0xD000] =	vst v63  }
0x15: {  	s19 =	sadd.s32 $0x2800, s18  }
0x16: {  	[tilespmem:s14], [sflag:$0x1] =	stream.indirect.gather [hbm4b:s4+s12], $0x80, s19, s12, $0xb8;
	[tilespmem:$0xD000] =	vst v63  }
0x17: {  	_ =	swait.ge [sflag:s15], $0x4000  }
0x18: {  	[sflag:s15] =	ssyncset.done $0x0  }
0x19: {  	[sflag:s15] =	ssyncadd.s32 $0xFFFFC000  }
0x1a: {  	_ =	swait.ge [sflag:s15], $0x4000  }
0x1b: {  	[sflag:s15] =	ssyncset.done $0x0  }
0x1c: {  	s19 =	simm.s32 $0x0;
	[sflag:s15] =	ssyncadd.s32 $0xFFFFC000  }
0x1d: {  	v7 =	vld [tilespmem:s19+$0x9000]  }
0x1e: {  	v11 =	vld [tilespmem:s19+$0x9010]  }
0x1f: {  	v5 =	vld [tilespmem:s19+$0x9020]  }
0x20: {  	v4 =	vld [tilespmem:s19+$0x9030]  }
0x21: {  	v3 =	vld [tilespmem:s19+$0x9040]  }
0x22: {  	v2 =	vld [tilespmem:s19+$0x9050]  }
0x23: {  	v1 =	vld [tilespmem:s19+$0x9060]  }
0x24: {  	v0 =	vld [tilespmem:s19+$0x9070]  }
0x25: {  	v12 =	vld [tilespmem:s19+$0x5000]  }
0x26: {  	v13 =	vld [tilespmem:s19+$0x5010]  }
0x27: {  	v10 =	vld [tilespmem:s19+$0x5020]  }
0x28: {  	v9 =	vld [tilespmem:s19+$0x5030]  }
0x29: {  	v8 =	vld [tilespmem:s19+$0x5040]  }
0x2a: {  	v6 =	vld [tilespmem:s19+$0x5050];
	v12 =	vadd.f32 v7, v12  }
0x2b: {  	s20 =	simm.s32 $0x200;
	v11 =	vadd.f32 v11, v13;
	v7 =	vld [tilespmem:s19+$0x5060]  }
.LBB2_3:
0x2c: {  	s21 =	sshra.s32 s20, $0x2;
	p0 =	sne.s32 s20, $0xFE00;
	[tilespmem:s19+$0x5000] =	vst v12;
	v5 =	vadd.f32 v5, v10;
	v10 =	vld [tilespmem:s19+$0x5070]  }
0x2d: {  	v12 =	vld [tilespmem:s21+$0x9000];
	[tilespmem:s19+$0x5010] =	vst v11;
	v4 =	vadd.f32 v4, v9  }
0x2e: {  	v11 =	vld [tilespmem:s21+$0x9010];
	[tilespmem:s19+$0x5020] =	vst v5;
	v3 =	vadd.f32 v3, v8  }
0x2f: {  	v5 =	vld [tilespmem:s21+$0x9020];
	[tilespmem:s19+$0x5030] =	vst v4;
	v2 =	vadd.f32 v2, v6  }
0x30: {  	v4 =	vld [tilespmem:s21+$0x9030];
	[tilespmem:s19+$0x5040] =	vst v3;
	v1 =	vadd.f32 v1, v7  }
0x31: {  	v3 =	vld [tilespmem:s21+$0x9040];
	[tilespmem:s19+$0x5050] =	vst v2;
	v0 =	vadd.f32 v0, v10  }
0x32: {  	v2 =	vld [tilespmem:s21+$0x9050];
	[tilespmem:s19+$0x5060] =	vst v1  }
0x33: {  	v1 =	vld [tilespmem:s21+$0x9060];
	[tilespmem:s19+$0x5070] =	vst v0;
	s19 =	smov.u32 s21  }
0x34: {  	v0 =	vld [tilespmem:s19+$0x9070]  }
0x35: {  	v6 =	vld [tilespmem:s19+$0x5000]  }
0x36: {  	v7 =	vld [tilespmem:s19+$0x5010]  }
.Ltmp0:
0x37: {  	v10 =	vld [tilespmem:s19+$0x5020];
	(pc) =	sbr.rel @p0 .LBB2_3-.Ltmp0, $4  }
0x38: {  	v9 =	vld [tilespmem:s19+$0x5030]  }
0x39: {  	v8 =	vld [tilespmem:s19+$0x5040]  }
0x3a: {  	v12 =	vadd.f32 v12, v6;
	v6 =	vld [tilespmem:s19+$0x5050]  }
0x3b: {  	s20 =	sadd.s32 $0x200, s20;
	v11 =	vadd.f32 v11, v7;
	v7 =	vld [tilespmem:s19+$0x5060]  }
0x3c: {  	[tilespmem:s19+$0x5000] =	vst v12;
	v5 =	vadd.f32 v5, v10;
	v63 =	vld [tilespmem:s19+$0x5070]  }
0x3d: {  	[tilespmem:s19+$0x5010] =	vst v11;
	v4 =	vadd.f32 v4, v9  }
0x3e: {  	[tilespmem:s19+$0x5020] =	vst v5;
	v3 =	vadd.f32 v3, v8  }
0x3f: {  	[tilespmem:s19+$0x5030] =	vst v4;
	v2 =	vadd.f32 v2, v6  }
0x40: {  	[tilespmem:s19+$0x5040] =	vst v3;
	v1 =	vadd.f32 v1, v7  }
0x41: {  	s18 =	sadd.s32 s8, s18;
	s17 =	sadd.s32 $0x1, s17;
	[tilespmem:s19+$0x5050] =	vst v2;
	v0 =	vadd.f32 v0, v63  }
0x42: {  	s18 =	sshll.u32 s18, $0x4;
	p0 =	sne.s32 s17, $0x50;
	[tilespmem:s19+$0x5060] =	vst v1  }
.Ltmp1:
0x43: {  	s18 =	sadd.s32 s5, s18;
	[tilespmem:s19+$0x5070] =	vst v0;
	(pc) =	sbr.rel @p0 .LBB2_2-.Ltmp1, $4  }
0x44: {  	[hbm4b:s18+s2] =	stream.linear.scatter [tilespmem:s13], [sflag:$0x2], $0x4000, $0x38;
	[tilespmem:$0xD000] =	vst v63  }
0x45: {  	_ =	swait.ge [sflag:s10], $0x4000  }
0x46: {  	[sflag:s10] =	ssyncset.done $0x0  }
0x47: {  	[sflag:s10] =	ssyncadd.s32 $0xFFFFC000  }
0x48: {  	s16 =	sadd.s32 $0x1, s16  }
0x49: {  	p0 =	sne.s32 s16, s9  }
.Ltmp2:
0x4a: {  	_ = 	snop;
	(pc) =	sbr.rel @p0 .LBB2_1-.Ltmp2, $1  }
0x4b: {  	_ =	sdelay $0x3  }
0x4c: {  	_ =	sfence.sel $0x180000  }
0x4d: {  	[bflag:$0x0] =	sbarrier.arrive $0xFFFF  }
0x4e: {  	p0 =	sne.s32 s0, $0x0;
	_ =	strace $0x9000004D  }
0x4f: {  	s0 =	sadd.s32 @!p0 $0x100000, s1;
	[bflag:$0x2] =	sbarrier.arrive $0xFFFF  }
0x50: {  	[sflag:s0] =	ssyncadd.tile.s32 @!p0 $0x1;
	_ =	shalt  }
.Lfunc_end2:
_tile_overlayer_lowered:
.L_overlay_start_2:
0x51: {  	(tag) =	ssettag $0x2  }
0x52: {  	s0 =	rddreg [dreg:$0x0];
	s2 =	stileid.u32  }
0x53: {  	s1 =	rddreg [dreg:$0x1];
	p0 =	sne.s32 s2, $0x0  }
0x54: {  	s3 =	rddreg [dreg:$0x2];
	[bflag:$0x3] =	sbarrier.arrive $0xFFFF;
	s2 =	simm.s32 @!p0 $0x1C02  }
0x55: {  	[timem:s3], [sflag:s2] =	dma.local @!p0 [hbm:s0], s1  }
0x56: {  	s0 =	simm.s32 @!p0 $0x2  }
0x57: {  	_ =	swait.ge @!p0 [sflag:s0], s1  }
0x58: {  	s1 =	ssub.s32 @!p0 $0x0, s1;
	[sflag:s0] =	ssyncset.done @!p0 $0x0  }
0x59: {  	[sflag:s0] =	ssyncadd.s32 @!p0 s1  }
0x5a: {  	[bflag:$0x3] =	sbarrier.arrive $0xFFFF  }
0x5b: {  	_ =	shalt  }

// kernel: kernel.26.cloned.1.call-start
scs
__scs_entry_jumppad:
0x0: {  	(pc) =	sbr.rel $0x88, $3  }
0x1: {  	(tag) =	ssettag $0x0;
	lr =	simm.s32 $0x1  }
0x2: {  	[smem:$0x3F92] =	sst lr;
	_ =	strace $0xD0000000  }
0x3: {  	_ = 	snop  }
0x4: {  	_ = 	snop  }
0x5: {  	_ = 	snop  }
0x6: {  	_ = 	snop  }
0x7: {  	_ = 	snop  }
__scs_overlays_trampoline_lowered:
0x8: {  	[smem:$0x3FA1] =	sst s0  }
0x9: {  	[smem:$0x3FA2] =	sst s1  }
0xa: {  	[smem:$0x3FA3] =	sst s2  }
0xb: {  	[smem:$0x3FA4] =	sst s3  }
0xc: {  	[smem:$0x3FA5] =	sst s4  }
0xd: {  	[smem:$0x3FA6] =	sst s5  }
0xe: {  	[smem:$0x3FA7] =	sst s6  }
0xf: {  	[smem:$0x3FA8] =	sst s7  }
0x10: {  	[smem:$0x3FA9] =	sst s8  }
0x11: {  	[smem:$0x3FAA] =	sst s9;
	s0 =	simm.s32 @!p0 $0x0  }
0x12: {  	s1 =	sld [smem:$0x3F90];
	s0 =	simm.s32 @p0 $0x1  }
0x13: {  	[smem:$0x3FAB] =	sst s0;
	s0 =	simm.s32 @!p1 $0x0  }
0x14: {  	s2 =	sld [smem:$0x3F8F];
	s0 =	simm.s32 @p1 $0x1  }
0x15: {  	[smem:$0x3FAC] =	sst s0;
	s0 =	simm.s32 @!p2 $0x0  }
0x16: {  	s3 =	sld [smem:$0x3FDB];
	s0 =	simm.s32 @p2 $0x1  }
0x17: {  	s4 =	simm.s32 $0x1BF5;
	[smem:$0x3FAE] =	sst s0  }
0x18: {  	s0 =	sld [smem:$0x3F91];
	_ =	swait.ge [sflag:s4], $0x0  }
0x19: {  	s7 =	sld [smem:$0x3F92]  }
0x1a: {  	s8 =	sadd.s32 $0xFFFFE003, lr  }
0x1b: {  	s9 =	sadd.s32 $0xFFFFFEF7, lr;
	s5 =	simm.s32 $0xFFFFFFFF;
	p2 =	slt.u32 s8, $0xFFFFF086  }
0x1c: {  	p1 =	slt.u32 s9, $0xF7A;
	s5 =	simm.s32 @!p2 $0x0  }
0x1d: {  	s5 =	simm.s32 @p1 $0x1;
	p0 =	seq.s32 s7, s2  }
0x1e: {  	s7 =	smul.u32 @!p0 $0xF7A, s2;
	p2 =	seq.s32 @!p0 s5, $0x0  }
0x1f: {  	s9 =	smul.u32 $0xF7A, s1;
	s8 =	simm.s32 @!p0 $0x1BF5;
	p2 =	por !p2, p0  }
0x20: {  	[sflag:s8] =	ssyncset.s32 @!p0 $0xFFFFF086;
	s6 =	sadd.s32 @!p0 s3, s7;
	s7 =	simm.s32 @!p0 $0x108  }
0x21: {  	s3 =	sadd.s32 s3, s9;
	s6 =	sadd.s32 @!p0 $0x88, s6;
	s7 =	simm.s32 @p2 $0x1082  }
0x22: {  	[simem:s7], [sflag:s8] =	dma.local @!p0 [hbm:s6], $0xF7A  }
0x23: {  	s9 =	sor.u32 $0xD0000000, s2;
	s6 =	simm.s32 $0x108;
	_ =	swait.ge @!p0 [sflag:s8], $0x0  }
0x24: {  	s3 =	sadd.s32 $0x88, s3;
	s6 =	simm.s32 @!p1 $0x1082;
	[sflag:s4] =	ssyncset.s32 $0xFFFFF086  }
0x25: {  	[simem:s6], [sflag:s4] =	dma.local [hbm:s3], $0xF7A  }
0x26: {  	[smem:$0x3F92] =	sst s1;
	(tag) =	ssettag s2;
	_ =	strace s9  }
0x27: {  	s1 =	sld [smem:$0x3FA2]  }
0x28: {  	s2 =	sld [smem:$0x3FA3]  }
0x29: {  	s4 =	sld [smem:$0x3FA5]  }
0x2a: {  	p0 =	seq.s32 s5, $0x0;
	s5 =	sld [smem:$0x3FA6]  }
0x2b: {  	s6 =	sld [smem:$0x3FA7]  }
0x2c: {  	s7 =	sld [smem:$0x3FA8]  }
0x2d: {  	s3 =	simm.s32 $0x108;
	s8 =	sld [smem:$0x3FA9]  }
0x2e: {  	s3 =	simm.s32 @!p0 $0x1082;
	s9 =	sld [smem:$0x3FAA]  }
0x2f: {  	lr =	sadd.s32 s0, s3;
	s0 =	sld [smem:$0x3FA1]  }
0x30: {  	s3 =	sld [smem:$0x3FA4]  }
0x31: {  	[smem:$0x3FAD] =	sst s10  }
0x32: {  	s10 =	sld [smem:$0x3FAB];
	_ =	sdelay $0x3  }
0x33: {  	p0 =	seq.s32 s10, $0x1;
	s10 =	sld [smem:$0x3FAD];
	_ =	sdelay $0x3  }
0x34: {  	[smem:$0x3FAD] =	sst s10  }
0x35: {  	s10 =	sld [smem:$0x3FAC];
	_ =	sdelay $0x3  }
0x36: {  	p1 =	seq.s32 s10, $0x1;
	s10 =	sld [smem:$0x3FAD];
	_ =	sdelay $0x3  }
0x37: {  	[smem:$0x3FAD] =	sst s10  }
0x38: {  	s10 =	sld [smem:$0x3FAE]  }
0x39: {  	_ = 	snop;
	(pc) =	sbr.ind lr, $3  }
0x3a: {  	_ = 	snop  }
0x3b: {  	_ = 	snop  }
0x3c: {  	p2 =	seq.s32 s10, $0x1;
	s10 =	sld [smem:$0x3FAD]  }
0x3d: {  	_ =	shalt  }
0x3e: {  	_ =	shalt  }
0x3f: {  	_ =	shalt  }
0x40: {  	_ =	shalt  }
0x41: {  	_ =	shalt  }
0x42: {  	_ =	shalt  }
0x43: {  	_ =	shalt  }
0x44: {  	_ =	shalt  }
0x45: {  	_ =	shalt  }
0x46: {  	_ =	shalt  }
0x47: {  	_ =	shalt  }
0x48: {  	_ =	shalt  }
0x49: {  	_ =	shalt  }
0x4a: {  	_ =	shalt  }
0x4b: {  	_ =	shalt  }
0x4c: {  	_ =	shalt  }
0x4d: {  	_ =	shalt  }
0x4e: {  	_ =	shalt  }
0x4f: {  	_ =	shalt  }
0x50: {  	_ =	shalt  }
0x51: {  	_ =	shalt  }
0x52: {  	_ =	shalt  }
0x53: {  	_ =	shalt  }
0x54: {  	_ =	shalt  }
0x55: {  	_ =	shalt  }
0x56: {  	_ =	shalt  }
0x57: {  	_ =	shalt  }
0x58: {  	_ =	shalt  }
0x59: {  	_ =	shalt  }
0x5a: {  	_ =	shalt  }
0x5b: {  	_ =	shalt  }
0x5c: {  	_ =	shalt  }
0x5d: {  	_ =	shalt  }
0x5e: {  	_ =	shalt  }
0x5f: {  	_ =	shalt  }
0x60: {  	_ =	shalt  }
0x61: {  	_ =	shalt  }
0x62: {  	_ =	shalt  }
0x63: {  	_ =	shalt  }
0x64: {  	_ =	shalt  }
0x65: {  	_ =	shalt  }
0x66: {  	_ =	shalt  }
0x67: {  	_ =	shalt  }
0x68: {  	_ =	shalt  }
0x69: {  	_ =	shalt  }
0x6a: {  	_ =	shalt  }
0x6b: {  	_ =	shalt  }
0x6c: {  	_ =	shalt  }
0x6d: {  	_ =	shalt  }
0x6e: {  	_ =	shalt  }
0x6f: {  	_ =	shalt  }
0x70: {  	_ =	shalt  }
0x71: {  	_ =	shalt  }
0x72: {  	_ =	shalt  }
0x73: {  	_ =	shalt  }
0x74: {  	_ =	shalt  }
0x75: {  	_ =	shalt  }
0x76: {  	_ =	shalt  }
0x77: {  	_ =	shalt  }
0x78: {  	_ =	shalt  }
0x79: {  	_ =	shalt  }
0x7a: {  	_ =	shalt  }
0x7b: {  	_ =	shalt  }
0x7c: {  	_ =	shalt  }
0x7d: {  	_ =	shalt  }
0x7e: {  	_ =	shalt  }
0x7f: {  	_ =	shalt  }
0x80: {  	_ =	shalt  }
0x81: {  	_ =	shalt  }
0x82: {  	_ =	shalt  }
0x83: {  	_ =	shalt  }
0x84: {  	_ =	shalt  }
0x85: {  	_ =	shalt  }
0x86: {  	_ =	shalt  }
0x87: {  	_ =	shalt  }
.Lfunc_end0:
.L_simem_size_0:
called_computation.3_lowered:
.L_overlay_start_0:
0x88: {  	s2 =	sld [smem:$0x3FD9]  }
0x89: {  	s3 =	sld [smem:$0x3FFE];
	_ =	sdelay $0x1  }
0x8a: {  	s1 =	srdreg.scid  }
0x8b: {  	s0 =	sand.u32 $0x1, s1  }
0x8c: {  	s16 =	sshll.u32 s0, $0xA;
	s2 =	sadd.s32 s3, s2  }
0x8d: {  	s2 =	sadd.s32 s2, s16  }
0x8e: {  	[smem:$0x3FB9] =	sst s2  }
0x8f: {  	_ = 	snop  }
0x90: {  	(tm) =	ssettm $0x1  }
0x91: {  	s17 =	sld [smem:$0x3FFB];
	_ =	sdelay $0x3  }
0x92: {  	_ =	strace s17  }
0x93: {  	s2 =	sld [smem:$0x3FFC];
	_ =	sdelay $0x3  }
0x94: {  	_ =	strace s2  }
0x95: {  	s2 =	sld [smem:$0x3FFD];
	_ =	sdelay $0x3  }
0x96: {  	_ =	strace s2  }
0x97: {  	_ =	strace $0x8FFFFFFF  }
0x98: {  	s18 =	sld [smem:$0x3FDB];
	_ =	sdelay $0x1  }
0x99: {  	s19 =	simm.s32 $_scs_section_size  }
0x9a: {  	s4 =	simm.s32 $_size__tile_overlayer_lowered;
	s5 =	simm.s32 $_tile_overlayer_lowered  }
0x9b: {  	s22 =	simm.s32 $0x1BFF;
	s21 =	sshll.u32 s5, $0x1;
	s2 =	sadd.s32 s19, s18  }
0x9c: {  	s6 =	simm.s32 $0x0;
	s20 =	sshll.u32 s4, $0x1;
	s4 =	sadd.s32 s21, s2  }
0x9d: {  	[timem:s6], [sflag:s22] =	dma.local [hbm:s4], s20  }
0x9e: {  	_ =	swait.ge [sflag:s22], s20  }
0x9f: {  	s3 =	ssub.s32 $0x0, s20;
	[sflag:s22] =	ssyncset.done $0x0  }
0xa0: {  	[sflag:s22] =	ssyncadd.s32 s3;
	_ =	sdelay $0x1  }
0xa1: {  	s23 =	simm.s32 $0x1B8B  }
0xa2: {  	_ =	swait.ge [sflag:s23], $0x1  }
0xa3: {  	[sflag:s23] =	ssyncset.done $0x0  }
0xa4: {  	s25 =	simm.s32 $0x1B8E;
	s24 =	sld [smem:$0x3FFE];
	[sflag:s23] =	ssyncadd.s32 $0xFFFFFFFF  }
0xa5: {  	s26 =	simm.s32 $execute0_lowered;
	[smem:$0x3FD2] =	sst s25  }
0xa6: {  	s4 =	sshll.u32 s26, $0x1;
	_ =	strace $0x8000004F;
	[dreg:$0x1] =	wrdreg $0xFFFFFFFF  }
0xa7: {  	s28 =	simm.s32 $_size_execute0_lowered;
	s2 =	sadd.s32 s2, s4;
	[dreg:$0x0] =	wrdreg $0x0  }
0xa8: {  	s4 =	sshll.u32 s28, $0x1;
	[dreg:$0x2] =	wrdreg s2  }
0xa9: {  	[dreg:$0x3] =	wrdreg s4  }
0xaa: {  	[dreg:$0x4] =	wrdreg $0xC0  }
0xab: {  	_ =	task [dreg:s6], $0x5FFFF  }
0xac: {  	[dreg:$0x1] =	wrdreg $0xFFFFFFFF  }
0xad: {  	[dreg:$0x0] =	wrdreg $0x60  }
0xae: {  	[dreg:$0x2] =	wrdreg s24  }
0xaf: {  	[dreg:$0x3] =	wrdreg $0xA8000  }
0xb0: {  	[dreg:$0x4] =	wrdreg $0x9  }
0xb1: {  	_ =	task.clear_ibuf [dreg:s6], $0x5FFFF;
	_ =	strace $0x9000004F  }
0xb2: {  	s29 =	simm.s32 $0x9;
	_ =	strace $0x80000051  }
0xb3: {  	_ =	swait.ge [sflag:s29], $0x1  }
0xb4: {  	[sflag:s29] =	ssyncadd.s32 $0xFFFFFFFF  }
0xb5: {  	_ =	strace $0x90000051  }
0xb6: {  	_ =	sfence  }
0xb7: {  	s30 =	sld [smem:$0x0];
	_ =	sdelay $0x2  }
0xb8: {  	s31 =	sshll.u32 s1, $0xD;
	s1 =	sshrl.u32 s1, $0x2  }
0xb9: {  	s3 =	sand.u32 $0x4000, s31;
	s1 =	sadd.s32 s1, s30  }
0xba: {  	s0 =	sor.u32 s3, s0;
	s1 =	sshll.u32 s1, $0x11  }
0xbb: {  	s0 =	sor.u32 s1, s0  }
0xbc: {  	s0 =	sadd.s32 $0x8F2B, s0  }
0xbd: {  	[sflag:s0] =	ssyncadd.remote.s32 $0x1  }
0xbe: {  	_ =	sfence.sel $0xFFFF  }
0xbf: {  	[dreg:$0x0] =	wrdreg $0xFFFFFFFF;
	(pc) =	sbr.abs _section_cstart, $3  }
0xc0: {  	[dreg:$0x1] =	wrdreg $0xFFFFFFFF  }
0xc1: {  	_ =	task.clear_ibuf [dreg:s6], $0x2FFFF;
	_ =	strace $0x9FFFFFFF  }
0xc2: {  	(tm) =	ssettm $0x7FFFFFFF  }
0xc3: {  	_ =	shalt  }
tec
execute0_lowered:
.L_overlay_start_1:
0x0: {  	(tag) =	ssettag $0x1  }
0x1: {  	s0 =	stileid.u32;
	s4 =	rddreg [dreg:$0x0]  }
0x2: {  	s1 =	srdreg.scid;
	s2 =	rddreg [dreg:$0x1]  }
0x3: {  	s3 =	simm.s32 $0x0;
	s15 =	simm.s32 $0x4000;
	s16 =	simm.s32 $0x80  }
0x4: {  	s19 =	simm.s32 $0x0;
	s7 =	sand.u32 $0x1, s1;
	s5 =	smul.u32 $0x50000, s0  }
0x5: {  	s28 =	sshll.u32 s0, $0x1;
	[smem:$0x7FF] =	sst s3;
	s9 =	smul.u32 $0x14000, s0  }
0x6: {  	s17 =	sshll.u32 s0, $0x6;
	s1 =	sor.u32 s7, s28;
	s8 =	smul.u32 $0x140000, s7  }
0x7: {  	s30 =	ssub.s32 $0x2, s7;
	s14 =	smul.u32 $0x28000, s7;
	s17 =	sor.u32 $0x1C01, s17  }
0x8: {  	s6 =	smul.u32 $0x500, s1;
	s1 =	rddreg [dreg:$0x2];
	_ =	strace $0x80000050  }
0x9: {  	s12 =	sadd.s32 s5, s4;
	s31 =	sshrl.u32 s30, $0x1;
	s5 =	sshrl.u32 s5, $0x2  }
0xa: {  	s29 =	sadd.s32 s9, s8;
	s13 =	ssub.s32 s30, s31;
	s12 =	sadd.s32 s14, s12  }
0xb: {  	s14 =	simm.s32 $0x1;
	s10 =	sadd.s32 s6, s4;
	s6 =	sshrl.u32 s29, $0x3  }
0xc: {  	s12 =	sadd.s32 $0x5C0200, s12;
	s11 =	sadd.s32 s6, s4;
	s4 =	sadd.s32 s5, s2  }
0xd: {  	s9 =	sadd.s32 $0x12C00, s10;
	s5 =	sadd.s32 $0x4000, s4;
	s6 =	sadd.s32 $0x8000, s4  }
0xe: {  	s7 =	sadd.s32 $0xC000, s4;
	s8 =	sadd.s32 $0x10000, s4;
	s10 =	sadd.s32 $0x46C00, s11  }
0xf: {  	v0 =	vimm.f32 $0.0e+00;
	s11 =	smax.u32 s13, $0x1;
	s13 =	simm.s32 $0x6800;
	s18 =	sshrl.u32 s4, $0x3  }
.LBB2_1:
0x10: {  	s20 =	simm.s32 $0x0;
	s21 =	simm.s32 $0x200  }
.LBB2_2:
0x11: {  	p0 =	sne.s32 s21, $0xFE00;
	[tilespmem:s20+$0x6870] =	vst v0  }
0x12: {  	[tilespmem:s20+$0x6800] =	vst v0  }
0x13: {  	[tilespmem:s20+$0x6810] =	vst v0  }
.Ltmp0:
0x14: {  	[tilespmem:s20+$0x6820] =	vst v0;
	(pc) =	sbr.rel @p0 .LBB2_2-.Ltmp0, $4  }
0x15: {  	[tilespmem:s20+$0x6830] =	vst v0  }
0x16: {  	[tilespmem:s20+$0x6840] =	vst v0  }
0x17: {  	[tilespmem:s20+$0x6850] =	vst v0  }
0x18: {  	[tilespmem:s20+$0x6860] =	vst v0;
	s20 =	sshra.s32 s21, $0x2;
	s21 =	sadd.s32 $0x200, s21  }
0x19: {  	[tilespmem:s20+$0x6870] =	vst v0  }
0x1a: {  	[tilespmem:s20+$0x6800] =	vst v0  }
0x1b: {  	[tilespmem:s20+$0x6810] =	vst v0  }
0x1c: {  	[tilespmem:s20+$0x6820] =	vst v0  }
0x1d: {  	[tilespmem:s20+$0x6830] =	vst v0  }
0x1e: {  	[tilespmem:s20+$0x6840] =	vst v0  }
0x1f: {  	[tilespmem:s20+$0x6850] =	vst v0  }
0x20: {  	[tilespmem:s20+$0x6860] =	vst v0  }
0x21: {  	[spmem:s4] =	stream.linear.scatter [tilespmem:s13], [sflag:$0x1], $0x4000, $0x38;
	[tilespmem:$0x1E800] =	vst v63  }
0x22: {  	_ =	swait.ge [sflag:s14], $0x4000  }
0x23: {  	[sflag:s14] =	ssyncset.done $0x0  }
0x24: {  	[sflag:s14] =	ssyncadd.s32 $0xFFFFC000  }
0x25: {  	[spmem:s5] =	stream.linear.scatter [tilespmem:s13], [sflag:$0x1], $0x4000, $0x38;
	[tilespmem:$0x1E800] =	vst v63  }
0x26: {  	_ =	swait.ge [sflag:s14], $0x4000  }
0x27: {  	[sflag:s14] =	ssyncset.done $0x0  }
0x28: {  	[sflag:s14] =	ssyncadd.s32 $0xFFFFC000  }
0x29: {  	[spmem:s6] =	stream.linear.scatter [tilespmem:s13], [sflag:$0x1], $0x4000, $0x38;
	[tilespmem:$0x1E800] =	vst v63  }
0x2a: {  	_ =	swait.ge [sflag:s14], $0x4000  }
0x2b: {  	[sflag:s14] =	ssyncset.done $0x0  }
0x2c: {  	[sflag:s14] =	ssyncadd.s32 $0xFFFFC000  }
0x2d: {  	[spmem:s7] =	stream.linear.scatter [tilespmem:s13], [sflag:$0x1], $0x4000, $0x38;
	[tilespmem:$0x1E800] =	vst v63  }
0x2e: {  	_ =	swait.ge [sflag:s14], $0x4000  }
0x2f: {  	[sflag:s14] =	ssyncset.done $0x0  }
0x30: {  	[sflag:s14] =	ssyncadd.s32 $0xFFFFC000  }
0x31: {  	[spmem:s8] =	stream.linear.scatter [tilespmem:s13], [sflag:$0x1], $0x4000, $0x38;
	[tilespmem:$0x1E800] =	vst v63  }
0x32: {  	_ =	swait.ge [sflag:s14], $0x4000  }
0x33: {  	[sflag:s14] =	ssyncset.done $0x0  }
0x34: {  	s30 =	simm.s32 $0x0;
	[sflag:s14] =	ssyncadd.s32 $0xFFFFC000  }
0x35: {  	[tilespmem:s15], [sflag:$0x1] =	stream.linear.gather [hbm4b:s9+s30], $0x2800, $0x38;
	[tilespmem:$0x1E800] =	vst v63  }
0x36: {  	_ =	swait.ge [sflag:s14], $0x2800  }
0x37: {  	[sflag:s14] =	ssyncset.done $0x0  }
0x38: {  	[sflag:s14] =	ssyncadd.s32 $0xFFFFD800  }
0x39: {  	[bflag:$0x0] =	sbarrier.arrive $0xFFFF  }
0x3a: {  	[tilespmem:s3], [sflag:$0x1] =	stream.linear.gather [hbm4b:s12+s3], $0x4000, $0x38;
	[tilespmem:$0x1E800] =	vst v63  }
0x3b: {  	_ =	swait.ge [sflag:s14], $0x4000  }
0x3c: {  	[sflag:s14] =	ssyncset.done $0x0  }
0x3d: {  	s31 =	simm.s32 $0x4000;
	[sflag:s14] =	ssyncadd.s32 $0xFFFFC000  }
0x3e: {  	[spmem:s2] =	stream.indirect.scatter.add.f32 [tilespmem:s3], [sflag:$0x1], $0x80, s31, s16, $0xb8;
	[tilespmem:$0x1E800] =	vst v63  }
0x3f: {  	_ =	swait.ge [sflag:s14], $0x4000  }
0x40: {  	s20 =	simm.s32 $0x200;
	s21 =	smov.u32 s12;
	[sflag:s14] =	ssyncset.done $0x0  }
.LBB2_4:
0x41: {  	p0 =	sne.s32 s20, $0x9E00;
	[sflag:s14] =	ssyncadd.s32 $0xFFFFC000;
	s21 =	sadd.s32 $0x800, s21  }
0x42: {  	[tilespmem:s3], [sflag:$0x1] =	stream.linear.gather [hbm4b:s21+s3], $0x4000, $0x38;
	[tilespmem:$0x1E800] =	vst v63  }
0x43: {  	s22 =	smov.u32 s20;
	s20 =	sadd.s32 $0x200, s20;
	_ =	swait.ge [sflag:s14], $0x4000  }
.Ltmp1:
0x44: {  	s22 =	sshra.s32 s22, $0x2;
	[sflag:s14] =	ssyncset.done $0x0;
	(pc) =	sbr.rel @p0 .LBB2_4-.Ltmp1, $4  }
0x45: {  	s22 =	sadd.s32 $0x4000, s22;
	[sflag:s14] =	ssyncadd.s32 $0xFFFFC000  }
0x46: {  	[spmem:s2] =	stream.indirect.scatter.add.f32 [tilespmem:s3], [sflag:$0x1], $0x80, s22, s16, $0xb8;
	[tilespmem:$0x1E800] =	vst v63  }
0x47: {  	_ =	swait.ge [sflag:s14], $0x4000  }
0x48: {  	[sflag:s14] =	ssyncset.done $0x0  }
0x49: {  	s19 =	sadd.s32 $0x1, s19  }
0x4a: {  	[sflag:s14] =	ssyncadd.s32 $0xFFFFC000;
	p0 =	sne.s32 s19, s11  }
.Ltmp2:
0x4b: {  	[bflag:$0x0] =	sbarrier.arrive $0xFFFF;
	(pc) =	sbr.rel @p0 .LBB2_1-.Ltmp2, $4  }
0x4c: {  	[hbm:s10], [sflag:s17] =	dma.local [spmem:s18], $0x2800  }
0x4d: {  	_ =	swait.ge [sflag:s14], $0x2800  }
0x4e: {  	[sflag:s14] =	ssyncset.done $0x0  }
0x4f: {  	[sflag:s14] =	ssyncadd.s32 $0xFFFFD800  }
0x50: {  	_ =	sfence.sel $0x180000  }
0x51: {  	[bflag:$0x0] =	sbarrier.arrive $0xFFFF  }
0x52: {  	p0 =	sne.s32 s0, $0x0;
	_ =	strace $0x90000050  }
0x53: {  	s0 =	sadd.s32 @!p0 $0x100000, s1;
	[bflag:$0x2] =	sbarrier.arrive $0xFFFF  }
0x54: {  	[sflag:s0] =	ssyncadd.tile.s32 @!p0 $0x1;
	_ =	shalt  }
.Lfunc_end2:
_tile_overlayer_lowered:
.L_overlay_start_2:
0x55: {  	(tag) =	ssettag $0x2  }
0x56: {  	s0 =	rddreg [dreg:$0x0];
	s2 =	stileid.u32  }
0x57: {  	s1 =	rddreg [dreg:$0x1];
	p0 =	sne.s32 s2, $0x0  }
0x58: {  	s3 =	rddreg [dreg:$0x2];
	[bflag:$0x3] =	sbarrier.arrive $0xFFFF;
	s2 =	simm.s32 @!p0 $0x1C01  }
0x59: {  	[timem:s3], [sflag:s2] =	dma.local @!p0 [hbm:s0], s1  }
0x5a: {  	s0 =	simm.s32 @!p0 $0x1  }
0x5b: {  	_ =	swait.ge @!p0 [sflag:s0], s1  }
0x5c: {  	s1 =	ssub.s32 @!p0 $0x0, s1;
	[sflag:s0] =	ssyncset.done @!p0 $0x0  }
0x5d: {  	[sflag:s0] =	ssyncadd.s32 @!p0 s1  }
0x5e: {  	[bflag:$0x3] =	sbarrier.arrive $0xFFFF  }
0x5f: {  	_ =	shalt  }

// kernel: kernel.29.cloned.1.call-start
scs
__scs_entry_jumppad:
0x0: {  	(pc) =	sbr.rel $0x88, $3  }
0x1: {  	(tag) =	ssettag $0x0;
	lr =	simm.s32 $0x1  }
0x2: {  	[smem:$0x3F92] =	sst lr;
	_ =	strace $0xD0000000  }
0x3: {  	_ = 	snop  }
0x4: {  	_ = 	snop  }
0x5: {  	_ = 	snop  }
0x6: {  	_ = 	snop  }
0x7: {  	_ = 	snop  }
__scs_overlays_trampoline_lowered:
0x8: {  	[smem:$0x3FA1] =	sst s0  }
0x9: {  	[smem:$0x3FA2] =	sst s1  }
0xa: {  	[smem:$0x3FA3] =	sst s2  }
0xb: {  	[smem:$0x3FA4] =	sst s3  }
0xc: {  	[smem:$0x3FA5] =	sst s4  }
0xd: {  	[smem:$0x3FA6] =	sst s5  }
0xe: {  	[smem:$0x3FA7] =	sst s6  }
0xf: {  	[smem:$0x3FA8] =	sst s7  }
0x10: {  	[smem:$0x3FA9] =	sst s8  }
0x11: {  	[smem:$0x3FAA] =	sst s9;
	s0 =	simm.s32 @!p0 $0x0  }
0x12: {  	s1 =	sld [smem:$0x3F90];
	s0 =	simm.s32 @p0 $0x1  }
0x13: {  	[smem:$0x3FAB] =	sst s0;
	s0 =	simm.s32 @!p1 $0x0  }
0x14: {  	s2 =	sld [smem:$0x3F8F];
	s0 =	simm.s32 @p1 $0x1  }
0x15: {  	[smem:$0x3FAC] =	sst s0;
	s0 =	simm.s32 @!p2 $0x0  }
0x16: {  	s3 =	sld [smem:$0x3FDB];
	s0 =	simm.s32 @p2 $0x1  }
0x17: {  	s4 =	simm.s32 $0x1BF5;
	[smem:$0x3FAE] =	sst s0  }
0x18: {  	s0 =	sld [smem:$0x3F91];
	_ =	swait.ge [sflag:s4], $0x0  }
0x19: {  	s7 =	sld [smem:$0x3F92]  }
0x1a: {  	s8 =	sadd.s32 $0xFFFFE003, lr  }
0x1b: {  	s9 =	sadd.s32 $0xFFFFFEF7, lr;
	s5 =	simm.s32 $0xFFFFFFFF;
	p2 =	slt.u32 s8, $0xFFFFF086  }
0x1c: {  	p1 =	slt.u32 s9, $0xF7A;
	s5 =	simm.s32 @!p2 $0x0  }
0x1d: {  	s5 =	simm.s32 @p1 $0x1;
	p0 =	seq.s32 s7, s2  }
0x1e: {  	s7 =	smul.u32 @!p0 $0xF7A, s2;
	p2 =	seq.s32 @!p0 s5, $0x0  }
0x1f: {  	s9 =	smul.u32 $0xF7A, s1;
	s8 =	simm.s32 @!p0 $0x1BF5;
	p2 =	por !p2, p0  }
0x20: {  	[sflag:s8] =	ssyncset.s32 @!p0 $0xFFFFF086;
	s6 =	sadd.s32 @!p0 s3, s7;
	s7 =	simm.s32 @!p0 $0x108  }
0x21: {  	s3 =	sadd.s32 s3, s9;
	s6 =	sadd.s32 @!p0 $0x88, s6;
	s7 =	simm.s32 @p2 $0x1082  }
0x22: {  	[simem:s7], [sflag:s8] =	dma.local @!p0 [hbm:s6], $0xF7A  }
0x23: {  	s9 =	sor.u32 $0xD0000000, s2;
	s6 =	simm.s32 $0x108;
	_ =	swait.ge @!p0 [sflag:s8], $0x0  }
0x24: {  	s3 =	sadd.s32 $0x88, s3;
	s6 =	simm.s32 @!p1 $0x1082;
	[sflag:s4] =	ssyncset.s32 $0xFFFFF086  }
0x25: {  	[simem:s6], [sflag:s4] =	dma.local [hbm:s3], $0xF7A  }
0x26: {  	[smem:$0x3F92] =	sst s1;
	(tag) =	ssettag s2;
	_ =	strace s9  }
0x27: {  	s1 =	sld [smem:$0x3FA2]  }
0x28: {  	s2 =	sld [smem:$0x3FA3]  }
0x29: {  	s4 =	sld [smem:$0x3FA5]  }
0x2a: {  	p0 =	seq.s32 s5, $0x0;
	s5 =	sld [smem:$0x3FA6]  }
0x2b: {  	s6 =	sld [smem:$0x3FA7]  }
0x2c: {  	s7 =	sld [smem:$0x3FA8]  }
0x2d: {  	s3 =	simm.s32 $0x108;
	s8 =	sld [smem:$0x3FA9]  }
0x2e: {  	s3 =	simm.s32 @!p0 $0x1082;
	s9 =	sld [smem:$0x3FAA]  }
0x2f: {  	lr =	sadd.s32 s0, s3;
	s0 =	sld [smem:$0x3FA1]  }
0x30: {  	s3 =	sld [smem:$0x3FA4]  }
0x31: {  	[smem:$0x3FAD] =	sst s10  }
0x32: {  	s10 =	sld [smem:$0x3FAB];
	_ =	sdelay $0x3  }
0x33: {  	p0 =	seq.s32 s10, $0x1;
	s10 =	sld [smem:$0x3FAD];
	_ =	sdelay $0x3  }
0x34: {  	[smem:$0x3FAD] =	sst s10  }
0x35: {  	s10 =	sld [smem:$0x3FAC];
	_ =	sdelay $0x3  }
0x36: {  	p1 =	seq.s32 s10, $0x1;
	s10 =	sld [smem:$0x3FAD];
	_ =	sdelay $0x3  }
0x37: {  	[smem:$0x3FAD] =	sst s10  }
0x38: {  	s10 =	sld [smem:$0x3FAE]  }
0x39: {  	_ = 	snop;
	(pc) =	sbr.ind lr, $3  }
0x3a: {  	_ = 	snop  }
0x3b: {  	_ = 	snop  }
0x3c: {  	p2 =	seq.s32 s10, $0x1;
	s10 =	sld [smem:$0x3FAD]  }
0x3d: {  	_ =	shalt  }
0x3e: {  	_ =	shalt  }
0x3f: {  	_ =	shalt  }
0x40: {  	_ =	shalt  }
0x41: {  	_ =	shalt  }
0x42: {  	_ =	shalt  }
0x43: {  	_ =	shalt  }
0x44: {  	_ =	shalt  }
0x45: {  	_ =	shalt  }
0x46: {  	_ =	shalt  }
0x47: {  	_ =	shalt  }
0x48: {  	_ =	shalt  }
0x49: {  	_ =	shalt  }
0x4a: {  	_ =	shalt  }
0x4b: {  	_ =	shalt  }
0x4c: {  	_ =	shalt  }
0x4d: {  	_ =	shalt  }
0x4e: {  	_ =	shalt  }
0x4f: {  	_ =	shalt  }
0x50: {  	_ =	shalt  }
0x51: {  	_ =	shalt  }
0x52: {  	_ =	shalt  }
0x53: {  	_ =	shalt  }
0x54: {  	_ =	shalt  }
0x55: {  	_ =	shalt  }
0x56: {  	_ =	shalt  }
0x57: {  	_ =	shalt  }
0x58: {  	_ =	shalt  }
0x59: {  	_ =	shalt  }
0x5a: {  	_ =	shalt  }
0x5b: {  	_ =	shalt  }
0x5c: {  	_ =	shalt  }
0x5d: {  	_ =	shalt  }
0x5e: {  	_ =	shalt  }
0x5f: {  	_ =	shalt  }
0x60: {  	_ =	shalt  }
0x61: {  	_ =	shalt  }
0x62: {  	_ =	shalt  }
0x63: {  	_ =	shalt  }
0x64: {  	_ =	shalt  }
0x65: {  	_ =	shalt  }
0x66: {  	_ =	shalt  }
0x67: {  	_ =	shalt  }
0x68: {  	_ =	shalt  }
0x69: {  	_ =	shalt  }
0x6a: {  	_ =	shalt  }
0x6b: {  	_ =	shalt  }
0x6c: {  	_ =	shalt  }
0x6d: {  	_ =	shalt  }
0x6e: {  	_ =	shalt  }
0x6f: {  	_ =	shalt  }
0x70: {  	_ =	shalt  }
0x71: {  	_ =	shalt  }
0x72: {  	_ =	shalt  }
0x73: {  	_ =	shalt  }
0x74: {  	_ =	shalt  }
0x75: {  	_ =	shalt  }
0x76: {  	_ =	shalt  }
0x77: {  	_ =	shalt  }
0x78: {  	_ =	shalt  }
0x79: {  	_ =	shalt  }
0x7a: {  	_ =	shalt  }
0x7b: {  	_ =	shalt  }
0x7c: {  	_ =	shalt  }
0x7d: {  	_ =	shalt  }
0x7e: {  	_ =	shalt  }
0x7f: {  	_ =	shalt  }
0x80: {  	_ =	shalt  }
0x81: {  	_ =	shalt  }
0x82: {  	_ =	shalt  }
0x83: {  	_ =	shalt  }
0x84: {  	_ =	shalt  }
0x85: {  	_ =	shalt  }
0x86: {  	_ =	shalt  }
0x87: {  	_ =	shalt  }
.Lfunc_end0:
.L_simem_size_0:
called_computation.4_lowered:
.L_overlay_start_0:
0x88: {  	s2 =	sld [smem:$0x3FD9]  }
0x89: {  	s3 =	sld [smem:$0x3FFE];
	_ =	sdelay $0x1  }
0x8a: {  	s1 =	srdreg.scid  }
0x8b: {  	s0 =	sand.u32 $0x1, s1  }
0x8c: {  	s16 =	sshll.u32 s0, $0xA;
	s2 =	sadd.s32 s3, s2  }
0x8d: {  	s2 =	sadd.s32 s2, s16  }
0x8e: {  	[smem:$0x3FB9] =	sst s2  }
0x8f: {  	_ = 	snop  }
0x90: {  	(tm) =	ssettm $0x1  }
0x91: {  	s17 =	sld [smem:$0x3FFB];
	_ =	sdelay $0x3  }
0x92: {  	_ =	strace s17  }
0x93: {  	s2 =	sld [smem:$0x3FFC];
	_ =	sdelay $0x3  }
0x94: {  	_ =	strace s2  }
0x95: {  	s2 =	sld [smem:$0x3FFD];
	_ =	sdelay $0x3  }
0x96: {  	_ =	strace s2  }
0x97: {  	_ =	strace $0x8FFFFFFF  }
0x98: {  	s18 =	sld [smem:$0x3FDB];
	_ =	sdelay $0x1  }
0x99: {  	s19 =	simm.s32 $_scs_section_size  }
0x9a: {  	s4 =	simm.s32 $_size__tile_overlayer_lowered;
	s5 =	simm.s32 $_tile_overlayer_lowered  }
0x9b: {  	s22 =	simm.s32 $0x1BFF;
	s21 =	sshll.u32 s5, $0x1;
	s2 =	sadd.s32 s19, s18  }
0x9c: {  	s6 =	simm.s32 $0x0;
	s20 =	sshll.u32 s4, $0x1;
	s4 =	sadd.s32 s21, s2  }
0x9d: {  	[timem:s6], [sflag:s22] =	dma.local [hbm:s4], s20  }
0x9e: {  	_ =	swait.ge [sflag:s22], s20  }
0x9f: {  	s3 =	ssub.s32 $0x0, s20;
	[sflag:s22] =	ssyncset.done $0x0  }
0xa0: {  	[sflag:s22] =	ssyncadd.s32 s3;
	_ =	sdelay $0x1  }
0xa1: {  	s23 =	simm.s32 $0x1B8B  }
0xa2: {  	_ =	swait.ge [sflag:s23], $0x1  }
0xa3: {  	[sflag:s23] =	ssyncset.done $0x0  }
0xa4: {  	s25 =	simm.s32 $0x1B8E;
	s24 =	sld [smem:$0x3FFE];
	[sflag:s23] =	ssyncadd.s32 $0xFFFFFFFF  }
0xa5: {  	s26 =	simm.s32 $execute0_lowered;
	[smem:$0x3FD2] =	sst s25  }
0xa6: {  	s4 =	sshll.u32 s26, $0x1;
	_ =	strace $0x80000052;
	[dreg:$0x1] =	wrdreg $0xFFFFFFFF  }
0xa7: {  	s28 =	simm.s32 $_size_execute0_lowered;
	s2 =	sadd.s32 s2, s4;
	[dreg:$0x0] =	wrdreg $0x0  }
0xa8: {  	s4 =	sshll.u32 s28, $0x1;
	[dreg:$0x2] =	wrdreg s2  }
0xa9: {  	[dreg:$0x3] =	wrdreg s4  }
0xaa: {  	[dreg:$0x4] =	wrdreg $0xC0  }
0xab: {  	_ =	task [dreg:s6], $0x5FFFF  }
0xac: {  	[dreg:$0x1] =	wrdreg $0xFFFFFFFF  }
0xad: {  	[dreg:$0x0] =	wrdreg $0x60  }
0xae: {  	[dreg:$0x2] =	wrdreg s24  }
0xaf: {  	[dreg:$0x3] =	wrdreg $0x9  }
0xb0: {  	_ =	task.clear_ibuf [dreg:s6], $0x4FFFF;
	_ =	strace $0x90000052  }
0xb1: {  	s29 =	simm.s32 $0x9;
	_ =	strace $0x80000054  }
0xb2: {  	_ =	swait.ge [sflag:s29], $0x1  }
0xb3: {  	[sflag:s29] =	ssyncadd.s32 $0xFFFFFFFF  }
0xb4: {  	_ =	strace $0x90000054  }
0xb5: {  	_ =	sfence  }
0xb6: {  	s30 =	sld [smem:$0x0];
	_ =	sdelay $0x2  }
0xb7: {  	s31 =	sshll.u32 s1, $0xD;
	s1 =	sshrl.u32 s1, $0x2  }
0xb8: {  	s3 =	sand.u32 $0x4000, s31;
	s1 =	sadd.s32 s1, s30  }
0xb9: {  	s0 =	sor.u32 s3, s0;
	s1 =	sshll.u32 s1, $0x11  }
0xba: {  	s0 =	sor.u32 s1, s0  }
0xbb: {  	s0 =	sadd.s32 $0x8F2B, s0  }
0xbc: {  	[sflag:s0] =	ssyncadd.remote.s32 $0x1  }
0xbd: {  	_ =	sfence.sel $0xFFFF  }
0xbe: {  	[dreg:$0x0] =	wrdreg $0xFFFFFFFF;
	(pc) =	sbr.abs _section_cstart, $3  }
0xbf: {  	[dreg:$0x1] =	wrdreg $0xFFFFFFFF  }
0xc0: {  	_ =	task.clear_ibuf [dreg:s6], $0x2FFFF;
	_ =	strace $0x9FFFFFFF  }
0xc1: {  	(tm) =	ssettm $0x7FFFFFFF  }
tec
execute0_lowered:
.L_overlay_start_1:
0x0: {  	(tag) =	ssettag $0x1  }
0x1: {  	s1 =	srdreg.scid;
	s0 =	stileid.u32  }
0x2: {  	s5 =	rddreg [dreg:$0x0];
	s2 =	simm.s32 $0x0;
	s10 =	simm.s32 $0x2  }
0x3: {  	s11 =	simm.s32 $0x2800;
	s12 =	simm.s32 $0x80;
	s13 =	simm.s32 $0x5000  }
0x4: {  	s14 =	simm.s32 $0x9000;
	s15 =	simm.s32 $0x1;
	s16 =	simm.s32 $0x0  }
0x5: {  	s4 =	sand.u32 $0x1, s1;
	s3 =	sshll.u32 s0, $0x1;
	s1 =	rddreg [dreg:$0x1]  }
0x6: {  	[smem:$0x7FF] =	sst s2;
	s8 =	sor.u32 s4, s3;
	s6 =	ssub.s32 $0x2, s4  }
0x7: {  	_ =	strace $0x80000053;
	s3 =	smul.u32 $0x500, s8;
	s9 =	sshrl.u32 s6, $0x1  }
0x8: {  	s4 =	sadd.s32 $0x6CC00, s5;
	s8 =	smul.u32 $0x2800, s8;
	s9 =	ssub.s32 s6, s9  }
0x9: {  	s7 =	sadd.s32 s3, s5;
	s3 =	sadd.s32 $0x44C00, s5;
	s5 =	sadd.s32 $0xBCC00, s5  }
0xa: {  	s9 =	smax.u32 s9, $0x1;
	s6 =	sadd.s32 $0x8C00, s7;
	s7 =	sadd.s32 $0x12C00, s7  }
.LBB2_1:
0xb: {  	[tilespmem:s2], [sflag:$0x2] =	stream.linear.gather [hbm4b:s6+s2], $0x2800, $0x38;
	[tilespmem:$0xD000] =	vst v63  }
0xc: {  	_ =	swait.ge [sflag:s10], $0x2800  }
0xd: {  	[sflag:s10] =	ssyncset.done $0x0  }
0xe: {  	[sflag:s10] =	ssyncadd.s32 $0xFFFFD800  }
0xf: {  	[tilespmem:s11], [sflag:$0x2] =	stream.linear.gather [hbm4b:s7+s2], $0x2800, $0x38;
	[tilespmem:$0xD000] =	vst v63  }
0x10: {  	_ =	swait.ge [sflag:s10], $0x2800  }
0x11: {  	[sflag:s10] =	ssyncset.done $0x0  }
0x12: {  	s17 =	simm.s32 $0x0;
	[sflag:s10] =	ssyncadd.s32 $0xFFFFD800  }
.LBB2_2:
0x13: {  	s18 =	sshll.u32 s17, $0x7  }
0x14: {  	[tilespmem:s13], [sflag:$0x1] =	stream.indirect.gather [hbm4b:s3+s12], $0x80, s18, s12, $0xb8;
	[tilespmem:$0xD000] =	vst v63  }
0x15: {  	s19 =	sadd.s32 $0x2800, s18  }
0x16: {  	[tilespmem:s14], [sflag:$0x1] =	stream.indirect.gather [hbm4b:s4+s12], $0x80, s19, s12, $0xb8;
	[tilespmem:$0xD000] =	vst v63  }
0x17: {  	_ =	swait.ge [sflag:s15], $0x4000  }
0x18: {  	[sflag:s15] =	ssyncset.done $0x0  }
0x19: {  	[sflag:s15] =	ssyncadd.s32 $0xFFFFC000  }
0x1a: {  	_ =	swait.ge [sflag:s15], $0x4000  }
0x1b: {  	[sflag:s15] =	ssyncset.done $0x0  }
0x1c: {  	s19 =	simm.s32 $0x0;
	[sflag:s15] =	ssyncadd.s32 $0xFFFFC000  }
0x1d: {  	v7 =	vld [tilespmem:s19+$0x9000]  }
0x1e: {  	v11 =	vld [tilespmem:s19+$0x9010]  }
0x1f: {  	v5 =	vld [tilespmem:s19+$0x9020]  }
0x20: {  	v4 =	vld [tilespmem:s19+$0x9030]  }
0x21: {  	v3 =	vld [tilespmem:s19+$0x9040]  }
0x22: {  	v2 =	vld [tilespmem:s19+$0x9050]  }
0x23: {  	v1 =	vld [tilespmem:s19+$0x9060]  }
0x24: {  	v0 =	vld [tilespmem:s19+$0x9070]  }
0x25: {  	v12 =	vld [tilespmem:s19+$0x5000]  }
0x26: {  	v13 =	vld [tilespmem:s19+$0x5010]  }
0x27: {  	v10 =	vld [tilespmem:s19+$0x5020]  }
0x28: {  	v9 =	vld [tilespmem:s19+$0x5030]  }
0x29: {  	v8 =	vld [tilespmem:s19+$0x5040]  }
0x2a: {  	v6 =	vld [tilespmem:s19+$0x5050];
	v12 =	vadd.f32 v7, v12  }
0x2b: {  	s20 =	simm.s32 $0x200;
	v11 =	vadd.f32 v11, v13;
	v7 =	vld [tilespmem:s19+$0x5060]  }
.LBB2_3:
0x2c: {  	s21 =	sshra.s32 s20, $0x2;
	p0 =	sne.s32 s20, $0xFE00;
	[tilespmem:s19+$0x5000] =	vst v12;
	v5 =	vadd.f32 v5, v10;
	v10 =	vld [tilespmem:s19+$0x5070]  }
0x2d: {  	v12 =	vld [tilespmem:s21+$0x9000];
	[tilespmem:s19+$0x5010] =	vst v11;
	v4 =	vadd.f32 v4, v9  }
0x2e: {  	v11 =	vld [tilespmem:s21+$0x9010];
	[tilespmem:s19+$0x5020] =	vst v5;
	v3 =	vadd.f32 v3, v8  }
0x2f: {  	v5 =	vld [tilespmem:s21+$0x9020];
	[tilespmem:s19+$0x5030] =	vst v4;
	v2 =	vadd.f32 v2, v6  }
0x30: {  	v4 =	vld [tilespmem:s21+$0x9030];
	[tilespmem:s19+$0x5040] =	vst v3;
	v1 =	vadd.f32 v1, v7  }
0x31: {  	v3 =	vld [tilespmem:s21+$0x9040];
	[tilespmem:s19+$0x5050] =	vst v2;
	v0 =	vadd.f32 v0, v10  }
0x32: {  	v2 =	vld [tilespmem:s21+$0x9050];
	[tilespmem:s19+$0x5060] =	vst v1  }
0x33: {  	v1 =	vld [tilespmem:s21+$0x9060];
	[tilespmem:s19+$0x5070] =	vst v0;
	s19 =	smov.u32 s21  }
0x34: {  	v0 =	vld [tilespmem:s19+$0x9070]  }
0x35: {  	v6 =	vld [tilespmem:s19+$0x5000]  }
0x36: {  	v7 =	vld [tilespmem:s19+$0x5010]  }
.Ltmp0:
0x37: {  	v10 =	vld [tilespmem:s19+$0x5020];
	(pc) =	sbr.rel @p0 .LBB2_3-.Ltmp0, $4  }
0x38: {  	v9 =	vld [tilespmem:s19+$0x5030]  }
0x39: {  	v8 =	vld [tilespmem:s19+$0x5040]  }
0x3a: {  	v12 =	vadd.f32 v12, v6;
	v6 =	vld [tilespmem:s19+$0x5050]  }
0x3b: {  	s20 =	sadd.s32 $0x200, s20;
	v11 =	vadd.f32 v11, v7;
	v7 =	vld [tilespmem:s19+$0x5060]  }
0x3c: {  	[tilespmem:s19+$0x5000] =	vst v12;
	v5 =	vadd.f32 v5, v10;
	v63 =	vld [tilespmem:s19+$0x5070]  }
0x3d: {  	[tilespmem:s19+$0x5010] =	vst v11;
	v4 =	vadd.f32 v4, v9  }
0x3e: {  	[tilespmem:s19+$0x5020] =	vst v5;
	v3 =	vadd.f32 v3, v8  }
0x3f: {  	[tilespmem:s19+$0x5030] =	vst v4;
	v2 =	vadd.f32 v2, v6  }
0x40: {  	[tilespmem:s19+$0x5040] =	vst v3;
	v1 =	vadd.f32 v1, v7  }
0x41: {  	s18 =	sadd.s32 s8, s18;
	s17 =	sadd.s32 $0x1, s17;
	[tilespmem:s19+$0x5050] =	vst v2;
	v0 =	vadd.f32 v0, v63  }
0x42: {  	s18 =	sshll.u32 s18, $0x4;
	p0 =	sne.s32 s17, $0x50;
	[tilespmem:s19+$0x5060] =	vst v1  }
.Ltmp1:
0x43: {  	s18 =	sadd.s32 s5, s18;
	[tilespmem:s19+$0x5070] =	vst v0;
	(pc) =	sbr.rel @p0 .LBB2_2-.Ltmp1, $4  }
0x44: {  	[hbm4b:s18+s2] =	stream.linear.scatter [tilespmem:s13], [sflag:$0x2], $0x4000, $0x38;
	[tilespmem:$0xD000] =	vst v63  }
0x45: {  	_ =	swait.ge [sflag:s10], $0x4000  }
0x46: {  	[sflag:s10] =	ssyncset.done $0x0  }
0x47: {  	[sflag:s10] =	ssyncadd.s32 $0xFFFFC000  }
0x48: {  	s16 =	sadd.s32 $0x1, s16  }
0x49: {  	p0 =	sne.s32 s16, s9  }
.Ltmp2:
0x4a: {  	_ = 	snop;
	(pc) =	sbr.rel @p0 .LBB2_1-.Ltmp2, $1  }
0x4b: {  	_ =	sdelay $0x3  }
0x4c: {  	_ =	sfence.sel $0x180000  }
0x4d: {  	[bflag:$0x0] =	sbarrier.arrive $0xFFFF  }
0x4e: {  	p0 =	sne.s32 s0, $0x0;
	_ =	strace $0x90000053  }
0x4f: {  	s0 =	sadd.s32 @!p0 $0x100000, s1;
	[bflag:$0x2] =	sbarrier.arrive $0xFFFF  }
0x50: {  	[sflag:s0] =	ssyncadd.tile.s32 @!p0 $0x1;
	_ =	shalt  }
.Lfunc_end2:
_tile_overlayer_lowered:
.L_overlay_start_2:
0x51: {  	(tag) =	ssettag $0x2  }
0x52: {  	s0 =	rddreg [dreg:$0x0];
	s2 =	stileid.u32  }
0x53: {  	s1 =	rddreg [dreg:$0x1];
	p0 =	sne.s32 s2, $0x0  }
0x54: {  	s3 =	rddreg [dreg:$0x2];
	[bflag:$0x3] =	sbarrier.arrive $0xFFFF;
	s2 =	simm.s32 @!p0 $0x1C02  }
0x55: {  	[timem:s3], [sflag:s2] =	dma.local @!p0 [hbm:s0], s1  }
0x56: {  	s0 =	simm.s32 @!p0 $0x2  }
0x57: {  	_ =	swait.ge @!p0 [sflag:s0], s1  }
0x58: {  	s1 =	ssub.s32 @!p0 $0x0, s1;
	[sflag:s0] =	ssyncset.done @!p0 $0x0  }
0x59: {  	[sflag:s0] =	ssyncadd.s32 @!p0 s1  }
0x5a: {  	[bflag:$0x3] =	sbarrier.arrive $0xFFFF  }
0x5b: {  	_ =	shalt  }

// kernel: kernel.32.cloned.1.call-start
scs
__scs_entry_jumppad:
0x0: {  	(pc) =	sbr.rel $0x88, $3  }
0x1: {  	(tag) =	ssettag $0x0;
	lr =	simm.s32 $0x1  }
0x2: {  	[smem:$0x3F92] =	sst lr;
	_ =	strace $0xD0000000  }
0x3: {  	_ = 	snop  }
0x4: {  	_ = 	snop  }
0x5: {  	_ = 	snop  }
0x6: {  	_ = 	snop  }
0x7: {  	_ = 	snop  }
__scs_overlays_trampoline_lowered:
0x8: {  	[smem:$0x3FA1] =	sst s0  }
0x9: {  	[smem:$0x3FA2] =	sst s1  }
0xa: {  	[smem:$0x3FA3] =	sst s2  }
0xb: {  	[smem:$0x3FA4] =	sst s3  }
0xc: {  	[smem:$0x3FA5] =	sst s4  }
0xd: {  	[smem:$0x3FA6] =	sst s5  }
0xe: {  	[smem:$0x3FA7] =	sst s6  }
0xf: {  	[smem:$0x3FA8] =	sst s7  }
0x10: {  	[smem:$0x3FA9] =	sst s8  }
0x11: {  	[smem:$0x3FAA] =	sst s9;
	s0 =	simm.s32 @!p0 $0x0  }
0x12: {  	s1 =	sld [smem:$0x3F90];
	s0 =	simm.s32 @p0 $0x1  }
0x13: {  	[smem:$0x3FAB] =	sst s0;
	s0 =	simm.s32 @!p1 $0x0  }
0x14: {  	s2 =	sld [smem:$0x3F8F];
	s0 =	simm.s32 @p1 $0x1  }
0x15: {  	[smem:$0x3FAC] =	sst s0;
	s0 =	simm.s32 @!p2 $0x0  }
0x16: {  	s3 =	sld [smem:$0x3FDB];
	s0 =	simm.s32 @p2 $0x1  }
0x17: {  	s4 =	simm.s32 $0x1BF5;
	[smem:$0x3FAE] =	sst s0  }
0x18: {  	s0 =	sld [smem:$0x3F91];
	_ =	swait.ge [sflag:s4], $0x0  }
0x19: {  	s7 =	sld [smem:$0x3F92]  }
0x1a: {  	s8 =	sadd.s32 $0xFFFFE003, lr  }
0x1b: {  	s9 =	sadd.s32 $0xFFFFFEF7, lr;
	s5 =	simm.s32 $0xFFFFFFFF;
	p2 =	slt.u32 s8, $0xFFFFF086  }
0x1c: {  	p1 =	slt.u32 s9, $0xF7A;
	s5 =	simm.s32 @!p2 $0x0  }
0x1d: {  	s5 =	simm.s32 @p1 $0x1;
	p0 =	seq.s32 s7, s2  }
0x1e: {  	s7 =	smul.u32 @!p0 $0xF7A, s2;
	p2 =	seq.s32 @!p0 s5, $0x0  }
0x1f: {  	s9 =	smul.u32 $0xF7A, s1;
	s8 =	simm.s32 @!p0 $0x1BF5;
	p2 =	por !p2, p0  }
0x20: {  	[sflag:s8] =	ssyncset.s32 @!p0 $0xFFFFF086;
	s6 =	sadd.s32 @!p0 s3, s7;
	s7 =	simm.s32 @!p0 $0x108  }
0x21: {  	s3 =	sadd.s32 s3, s9;
	s6 =	sadd.s32 @!p0 $0x88, s6;
	s7 =	simm.s32 @p2 $0x1082  }
0x22: {  	[simem:s7], [sflag:s8] =	dma.local @!p0 [hbm:s6], $0xF7A  }
0x23: {  	s9 =	sor.u32 $0xD0000000, s2;
	s6 =	simm.s32 $0x108;
	_ =	swait.ge @!p0 [sflag:s8], $0x0  }
0x24: {  	s3 =	sadd.s32 $0x88, s3;
	s6 =	simm.s32 @!p1 $0x1082;
	[sflag:s4] =	ssyncset.s32 $0xFFFFF086  }
0x25: {  	[simem:s6], [sflag:s4] =	dma.local [hbm:s3], $0xF7A  }
0x26: {  	[smem:$0x3F92] =	sst s1;
	(tag) =	ssettag s2;
	_ =	strace s9  }
0x27: {  	s1 =	sld [smem:$0x3FA2]  }
0x28: {  	s2 =	sld [smem:$0x3FA3]  }
0x29: {  	s4 =	sld [smem:$0x3FA5]  }
0x2a: {  	p0 =	seq.s32 s5, $0x0;
	s5 =	sld [smem:$0x3FA6]  }
0x2b: {  	s6 =	sld [smem:$0x3FA7]  }
0x2c: {  	s7 =	sld [smem:$0x3FA8]  }
0x2d: {  	s3 =	simm.s32 $0x108;
	s8 =	sld [smem:$0x3FA9]  }
0x2e: {  	s3 =	simm.s32 @!p0 $0x1082;
	s9 =	sld [smem:$0x3FAA]  }
0x2f: {  	lr =	sadd.s32 s0, s3;
	s0 =	sld [smem:$0x3FA1]  }
0x30: {  	s3 =	sld [smem:$0x3FA4]  }
0x31: {  	[smem:$0x3FAD] =	sst s10  }
0x32: {  	s10 =	sld [smem:$0x3FAB];
	_ =	sdelay $0x3  }
0x33: {  	p0 =	seq.s32 s10, $0x1;
	s10 =	sld [smem:$0x3FAD];
	_ =	sdelay $0x3  }
0x34: {  	[smem:$0x3FAD] =	sst s10  }
0x35: {  	s10 =	sld [smem:$0x3FAC];
	_ =	sdelay $0x3  }
0x36: {  	p1 =	seq.s32 s10, $0x1;
	s10 =	sld [smem:$0x3FAD];
	_ =	sdelay $0x3  }
0x37: {  	[smem:$0x3FAD] =	sst s10  }
0x38: {  	s10 =	sld [smem:$0x3FAE]  }
0x39: {  	_ = 	snop;
	(pc) =	sbr.ind lr, $3  }
0x3a: {  	_ = 	snop  }
0x3b: {  	_ = 	snop  }
0x3c: {  	p2 =	seq.s32 s10, $0x1;
	s10 =	sld [smem:$0x3FAD]  }
0x3d: {  	_ =	shalt  }
0x3e: {  	_ =	shalt  }
0x3f: {  	_ =	shalt  }
0x40: {  	_ =	shalt  }
0x41: {  	_ =	shalt  }
0x42: {  	_ =	shalt  }
0x43: {  	_ =	shalt  }
0x44: {  	_ =	shalt  }
0x45: {  	_ =	shalt  }
0x46: {  	_ =	shalt  }
0x47: {  	_ =	shalt  }
0x48: {  	_ =	shalt  }
0x49: {  	_ =	shalt  }
0x4a: {  	_ =	shalt  }
0x4b: {  	_ =	shalt  }
0x4c: {  	_ =	shalt  }
0x4d: {  	_ =	shalt  }
0x4e: {  	_ =	shalt  }
0x4f: {  	_ =	shalt  }
0x50: {  	_ =	shalt  }
0x51: {  	_ =	shalt  }
0x52: {  	_ =	shalt  }
0x53: {  	_ =	shalt  }
0x54: {  	_ =	shalt  }
0x55: {  	_ =	shalt  }
0x56: {  	_ =	shalt  }
0x57: {  	_ =	shalt  }
0x58: {  	_ =	shalt  }
0x59: {  	_ =	shalt  }
0x5a: {  	_ =	shalt  }
0x5b: {  	_ =	shalt  }
0x5c: {  	_ =	shalt  }
0x5d: {  	_ =	shalt  }
0x5e: {  	_ =	shalt  }
0x5f: {  	_ =	shalt  }
0x60: {  	_ =	shalt  }
0x61: {  	_ =	shalt  }
0x62: {  	_ =	shalt  }
0x63: {  	_ =	shalt  }
0x64: {  	_ =	shalt  }
0x65: {  	_ =	shalt  }
0x66: {  	_ =	shalt  }
0x67: {  	_ =	shalt  }
0x68: {  	_ =	shalt  }
0x69: {  	_ =	shalt  }
0x6a: {  	_ =	shalt  }
0x6b: {  	_ =	shalt  }
0x6c: {  	_ =	shalt  }
0x6d: {  	_ =	shalt  }
0x6e: {  	_ =	shalt  }
0x6f: {  	_ =	shalt  }
0x70: {  	_ =	shalt  }
0x71: {  	_ =	shalt  }
0x72: {  	_ =	shalt  }
0x73: {  	_ =	shalt  }
0x74: {  	_ =	shalt  }
0x75: {  	_ =	shalt  }
0x76: {  	_ =	shalt  }
0x77: {  	_ =	shalt  }
0x78: {  	_ =	shalt  }
0x79: {  	_ =	shalt  }
0x7a: {  	_ =	shalt  }
0x7b: {  	_ =	shalt  }
0x7c: {  	_ =	shalt  }
0x7d: {  	_ =	shalt  }
0x7e: {  	_ =	shalt  }
0x7f: {  	_ =	shalt  }
0x80: {  	_ =	shalt  }
0x81: {  	_ =	shalt  }
0x82: {  	_ =	shalt  }
0x83: {  	_ =	shalt  }
0x84: {  	_ =	shalt  }
0x85: {  	_ =	shalt  }
0x86: {  	_ =	shalt  }
0x87: {  	_ =	shalt  }
.Lfunc_end0:
.L_simem_size_0:
called_computation.5_lowered:
.L_overlay_start_0:
0x88: {  	s2 =	sld [smem:$0x3FD9]  }
0x89: {  	s3 =	sld [smem:$0x3FFE];
	_ =	sdelay $0x1  }
0x8a: {  	s1 =	srdreg.scid  }
0x8b: {  	s0 =	sand.u32 $0x1, s1  }
0x8c: {  	s16 =	sshll.u32 s0, $0xA;
	s2 =	sadd.s32 s3, s2  }
0x8d: {  	s2 =	sadd.s32 s2, s16  }
0x8e: {  	[smem:$0x3FB9] =	sst s2  }
0x8f: {  	_ = 	snop  }
0x90: {  	(tm) =	ssettm $0x1  }
0x91: {  	s17 =	sld [smem:$0x3FFB];
	_ =	sdelay $0x3  }
0x92: {  	_ =	strace s17  }
0x93: {  	s2 =	sld [smem:$0x3FFC];
	_ =	sdelay $0x3  }
0x94: {  	_ =	strace s2  }
0x95: {  	s2 =	sld [smem:$0x3FFD];
	_ =	sdelay $0x3  }
0x96: {  	_ =	strace s2  }
0x97: {  	_ =	strace $0x8FFFFFFF  }
0x98: {  	s18 =	sld [smem:$0x3FDB];
	_ =	sdelay $0x1  }
0x99: {  	s19 =	simm.s32 $_scs_section_size  }
0x9a: {  	s4 =	simm.s32 $_size__tile_overlayer_lowered;
	s5 =	simm.s32 $_tile_overlayer_lowered  }
0x9b: {  	s22 =	simm.s32 $0x1BFF;
	s21 =	sshll.u32 s5, $0x1;
	s2 =	sadd.s32 s19, s18  }
0x9c: {  	s6 =	simm.s32 $0x0;
	s20 =	sshll.u32 s4, $0x1;
	s4 =	sadd.s32 s21, s2  }
0x9d: {  	[timem:s6], [sflag:s22] =	dma.local [hbm:s4], s20  }
0x9e: {  	_ =	swait.ge [sflag:s22], s20  }
0x9f: {  	s3 =	ssub.s32 $0x0, s20;
	[sflag:s22] =	ssyncset.done $0x0  }
0xa0: {  	[sflag:s22] =	ssyncadd.s32 s3;
	_ =	sdelay $0x1  }
0xa1: {  	s23 =	simm.s32 $0x1B8B  }
0xa2: {  	_ =	swait.ge [sflag:s23], $0x1  }
0xa3: {  	[sflag:s23] =	ssyncset.done $0x0  }
0xa4: {  	s25 =	simm.s32 $0x1B8E;
	s24 =	sld [smem:$0x3FFE];
	[sflag:s23] =	ssyncadd.s32 $0xFFFFFFFF  }
0xa5: {  	s26 =	simm.s32 $execute0_lowered;
	[smem:$0x3FD2] =	sst s25  }
0xa6: {  	s4 =	sshll.u32 s26, $0x1;
	_ =	strace $0x80000055;
	[dreg:$0x1] =	wrdreg $0xFFFFFFFF  }
0xa7: {  	s28 =	simm.s32 $_size_execute0_lowered;
	s2 =	sadd.s32 s2, s4;
	[dreg:$0x0] =	wrdreg $0x0  }
0xa8: {  	s4 =	sshll.u32 s28, $0x1;
	[dreg:$0x2] =	wrdreg s2  }
0xa9: {  	[dreg:$0x3] =	wrdreg s4  }
0xaa: {  	[dreg:$0x4] =	wrdreg $0xC0  }
0xab: {  	_ =	task [dreg:s6], $0x5FFFF  }
0xac: {  	[dreg:$0x1] =	wrdreg $0xFFFFFFFF  }
0xad: {  	[dreg:$0x0] =	wrdreg $0x60  }
0xae: {  	[dreg:$0x2] =	wrdreg s24  }
0xaf: {  	[dreg:$0x3] =	wrdreg $0xA8000  }
0xb0: {  	[dreg:$0x4] =	wrdreg $0x9  }
0xb1: {  	_ =	task.clear_ibuf [dreg:s6], $0x5FFFF;
	_ =	strace $0x90000055  }
0xb2: {  	s29 =	simm.s32 $0x9;
	_ =	strace $0x80000057  }
0xb3: {  	_ =	swait.ge [sflag:s29], $0x1  }
0xb4: {  	[sflag:s29] =	ssyncadd.s32 $0xFFFFFFFF  }
0xb5: {  	_ =	strace $0x90000057  }
0xb6: {  	_ =	sfence  }
0xb7: {  	s30 =	sld [smem:$0x0];
	_ =	sdelay $0x2  }
0xb8: {  	s31 =	sshll.u32 s1, $0xD;
	s1 =	sshrl.u32 s1, $0x2  }
0xb9: {  	s3 =	sand.u32 $0x4000, s31;
	s1 =	sadd.s32 s1, s30  }
0xba: {  	s0 =	sor.u32 s3, s0;
	s1 =	sshll.u32 s1, $0x11  }
0xbb: {  	s0 =	sor.u32 s1, s0  }
0xbc: {  	s0 =	sadd.s32 $0x8F2B, s0  }
0xbd: {  	[sflag:s0] =	ssyncadd.remote.s32 $0x1  }
0xbe: {  	_ =	sfence.sel $0xFFFF  }
0xbf: {  	[dreg:$0x0] =	wrdreg $0xFFFFFFFF;
	(pc) =	sbr.abs _section_cstart, $3  }
0xc0: {  	[dreg:$0x1] =	wrdreg $0xFFFFFFFF  }
0xc1: {  	_ =	task.clear_ibuf [dreg:s6], $0x2FFFF;
	_ =	strace $0x9FFFFFFF  }
0xc2: {  	(tm) =	ssettm $0x7FFFFFFF  }
0xc3: {  	_ =	shalt  }
tec
execute0_lowered:
.L_overlay_start_1:
0x0: {  	(tag) =	ssettag $0x1  }
0x1: {  	s0 =	stileid.u32;
	s4 =	rddreg [dreg:$0x0]  }
0x2: {  	s1 =	srdreg.scid;
	s2 =	rddreg [dreg:$0x1]  }
0x3: {  	s3 =	simm.s32 $0x0;
	s15 =	simm.s32 $0x4000;
	s16 =	simm.s32 $0x80  }
0x4: {  	s19 =	simm.s32 $0x0;
	s7 =	sand.u32 $0x1, s1;
	s5 =	smul.u32 $0x50000, s0  }
0x5: {  	s28 =	sshll.u32 s0, $0x1;
	[smem:$0x7FF] =	sst s3;
	s9 =	smul.u32 $0x14000, s0  }
0x6: {  	s17 =	sshll.u32 s0, $0x6;
	s1 =	sor.u32 s7, s28;
	s8 =	smul.u32 $0x140000, s7  }
0x7: {  	s30 =	ssub.s32 $0x2, s7;
	s14 =	smul.u32 $0x28000, s7;
	s17 =	sor.u32 $0x1C01, s17  }
0x8: {  	s6 =	smul.u32 $0x500, s1;
	s1 =	rddreg [dreg:$0x2];
	_ =	strace $0x80000056  }
0x9: {  	s12 =	sadd.s32 s5, s4;
	s31 =	sshrl.u32 s30, $0x1;
	s5 =	sshrl.u32 s5, $0x2  }
0xa: {  	s29 =	sadd.s32 s9, s8;
	s13 =	ssub.s32 s30, s31;
	s12 =	sadd.s32 s14, s12  }
0xb: {  	s14 =	simm.s32 $0x1;
	s10 =	sadd.s32 s6, s4;
	s6 =	sshrl.u32 s29, $0x3  }
0xc: {  	s12 =	sadd.s32 $0x5BCC00, s12;
	s11 =	sadd.s32 s6, s4;
	s4 =	sadd.s32 s5, s2  }
0xd: {  	s9 =	sadd.s32 $0x12C00, s10;
	s5 =	sadd.s32 $0x4000, s4;
	s6 =	sadd.s32 $0x8000, s4  }
0xe: {  	s7 =	sadd.s32 $0xC000, s4;
	s8 =	sadd.s32 $0x10000, s4;
	s10 =	sadd.s32 $0x44C00, s11  }
0xf: {  	v0 =	vimm.f32 $0.0e+00;
	s11 =	smax.u32 s13, $0x1;
	s13 =	simm.s32 $0x6800;
	s18 =	sshrl.u32 s4, $0x3  }
.LBB2_1:
0x10: {  	s20 =	simm.s32 $0x0;
	s21 =	simm.s32 $0x200  }
.LBB2_2:
0x11: {  	p0 =	sne.s32 s21, $0xFE00;
	[tilespmem:s20+$0x6870] =	vst v0  }
0x12: {  	[tilespmem:s20+$0x6800] =	vst v0  }
0x13: {  	[tilespmem:s20+$0x6810] =	vst v0  }
.Ltmp0:
0x14: {  	[tilespmem:s20+$0x6820] =	vst v0;
	(pc) =	sbr.rel @p0 .LBB2_2-.Ltmp0, $4  }
0x15: {  	[tilespmem:s20+$0x6830] =	vst v0  }
0x16: {  	[tilespmem:s20+$0x6840] =	vst v0  }
0x17: {  	[tilespmem:s20+$0x6850] =	vst v0  }
0x18: {  	[tilespmem:s20+$0x6860] =	vst v0;
	s20 =	sshra.s32 s21, $0x2;
	s21 =	sadd.s32 $0x200, s21  }
0x19: {  	[tilespmem:s20+$0x6870] =	vst v0  }
0x1a: {  	[tilespmem:s20+$0x6800] =	vst v0  }
0x1b: {  	[tilespmem:s20+$0x6810] =	vst v0  }
0x1c: {  	[tilespmem:s20+$0x6820] =	vst v0  }
0x1d: {  	[tilespmem:s20+$0x6830] =	vst v0  }
0x1e: {  	[tilespmem:s20+$0x6840] =	vst v0  }
0x1f: {  	[tilespmem:s20+$0x6850] =	vst v0  }
0x20: {  	[tilespmem:s20+$0x6860] =	vst v0  }
0x21: {  	[spmem:s4] =	stream.linear.scatter [tilespmem:s13], [sflag:$0x1], $0x4000, $0x38;
	[tilespmem:$0x1E800] =	vst v63  }
0x22: {  	_ =	swait.ge [sflag:s14], $0x4000  }
0x23: {  	[sflag:s14] =	ssyncset.done $0x0  }
0x24: {  	[sflag:s14] =	ssyncadd.s32 $0xFFFFC000  }
0x25: {  	[spmem:s5] =	stream.linear.scatter [tilespmem:s13], [sflag:$0x1], $0x4000, $0x38;
	[tilespmem:$0x1E800] =	vst v63  }
0x26: {  	_ =	swait.ge [sflag:s14], $0x4000  }
0x27: {  	[sflag:s14] =	ssyncset.done $0x0  }
0x28: {  	[sflag:s14] =	ssyncadd.s32 $0xFFFFC000  }
0x29: {  	[spmem:s6] =	stream.linear.scatter [tilespmem:s13], [sflag:$0x1], $0x4000, $0x38;
	[tilespmem:$0x1E800] =	vst v63  }
0x2a: {  	_ =	swait.ge [sflag:s14], $0x4000  }
0x2b: {  	[sflag:s14] =	ssyncset.done $0x0  }
0x2c: {  	[sflag:s14] =	ssyncadd.s32 $0xFFFFC000  }
0x2d: {  	[spmem:s7] =	stream.linear.scatter [tilespmem:s13], [sflag:$0x1], $0x4000, $0x38;
	[tilespmem:$0x1E800] =	vst v63  }
0x2e: {  	_ =	swait.ge [sflag:s14], $0x4000  }
0x2f: {  	[sflag:s14] =	ssyncset.done $0x0  }
0x30: {  	[sflag:s14] =	ssyncadd.s32 $0xFFFFC000  }
0x31: {  	[spmem:s8] =	stream.linear.scatter [tilespmem:s13], [sflag:$0x1], $0x4000, $0x38;
	[tilespmem:$0x1E800] =	vst v63  }
0x32: {  	_ =	swait.ge [sflag:s14], $0x4000  }
0x33: {  	[sflag:s14] =	ssyncset.done $0x0  }
0x34: {  	s30 =	simm.s32 $0x0;
	[sflag:s14] =	ssyncadd.s32 $0xFFFFC000  }
0x35: {  	[tilespmem:s15], [sflag:$0x1] =	stream.linear.gather [hbm4b:s9+s30], $0x2800, $0x38;
	[tilespmem:$0x1E800] =	vst v63  }
0x36: {  	_ =	swait.ge [sflag:s14], $0x2800  }
0x37: {  	[sflag:s14] =	ssyncset.done $0x0  }
0x38: {  	[sflag:s14] =	ssyncadd.s32 $0xFFFFD800  }
0x39: {  	[bflag:$0x0] =	sbarrier.arrive $0xFFFF  }
0x3a: {  	[tilespmem:s3], [sflag:$0x1] =	stream.linear.gather [hbm4b:s12+s3], $0x4000, $0x38;
	[tilespmem:$0x1E800] =	vst v63  }
0x3b: {  	_ =	swait.ge [sflag:s14], $0x4000  }
0x3c: {  	[sflag:s14] =	ssyncset.done $0x0  }
0x3d: {  	s31 =	simm.s32 $0x4000;
	[sflag:s14] =	ssyncadd.s32 $0xFFFFC000  }
0x3e: {  	[spmem:s2] =	stream.indirect.scatter.add.f32 [tilespmem:s3], [sflag:$0x1], $0x80, s31, s16, $0xb8;
	[tilespmem:$0x1E800] =	vst v63  }
0x3f: {  	_ =	swait.ge [sflag:s14], $0x4000  }
0x40: {  	s20 =	simm.s32 $0x200;
	s21 =	smov.u32 s12;
	[sflag:s14] =	ssyncset.done $0x0  }
.LBB2_4:
0x41: {  	p0 =	sne.s32 s20, $0x9E00;
	[sflag:s14] =	ssyncadd.s32 $0xFFFFC000;
	s21 =	sadd.s32 $0x800, s21  }
0x42: {  	[tilespmem:s3], [sflag:$0x1] =	stream.linear.gather [hbm4b:s21+s3], $0x4000, $0x38;
	[tilespmem:$0x1E800] =	vst v63  }
0x43: {  	s22 =	smov.u32 s20;
	s20 =	sadd.s32 $0x200, s20;
	_ =	swait.ge [sflag:s14], $0x4000  }
.Ltmp1:
0x44: {  	s22 =	sshra.s32 s22, $0x2;
	[sflag:s14] =	ssyncset.done $0x0;
	(pc) =	sbr.rel @p0 .LBB2_4-.Ltmp1, $4  }
0x45: {  	s22 =	sadd.s32 $0x4000, s22;
	[sflag:s14] =	ssyncadd.s32 $0xFFFFC000  }
0x46: {  	[spmem:s2] =	stream.indirect.scatter.add.f32 [tilespmem:s3], [sflag:$0x1], $0x80, s22, s16, $0xb8;
	[tilespmem:$0x1E800] =	vst v63  }
0x47: {  	_ =	swait.ge [sflag:s14], $0x4000  }
0x48: {  	[sflag:s14] =	ssyncset.done $0x0  }
0x49: {  	s19 =	sadd.s32 $0x1, s19  }
0x4a: {  	[sflag:s14] =	ssyncadd.s32 $0xFFFFC000;
	p0 =	sne.s32 s19, s11  }
.Ltmp2:
0x4b: {  	[bflag:$0x0] =	sbarrier.arrive $0xFFFF;
	(pc) =	sbr.rel @p0 .LBB2_1-.Ltmp2, $4  }
0x4c: {  	[hbm:s10], [sflag:s17] =	dma.local [spmem:s18], $0x2800  }
0x4d: {  	_ =	swait.ge [sflag:s14], $0x2800  }
0x4e: {  	[sflag:s14] =	ssyncset.done $0x0  }
0x4f: {  	[sflag:s14] =	ssyncadd.s32 $0xFFFFD800  }
0x50: {  	_ =	sfence.sel $0x180000  }
0x51: {  	[bflag:$0x0] =	sbarrier.arrive $0xFFFF  }
0x52: {  	p0 =	sne.s32 s0, $0x0;
	_ =	strace $0x90000056  }
0x53: {  	s0 =	sadd.s32 @!p0 $0x100000, s1;
	[bflag:$0x2] =	sbarrier.arrive $0xFFFF  }
0x54: {  	[sflag:s0] =	ssyncadd.tile.s32 @!p0 $0x1;
	_ =	shalt  }
.Lfunc_end2:
_tile_overlayer_lowered:
.L_overlay_start_2:
0x55: {  	(tag) =	ssettag $0x2  }
0x56: {  	s0 =	rddreg [dreg:$0x0];
	s2 =	stileid.u32  }
0x57: {  	s1 =	rddreg [dreg:$0x1];
	p0 =	sne.s32 s2, $0x0  }
0x58: {  	s3 =	rddreg [dreg:$0x2];
	[bflag:$0x3] =	sbarrier.arrive $0xFFFF;
	s2 =	simm.s32 @!p0 $0x1C01  }
0x59: {  	[timem:s3], [sflag:s2] =	dma.local @!p0 [hbm:s0], s1  }
0x5a: {  	s0 =	simm.s32 @!p0 $0x1  }
0x5b: {  	_ =	swait.ge @!p0 [sflag:s0], s1  }
0x5c: {  	s1 =	ssub.s32 @!p0 $0x0, s1;
	[sflag:s0] =	ssyncset.done @!p0 $0x0  }
0x5d: {  	[sflag:s0] =	ssyncadd.s32 @!p0 s1  }
0x5e: {  	[bflag:$0x3] =	sbarrier.arrive $0xFFFF  }
0x5f: {  	_ =	shalt  }

// kernel: kernel.35.cloned.1.call-start
scs
__scs_entry_jumppad:
0x0: {  	(pc) =	sbr.rel $0x88, $3  }
0x1: {  	(tag) =	ssettag $0x0;
	lr =	simm.s32 $0x1  }
0x2: {  	[smem:$0x3F92] =	sst lr;
	_ =	strace $0xD0000000  }
0x3: {  	_ = 	snop  }
0x4: {  	_ = 	snop  }
0x5: {  	_ = 	snop  }
0x6: {  	_ = 	snop  }
0x7: {  	_ = 	snop  }
__scs_overlays_trampoline_lowered:
0x8: {  	[smem:$0x3FA1] =	sst s0  }
0x9: {  	[smem:$0x3FA2] =	sst s1  }
0xa: {  	[smem:$0x3FA3] =	sst s2  }
0xb: {  	[smem:$0x3FA4] =	sst s3  }
0xc: {  	[smem:$0x3FA5] =	sst s4  }
0xd: {  	[smem:$0x3FA6] =	sst s5  }
0xe: {  	[smem:$0x3FA7] =	sst s6  }
0xf: {  	[smem:$0x3FA8] =	sst s7  }
0x10: {  	[smem:$0x3FA9] =	sst s8  }
0x11: {  	[smem:$0x3FAA] =	sst s9;
	s0 =	simm.s32 @!p0 $0x0  }
0x12: {  	s1 =	sld [smem:$0x3F90];
	s0 =	simm.s32 @p0 $0x1  }
0x13: {  	[smem:$0x3FAB] =	sst s0;
	s0 =	simm.s32 @!p1 $0x0  }
0x14: {  	s2 =	sld [smem:$0x3F8F];
	s0 =	simm.s32 @p1 $0x1  }
0x15: {  	[smem:$0x3FAC] =	sst s0;
	s0 =	simm.s32 @!p2 $0x0  }
0x16: {  	s3 =	sld [smem:$0x3FDB];
	s0 =	simm.s32 @p2 $0x1  }
0x17: {  	s4 =	simm.s32 $0x1BF5;
	[smem:$0x3FAE] =	sst s0  }
0x18: {  	s0 =	sld [smem:$0x3F91];
	_ =	swait.ge [sflag:s4], $0x0  }
0x19: {  	s7 =	sld [smem:$0x3F92]  }
0x1a: {  	s8 =	sadd.s32 $0xFFFFE003, lr  }
0x1b: {  	s9 =	sadd.s32 $0xFFFFFEF7, lr;
	s5 =	simm.s32 $0xFFFFFFFF;
	p2 =	slt.u32 s8, $0xFFFFF086  }
0x1c: {  	p1 =	slt.u32 s9, $0xF7A;
	s5 =	simm.s32 @!p2 $0x0  }
0x1d: {  	s5 =	simm.s32 @p1 $0x1;
	p0 =	seq.s32 s7, s2  }
0x1e: {  	s7 =	smul.u32 @!p0 $0xF7A, s2;
	p2 =	seq.s32 @!p0 s5, $0x0  }
0x1f: {  	s9 =	smul.u32 $0xF7A, s1;
	s8 =	simm.s32 @!p0 $0x1BF5;
	p2 =	por !p2, p0  }
0x20: {  	[sflag:s8] =	ssyncset.s32 @!p0 $0xFFFFF086;
	s6 =	sadd.s32 @!p0 s3, s7;
	s7 =	simm.s32 @!p0 $0x108  }
0x21: {  	s3 =	sadd.s32 s3, s9;
	s6 =	sadd.s32 @!p0 $0x88, s6;
	s7 =	simm.s32 @p2 $0x1082  }
0x22: {  	[simem:s7], [sflag:s8] =	dma.local @!p0 [hbm:s6], $0xF7A  }
0x23: {  	s9 =	sor.u32 $0xD0000000, s2;
	s6 =	simm.s32 $0x108;
	_ =	swait.ge @!p0 [sflag:s8], $0x0  }
0x24: {  	s3 =	sadd.s32 $0x88, s3;
	s6 =	simm.s32 @!p1 $0x1082;
	[sflag:s4] =	ssyncset.s32 $0xFFFFF086  }
0x25: {  	[simem:s6], [sflag:s4] =	dma.local [hbm:s3], $0xF7A  }
0x26: {  	[smem:$0x3F92] =	sst s1;
	(tag) =	ssettag s2;
	_ =	strace s9  }
0x27: {  	s1 =	sld [smem:$0x3FA2]  }
0x28: {  	s2 =	sld [smem:$0x3FA3]  }
0x29: {  	s4 =	sld [smem:$0x3FA5]  }
0x2a: {  	p0 =	seq.s32 s5, $0x0;
	s5 =	sld [smem:$0x3FA6]  }
0x2b: {  	s6 =	sld [smem:$0x3FA7]  }
0x2c: {  	s7 =	sld [smem:$0x3FA8]  }
0x2d: {  	s3 =	simm.s32 $0x108;
	s8 =	sld [smem:$0x3FA9]  }
0x2e: {  	s3 =	simm.s32 @!p0 $0x1082;
	s9 =	sld [smem:$0x3FAA]  }
0x2f: {  	lr =	sadd.s32 s0, s3;
	s0 =	sld [smem:$0x3FA1]  }
0x30: {  	s3 =	sld [smem:$0x3FA4]  }
0x31: {  	[smem:$0x3FAD] =	sst s10  }
0x32: {  	s10 =	sld [smem:$0x3FAB];
	_ =	sdelay $0x3  }
0x33: {  	p0 =	seq.s32 s10, $0x1;
	s10 =	sld [smem:$0x3FAD];
	_ =	sdelay $0x3  }
0x34: {  	[smem:$0x3FAD] =	sst s10  }
0x35: {  	s10 =	sld [smem:$0x3FAC];
	_ =	sdelay $0x3  }
0x36: {  	p1 =	seq.s32 s10, $0x1;
	s10 =	sld [smem:$0x3FAD];
	_ =	sdelay $0x3  }
0x37: {  	[smem:$0x3FAD] =	sst s10  }
0x38: {  	s10 =	sld [smem:$0x3FAE]  }
0x39: {  	_ = 	snop;
	(pc) =	sbr.ind lr, $3  }
0x3a: {  	_ = 	snop  }
0x3b: {  	_ = 	snop  }
0x3c: {  	p2 =	seq.s32 s10, $0x1;
	s10 =	sld [smem:$0x3FAD]  }
0x3d: {  	_ =	shalt  }
0x3e: {  	_ =	shalt  }
0x3f: {  	_ =	shalt  }
0x40: {  	_ =	shalt  }
0x41: {  	_ =	shalt  }
0x42: {  	_ =	shalt  }
0x43: {  	_ =	shalt  }
0x44: {  	_ =	shalt  }
0x45: {  	_ =	shalt  }
0x46: {  	_ =	shalt  }
0x47: {  	_ =	shalt  }
0x48: {  	_ =	shalt  }
0x49: {  	_ =	shalt  }
0x4a: {  	_ =	shalt  }
0x4b: {  	_ =	shalt  }
0x4c: {  	_ =	shalt  }
0x4d: {  	_ =	shalt  }
0x4e: {  	_ =	shalt  }
0x4f: {  	_ =	shalt  }
0x50: {  	_ =	shalt  }
0x51: {  	_ =	shalt  }
0x52: {  	_ =	shalt  }
0x53: {  	_ =	shalt  }
0x54: {  	_ =	shalt  }
0x55: {  	_ =	shalt  }
0x56: {  	_ =	shalt  }
0x57: {  	_ =	shalt  }
0x58: {  	_ =	shalt  }
0x59: {  	_ =	shalt  }
0x5a: {  	_ =	shalt  }
0x5b: {  	_ =	shalt  }
0x5c: {  	_ =	shalt  }
0x5d: {  	_ =	shalt  }
0x5e: {  	_ =	shalt  }
0x5f: {  	_ =	shalt  }
0x60: {  	_ =	shalt  }
0x61: {  	_ =	shalt  }
0x62: {  	_ =	shalt  }
0x63: {  	_ =	shalt  }
0x64: {  	_ =	shalt  }
0x65: {  	_ =	shalt  }
0x66: {  	_ =	shalt  }
0x67: {  	_ =	shalt  }
0x68: {  	_ =	shalt  }
0x69: {  	_ =	shalt  }
0x6a: {  	_ =	shalt  }
0x6b: {  	_ =	shalt  }
0x6c: {  	_ =	shalt  }
0x6d: {  	_ =	shalt  }
0x6e: {  	_ =	shalt  }
0x6f: {  	_ =	shalt  }
0x70: {  	_ =	shalt  }
0x71: {  	_ =	shalt  }
0x72: {  	_ =	shalt  }
0x73: {  	_ =	shalt  }
0x74: {  	_ =	shalt  }
0x75: {  	_ =	shalt  }
0x76: {  	_ =	shalt  }
0x77: {  	_ =	shalt  }
0x78: {  	_ =	shalt  }
0x79: {  	_ =	shalt  }
0x7a: {  	_ =	shalt  }
0x7b: {  	_ =	shalt  }
0x7c: {  	_ =	shalt  }
0x7d: {  	_ =	shalt  }
0x7e: {  	_ =	shalt  }
0x7f: {  	_ =	shalt  }
0x80: {  	_ =	shalt  }
0x81: {  	_ =	shalt  }
0x82: {  	_ =	shalt  }
0x83: {  	_ =	shalt  }
0x84: {  	_ =	shalt  }
0x85: {  	_ =	shalt  }
0x86: {  	_ =	shalt  }
0x87: {  	_ =	shalt  }
.Lfunc_end0:
.L_simem_size_0:
called_computation.6_lowered:
.L_overlay_start_0:
0x88: {  	s2 =	sld [smem:$0x3FD9]  }
0x89: {  	s3 =	sld [smem:$0x3FFE];
	_ =	sdelay $0x1  }
0x8a: {  	s1 =	srdreg.scid  }
0x8b: {  	s0 =	sand.u32 $0x1, s1  }
0x8c: {  	s16 =	sshll.u32 s0, $0xA;
	s2 =	sadd.s32 s3, s2  }
0x8d: {  	s2 =	sadd.s32 s2, s16  }
0x8e: {  	[smem:$0x3FB9] =	sst s2  }
0x8f: {  	_ = 	snop  }
0x90: {  	(tm) =	ssettm $0x1  }
0x91: {  	s17 =	sld [smem:$0x3FFB];
	_ =	sdelay $0x3  }
0x92: {  	_ =	strace s17  }
0x93: {  	s2 =	sld [smem:$0x3FFC];
	_ =	sdelay $0x3  }
0x94: {  	_ =	strace s2  }
0x95: {  	s2 =	sld [smem:$0x3FFD];
	_ =	sdelay $0x3  }
0x96: {  	_ =	strace s2  }
0x97: {  	_ =	strace $0x8FFFFFFF  }
0x98: {  	s18 =	sld [smem:$0x3FDB];
	_ =	sdelay $0x1  }
0x99: {  	s19 =	simm.s32 $_scs_section_size  }
0x9a: {  	s4 =	simm.s32 $_size__tile_overlayer_lowered;
	s5 =	simm.s32 $_tile_overlayer_lowered  }
0x9b: {  	s22 =	simm.s32 $0x1BFF;
	s21 =	sshll.u32 s5, $0x1;
	s2 =	sadd.s32 s19, s18  }
0x9c: {  	s6 =	simm.s32 $0x0;
	s20 =	sshll.u32 s4, $0x1;
	s4 =	sadd.s32 s21, s2  }
0x9d: {  	[timem:s6], [sflag:s22] =	dma.local [hbm:s4], s20  }
0x9e: {  	_ =	swait.ge [sflag:s22], s20  }
0x9f: {  	s3 =	ssub.s32 $0x0, s20;
	[sflag:s22] =	ssyncset.done $0x0  }
0xa0: {  	[sflag:s22] =	ssyncadd.s32 s3;
	_ =	sdelay $0x1  }
0xa1: {  	s23 =	simm.s32 $0x1B8B  }
0xa2: {  	_ =	swait.ge [sflag:s23], $0x1  }
0xa3: {  	[sflag:s23] =	ssyncset.done $0x0  }
0xa4: {  	s25 =	simm.s32 $0x1B8E;
	s24 =	sld [smem:$0x3FFE];
	[sflag:s23] =	ssyncadd.s32 $0xFFFFFFFF  }
0xa5: {  	s26 =	simm.s32 $execute0_lowered;
	[smem:$0x3FD2] =	sst s25  }
0xa6: {  	s4 =	sshll.u32 s26, $0x1;
	_ =	strace $0x80000058;
	[dreg:$0x1] =	wrdreg $0xFFFFFFFF  }
0xa7: {  	s28 =	simm.s32 $_size_execute0_lowered;
	s2 =	sadd.s32 s2, s4;
	[dreg:$0x0] =	wrdreg $0x0  }
0xa8: {  	s4 =	sshll.u32 s28, $0x1;
	[dreg:$0x2] =	wrdreg s2  }
0xa9: {  	[dreg:$0x3] =	wrdreg s4  }
0xaa: {  	[dreg:$0x4] =	wrdreg $0xC0  }
0xab: {  	_ =	task [dreg:s6], $0x5FFFF  }
0xac: {  	[dreg:$0x1] =	wrdreg $0xFFFFFFFF  }
0xad: {  	[dreg:$0x0] =	wrdreg $0x60  }
0xae: {  	[dreg:$0x2] =	wrdreg s24  }
0xaf: {  	[dreg:$0x3] =	wrdreg $0x9  }
0xb0: {  	_ =	task.clear_ibuf [dreg:s6], $0x4FFFF;
	_ =	strace $0x90000058  }
0xb1: {  	s29 =	simm.s32 $0x9;
	_ =	strace $0x8000005A  }
0xb2: {  	_ =	swait.ge [sflag:s29], $0x1  }
0xb3: {  	[sflag:s29] =	ssyncadd.s32 $0xFFFFFFFF  }
0xb4: {  	_ =	strace $0x9000005A  }
0xb5: {  	_ =	sfence  }
0xb6: {  	s30 =	sld [smem:$0x0];
	_ =	sdelay $0x2  }
0xb7: {  	s31 =	sshll.u32 s1, $0xD;
	s1 =	sshrl.u32 s1, $0x2  }
0xb8: {  	s3 =	sand.u32 $0x4000, s31;
	s1 =	sadd.s32 s1, s30  }
0xb9: {  	s0 =	sor.u32 s3, s0;
	s1 =	sshll.u32 s1, $0x11  }
0xba: {  	s0 =	sor.u32 s1, s0  }
0xbb: {  	s0 =	sadd.s32 $0x8F2B, s0  }
0xbc: {  	[sflag:s0] =	ssyncadd.remote.s32 $0x1  }
0xbd: {  	_ =	sfence.sel $0xFFFF  }
0xbe: {  	[dreg:$0x0] =	wrdreg $0xFFFFFFFF;
	(pc) =	sbr.abs _section_cstart, $3  }
0xbf: {  	[dreg:$0x1] =	wrdreg $0xFFFFFFFF  }
0xc0: {  	_ =	task.clear_ibuf [dreg:s6], $0x2FFFF;
	_ =	strace $0x9FFFFFFF  }
0xc1: {  	(tm) =	ssettm $0x7FFFFFFF  }
tec
execute0_lowered:
.L_overlay_start_1:
0x0: {  	(tag) =	ssettag $0x1  }
0x1: {  	s1 =	srdreg.scid;
	s0 =	stileid.u32  }
0x2: {  	s4 =	rddreg [dreg:$0x0];
	s2 =	simm.s32 $0x0;
	s10 =	simm.s32 $0x2800  }
0x3: {  	s11 =	simm.s32 $0x80;
	s12 =	simm.s32 $0x5000;
	s13 =	simm.s32 $0x9000  }
0x4: {  	s14 =	simm.s32 $0x1;
	s3 =	sand.u32 $0x1, s1;
	s30 =	sshll.u32 s0, $0x1  }
0x5: {  	s15 =	simm.s32 $0xD000;
	s1 =	rddreg [dreg:$0x1];
	s7 =	sor.u32 s3, s30  }
0x6: {  	s16 =	simm.s32 $0x0;
	[smem:$0x7FF] =	sst s2;
	s5 =	smul.u32 $0x500, s7  }
0x7: {  	s6 =	ssub.s32 $0x2, s3;
	_ =	strace $0x80000059;
	s3 =	sadd.s32 $0x1CC00, s4  }
0x8: {  	v0 =	vimm.f32 $-1.000000000e+00;
	s31 =	sshrl.u32 s6, $0x1;
	s7 =	smul.u32 $0x2800, s7;
	s8 =	sadd.s32 s5, s4  }
0x9: {  	vm0 =	vcmask $0xF00;
	v1 =	vimm.f32 $0.0e+00;
	vm1 =	vcmask $0x1F1C;
	s9 =	ssub.s32 s6, s31;
	s4 =	sadd.s32 $0x44C00, s4;
	s5 =	sadd.s32 $0x8C00, s8  }
0xa: {  	v0 =	vsel vm0, $0x3F800000, v0;
	v1 =	vsel vm1, $0x3F800000, v1;
	s6 =	sadd.s32 $0x12C00, s8;
	s8 =	smax.u32 s9, $0x1;
	s9 =	simm.s32 $0x2  }
.LBB2_1:
0xb: {  	[tilespmem:s2], [sflag:$0x2] =	stream.linear.gather [hbm4b:s5+s2], $0x2800, $0x38;
	[tilespmem:$0x11000] =	vst v63  }
0xc: {  	_ =	swait.ge [sflag:s9], $0x2800  }
0xd: {  	[sflag:s9] =	ssyncset.done $0x0  }
0xe: {  	[sflag:s9] =	ssyncadd.s32 $0xFFFFD800  }
0xf: {  	[tilespmem:s10], [sflag:$0x2] =	stream.linear.gather [hbm4b:s6+s2], $0x2800, $0x38;
	[tilespmem:$0x11000] =	vst v63  }
0x10: {  	_ =	swait.ge [sflag:s9], $0x2800  }
0x11: {  	[sflag:s9] =	ssyncset.done $0x0  }
0x12: {  	s17 =	simm.s32 $0x0;
	s18 =	simm.s32 $0x0;
	[sflag:s9] =	ssyncadd.s32 $0xFFFFD800  }
.LBB2_2:
0x13: {  	s19 =	sshll.u32 s18, $0x7  }
0x14: {  	[tilespmem:s12], [sflag:$0x1] =	stream.indirect.gather [hbm4b:s3+s11], $0x80, s19, s11, $0xb8;
	[tilespmem:$0x11000] =	vst v63  }
0x15: {  	s20 =	sadd.s32 $0x2800, s19  }
0x16: {  	[tilespmem:s13], [sflag:$0x1] =	stream.indirect.gather [hbm4b:s3+s11], $0x80, s20, s11, $0xb8;
	[tilespmem:$0x11000] =	vst v63  }
0x17: {  	_ =	swait.ge [sflag:s14], $0x4000  }
0x18: {  	[sflag:s14] =	ssyncset.done $0x0  }
0x19: {  	[sflag:s14] =	ssyncadd.s32 $0xFFFFC000  }
0x1a: {  	_ =	swait.ge [sflag:s14], $0x4000  }
0x1b: {  	[sflag:s14] =	ssyncset.done $0x0  }
0x1c: {  	s20 =	simm.s32 $0x0;
	[sflag:s14] =	ssyncadd.s32 $0xFFFFC000  }
0x1d: {  	v2 =	vld [tilespmem:s20+$0x9000];
	_ =	sdelay $0x1  }
0x1e: {  	v3 =	vld [tilespmem:s20+$0x5000];
	_ =	sdelay $0x2  }
0x1f: {  	v2 =	vmul.f32 v0, v2  }
0x20: {  	s21 =	simm.s32 $0x80  }
0x21: {  	v4 =	vadd.f32 v2, v3;
	v2 =	vld [tilespmem:s21+$0x9000];
	_ =	sdelay $0x1  }
0x22: {  	v3 =	vld [tilespmem:s21+$0x5000]  }
0x23: {  	p0 =	slt.u32 s17, $0x2710;
	s24 =	simm.f32 $1.000000000e+00;
	v4 =	vadd.f32 v1, v4  }
0x24: {  	s22 =	simm.s32 $0x400;
	s23 =	smov.u32 s17;
	s24 =	simm.s32 @!p0 $0x0  }
.LBB2_3:
0x25: {  	s25 =	sshra.s32 s22, $0x2;
	p0 =	sne.s32 s22, $0xFE00;
	s22 =	sadd.s32 $0x200, s22;
	v5 =	vmul.f32 v0, v2;
	v4 =	vmul.f32 s24, v4  }
.Ltmp0:
0x26: {  	v2 =	vld [tilespmem:s25+$0x9000];
	(pc) =	sbr.rel @p0 .LBB2_3-.Ltmp0, $4  }
0x27: {  	v5 =	vadd.f32 v5, v3;
	[tilespmem:s20+$0xD000] =	vst v4;
	s20 =	smov.u32 s21;
	s21 =	smov.u32 s25  }
0x28: {  	s23 =	sadd.s32 $0x1, s23;
	v3 =	vld [tilespmem:s21+$0x5000]  }
0x29: {  	s24 =	simm.f32 $1.000000000e+00;
	p1 =	slt.u32 s23, $0x2710;
	v4 =	vadd.f32 v1, v5  }
0x2a: {  	s24 =	simm.s32 @!p1 $0x0  }
0x2b: {  	v2 =	vmul.f32 v0, v2;
	_ =	sdelay $0x1  }
0x2c: {  	v2 =	vadd.f32 v2, v3  }
0x2d: {  	s22 =	sadd.s32 $0x1, s23  }
0x2e: {  	p0 =	slt.u32 s22, $0x2710;
	s22 =	simm.f32 $1.000000000e+00;
	v2 =	vadd.f32 v1, v2  }
0x2f: {  	v3 =	vmul.f32 s24, v4;
	s22 =	simm.s32 @!p0 $0x0  }
0x30: {  	s19 =	sadd.s32 s7, s19;
	s18 =	sadd.s32 $0x1, s18;
	v2 =	vmul.f32 s22, v2  }
0x31: {  	s19 =	sshll.u32 s19, $0x4;
	p0 =	sne.s32 s18, $0x50;
	[tilespmem:s20+$0xD000] =	vst v3  }
.Ltmp1:
0x32: {  	s19 =	sadd.s32 s4, s19;
	[tilespmem:s21+$0xD000] =	vst v2;
	(pc) =	sbr.rel @p0 .LBB2_2-.Ltmp1, $4  }
0x33: {  	[hbm4b:s19+s2] =	stream.linear.scatter [tilespmem:s15], [sflag:$0x2], $0x4000, $0x38;
	[tilespmem:$0x11000] =	vst v63  }
0x34: {  	_ =	swait.ge [sflag:s9], $0x4000  }
0x35: {  	[sflag:s9] =	ssyncset.done $0x0  }
0x36: {  	s17 =	sadd.s32 $0x80, s17;
	[sflag:s9] =	ssyncadd.s32 $0xFFFFC000  }
0x37: {  	s16 =	sadd.s32 $0x1, s16  }
0x38: {  	p0 =	sne.s32 s16, s8  }
.Ltmp2:
0x39: {  	_ = 	snop;
	(pc) =	sbr.rel @p0 .LBB2_1-.Ltmp2, $1  }
0x3a: {  	_ =	sdelay $0x3  }
0x3b: {  	_ =	sfence.sel $0x180000  }
0x3c: {  	[bflag:$0x0] =	sbarrier.arrive $0xFFFF  }
0x3d: {  	p0 =	sne.s32 s0, $0x0;
	_ =	strace $0x90000059  }
0x3e: {  	s0 =	sadd.s32 @!p0 $0x100000, s1;
	[bflag:$0x2] =	sbarrier.arrive $0xFFFF  }
0x3f: {  	[sflag:s0] =	ssyncadd.tile.s32 @!p0 $0x1;
	_ =	shalt  }
.Lfunc_end2:
_tile_overlayer_lowered:
.L_overlay_start_2:
0x40: {  	(tag) =	ssettag $0x2  }
0x41: {  	s0 =	rddreg [dreg:$0x0];
	s2 =	stileid.u32  }
0x42: {  	s1 =	rddreg [dreg:$0x1];
	p0 =	sne.s32 s2, $0x0  }
0x43: {  	s3 =	rddreg [dreg:$0x2];
	[bflag:$0x3] =	sbarrier.arrive $0xFFFF;
	s2 =	simm.s32 @!p0 $0x1C02  }
0x44: {  	[timem:s3], [sflag:s2] =	dma.local @!p0 [hbm:s0], s1  }
0x45: {  	s0 =	simm.s32 @!p0 $0x2  }
0x46: {  	_ =	swait.ge @!p0 [sflag:s0], s1  }
0x47: {  	s1 =	ssub.s32 @!p0 $0x0, s1;
	[sflag:s0] =	ssyncset.done @!p0 $0x0  }
0x48: {  	[sflag:s0] =	ssyncadd.s32 @!p0 s1  }
0x49: {  	[bflag:$0x3] =	sbarrier.arrive $0xFFFF  }
0x4a: {  	_ =	shalt  }

</sc_bundles>
